<compile_context>
chip_gen: v7x
topology: tpu7x:2x2x1
jax: 0.10.2.dev20260603
libtpu: 0.0.44.dev20260713+nightly
codegen_flags: <defaults>
</compile_context>

<pallas_src>
import jax
import jax.numpy as jnp
from jax import lax
from jax.experimental import pallas as pl
from jax.experimental.pallas import tpu as pltpu
from jax.experimental.pallas import tpu_sc as plsc

N = 10000
E = 320000
D = 128
NC, NS = 2, 16
NW = NC * NS
RPAD = 2560
EPAD = RPAD * 128 - E
SUP = 8
NSUPW = RPAD // SUP // NW
NPAD = 10240
BLK = 2000
GRID = N // BLK


def _mm_body(h_ref, ws_ref, wf_ref, a2_ref, hs_ref, z_ref, uv_ref):
    hb = h_ref[...]
    ws = ws_ref[...]
    wf = wf_ref[...]
    a2 = a2_ref[...]
    hs_ref[...] = lax.dot_general(hb, ws, (((1,), (1,)), ((), ())),
                                  preferred_element_type=jnp.float32)
    z_ref[...] = lax.dot_general(hb, wf, (((1,), (1,)), ((), ())),
                                 preferred_element_type=jnp.float32)
    p2 = lax.dot_general(a2, wf, (((1,), (0,)), ((), ())),
                         preferred_element_type=jnp.float32)
    uv_ref[...] = lax.dot_general(hb, p2, (((1,), (1,)), ((), ())),
                                  preferred_element_type=jnp.float32)


def _allreduce(vec, buf_v, iota16, op):
    for sft in (1, 2, 4, 8):
        buf_v[...] = vec
        vec = op(vec, plsc.load_gather(buf_v, [iota16 ^ sft]))
    return vec


def _edge_body(uvf_hbm, ei2_hbm, ex_hbm, den0_hbm, den1_hbm, sump_hbm,
               uvf_v, srcs_v, dsts_v, ex2_v, zero_v, sacc_v, den_sh, sem):
    cid = lax.axis_index("c")
    sid = lax.axis_index("s")
    wid = sid * NC + cid
    pltpu.sync_copy(uvf_hbm, uvf_v)

    def zb(i, c):
        zero_v[pl.ds(i * 16, 16)] = jnp.zeros((16,), jnp.float32)
        return c
    lax.fori_loop(0, 40, zb, 0)
    pltpu.sync_copy(zero_v, den_sh.at[pl.ds(sid * 640, 640)])

    def mb(i, m):
        return jnp.maximum(m, uvf_v[pl.ds(i * 16, 16)])
    mx16 = lax.fori_loop(0, 2 * N // 16, mb,
                         jnp.full((16,), -1e30, jnp.float32))
    iota16 = lax.iota(jnp.int32, 16)
    mm = 2.0 * _allreduce(mx16, sacc_v, iota16, jnp.maximum)
    m_shift = jnp.where(mm > 0, mm, mm * 0.01)
    plsc.subcore_barrier()

    def sup_body(t, ssum):
        sc = wid * NSUPW + t
        r0 = sc * SUP
        pltpu.sync_copy(ei2_hbm.at[0, pl.ds(r0, SUP)], srcs_v)
        pltpu.sync_copy(ei2_hbm.at[1, pl.ds(r0, SUP)], dsts_v)

        def gb(g, acc):
            j = g // 8
            c = g % 8
            s16 = srcs_v[j, pl.ds(c * 16, 16)]
            d16 = dsts_v[j, pl.ds(c * 16, 16)]
            uu = plsc.load_gather(uvf_v, [s16 * 2])
            vv = plsc.load_gather(uvf_v, [d16 * 2 + 1])
            e16 = uu + vv
            e16 = jnp.where(e16 > 0, e16, e16 * 0.01)
            x16 = jnp.exp(e16 - m_shift)
            base = (r0 + j) * 128 + c * 16
            x16 = jnp.where(base + iota16 < E, x16, 0.0)
            ex2_v[j, pl.ds(c * 16, 16)] = x16
            return acc + x16
        ssum = lax.fori_loop(0, SUP * 8, gb, ssum)
        pltpu.sync_copy(ex2_v, ex_hbm.at[pl.ds(r0, SUP)])
        descs = [pltpu.async_copy(ex2_v.at[j], den_sh.at[dsts_v.at[j]],
                                  sem, add=True) for j in range(SUP)]
        for dsc in descs:
            dsc.wait()
        return ssum
    ssum = lax.fori_loop(0, NSUPW, sup_body, jnp.zeros((16,), jnp.float32))
    plsc.subcore_barrier()

    @pl.when(cid == 0)
    def _():
        pltpu.sync_copy(den_sh.at[pl.ds(sid * 640, 640)],
                        den0_hbm.at[pl.ds(sid * 640, 640)])

    @pl.when(cid == 1)
    def _():
        pltpu.sync_copy(den_sh.at[pl.ds(sid * 640, 640)],
                        den1_hbm.at[pl.ds(sid * 640, 640)])
    sacc_v[...] = ssum
    pltpu.sync_copy(sacc_v, sump_hbm.at[pl.ds(wid * 16, 16)])


def _agg_body(z_hbm, ei2_hbm, ex_hbm, den0_hbm, den1_hbm, sump_hbm,
              aggp_hbm, ae_hbm,
              den_v, tmp_v, srcs_v, dsts_v, exs_v, ak2_v, wk_v, rows_v,
              zr_v, ssm_v, agg_sh, sem):
    cid = lax.axis_index("c")
    sid = lax.axis_index("s")
    wid = sid * NC + cid
    pltpu.sync_copy(sump_hbm, ssm_v)

    def sb(i, a):
        return a + ssm_v[pl.ds(i * 16, 16)]
    acc = lax.fori_loop(0, NW, sb, jnp.zeros((16,), jnp.float32))
    iota16 = lax.iota(jnp.int32, 16)
    rcp_s = 1.0 / _allreduce(acc, wk_v.at[pl.ds(0, 16)], iota16, jnp.add)

    pltpu.sync_copy(den0_hbm, den_v)
    pltpu.sync_copy(den1_hbm, tmp_v)

    def db(i, c):
        den_v[pl.ds(i * 16, 16)] = (den_v[pl.ds(i * 16, 16)]
                                    + tmp_v[pl.ds(i * 16, 16)])
        return c
    lax.fori_loop(0, NPAD // 16, db, 0)

    def zb(i, c):
        zr_v[i // 8, pl.ds((i % 8) * 16, 16)] = jnp.zeros((16,), jnp.float32)
        return c
    lax.fori_loop(0, 256, zb, 0)

    def az(i, c):
        pltpu.sync_copy(zr_v, agg_sh.at[pl.ds(sid * 640 + i * 32, 32)])
        return c
    lax.fori_loop(0, 20, az, 0)
    plsc.subcore_barrier()

    def sup_body(t, carry):
        r0 = (wid * NSUPW + t) * SUP
        pltpu.sync_copy(ei2_hbm.at[0, pl.ds(r0, SUP)], srcs_v)
        pltpu.sync_copy(ei2_hbm.at[1, pl.ds(r0, SUP)], dsts_v)
        pltpu.sync_copy(ex_hbm.at[pl.ds(r0, SUP)], exs_v)
        for j in range(SUP):
            g = pltpu.async_copy(z_hbm.at[srcs_v.at[j]], rows_v, sem)

            def wb(i, cc):
                d16 = dsts_v[j, pl.ds(i * 16, 16)]
                den16 = plsc.load_gather(den_v, [d16])
                x16 = exs_v[j, pl.ds(i * 16, 16)]
                wk_v[pl.ds(i * 16, 16)] = x16 / den16
                ak2_v[j, pl.ds(i * 16, 16)] = x16 * rcp_s
                return cc
            lax.fori_loop(0, 8, wb, 0)
            g.wait()

            def rb(i, cc):
                wb16 = plsc.load_gather(wk_v, [jnp.full((16,), i, jnp.int32)])
                for col in range(8):
                    rows_v[i, pl.ds(col * 16, 16)] = (
                        rows_v[i, pl.ds(col * 16, 16)] * wb16)
                return cc
            lax.fori_loop(0, 128, rb, 0)
            pltpu.sync_copy(rows_v, agg_sh.at[dsts_v.at[j]], add=True)
        pltpu.sync_copy(ak2_v, ae_hbm.at[pl.ds(r0, SUP)])
        return carry
    lax.fori_loop(0, NSUPW, sup_body, 0)
    plsc.subcore_barrier()
    pltpu.sync_copy(agg_sh.at[pl.ds(sid * 640, 640)],
                    aggp_hbm.at[cid, pl.ds(sid * 640, 640)])


def _fin_body(h_ref, hs_ref, den_ref, aggp_ref, out_ref):
    den = den_ref[...]
    hn = hs_ref[...] + aggp_ref[0] + aggp_ref[1]
    hn = jnp.where(den > 0, hn, h_ref[...])
    out_ref[...] = h_ref[...] + jnp.maximum(hn, 0.0)


def kernel(h, edge_index, snorm_n, W_self, W_func, W_att):
    a2 = W_att.reshape(2, D)
    pad = jnp.tile(jnp.arange(EPAD, dtype=jnp.int32)[None, :] % N, (2, 1))
    ei2 = jnp.concatenate([edge_index, pad], axis=1).reshape(2, RPAD, 128)

    hs, z, uv = pl.pallas_call(
        _mm_body,
        grid=(GRID,),
        in_specs=[
            pl.BlockSpec((BLK, D), lambda i: (i, 0)),
            pl.BlockSpec((D, D), lambda i: (0, 0)),
            pl.BlockSpec((D, D), lambda i: (0, 0)),
            pl.BlockSpec((2, D), lambda i: (0, 0)),
        ],
        out_specs=[
            pl.BlockSpec((BLK, D), lambda i: (i, 0)),
            pl.BlockSpec((BLK, D), lambda i: (i, 0)),
            pl.BlockSpec((BLK, 2), lambda i: (i, 0)),
        ],
        out_shape=[
            jax.ShapeDtypeStruct((N, D), jnp.float32),
            jax.ShapeDtypeStruct((N, D), jnp.float32),
            jax.ShapeDtypeStruct((N, 2), jnp.float32),
        ],
    )(h, W_self, W_func, a2)
    uvf = uv.reshape(2 * N)

    mesh = plsc.VectorSubcoreMesh(core_axis_name="c", subcore_axis_name="s")
    ex, den0, den1, sump = pl.kernel(
        _edge_body,
        out_type=[
            jax.ShapeDtypeStruct((RPAD, 128), jnp.float32),
            jax.ShapeDtypeStruct((NPAD,), jnp.float32),
            jax.ShapeDtypeStruct((NPAD,), jnp.float32),
            jax.ShapeDtypeStruct((NW * 16,), jnp.float32),
        ],
        mesh=mesh,
        compiler_params=pltpu.CompilerParams(needs_layout_passes=False),
        scratch_types=[
            pltpu.VMEM((2 * N,), jnp.float32),
            pltpu.VMEM((SUP, 128), jnp.int32),
            pltpu.VMEM((SUP, 128), jnp.int32),
            pltpu.VMEM((SUP, 128), jnp.float32),
            pltpu.VMEM((640,), jnp.float32),
            pltpu.VMEM((16,), jnp.float32),
            pltpu.VMEM_SHARED((NPAD,), jnp.float32),
            pltpu.SemaphoreType.DMA,
        ],
    )(uvf, ei2)

    aggp, ae = pl.kernel(
        _agg_body,
        out_type=[
            jax.ShapeDtypeStruct((2, NPAD, D), jnp.float32),
            jax.ShapeDtypeStruct((RPAD, 128), jnp.float32),
        ],
        mesh=mesh,
        compiler_params=pltpu.CompilerParams(needs_layout_passes=False),
        scratch_types=[
            pltpu.VMEM((NPAD,), jnp.float32),
            pltpu.VMEM((NPAD,), jnp.float32),
            pltpu.VMEM((SUP, 128), jnp.int32),
            pltpu.VMEM((SUP, 128), jnp.int32),
            pltpu.VMEM((SUP, 128), jnp.float32),
            pltpu.VMEM((SUP, 128), jnp.float32),
            pltpu.VMEM((128,), jnp.float32),
            pltpu.VMEM((128, D), jnp.float32),
            pltpu.VMEM((32, D), jnp.float32),
            pltpu.VMEM((NW * 16,), jnp.float32),
            pltpu.VMEM_SHARED((NPAD, D), jnp.float32),
            pltpu.SemaphoreType.DMA,
        ],
    )(z, ei2, ex, den0, den1, sump)

    den2d = (den0[:N] + den1[:N]).reshape(N, 1)
    h_out = pl.pallas_call(
        _fin_body,
        grid=(GRID,),
        in_specs=[
            pl.BlockSpec((BLK, D), lambda i: (i, 0)),
            pl.BlockSpec((BLK, D), lambda i: (i, 0)),
            pl.BlockSpec((BLK, 1), lambda i: (i, 0)),
            pl.BlockSpec((2, BLK, D), lambda i: (0, i, 0)),
        ],
        out_specs=pl.BlockSpec((BLK, D), lambda i: (i, 0)),
        out_shape=jax.ShapeDtypeStruct((N, D), jnp.float32),
    )(h, hs, den2d, aggp)

    a_edge = ae.reshape(RPAD * 128)[:E].reshape(E, 1)
    return (h_out, a_edge)

# --- scband reference (transcript-rebuilt; emitter-appended) ---
"""Pipeline reference for scband-my-gatlayer-20864951124309 (READ-ONLY COPY).

The authoritative reference and input builder live on the scoring server;
editing this copy changes nothing except your own understanding.
"""

import jax, jax.numpy as jnp
import numpy as np

N = 10000
E = 320000
D_IN = 128
D_OUT = 128


def setup_inputs(seed: int = 0) -> dict:
    key = jax.random.key(seed)
    k1, k2, k3, k4, k5, k6 = jax.random.split(key, 6)
    h = jax.random.normal(k1, (N, D_IN), dtype=jnp.float32)
    edge_index = jax.random.randint(k2, (2, E), 0, N, dtype=jnp.int32)
    snorm_n = jax.random.uniform(k3, (N, 1), dtype=jnp.float32)
    # xavier_normal with gain=calculate_gain('relu')=sqrt(2)
    gain = np.sqrt(2.0)
    std_w = gain * np.sqrt(2.0 / (D_IN + D_OUT))
    W_self = (jax.random.normal(k4, (D_OUT, D_IN), dtype=jnp.float32) * std_w)
    W_func = (jax.random.normal(k5, (D_OUT, D_IN), dtype=jnp.float32) * std_w)
    std_a = gain * np.sqrt(2.0 / (2 * D_OUT + 1))
    W_att = (jax.random.normal(k6, (1, 2 * D_OUT), dtype=jnp.float32) * std_a)
    return {"h": h, "edge_index": edge_index, "snorm_n": snorm_n,
            "W_self": W_self, "W_func": W_func, "W_att": W_att}


def reference(h, edge_index, snorm_n, W_self, W_func, W_att):
    # feat_drop=0, attn_drop=0 -> dropouts are identity
    src = edge_index[0]
    dst = edge_index[1]
    h_in = h
    h_s = h @ W_self.T              # linear_self
    z = h @ W_func.T                # linear_func
    # edge_attention: concat(src z, dst z) -> attention_func -> leaky_relu
    concat_z = jnp.concatenate([z[src], z[dst]], axis=-1)   # [E, 2*D_OUT]
    src_e = concat_z @ W_att.T                               # [E, 1]
    src_e = jax.nn.leaky_relu(src_e, negative_slope=0.01)
    # edata 'a': softmax over ALL edges (dim=0), as in edge_attention
    a_edge = jax.nn.softmax(src_e, axis=0)                   # [E, 1]
    # reduce_func: per-destination softmax over incoming edges of 'e'
    e = src_e[:, 0]
    m = jax.ops.segment_max(e, dst, num_segments=N)          # [N]
    exp_e = jnp.exp(e - m[dst])
    denom = jax.ops.segment_sum(exp_e, dst, num_segments=N)  # [N]
    alpha = exp_e / denom[dst]                               # [E]
    agg = jax.ops.segment_sum(alpha[:, None] * z[src], dst, num_segments=N)
    deg = jax.ops.segment_sum(jnp.ones((E,), jnp.float32), dst, num_segments=N)
    # DGL UDF reduce: zero-in-degree nodes keep ndata['h'] (== h)
    h_new = jnp.where(deg[:, None] > 0, h_s + agg, h)
    h_out = jax.nn.relu(h_new)
    h_out = h_in + h_out
    return (h_out, a_edge)

if __name__ == "__main__":
    import jax
    _d = setup_inputs()
    print(jax.jit(kernel)(*tuple(_d.values())))

</pallas_src>

<mosaic_0001>
#map = affine_map<(d0, d1) -> (0)>
#map1 = affine_map<(d0, d1) -> (0, 0, 0)>
#map2 = affine_map<(d0, d1) -> (0, 0)>
module attributes {stable_mosaic.version = 14 : i64} {
  func.func @_edge_body(%arg0: i32, %arg1: i32, %arg2: memref<20000xf32, #tpu.memory_space<hbm>>, %arg3: memref<2x2560x128xi32, #tpu.memory_space<hbm>>, %arg4: memref<2560x128xf32, #tpu.memory_space<hbm>>, %arg5: memref<10240xf32, #tpu.memory_space<hbm>>, %arg6: memref<10240xf32, #tpu.memory_space<hbm>>, %arg7: memref<512xf32, #tpu.memory_space<hbm>>, %arg8: memref<20000xf32, #tpu.memory_space<vmem>>, %arg9: memref<8x128xi32, #tpu.memory_space<vmem>>, %arg10: memref<8x128xi32, #tpu.memory_space<vmem>>, %arg11: memref<8x128xf32, #tpu.memory_space<vmem>>, %arg12: memref<640xf32, #tpu.memory_space<vmem>>, %arg13: memref<16xf32, #tpu.memory_space<vmem>>, %arg14: memref<10240xf32, #tpu.memory_space<vmem_shared>>, %arg15: memref<!tpu.dma_semaphore, #tpu.memory_space<semaphore_mem>>) attributes {dimension_semantics = [#tpu.dimension_semantics<core_parallel>, #tpu.dimension_semantics<subcore_parallel>], iteration_bounds = array<i64: 2, 16>, scalar_prefetch = 0 : i64, scratch_operands = 8 : i64, tpu.core_type = #tpu.core_type<sc_vector_subcore>, window_params = [{transform_indices = #map}, {transform_indices = #map1}, {transform_indices = #map2}, {transform_indices = #map}, {transform_indices = #map}, {transform_indices = #map}]} {
    %mul3A = arith.constant 2 : i32
    %mul3A_0 = arith.muli %arg1, %mul3A : i32
    %add3A = arith.addi %mul3A_0, %arg0 : i32
    "tpu.region"() ({
      %run_scoped3A = tpu.sem_alloc : memref<!tpu.dma_semaphore, #tpu.memory_space<semaphore_mem>>
      tpu.enqueue_dma source(%arg2 : memref<20000xf32, #tpu.memory_space<hbm>>) target(%arg8 : memref<20000xf32, #tpu.memory_space<vmem>>) target_semaphore(%run_scoped3A : memref<!tpu.dma_semaphore, #tpu.memory_space<semaphore_mem>>)
      tpu.wait_dma2 semaphore(%run_scoped3A : memref<!tpu.dma_semaphore, #tpu.memory_space<semaphore_mem>>) src(%arg2 : memref<20000xf32, #tpu.memory_space<hbm>>) dst(%arg8 : memref<20000xf32, #tpu.memory_space<vmem>>)
      tpu.yield
    }) : () -> ()
    %scan3A = arith.constant 0 : i32
    %scan3A_1 = arith.constant 0 : i32
    %scan3A_2 = arith.constant 40 : i32
    %scan3A_3 = arith.addi %scan3A_1, %scan3A_2 : i32
    %scan3A_4 = arith.constant 1 : i32
    scf.for %scan3A_67 = %scan3A_1 to %scan3A_3 step %scan3A_4  : i32 {
      %broadcast_in_dim3A_68 = arith.constant 0.000000e+00 : f32
      %broadcast_in_dim3A_69 = vector.broadcast %broadcast_in_dim3A_68 : f32 to vector<16xf32>
      %mul3A_70 = arith.constant 16 : i32
      %mul3A_71 = arith.muli %scan3A_67, %mul3A_70 : i32
      %swap3A_72 = arith.index_cast %mul3A_71 : i32 to index
      %swap3A_73 = tpu.vector_load %arg12[%swap3A_72] {strides = array<i32>} : memref<640xf32, #tpu.memory_space<vmem>>, vector<16xf32>,
      tpu.vector_store %arg12[%swap3A_72], %broadcast_in_dim3A_69 {strides = array<i32>} : memref<640xf32, #tpu.memory_space<vmem>>, vector<16xf32>,
    }
    %scan3A_5 = arith.constant 40 : i32
    %mul3A_6 = arith.constant 640 : i32
    %mul3A_7 = arith.muli %arg1, %mul3A_6 : i32
    "tpu.region"() ({
      %run_scoped3A = tpu.sem_alloc : memref<!tpu.dma_semaphore, #tpu.memory_space<semaphore_mem>>
      %dma_start3A = tpu.memref_slice %arg14[%mul3A_7] : memref<10240xf32, #tpu.memory_space<vmem_shared>> -> memref<640xf32, #tpu.memory_space<vmem_shared>>
      %dma_start3A_67 = tpu.memref_slice %arg14[%mul3A_7] : memref<10240xf32, #tpu.memory_space<vmem_shared>> -> memref<640xf32, #tpu.memory_space<vmem_shared>>
      tpu.enqueue_dma source(%arg12 : memref<640xf32, #tpu.memory_space<vmem>>) target(%dma_start3A_67 : memref<640xf32, #tpu.memory_space<vmem_shared>>) target_semaphore(%run_scoped3A : memref<!tpu.dma_semaphore, #tpu.memory_space<semaphore_mem>>)
      %dma_wait3A = tpu.memref_slice %arg14[%mul3A_7] : memref<10240xf32, #tpu.memory_space<vmem_shared>> -> memref<640xf32, #tpu.memory_space<vmem_shared>>
      %dma_wait3A_68 = tpu.memref_slice %arg14[%mul3A_7] : memref<10240xf32, #tpu.memory_space<vmem_shared>> -> memref<640xf32, #tpu.memory_space<vmem_shared>>
      tpu.wait_dma2 semaphore(%run_scoped3A : memref<!tpu.dma_semaphore, #tpu.memory_space<semaphore_mem>>) src(%arg12 : memref<640xf32, #tpu.memory_space<vmem>>) dst(%dma_wait3A_68 : memref<640xf32, #tpu.memory_space<vmem_shared>>)
      tpu.yield
    }) : () -> ()
    %broadcast_in_dim3A = arith.constant -1.000000e+30 : f32
    %broadcast_in_dim3A_8 = vector.broadcast %broadcast_in_dim3A : f32 to vector<16xf32>
    %scan3A_9 = arith.constant 0 : i32
    %scan3A_10 = arith.constant 1250 : i32
    %scan3A_11 = arith.addi %scan3A_9, %scan3A_10 : i32
    %scan3A_12 = arith.constant 1 : i32
    %scan3A_13 = scf.for %scan3A_67 = %scan3A_9 to %scan3A_11 step %scan3A_12 iter_args(%scan3A_68 = %broadcast_in_dim3A_8) -> (vector<16xf32>)  : i32 {
      %mul3A_69 = arith.constant 16 : i32
      %mul3A_70 = arith.muli %scan3A_67, %mul3A_69 : i32
      %get3A = arith.index_cast %mul3A_70 : i32 to index
      %get3A_71 = tpu.vector_load %arg8[%get3A] {strides = array<i32>} : memref<20000xf32, #tpu.memory_space<vmem>>, vector<16xf32>,
      %max3A_72 = arith.maximumf %scan3A_68, %get3A_71 : vector<16xf32>
      scf.yield %max3A_72 : vector<16xf32>
    }
    %scan3A_14 = arith.constant 1250 : i32
    %iota3A = tpu.iota {dimensions = array<i32: 0>} : vector<16xi32>
    %swap3A = arith.constant 0 : index
    %swap3A_15 = tpu.vector_load %arg13[%swap3A] {strides = array<i32>} : memref<16xf32, #tpu.memory_space<vmem>>, vector<16xf32>,
    tpu.vector_store %arg13[%swap3A], %scan3A_13 {strides = array<i32>} : memref<16xf32, #tpu.memory_space<vmem>>, vector<16xf32>,
    %xor3A = arith.constant 1 : i32
    %xor3A_16 = vector.broadcast %xor3A : i32 to vector<16xi32>
    %xor3A_17 = arith.xori %iota3A, %xor3A_16 : vector<16xi32>
    %gather3A = tpu.vector_load_idx %arg13[%xor3A_17] : memref<16xf32, #tpu.memory_space<vmem>>[vector<16xi32>], vector<16xf32>,
    %max3A = arith.maximumf %scan3A_13, %gather3A : vector<16xf32>
    %swap3A_18 = arith.constant 0 : index
    %swap3A_19 = tpu.vector_load %arg13[%swap3A_18] {strides = array<i32>} : memref<16xf32, #tpu.memory_space<vmem>>, vector<16xf32>,
    tpu.vector_store %arg13[%swap3A_18], %max3A {strides = array<i32>} : memref<16xf32, #tpu.memory_space<vmem>>, vector<16xf32>,
    %xor3A_20 = arith.constant 2 : i32
    %xor3A_21 = vector.broadcast %xor3A_20 : i32 to vector<16xi32>
    %xor3A_22 = arith.xori %iota3A, %xor3A_21 : vector<16xi32>
    %gather3A_23 = tpu.vector_load_idx %arg13[%xor3A_22] : memref<16xf32, #tpu.memory_space<vmem>>[vector<16xi32>], vector<16xf32>,
    %max3A_24 = arith.maximumf %max3A, %gather3A_23 : vector<16xf32>
    %swap3A_25 = arith.constant 0 : index
    %swap3A_26 = tpu.vector_load %arg13[%swap3A_25] {strides = array<i32>} : memref<16xf32, #tpu.memory_space<vmem>>, vector<16xf32>,
    tpu.vector_store %arg13[%swap3A_25], %max3A_24 {strides = array<i32>} : memref<16xf32, #tpu.memory_space<vmem>>, vector<16xf32>,
    %xor3A_27 = arith.constant 4 : i32
    %xor3A_28 = vector.broadcast %xor3A_27 : i32 to vector<16xi32>
    %xor3A_29 = arith.xori %iota3A, %xor3A_28 : vector<16xi32>
    %gather3A_30 = tpu.vector_load_idx %arg13[%xor3A_29] : memref<16xf32, #tpu.memory_space<vmem>>[vector<16xi32>], vector<16xf32>,
    %max3A_31 = arith.maximumf %max3A_24, %gather3A_30 : vector<16xf32>
    %swap3A_32 = arith.constant 0 : index
    %swap3A_33 = tpu.vector_load %arg13[%swap3A_32] {strides = array<i32>} : memref<16xf32, #tpu.memory_space<vmem>>, vector<16xf32>,
    tpu.vector_store %arg13[%swap3A_32], %max3A_31 {strides = array<i32>} : memref<16xf32, #tpu.memory_space<vmem>>, vector<16xf32>,
    %xor3A_34 = arith.constant 8 : i32
    %xor3A_35 = vector.broadcast %xor3A_34 : i32 to vector<16xi32>
    %xor3A_36 = arith.xori %iota3A, %xor3A_35 : vector<16xi32>
    %gather3A_37 = tpu.vector_load_idx %arg13[%xor3A_36] : memref<16xf32, #tpu.memory_space<vmem>>[vector<16xi32>], vector<16xf32>,
    %max3A_38 = arith.maximumf %max3A_31, %gather3A_37 : vector<16xf32>
    %mul3A_39 = arith.constant 2.000000e+00 : f32
    %mul3A_40 = vector.broadcast %mul3A_39 : f32 to vector<16xf32>
    %mul3A_41 = arith.mulf %mul3A_40, %max3A_38 : vector<16xf32>
    %gt3A = arith.constant 0.000000e+00 : f32
    %gt3A_42 = vector.broadcast %gt3A : f32 to vector<16xf32>
    %gt3A_43 = arith.cmpf ogt, %mul3A_41, %gt3A_42 : vector<16xf32>
    %mul3A_44 = arith.constant 0.00999999977 : f32
    %mul3A_45 = vector.broadcast %mul3A_44 : f32 to vector<16xf32>
    %mul3A_46 = arith.mulf %mul3A_41, %mul3A_45 : vector<16xf32>
    %select_n3A = arith.select %gt3A_43, %mul3A_41, %mul3A_46 : vector<16xi1>, vector<16xf32>
    %barrier3A = arith.constant 0 : index
    tpu.barrier barrier_id(%barrier3A)
    %broadcast_in_dim3A_47 = arith.constant 0.000000e+00 : f32
    %broadcast_in_dim3A_48 = vector.broadcast %broadcast_in_dim3A_47 : f32 to vector<16xf32>
    %scan3A_49 = arith.constant 0 : i32
    %scan3A_50 = arith.constant 10 : i32
    %scan3A_51 = arith.addi %scan3A_49, %scan3A_50 : i32
    %scan3A_52 = arith.constant 1 : i32
    %scan3A_53 = scf.for %scan3A_67 = %scan3A_49 to %scan3A_51 step %scan3A_52 iter_args(%scan3A_68 = %broadcast_in_dim3A_48) -> (vector<16xf32>)  : i32 {
      %mul3A_69 = arith.constant 10 : i32
      %mul3A_70 = arith.muli %add3A, %mul3A_69 : i32
      %add3A_71 = arith.addi %mul3A_70, %scan3A_67 : i32
      %mul3A_72 = arith.constant 8 : i32
      %mul3A_73 = arith.muli %add3A_71, %mul3A_72 : i32
      %run_scoped3A = arith.constant 0 : i32
      "tpu.region"() ({
        %run_scoped3A_239 = tpu.sem_alloc : memref<!tpu.dma_semaphore, #tpu.memory_space<semaphore_mem>>
        %dma_start3A_240 = arith.constant 0 : i32
        %dma_start3A_241 = tpu.memref_slice %arg3[%run_scoped3A, %mul3A_73, %dma_start3A_240] : memref<2x2560x128xi32, #tpu.memory_space<hbm>> -> memref<1x8x128xi32, #tpu.memory_space<hbm>>
        %dma_start3A_242 = tpu.memref_squeeze %dma_start3A_241 : memref<1x8x128xi32, #tpu.memory_space<hbm>> -> memref<8x128xi32, #tpu.memory_space<hbm>>
        %dma_start3A_243 = arith.constant 0 : i32
        %dma_start3A_244 = tpu.memref_slice %arg3[%run_scoped3A, %mul3A_73, %dma_start3A_243] : memref<2x2560x128xi32, #tpu.memory_space<hbm>> -> memref<1x8x128xi32, #tpu.memory_space<hbm>>
        %dma_start3A_245 = tpu.memref_squeeze %dma_start3A_244 : memref<1x8x128xi32, #tpu.memory_space<hbm>> -> memref<8x128xi32, #tpu.memory_space<hbm>>
        tpu.enqueue_dma source(%dma_start3A_245 : memref<8x128xi32, #tpu.memory_space<hbm>>) target(%arg9 : memref<8x128xi32, #tpu.memory_space<vmem>>) target_semaphore(%run_scoped3A_239 : memref<!tpu.dma_semaphore, #tpu.memory_space<semaphore_mem>>)
        %dma_wait3A_246 = arith.constant 0 : i32
        %dma_wait3A_247 = tpu.memref_slice %arg3[%run_scoped3A, %mul3A_73, %dma_wait3A_246] : memref<2x2560x128xi32, #tpu.memory_space<hbm>> -> memref<1x8x128xi32, #tpu.memory_space<hbm>>
        %dma_wait3A_248 = tpu.memref_squeeze %dma_wait3A_247 : memref<1x8x128xi32, #tpu.memory_space<hbm>> -> memref<8x128xi32, #tpu.memory_space<hbm>>
        %dma_wait3A_249 = arith.constant 0 : i32
        %dma_wait3A_250 = tpu.memref_slice %arg3[%run_scoped3A, %mul3A_73, %dma_wait3A_249] : memref<2x2560x128xi32, #tpu.memory_space<hbm>> -> memref<1x8x128xi32, #tpu.memory_space<hbm>>
        %dma_wait3A_251 = tpu.memref_squeeze %dma_wait3A_250 : memref<1x8x128xi32, #tpu.memory_space<hbm>> -> memref<8x128xi32, #tpu.memory_space<hbm>>
        tpu.wait_dma2 semaphore(%run_scoped3A_239 : memref<!tpu.dma_semaphore, #tpu.memory_space<semaphore_mem>>) src(%dma_wait3A_251 : memref<8x128xi32, #tpu.memory_space<hbm>>) dst(%arg9 : memref<8x128xi32, #tpu.memory_space<vmem>>)
        tpu.yield
      }) : () -> ()
      %run_scoped3A_74 = arith.constant 1 : i32
      "tpu.region"() ({
        %run_scoped3A_239 = tpu.sem_alloc : memref<!tpu.dma_semaphore, #tpu.memory_space<semaphore_mem>>
        %dma_start3A_240 = arith.constant 0 : i32
        %dma_start3A_241 = tpu.memref_slice %arg3[%run_scoped3A_74, %mul3A_73, %dma_start3A_240] : memref<2x2560x128xi32, #tpu.memory_space<hbm>> -> memref<1x8x128xi32, #tpu.memory_space<hbm>>
        %dma_start3A_242 = tpu.memref_squeeze %dma_start3A_241 : memref<1x8x128xi32, #tpu.memory_space<hbm>> -> memref<8x128xi32, #tpu.memory_space<hbm>>
        %dma_start3A_243 = arith.constant 0 : i32
        %dma_start3A_244 = tpu.memref_slice %arg3[%run_scoped3A_74, %mul3A_73, %dma_start3A_243] : memref<2x2560x128xi32, #tpu.memory_space<hbm>> -> memref<1x8x128xi32, #tpu.memory_space<hbm>>
        %dma_start3A_245 = tpu.memref_squeeze %dma_start3A_244 : memref<1x8x128xi32, #tpu.memory_space<hbm>> -> memref<8x128xi32, #tpu.memory_space<hbm>>
        tpu.enqueue_dma source(%dma_start3A_245 : memref<8x128xi32, #tpu.memory_space<hbm>>) target(%arg10 : memref<8x128xi32, #tpu.memory_space<vmem>>) target_semaphore(%run_scoped3A_239 : memref<!tpu.dma_semaphore, #tpu.memory_space<semaphore_mem>>)
        %dma_wait3A_246 = arith.constant 0 : i32
        %dma_wait3A_247 = tpu.memref_slice %arg3[%run_scoped3A_74, %mul3A_73, %dma_wait3A_246] : memref<2x2560x128xi32, #tpu.memory_space<hbm>> -> memref<1x8x128xi32, #tpu.memory_space<hbm>>
        %dma_wait3A_248 = tpu.memref_squeeze %dma_wait3A_247 : memref<1x8x128xi32, #tpu.memory_space<hbm>> -> memref<8x128xi32, #tpu.memory_space<hbm>>
        %dma_wait3A_249 = arith.constant 0 : i32
        %dma_wait3A_250 = tpu.memref_slice %arg3[%run_scoped3A_74, %mul3A_73, %dma_wait3A_249] : memref<2x2560x128xi32, #tpu.memory_space<hbm>> -> memref<1x8x128xi32, #tpu.memory_space<hbm>>
        %dma_wait3A_251 = tpu.memref_squeeze %dma_wait3A_250 : memref<1x8x128xi32, #tpu.memory_space<hbm>> -> memref<8x128xi32, #tpu.memory_space<hbm>>
        tpu.wait_dma2 semaphore(%run_scoped3A_239 : memref<!tpu.dma_semaphore, #tpu.memory_space<semaphore_mem>>) src(%dma_wait3A_251 : memref<8x128xi32, #tpu.memory_space<hbm>>) dst(%arg10 : memref<8x128xi32, #tpu.memory_space<vmem>>)
        tpu.yield
      }) : () -> ()
      %scan3A_75 = arith.constant 0 : i32
      %scan3A_76 = arith.constant 64 : i32
      %scan3A_77 = arith.addi %scan3A_75, %scan3A_76 : i32
      %scan3A_78 = arith.constant 1 : i32
      %scan3A_79 = scf.for %scan3A_239 = %scan3A_75 to %scan3A_77 step %scan3A_78 iter_args(%scan3A_240 = %scan3A_68) -> (vector<16xf32>)  : i32 {
        %jit3A = arith.constant 8 : i32
        %div3A = arith.divsi %scan3A_239, %jit3A : i32
        %sign3A = arith.constant 0 : i32
        %sign3A_241 = arith.cmpi sgt, %scan3A_239, %sign3A : i32
        %sign3A_242 = arith.extui %sign3A_241 : i1 to i32
        %sign3A_243 = arith.constant 0 : i32
        %sign3A_244 = arith.cmpi slt, %scan3A_239, %sign3A_243 : i32
        %sign3A_245 = arith.extui %sign3A_244 : i1 to i32
        %sign3A_246 = arith.subi %sign3A_242, %sign3A_245 : i32
        %sign3A_247 = arith.constant 0 : i32
        %sign3A_248 = arith.cmpi sgt, %jit3A, %sign3A_247 : i32
        %sign3A_249 = arith.extui %sign3A_248 : i1 to i32
        %sign3A_250 = arith.constant 0 : i32
        %sign3A_251 = arith.cmpi slt, %jit3A, %sign3A_250 : i32
        %sign3A_252 = arith.extui %sign3A_251 : i1 to i32
        %sign3A_253 = arith.subi %sign3A_249, %sign3A_252 : i32
        %ne3A = arith.cmpi ne, %sign3A_246, %sign3A_253 : i32
        %rem3A = arith.remsi %scan3A_239, %jit3A : i32
        %ne3A_254 = arith.constant 0 : i32
        %ne3A_255 = arith.cmpi ne, %rem3A, %ne3A_254 : i32
        %and3A = arith.andi %ne3A, %ne3A_255 : i1
        %sub3A = arith.constant 1 : i32
        %sub3A_256 = arith.subi %div3A, %sub3A : i32
        %select_n3A_257 = arith.select %and3A, %sub3A_256, %div3A : i32
        %jit3A_258 = arith.constant 8 : i32
        %eq3A_259 = arith.constant 0 : i32
        %eq3A_260 = arith.cmpi eq, %jit3A_258, %eq3A_259 : i32
        %jit3A_261 = arith.constant 1 : i32
        %select_n3A_262 = arith.select %eq3A_260, %jit3A_261, %jit3A_258 : i32
        %rem3A_263 = arith.remsi %scan3A_239, %select_n3A_262 : i32
        %ne3A_264 = arith.constant 0 : i32
        %ne3A_265 = arith.cmpi ne, %rem3A_263, %ne3A_264 : i32
        %lt3A = arith.constant 0 : i32
        %lt3A_266 = arith.cmpi slt, %rem3A_263, %lt3A : i32
        %lt3A_267 = arith.constant 0 : i32
        %lt3A_268 = arith.cmpi slt, %select_n3A_262, %lt3A_267 : i32
        %ne3A_269 = arith.xori %lt3A_266, %lt3A_268 : i1
        %and3A_270 = arith.andi %ne3A_269, %ne3A_265 : i1
        %add3A_271 = arith.addi %rem3A_263, %select_n3A_262 : i32
        %select_n3A_272 = arith.select %and3A_270, %add3A_271, %rem3A_263 : i32
        %mul3A_273 = arith.constant 16 : i32
        %mul3A_274 = arith.muli %select_n3A_272, %mul3A_273 : i32
        %get3A = arith.index_cast %select_n3A_257 : i32 to index
        %get3A_275 = arith.index_cast %mul3A_274 : i32 to index
        %get3A_276 = tpu.vector_load %arg9[%get3A, %get3A_275] {strides = array<i32>} : memref<8x128xi32, #tpu.memory_space<vmem>>, vector<16xi32>,
        %mul3A_277 = arith.constant 16 : i32
        %mul3A_278 = arith.muli %select_n3A_272, %mul3A_277 : i32
        %get3A_279 = arith.index_cast %select_n3A_257 : i32 to index
        %get3A_280 = arith.index_cast %mul3A_278 : i32 to index
        %get3A_281 = tpu.vector_load %arg10[%get3A_279, %get3A_280] {strides = array<i32>} : memref<8x128xi32, #tpu.memory_space<vmem>>, vector<16xi32>,
        %mul3A_282 = arith.constant 2 : i32
        %mul3A_283 = vector.broadcast %mul3A_282 : i32 to vector<16xi32>
        %mul3A_284 = arith.muli %get3A_276, %mul3A_283 : vector<16xi32>
        %gather3A_285 = tpu.vector_load_idx %arg8[%mul3A_284] : memref<20000xf32, #tpu.memory_space<vmem>>[vector<16xi32>], vector<16xf32>,
        %mul3A_286 = arith.constant 2 : i32
        %mul3A_287 = vector.broadcast %mul3A_286 : i32 to vector<16xi32>
        %mul3A_288 = arith.muli %get3A_281, %mul3A_287 : vector<16xi32>
        %add3A_289 = arith.constant 1 : i32
        %add3A_290 = vector.broadcast %add3A_289 : i32 to vector<16xi32>
        %add3A_291 = arith.addi %mul3A_288, %add3A_290 : vector<16xi32>
        %gather3A_292 = tpu.vector_load_idx %arg8[%add3A_291] : memref<20000xf32, #tpu.memory_space<vmem>>[vector<16xi32>], vector<16xf32>,
        %add3A_293 = arith.addf %gather3A_285, %gather3A_292 : vector<16xf32>
        %gt3A_294 = arith.constant 0.000000e+00 : f32
        %gt3A_295 = vector.broadcast %gt3A_294 : f32 to vector<16xf32>
        %gt3A_296 = arith.cmpf ogt, %add3A_293, %gt3A_295 : vector<16xf32>
        %mul3A_297 = arith.constant 0.00999999977 : f32
        %mul3A_298 = vector.broadcast %mul3A_297 : f32 to vector<16xf32>
        %mul3A_299 = arith.mulf %add3A_293, %mul3A_298 : vector<16xf32>
        %select_n3A_300 = arith.select %gt3A_296, %add3A_293, %mul3A_299 : vector<16xi1>, vector<16xf32>
        %sub3A_301 = arith.subf %select_n3A_300, %select_n3A : vector<16xf32>
        %exp3A = math.exp %sub3A_301 : vector<16xf32>
        %add3A_302 = arith.addi %mul3A_73, %select_n3A_257 : i32
        %mul3A_303 = arith.constant 128 : i32
        %mul3A_304 = arith.muli %add3A_302, %mul3A_303 : i32
        %mul3A_305 = arith.constant 16 : i32
        %mul3A_306 = arith.muli %select_n3A_272, %mul3A_305 : i32
        %add3A_307 = arith.addi %mul3A_304, %mul3A_306 : i32
        %add3A_308 = vector.broadcast %add3A_307 : i32 to vector<16xi32>
        %add3A_309 = arith.addi %add3A_308, %iota3A : vector<16xi32>
        %lt3A_310 = arith.constant 320000 : i32
        %lt3A_311 = vector.broadcast %lt3A_310 : i32 to vector<16xi32>
        %lt3A_312 = arith.cmpi slt, %add3A_309, %lt3A_311 : vector<16xi32>
        %jit3A_313 = arith.constant 0.000000e+00 : f32
        %broadcast_in_dim3A_314 = vector.broadcast %jit3A_313 : f32 to vector<16xf32>
        %select_n3A_315 = arith.select %lt3A_312, %exp3A, %broadcast_in_dim3A_314 : vector<16xi1>, vector<16xf32>
        %mul3A_316 = arith.constant 16 : i32
        %mul3A_317 = arith.muli %select_n3A_272, %mul3A_316 : i32
        %swap3A_318 = arith.index_cast %select_n3A_257 : i32 to index
        %swap3A_319 = arith.index_cast %mul3A_317 : i32 to index
        %swap3A_320 = tpu.vector_load %arg11[%swap3A_318, %swap3A_319] {strides = array<i32>} : memref<8x128xf32, #tpu.memory_space<vmem>>, vector<16xf32>,
        tpu.vector_store %arg11[%swap3A_318, %swap3A_319], %select_n3A_315 {strides = array<i32>} : memref<8x128xf32, #tpu.memory_space<vmem>>, vector<16xf32>,
        %add3A_321 = arith.addf %scan3A_240, %select_n3A_315 : vector<16xf32>
        scf.yield %add3A_321 : vector<16xf32>
      }
      %scan3A_80 = arith.constant 64 : i32
      "tpu.region"() ({
        %run_scoped3A_239 = tpu.sem_alloc : memref<!tpu.dma_semaphore, #tpu.memory_space<semaphore_mem>>
        %dma_start3A_240 = arith.constant 0 : i32
        %dma_start3A_241 = tpu.memref_slice %arg4[%mul3A_73, %dma_start3A_240] : memref<2560x128xf32, #tpu.memory_space<hbm>> -> memref<8x128xf32, #tpu.memory_space<hbm>>
        %dma_start3A_242 = arith.constant 0 : i32
        %dma_start3A_243 = tpu.memref_slice %arg4[%mul3A_73, %dma_start3A_242] : memref<2560x128xf32, #tpu.memory_space<hbm>> -> memref<8x128xf32, #tpu.memory_space<hbm>>
        tpu.enqueue_dma source(%arg11 : memref<8x128xf32, #tpu.memory_space<vmem>>) target(%dma_start3A_243 : memref<8x128xf32, #tpu.memory_space<hbm>>) target_semaphore(%run_scoped3A_239 : memref<!tpu.dma_semaphore, #tpu.memory_space<semaphore_mem>>)
        %dma_wait3A_244 = arith.constant 0 : i32
        %dma_wait3A_245 = tpu.memref_slice %arg4[%mul3A_73, %dma_wait3A_244] : memref<2560x128xf32, #tpu.memory_space<hbm>> -> memref<8x128xf32, #tpu.memory_space<hbm>>
        %dma_wait3A_246 = arith.constant 0 : i32
        %dma_wait3A_247 = tpu.memref_slice %arg4[%mul3A_73, %dma_wait3A_246] : memref<2560x128xf32, #tpu.memory_space<hbm>> -> memref<8x128xf32, #tpu.memory_space<hbm>>
        tpu.wait_dma2 semaphore(%run_scoped3A_239 : memref<!tpu.dma_semaphore, #tpu.memory_space<semaphore_mem>>) src(%arg11 : memref<8x128xf32, #tpu.memory_space<vmem>>) dst(%dma_wait3A_247 : memref<8x128xf32, #tpu.memory_space<hbm>>)
        tpu.yield
      }) : () -> ()
      %dma_start3A = arith.constant 0 : i32
      %dma_start3A_81 = arith.constant 0 : i32
      %dma_start3A_82 = arith.constant 0 : i32
      %dma_start3A_83 = tpu.memref_slice %arg11[%dma_start3A, %dma_start3A_82] : memref<8x128xf32, #tpu.memory_space<vmem>> -> memref<1x128xf32, #tpu.memory_space<vmem>>
      %dma_start3A_84 = tpu.memref_squeeze %dma_start3A_83 : memref<1x128xf32, #tpu.memory_space<vmem>> -> memref<128xf32, #tpu.memory_space<vmem>>
      %dma_start3A_85 = arith.constant 0 : i32
      %dma_start3A_86 = tpu.memref_slice %arg10[%dma_start3A_81, %dma_start3A_85] : memref<8x128xi32, #tpu.memory_space<vmem>> -> memref<1x128xi32, #tpu.memory_space<vmem>>
      %dma_start3A_87 = tpu.memref_squeeze %dma_start3A_86 : memref<1x128xi32, #tpu.memory_space<vmem>> -> memref<128xi32, #tpu.memory_space<vmem>>
      %dma_start3A_88 = arith.constant 0 : i32
      %dma_start3A_89 = tpu.memref_slice %arg14[%dma_start3A_88] : memref<10240xf32, #tpu.memory_space<vmem_shared>> -> memref<10240xf32, #tpu.memory_space<vmem_shared>>
      tpu.enqueue_indirect_dma source(%dma_start3A_84 : memref<128xf32, #tpu.memory_space<vmem>>) target(%dma_start3A_89 : memref<10240xf32, #tpu.memory_space<vmem_shared>>) offsets(%dma_start3A_87 : memref<128xi32, #tpu.memory_space<vmem>>) semaphore(%arg15 : memref<!tpu.dma_semaphore, #tpu.memory_space<semaphore_mem>>) {add = true}
      %dma_start3A_90 = arith.constant 1 : i32
      %dma_start3A_91 = arith.constant 1 : i32
      %dma_start3A_92 = arith.constant 0 : i32
      %dma_start3A_93 = tpu.memref_slice %arg11[%dma_start3A_90, %dma_start3A_92] : memref<8x128xf32, #tpu.memory_space<vmem>> -> memref<1x128xf32, #tpu.memory_space<vmem>>
      %dma_start3A_94 = tpu.memref_squeeze %dma_start3A_93 : memref<1x128xf32, #tpu.memory_space<vmem>> -> memref<128xf32, #tpu.memory_space<vmem>>
      %dma_start3A_95 = arith.constant 0 : i32
      %dma_start3A_96 = tpu.memref_slice %arg10[%dma_start3A_91, %dma_start3A_95] : memref<8x128xi32, #tpu.memory_space<vmem>> -> memref<1x128xi32, #tpu.memory_space<vmem>>
      %dma_start3A_97 = tpu.memref_squeeze %dma_start3A_96 : memref<1x128xi32, #tpu.memory_space<vmem>> -> memref<128xi32, #tpu.memory_space<vmem>>
      %dma_start3A_98 = arith.constant 0 : i32
      %dma_start3A_99 = tpu.memref_slice %arg14[%dma_start3A_98] : memref<10240xf32, #tpu.memory_space<vmem_shared>> -> memref<10240xf32, #tpu.memory_space<vmem_shared>>
      tpu.enqueue_indirect_dma source(%dma_start3A_94 : memref<128xf32, #tpu.memory_space<vmem>>) target(%dma_start3A_99 : memref<10240xf32, #tpu.memory_space<vmem_shared>>) offsets(%dma_start3A_97 : memref<128xi32, #tpu.memory_space<vmem>>) semaphore(%arg15 : memref<!tpu.dma_semaphore, #tpu.memory_space<semaphore_mem>>) {add = true}
      %dma_start3A_100 = arith.constant 2 : i32
      %dma_start3A_101 = arith.constant 2 : i32
      %dma_start3A_102 = arith.constant 0 : i32
      %dma_start3A_103 = tpu.memref_slice %arg11[%dma_start3A_100, %dma_start3A_102] : memref<8x128xf32, #tpu.memory_space<vmem>> -> memref<1x128xf32, #tpu.memory_space<vmem>>
      %dma_start3A_104 = tpu.memref_squeeze %dma_start3A_103 : memref<1x128xf32, #tpu.memory_space<vmem>> -> memref<128xf32, #tpu.memory_space<vmem>>
      %dma_start3A_105 = arith.constant 0 : i32
      %dma_start3A_106 = tpu.memref_slice %arg10[%dma_start3A_101, %dma_start3A_105] : memref<8x128xi32, #tpu.memory_space<vmem>> -> memref<1x128xi32, #tpu.memory_space<vmem>>
      %dma_start3A_107 = tpu.memref_squeeze %dma_start3A_106 : memref<1x128xi32, #tpu.memory_space<vmem>> -> memref<128xi32, #tpu.memory_space<vmem>>
      %dma_start3A_108 = arith.constant 0 : i32
      %dma_start3A_109 = tpu.memref_slice %arg14[%dma_start3A_108] : memref<10240xf32, #tpu.memory_space<vmem_shared>> -> memref<10240xf32, #tpu.memory_space<vmem_shared>>
      tpu.enqueue_indirect_dma source(%dma_start3A_104 : memref<128xf32, #tpu.memory_space<vmem>>) target(%dma_start3A_109 : memref<10240xf32, #tpu.memory_space<vmem_shared>>) offsets(%dma_start3A_107 : memref<128xi32, #tpu.memory_space<vmem>>) semaphore(%arg15 : memref<!tpu.dma_semaphore, #tpu.memory_space<semaphore_mem>>) {add = true}
      %dma_start3A_110 = arith.constant 3 : i32
      %dma_start3A_111 = arith.constant 3 : i32
      %dma_start3A_112 = arith.constant 0 : i32
      %dma_start3A_113 = tpu.memref_slice %arg11[%dma_start3A_110, %dma_start3A_112] : memref<8x128xf32, #tpu.memory_space<vmem>> -> memref<1x128xf32, #tpu.memory_space<vmem>>
      %dma_start3A_114 = tpu.memref_squeeze %dma_start3A_113 : memref<1x128xf32, #tpu.memory_space<vmem>> -> memref<128xf32, #tpu.memory_space<vmem>>
      %dma_start3A_115 = arith.constant 0 : i32
      %dma_start3A_116 = tpu.memref_slice %arg10[%dma_start3A_111, %dma_start3A_115] : memref<8x128xi32, #tpu.memory_space<vmem>> -> memref<1x128xi32, #tpu.memory_space<vmem>>
      %dma_start3A_117 = tpu.memref_squeeze %dma_start3A_116 : memref<1x128xi32, #tpu.memory_space<vmem>> -> memref<128xi32, #tpu.memory_space<vmem>>
      %dma_start3A_118 = arith.constant 0 : i32
      %dma_start3A_119 = tpu.memref_slice %arg14[%dma_start3A_118] : memref<10240xf32, #tpu.memory_space<vmem_shared>> -> memref<10240xf32, #tpu.memory_space<vmem_shared>>
      tpu.enqueue_indirect_dma source(%dma_start3A_114 : memref<128xf32, #tpu.memory_space<vmem>>) target(%dma_start3A_119 : memref<10240xf32, #tpu.memory_space<vmem_shared>>) offsets(%dma_start3A_117 : memref<128xi32, #tpu.memory_space<vmem>>) semaphore(%arg15 : memref<!tpu.dma_semaphore, #tpu.memory_space<semaphore_mem>>) {add = true}
      %dma_start3A_120 = arith.constant 4 : i32
      %dma_start3A_121 = arith.constant 4 : i32
      %dma_start3A_122 = arith.constant 0 : i32
      %dma_start3A_123 = tpu.memref_slice %arg11[%dma_start3A_120, %dma_start3A_122] : memref<8x128xf32, #tpu.memory_space<vmem>> -> memref<1x128xf32, #tpu.memory_space<vmem>>
      %dma_start3A_124 = tpu.memref_squeeze %dma_start3A_123 : memref<1x128xf32, #tpu.memory_space<vmem>> -> memref<128xf32, #tpu.memory_space<vmem>>
      %dma_start3A_125 = arith.constant 0 : i32
      %dma_start3A_126 = tpu.memref_slice %arg10[%dma_start3A_121, %dma_start3A_125] : memref<8x128xi32, #tpu.memory_space<vmem>> -> memref<1x128xi32, #tpu.memory_space<vmem>>
      %dma_start3A_127 = tpu.memref_squeeze %dma_start3A_126 : memref<1x128xi32, #tpu.memory_space<vmem>> -> memref<128xi32, #tpu.memory_space<vmem>>
      %dma_start3A_128 = arith.constant 0 : i32
      %dma_start3A_129 = tpu.memref_slice %arg14[%dma_start3A_128] : memref<10240xf32, #tpu.memory_space<vmem_shared>> -> memref<10240xf32, #tpu.memory_space<vmem_shared>>
      tpu.enqueue_indirect_dma source(%dma_start3A_124 : memref<128xf32, #tpu.memory_space<vmem>>) target(%dma_start3A_129 : memref<10240xf32, #tpu.memory_space<vmem_shared>>) offsets(%dma_start3A_127 : memref<128xi32, #tpu.memory_space<vmem>>) semaphore(%arg15 : memref<!tpu.dma_semaphore, #tpu.memory_space<semaphore_mem>>) {add = true}
      %dma_start3A_130 = arith.constant 5 : i32
      %dma_start3A_131 = arith.constant 5 : i32
      %dma_start3A_132 = arith.constant 0 : i32
      %dma_start3A_133 = tpu.memref_slice %arg11[%dma_start3A_130, %dma_start3A_132] : memref<8x128xf32, #tpu.memory_space<vmem>> -> memref<1x128xf32, #tpu.memory_space<vmem>>
      %dma_start3A_134 = tpu.memref_squeeze %dma_start3A_133 : memref<1x128xf32, #tpu.memory_space<vmem>> -> memref<128xf32, #tpu.memory_space<vmem>>
      %dma_start3A_135 = arith.constant 0 : i32
      %dma_start3A_136 = tpu.memref_slice %arg10[%dma_start3A_131, %dma_start3A_135] : memref<8x128xi32, #tpu.memory_space<vmem>> -> memref<1x128xi32, #tpu.memory_space<vmem>>
      %dma_start3A_137 = tpu.memref_squeeze %dma_start3A_136 : memref<1x128xi32, #tpu.memory_space<vmem>> -> memref<128xi32, #tpu.memory_space<vmem>>
      %dma_start3A_138 = arith.constant 0 : i32
      %dma_start3A_139 = tpu.memref_slice %arg14[%dma_start3A_138] : memref<10240xf32, #tpu.memory_space<vmem_shared>> -> memref<10240xf32, #tpu.memory_space<vmem_shared>>
      tpu.enqueue_indirect_dma source(%dma_start3A_134 : memref<128xf32, #tpu.memory_space<vmem>>) target(%dma_start3A_139 : memref<10240xf32, #tpu.memory_space<vmem_shared>>) offsets(%dma_start3A_137 : memref<128xi32, #tpu.memory_space<vmem>>) semaphore(%arg15 : memref<!tpu.dma_semaphore, #tpu.memory_space<semaphore_mem>>) {add = true}
      %dma_start3A_140 = arith.constant 6 : i32
      %dma_start3A_141 = arith.constant 6 : i32
      %dma_start3A_142 = arith.constant 0 : i32
      %dma_start3A_143 = tpu.memref_slice %arg11[%dma_start3A_140, %dma_start3A_142] : memref<8x128xf32, #tpu.memory_space<vmem>> -> memref<1x128xf32, #tpu.memory_space<vmem>>
      %dma_start3A_144 = tpu.memref_squeeze %dma_start3A_143 : memref<1x128xf32, #tpu.memory_space<vmem>> -> memref<128xf32, #tpu.memory_space<vmem>>
      %dma_start3A_145 = arith.constant 0 : i32
      %dma_start3A_146 = tpu.memref_slice %arg10[%dma_start3A_141, %dma_start3A_145] : memref<8x128xi32, #tpu.memory_space<vmem>> -> memref<1x128xi32, #tpu.memory_space<vmem>>
      %dma_start3A_147 = tpu.memref_squeeze %dma_start3A_146 : memref<1x128xi32, #tpu.memory_space<vmem>> -> memref<128xi32, #tpu.memory_space<vmem>>
      %dma_start3A_148 = arith.constant 0 : i32
      %dma_start3A_149 = tpu.memref_slice %arg14[%dma_start3A_148] : memref<10240xf32, #tpu.memory_space<vmem_shared>> -> memref<10240xf32, #tpu.memory_space<vmem_shared>>
      tpu.enqueue_indirect_dma source(%dma_start3A_144 : memref<128xf32, #tpu.memory_space<vmem>>) target(%dma_start3A_149 : memref<10240xf32, #tpu.memory_space<vmem_shared>>) offsets(%dma_start3A_147 : memref<128xi32, #tpu.memory_space<vmem>>) semaphore(%arg15 : memref<!tpu.dma_semaphore, #tpu.memory_space<semaphore_mem>>) {add = true}
      %dma_start3A_150 = arith.constant 7 : i32
      %dma_start3A_151 = arith.constant 7 : i32
      %dma_start3A_152 = arith.constant 0 : i32
      %dma_start3A_153 = tpu.memref_slice %arg11[%dma_start3A_150, %dma_start3A_152] : memref<8x128xf32, #tpu.memory_space<vmem>> -> memref<1x128xf32, #tpu.memory_space<vmem>>
      %dma_start3A_154 = tpu.memref_squeeze %dma_start3A_153 : memref<1x128xf32, #tpu.memory_space<vmem>> -> memref<128xf32, #tpu.memory_space<vmem>>
      %dma_start3A_155 = arith.constant 0 : i32
      %dma_start3A_156 = tpu.memref_slice %arg10[%dma_start3A_151, %dma_start3A_155] : memref<8x128xi32, #tpu.memory_space<vmem>> -> memref<1x128xi32, #tpu.memory_space<vmem>>
      %dma_start3A_157 = tpu.memref_squeeze %dma_start3A_156 : memref<1x128xi32, #tpu.memory_space<vmem>> -> memref<128xi32, #tpu.memory_space<vmem>>
      %dma_start3A_158 = arith.constant 0 : i32
      %dma_start3A_159 = tpu.memref_slice %arg14[%dma_start3A_158] : memref<10240xf32, #tpu.memory_space<vmem_shared>> -> memref<10240xf32, #tpu.memory_space<vmem_shared>>
      tpu.enqueue_indirect_dma source(%dma_start3A_154 : memref<128xf32, #tpu.memory_space<vmem>>) target(%dma_start3A_159 : memref<10240xf32, #tpu.memory_space<vmem_shared>>) offsets(%dma_start3A_157 : memref<128xi32, #tpu.memory_space<vmem>>) semaphore(%arg15 : memref<!tpu.dma_semaphore, #tpu.memory_space<semaphore_mem>>) {add = true}
      %dma_wait3A = arith.constant 0 : i32
      %dma_wait3A_160 = arith.constant 0 : i32
      %dma_wait3A_161 = arith.constant 0 : i32
      %dma_wait3A_162 = tpu.memref_slice %arg11[%dma_wait3A, %dma_wait3A_161] : memref<8x128xf32, #tpu.memory_space<vmem>> -> memref<1x128xf32, #tpu.memory_space<vmem>>
      %dma_wait3A_163 = tpu.memref_squeeze %dma_wait3A_162 : memref<1x128xf32, #tpu.memory_space<vmem>> -> memref<128xf32, #tpu.memory_space<vmem>>
      %dma_wait3A_164 = arith.constant 0 : i32
      %dma_wait3A_165 = tpu.memref_slice %arg10[%dma_wait3A_160, %dma_wait3A_164] : memref<8x128xi32, #tpu.memory_space<vmem>> -> memref<1x128xi32, #tpu.memory_space<vmem>>
      %dma_wait3A_166 = tpu.memref_squeeze %dma_wait3A_165 : memref<1x128xi32, #tpu.memory_space<vmem>> -> memref<128xi32, #tpu.memory_space<vmem>>
      %dma_wait3A_167 = arith.constant 0 : i32
      %dma_wait3A_168 = tpu.memref_slice %arg14[%dma_wait3A_167] : memref<10240xf32, #tpu.memory_space<vmem_shared>> -> memref<10240xf32, #tpu.memory_space<vmem_shared>>
      tpu.wait_indirect_dma semaphore(%arg15 : memref<!tpu.dma_semaphore, #tpu.memory_space<semaphore_mem>>) src(%dma_wait3A_163 : memref<128xf32, #tpu.memory_space<vmem>>) dst(%dma_wait3A_168 : memref<10240xf32, #tpu.memory_space<vmem_shared>>)
      %dma_wait3A_169 = arith.constant 1 : i32
      %dma_wait3A_170 = arith.constant 1 : i32
      %dma_wait3A_171 = arith.constant 0 : i32
      %dma_wait3A_172 = tpu.memref_slice %arg11[%dma_wait3A_169, %dma_wait3A_171] : memref<8x128xf32, #tpu.memory_space<vmem>> -> memref<1x128xf32, #tpu.memory_space<vmem>>
      %dma_wait3A_173 = tpu.memref_squeeze %dma_wait3A_172 : memref<1x128xf32, #tpu.memory_space<vmem>> -> memref<128xf32, #tpu.memory_space<vmem>>
      %dma_wait3A_174 = arith.constant 0 : i32
      %dma_wait3A_175 = tpu.memref_slice %arg10[%dma_wait3A_170, %dma_wait3A_174] : memref<8x128xi32, #tpu.memory_space<vmem>> -> memref<1x128xi32, #tpu.memory_space<vmem>>
      %dma_wait3A_176 = tpu.memref_squeeze %dma_wait3A_175 : memref<1x128xi32, #tpu.memory_space<vmem>> -> memref<128xi32, #tpu.memory_space<vmem>>
      %dma_wait3A_177 = arith.constant 0 : i32
      %dma_wait3A_178 = tpu.memref_slice %arg14[%dma_wait3A_177] : memref<10240xf32, #tpu.memory_space<vmem_shared>> -> memref<10240xf32, #tpu.memory_space<vmem_shared>>
      tpu.wait_indirect_dma semaphore(%arg15 : memref<!tpu.dma_semaphore, #tpu.memory_space<semaphore_mem>>) src(%dma_wait3A_173 : memref<128xf32, #tpu.memory_space<vmem>>) dst(%dma_wait3A_178 : memref<10240xf32, #tpu.memory_space<vmem_shared>>)
      %dma_wait3A_179 = arith.constant 2 : i32
      %dma_wait3A_180 = arith.constant 2 : i32
      %dma_wait3A_181 = arith.constant 0 : i32
      %dma_wait3A_182 = tpu.memref_slice %arg11[%dma_wait3A_179, %dma_wait3A_181] : memref<8x128xf32, #tpu.memory_space<vmem>> -> memref<1x128xf32, #tpu.memory_space<vmem>>
      %dma_wait3A_183 = tpu.memref_squeeze %dma_wait3A_182 : memref<1x128xf32, #tpu.memory_space<vmem>> -> memref<128xf32, #tpu.memory_space<vmem>>
      %dma_wait3A_184 = arith.constant 0 : i32
      %dma_wait3A_185 = tpu.memref_slice %arg10[%dma_wait3A_180, %dma_wait3A_184] : memref<8x128xi32, #tpu.memory_space<vmem>> -> memref<1x128xi32, #tpu.memory_space<vmem>>
      %dma_wait3A_186 = tpu.memref_squeeze %dma_wait3A_185 : memref<1x128xi32, #tpu.memory_space<vmem>> -> memref<128xi32, #tpu.memory_space<vmem>>
      %dma_wait3A_187 = arith.constant 0 : i32
      %dma_wait3A_188 = tpu.memref_slice %arg14[%dma_wait3A_187] : memref<10240xf32, #tpu.memory_space<vmem_shared>> -> memref<10240xf32, #tpu.memory_space<vmem_shared>>
      tpu.wait_indirect_dma semaphore(%arg15 : memref<!tpu.dma_semaphore, #tpu.memory_space<semaphore_mem>>) src(%dma_wait3A_183 : memref<128xf32, #tpu.memory_space<vmem>>) dst(%dma_wait3A_188 : memref<10240xf32, #tpu.memory_space<vmem_shared>>)
      %dma_wait3A_189 = arith.constant 3 : i32
      %dma_wait3A_190 = arith.constant 3 : i32
      %dma_wait3A_191 = arith.constant 0 : i32
      %dma_wait3A_192 = tpu.memref_slice %arg11[%dma_wait3A_189, %dma_wait3A_191] : memref<8x128xf32, #tpu.memory_space<vmem>> -> memref<1x128xf32, #tpu.memory_space<vmem>>
      %dma_wait3A_193 = tpu.memref_squeeze %dma_wait3A_192 : memref<1x128xf32, #tpu.memory_space<vmem>> -> memref<128xf32, #tpu.memory_space<vmem>>
      %dma_wait3A_194 = arith.constant 0 : i32
      %dma_wait3A_195 = tpu.memref_slice %arg10[%dma_wait3A_190, %dma_wait3A_194] : memref<8x128xi32, #tpu.memory_space<vmem>> -> memref<1x128xi32, #tpu.memory_space<vmem>>
      %dma_wait3A_196 = tpu.memref_squeeze %dma_wait3A_195 : memref<1x128xi32, #tpu.memory_space<vmem>> -> memref<128xi32, #tpu.memory_space<vmem>>
      %dma_wait3A_197 = arith.constant 0 : i32
      %dma_wait3A_198 = tpu.memref_slice %arg14[%dma_wait3A_197] : memref<10240xf32, #tpu.memory_space<vmem_shared>> -> memref<10240xf32, #tpu.memory_space<vmem_shared>>
      tpu.wait_indirect_dma semaphore(%arg15 : memref<!tpu.dma_semaphore, #tpu.memory_space<semaphore_mem>>) src(%dma_wait3A_193 : memref<128xf32, #tpu.memory_space<vmem>>) dst(%dma_wait3A_198 : memref<10240xf32, #tpu.memory_space<vmem_shared>>)
      %dma_wait3A_199 = arith.constant 4 : i32
      %dma_wait3A_200 = arith.constant 4 : i32
      %dma_wait3A_201 = arith.constant 0 : i32
      %dma_wait3A_202 = tpu.memref_slice %arg11[%dma_wait3A_199, %dma_wait3A_201] : memref<8x128xf32, #tpu.memory_space<vmem>> -> memref<1x128xf32, #tpu.memory_space<vmem>>
      %dma_wait3A_203 = tpu.memref_squeeze %dma_wait3A_202 : memref<1x128xf32, #tpu.memory_space<vmem>> -> memref<128xf32, #tpu.memory_space<vmem>>
      %dma_wait3A_204 = arith.constant 0 : i32
      %dma_wait3A_205 = tpu.memref_slice %arg10[%dma_wait3A_200, %dma_wait3A_204] : memref<8x128xi32, #tpu.memory_space<vmem>> -> memref<1x128xi32, #tpu.memory_space<vmem>>
      %dma_wait3A_206 = tpu.memref_squeeze %dma_wait3A_205 : memref<1x128xi32, #tpu.memory_space<vmem>> -> memref<128xi32, #tpu.memory_space<vmem>>
      %dma_wait3A_207 = arith.constant 0 : i32
      %dma_wait3A_208 = tpu.memref_slice %arg14[%dma_wait3A_207] : memref<10240xf32, #tpu.memory_space<vmem_shared>> -> memref<10240xf32, #tpu.memory_space<vmem_shared>>
      tpu.wait_indirect_dma semaphore(%arg15 : memref<!tpu.dma_semaphore, #tpu.memory_space<semaphore_mem>>) src(%dma_wait3A_203 : memref<128xf32, #tpu.memory_space<vmem>>) dst(%dma_wait3A_208 : memref<10240xf32, #tpu.memory_space<vmem_shared>>)
      %dma_wait3A_209 = arith.constant 5 : i32
      %dma_wait3A_210 = arith.constant 5 : i32
      %dma_wait3A_211 = arith.constant 0 : i32
      %dma_wait3A_212 = tpu.memref_slice %arg11[%dma_wait3A_209, %dma_wait3A_211] : memref<8x128xf32, #tpu.memory_space<vmem>> -> memref<1x128xf32, #tpu.memory_space<vmem>>
      %dma_wait3A_213 = tpu.memref_squeeze %dma_wait3A_212 : memref<1x128xf32, #tpu.memory_space<vmem>> -> memref<128xf32, #tpu.memory_space<vmem>>
      %dma_wait3A_214 = arith.constant 0 : i32
      %dma_wait3A_215 = tpu.memref_slice %arg10[%dma_wait3A_210, %dma_wait3A_214] : memref<8x128xi32, #tpu.memory_space<vmem>> -> memref<1x128xi32, #tpu.memory_space<vmem>>
      %dma_wait3A_216 = tpu.memref_squeeze %dma_wait3A_215 : memref<1x128xi32, #tpu.memory_space<vmem>> -> memref<128xi32, #tpu.memory_space<vmem>>
      %dma_wait3A_217 = arith.constant 0 : i32
      %dma_wait3A_218 = tpu.memref_slice %arg14[%dma_wait3A_217] : memref<10240xf32, #tpu.memory_space<vmem_shared>> -> memref<10240xf32, #tpu.memory_space<vmem_shared>>
      tpu.wait_indirect_dma semaphore(%arg15 : memref<!tpu.dma_semaphore, #tpu.memory_space<semaphore_mem>>) src(%dma_wait3A_213 : memref<128xf32, #tpu.memory_space<vmem>>) dst(%dma_wait3A_218 : memref<10240xf32, #tpu.memory_space<vmem_shared>>)
      %dma_wait3A_219 = arith.constant 6 : i32
      %dma_wait3A_220 = arith.constant 6 : i32
      %dma_wait3A_221 = arith.constant 0 : i32
      %dma_wait3A_222 = tpu.memref_slice %arg11[%dma_wait3A_219, %dma_wait3A_221] : memref<8x128xf32, #tpu.memory_space<vmem>> -> memref<1x128xf32, #tpu.memory_space<vmem>>
      %dma_wait3A_223 = tpu.memref_squeeze %dma_wait3A_222 : memref<1x128xf32, #tpu.memory_space<vmem>> -> memref<128xf32, #tpu.memory_space<vmem>>
      %dma_wait3A_224 = arith.constant 0 : i32
      %dma_wait3A_225 = tpu.memref_slice %arg10[%dma_wait3A_220, %dma_wait3A_224] : memref<8x128xi32, #tpu.memory_space<vmem>> -> memref<1x128xi32, #tpu.memory_space<vmem>>
      %dma_wait3A_226 = tpu.memref_squeeze %dma_wait3A_225 : memref<1x128xi32, #tpu.memory_space<vmem>> -> memref<128xi32, #tpu.memory_space<vmem>>
      %dma_wait3A_227 = arith.constant 0 : i32
      %dma_wait3A_228 = tpu.memref_slice %arg14[%dma_wait3A_227] : memref<10240xf32, #tpu.memory_space<vmem_shared>> -> memref<10240xf32, #tpu.memory_space<vmem_shared>>
      tpu.wait_indirect_dma semaphore(%arg15 : memref<!tpu.dma_semaphore, #tpu.memory_space<semaphore_mem>>) src(%dma_wait3A_223 : memref<128xf32, #tpu.memory_space<vmem>>) dst(%dma_wait3A_228 : memref<10240xf32, #tpu.memory_space<vmem_shared>>)
      %dma_wait3A_229 = arith.constant 7 : i32
      %dma_wait3A_230 = arith.constant 7 : i32
      %dma_wait3A_231 = arith.constant 0 : i32
      %dma_wait3A_232 = tpu.memref_slice %arg11[%dma_wait3A_229, %dma_wait3A_231] : memref<8x128xf32, #tpu.memory_space<vmem>> -> memref<1x128xf32, #tpu.memory_space<vmem>>
      %dma_wait3A_233 = tpu.memref_squeeze %dma_wait3A_232 : memref<1x128xf32, #tpu.memory_space<vmem>> -> memref<128xf32, #tpu.memory_space<vmem>>
      %dma_wait3A_234 = arith.constant 0 : i32
      %dma_wait3A_235 = tpu.memref_slice %arg10[%dma_wait3A_230, %dma_wait3A_234] : memref<8x128xi32, #tpu.memory_space<vmem>> -> memref<1x128xi32, #tpu.memory_space<vmem>>
      %dma_wait3A_236 = tpu.memref_squeeze %dma_wait3A_235 : memref<1x128xi32, #tpu.memory_space<vmem>> -> memref<128xi32, #tpu.memory_space<vmem>>
      %dma_wait3A_237 = arith.constant 0 : i32
      %dma_wait3A_238 = tpu.memref_slice %arg14[%dma_wait3A_237] : memref<10240xf32, #tpu.memory_space<vmem_shared>> -> memref<10240xf32, #tpu.memory_space<vmem_shared>>
      tpu.wait_indirect_dma semaphore(%arg15 : memref<!tpu.dma_semaphore, #tpu.memory_space<semaphore_mem>>) src(%dma_wait3A_233 : memref<128xf32, #tpu.memory_space<vmem>>) dst(%dma_wait3A_238 : memref<10240xf32, #tpu.memory_space<vmem_shared>>)
      scf.yield %scan3A_79 : vector<16xf32>
    }
    %scan3A_54 = arith.constant 10 : i32
    %barrier3A_55 = arith.constant 0 : index
    tpu.barrier barrier_id(%barrier3A_55)
    %eq3A = arith.constant 0 : i32
    %eq3A_56 = arith.cmpi eq, %arg0, %eq3A : i32
    %convert_element_type3A = arith.extui %eq3A_56 : i1 to i32
    %cond3A = arith.constant 0 : i32
    %cond3A_57 = arith.cmpi ne, %convert_element_type3A, %cond3A : i32
    scf.if %cond3A_57 {
      %mul3A_67 = arith.constant 640 : i32
      %mul3A_68 = arith.muli %arg1, %mul3A_67 : i32
      %mul3A_69 = arith.constant 640 : i32
      %mul3A_70 = arith.muli %arg1, %mul3A_69 : i32
      "tpu.region"() ({
        %run_scoped3A = tpu.sem_alloc : memref<!tpu.dma_semaphore, #tpu.memory_space<semaphore_mem>>
        %dma_start3A = tpu.memref_slice %arg5[%mul3A_70] : memref<10240xf32, #tpu.memory_space<hbm>> -> memref<640xf32, #tpu.memory_space<hbm>>
        %dma_start3A_71 = tpu.memref_slice %arg14[%mul3A_68] : memref<10240xf32, #tpu.memory_space<vmem_shared>> -> memref<640xf32, #tpu.memory_space<vmem_shared>>
        tpu.enqueue_dma source(%dma_start3A_71 : memref<640xf32, #tpu.memory_space<vmem_shared>>) target(%dma_start3A : memref<640xf32, #tpu.memory_space<hbm>>) target_semaphore(%run_scoped3A : memref<!tpu.dma_semaphore, #tpu.memory_space<semaphore_mem>>)
        %dma_wait3A = tpu.memref_slice %arg5[%mul3A_70] : memref<10240xf32, #tpu.memory_space<hbm>> -> memref<640xf32, #tpu.memory_space<hbm>>
        %dma_wait3A_72 = tpu.memref_slice %arg14[%mul3A_68] : memref<10240xf32, #tpu.memory_space<vmem_shared>> -> memref<640xf32, #tpu.memory_space<vmem_shared>>
        tpu.wait_dma2 semaphore(%run_scoped3A : memref<!tpu.dma_semaphore, #tpu.memory_space<semaphore_mem>>) src(%dma_wait3A_72 : memref<640xf32, #tpu.memory_space<vmem_shared>>) dst(%dma_wait3A : memref<640xf32, #tpu.memory_space<hbm>>)
        tpu.yield
      }) : () -> ()
    } else {
    }
    %eq3A_58 = arith.constant 1 : i32
    %eq3A_59 = arith.cmpi eq, %arg0, %eq3A_58 : i32
    %convert_element_type3A_60 = arith.extui %eq3A_59 : i1 to i32
    %cond3A_61 = arith.constant 0 : i32
    %cond3A_62 = arith.cmpi ne, %convert_element_type3A_60, %cond3A_61 : i32
    scf.if %cond3A_62 {
      %mul3A_67 = arith.constant 640 : i32
      %mul3A_68 = arith.muli %arg1, %mul3A_67 : i32
      %mul3A_69 = arith.constant 640 : i32
      %mul3A_70 = arith.muli %arg1, %mul3A_69 : i32
      "tpu.region"() ({
        %run_scoped3A = tpu.sem_alloc : memref<!tpu.dma_semaphore, #tpu.memory_space<semaphore_mem>>
        %dma_start3A = tpu.memref_slice %arg6[%mul3A_70] : memref<10240xf32, #tpu.memory_space<hbm>> -> memref<640xf32, #tpu.memory_space<hbm>>
        %dma_start3A_71 = tpu.memref_slice %arg14[%mul3A_68] : memref<10240xf32, #tpu.memory_space<vmem_shared>> -> memref<640xf32, #tpu.memory_space<vmem_shared>>
        tpu.enqueue_dma source(%dma_start3A_71 : memref<640xf32, #tpu.memory_space<vmem_shared>>) target(%dma_start3A : memref<640xf32, #tpu.memory_space<hbm>>) target_semaphore(%run_scoped3A : memref<!tpu.dma_semaphore, #tpu.memory_space<semaphore_mem>>)
        %dma_wait3A = tpu.memref_slice %arg6[%mul3A_70] : memref<10240xf32, #tpu.memory_space<hbm>> -> memref<640xf32, #tpu.memory_space<hbm>>
        %dma_wait3A_72 = tpu.memref_slice %arg14[%mul3A_68] : memref<10240xf32, #tpu.memory_space<vmem_shared>> -> memref<640xf32, #tpu.memory_space<vmem_shared>>
        tpu.wait_dma2 semaphore(%run_scoped3A : memref<!tpu.dma_semaphore, #tpu.memory_space<semaphore_mem>>) src(%dma_wait3A_72 : memref<640xf32, #tpu.memory_space<vmem_shared>>) dst(%dma_wait3A : memref<640xf32, #tpu.memory_space<hbm>>)
        tpu.yield
      }) : () -> ()
    } else {
    }
    %swap3A_63 = arith.constant 0 : index
    %swap3A_64 = tpu.vector_load %arg13[%swap3A_63] {strides = array<i32>} : memref<16xf32, #tpu.memory_space<vmem>>, vector<16xf32>,
    tpu.vector_store %arg13[%swap3A_63], %scan3A_53 {strides = array<i32>} : memref<16xf32, #tpu.memory_space<vmem>>, vector<16xf32>,
    %mul3A_65 = arith.constant 16 : i32
    %mul3A_66 = arith.muli %add3A, %mul3A_65 : i32
    "tpu.region"() ({
      %run_scoped3A = tpu.sem_alloc : memref<!tpu.dma_semaphore, #tpu.memory_space<semaphore_mem>>
      %dma_start3A = tpu.memref_slice %arg7[%mul3A_66] : memref<512xf32, #tpu.memory_space<hbm>> -> memref<16xf32, #tpu.memory_space<hbm>>
      %dma_start3A_67 = tpu.memref_slice %arg7[%mul3A_66] : memref<512xf32, #tpu.memory_space<hbm>> -> memref<16xf32, #tpu.memory_space<hbm>>
      tpu.enqueue_dma source(%arg13 : memref<16xf32, #tpu.memory_space<vmem>>) target(%dma_start3A_67 : memref<16xf32, #tpu.memory_space<hbm>>) target_semaphore(%run_scoped3A : memref<!tpu.dma_semaphore, #tpu.memory_space<semaphore_mem>>)
      %dma_wait3A = tpu.memref_slice %arg7[%mul3A_66] : memref<512xf32, #tpu.memory_space<hbm>> -> memref<16xf32, #tpu.memory_space<hbm>>
      %dma_wait3A_68 = tpu.memref_slice %arg7[%mul3A_66] : memref<512xf32, #tpu.memory_space<hbm>> -> memref<16xf32, #tpu.memory_space<hbm>>
      tpu.wait_dma2 semaphore(%run_scoped3A : memref<!tpu.dma_semaphore, #tpu.memory_space<semaphore_mem>>) src(%arg13 : memref<16xf32, #tpu.memory_space<vmem>>) dst(%dma_wait3A_68 : memref<16xf32, #tpu.memory_space<hbm>>)
      tpu.yield
    }) : () -> ()
    return
  }
}

#map = affine_map<(d0, d1) -> (0, 0)>
#map1 = affine_map<(d0, d1) -> (0, 0, 0)>
#map2 = affine_map<(d0, d1) -> (0)>
module attributes {stable_mosaic.version = 14 : i64} {
  func.func @_agg_body(%arg0: i32, %arg1: i32, %arg2: memref<10000x128xf32, #tpu.memory_space<hbm>>, %arg3: memref<2x2560x128xi32, #tpu.memory_space<hbm>>, %arg4: memref<2560x128xf32, #tpu.memory_space<hbm>>, %arg5: memref<10240xf32, #tpu.memory_space<hbm>>, %arg6: memref<10240xf32, #tpu.memory_space<hbm>>, %arg7: memref<512xf32, #tpu.memory_space<hbm>>, %arg8: memref<2x10240x128xf32, #tpu.memory_space<hbm>>, %arg9: memref<2560x128xf32, #tpu.memory_space<hbm>>, %arg10: memref<10240xf32, #tpu.memory_space<vmem>>, %arg11: memref<10240xf32, #tpu.memory_space<vmem>>, %arg12: memref<8x128xi32, #tpu.memory_space<vmem>>, %arg13: memref<8x128xi32, #tpu.memory_space<vmem>>, %arg14: memref<8x128xf32, #tpu.memory_space<vmem>>, %arg15: memref<8x128xf32, #tpu.memory_space<vmem>>, %arg16: memref<128xf32, #tpu.memory_space<vmem>>, %arg17: memref<128x128xf32, #tpu.memory_space<vmem>>, %arg18: memref<32x128xf32, #tpu.memory_space<vmem>>, %arg19: memref<512xf32, #tpu.memory_space<vmem>>, %arg20: memref<10240x128xf32, #tpu.memory_space<vmem_shared>>, %arg21: memref<!tpu.dma_semaphore, #tpu.memory_space<semaphore_mem>>) attributes {dimension_semantics = [#tpu.dimension_semantics<core_parallel>, #tpu.dimension_semantics<subcore_parallel>], iteration_bounds = array<i64: 2, 16>, scalar_prefetch = 0 : i64, scratch_operands = 12 : i64, tpu.core_type = #tpu.core_type<sc_vector_subcore>, window_params = [{transform_indices = #map}, {transform_indices = #map1}, {transform_indices = #map}, {transform_indices = #map2}, {transform_indices = #map2}, {transform_indices = #map2}, {transform_indices = #map1}, {transform_indices = #map}]} {
    %mul3A = arith.constant 2 : i32
    %mul3A_0 = arith.muli %arg1, %mul3A : i32
    %add3A = arith.addi %mul3A_0, %arg0 : i32
    "tpu.region"() ({
      %run_scoped3A = tpu.sem_alloc : memref<!tpu.dma_semaphore, #tpu.memory_space<semaphore_mem>>
      tpu.enqueue_dma source(%arg7 : memref<512xf32, #tpu.memory_space<hbm>>) target(%arg19 : memref<512xf32, #tpu.memory_space<vmem>>) target_semaphore(%run_scoped3A : memref<!tpu.dma_semaphore, #tpu.memory_space<semaphore_mem>>)
      tpu.wait_dma2 semaphore(%run_scoped3A : memref<!tpu.dma_semaphore, #tpu.memory_space<semaphore_mem>>) src(%arg7 : memref<512xf32, #tpu.memory_space<hbm>>) dst(%arg19 : memref<512xf32, #tpu.memory_space<vmem>>)
      tpu.yield
    }) : () -> ()
    %broadcast_in_dim3A = arith.constant 0.000000e+00 : f32
    %broadcast_in_dim3A_1 = vector.broadcast %broadcast_in_dim3A : f32 to vector<16xf32>
    %scan3A = arith.constant 0 : i32
    %scan3A_2 = arith.constant 32 : i32
    %scan3A_3 = arith.addi %scan3A, %scan3A_2 : i32
    %scan3A_4 = arith.constant 1 : i32
    %scan3A_5 = scf.for %scan3A_71 = %scan3A to %scan3A_3 step %scan3A_4 iter_args(%scan3A_72 = %broadcast_in_dim3A_1) -> (vector<16xf32>)  : i32 {
      %mul3A_73 = arith.constant 16 : i32
      %mul3A_74 = arith.muli %scan3A_71, %mul3A_73 : i32
      %get3A = arith.index_cast %mul3A_74 : i32 to index
      %get3A_75 = tpu.vector_load %arg19[%get3A] {strides = array<i32>} : memref<512xf32, #tpu.memory_space<vmem>>, vector<16xf32>,
      %add3A_76 = arith.addf %scan3A_72, %get3A_75 : vector<16xf32>
      scf.yield %add3A_76 : vector<16xf32>
    }
    %scan3A_6 = arith.constant 32 : i32
    %iota3A = tpu.iota {dimensions = array<i32: 0>} : vector<16xi32>
    %swap3A = arith.constant 0 : index
    %swap3A_7 = tpu.vector_load %arg16[%swap3A] {strides = array<i32>} : memref<128xf32, #tpu.memory_space<vmem>>, vector<16xf32>,
    tpu.vector_store %arg16[%swap3A], %scan3A_5 {strides = array<i32>} : memref<128xf32, #tpu.memory_space<vmem>>, vector<16xf32>,
    %xor3A = arith.constant 1 : i32
    %xor3A_8 = vector.broadcast %xor3A : i32 to vector<16xi32>
    %xor3A_9 = arith.xori %iota3A, %xor3A_8 : vector<16xi32>
    %gather3A = arith.constant 0 : i32
    %gather3A_10 = tpu.memref_slice %arg16[%gather3A] : memref<128xf32, #tpu.memory_space<vmem>> -> memref<16xf32, #tpu.memory_space<vmem>>
    %gather3A_11 = tpu.vector_load_idx %gather3A_10[%xor3A_9] : memref<16xf32, #tpu.memory_space<vmem>>[vector<16xi32>], vector<16xf32>,
    %add3A_12 = arith.addf %scan3A_5, %gather3A_11 : vector<16xf32>
    %swap3A_13 = arith.constant 0 : index
    %swap3A_14 = tpu.vector_load %arg16[%swap3A_13] {strides = array<i32>} : memref<128xf32, #tpu.memory_space<vmem>>, vector<16xf32>,
    tpu.vector_store %arg16[%swap3A_13], %add3A_12 {strides = array<i32>} : memref<128xf32, #tpu.memory_space<vmem>>, vector<16xf32>,
    %xor3A_15 = arith.constant 2 : i32
    %xor3A_16 = vector.broadcast %xor3A_15 : i32 to vector<16xi32>
    %xor3A_17 = arith.xori %iota3A, %xor3A_16 : vector<16xi32>
    %gather3A_18 = arith.constant 0 : i32
    %gather3A_19 = tpu.memref_slice %arg16[%gather3A_18] : memref<128xf32, #tpu.memory_space<vmem>> -> memref<16xf32, #tpu.memory_space<vmem>>
    %gather3A_20 = tpu.vector_load_idx %gather3A_19[%xor3A_17] : memref<16xf32, #tpu.memory_space<vmem>>[vector<16xi32>], vector<16xf32>,
    %add3A_21 = arith.addf %add3A_12, %gather3A_20 : vector<16xf32>
    %swap3A_22 = arith.constant 0 : index
    %swap3A_23 = tpu.vector_load %arg16[%swap3A_22] {strides = array<i32>} : memref<128xf32, #tpu.memory_space<vmem>>, vector<16xf32>,
    tpu.vector_store %arg16[%swap3A_22], %add3A_21 {strides = array<i32>} : memref<128xf32, #tpu.memory_space<vmem>>, vector<16xf32>,
    %xor3A_24 = arith.constant 4 : i32
    %xor3A_25 = vector.broadcast %xor3A_24 : i32 to vector<16xi32>
    %xor3A_26 = arith.xori %iota3A, %xor3A_25 : vector<16xi32>
    %gather3A_27 = arith.constant 0 : i32
    %gather3A_28 = tpu.memref_slice %arg16[%gather3A_27] : memref<128xf32, #tpu.memory_space<vmem>> -> memref<16xf32, #tpu.memory_space<vmem>>
    %gather3A_29 = tpu.vector_load_idx %gather3A_28[%xor3A_26] : memref<16xf32, #tpu.memory_space<vmem>>[vector<16xi32>], vector<16xf32>,
    %add3A_30 = arith.addf %add3A_21, %gather3A_29 : vector<16xf32>
    %swap3A_31 = arith.constant 0 : index
    %swap3A_32 = tpu.vector_load %arg16[%swap3A_31] {strides = array<i32>} : memref<128xf32, #tpu.memory_space<vmem>>, vector<16xf32>,
    tpu.vector_store %arg16[%swap3A_31], %add3A_30 {strides = array<i32>} : memref<128xf32, #tpu.memory_space<vmem>>, vector<16xf32>,
    %xor3A_33 = arith.constant 8 : i32
    %xor3A_34 = vector.broadcast %xor3A_33 : i32 to vector<16xi32>
    %xor3A_35 = arith.xori %iota3A, %xor3A_34 : vector<16xi32>
    %gather3A_36 = arith.constant 0 : i32
    %gather3A_37 = tpu.memref_slice %arg16[%gather3A_36] : memref<128xf32, #tpu.memory_space<vmem>> -> memref<16xf32, #tpu.memory_space<vmem>>
    %gather3A_38 = tpu.vector_load_idx %gather3A_37[%xor3A_35] : memref<16xf32, #tpu.memory_space<vmem>>[vector<16xi32>], vector<16xf32>,
    %add3A_39 = arith.addf %add3A_30, %gather3A_38 : vector<16xf32>
    %div3A = arith.constant 1.000000e+00 : f32
    %div3A_40 = vector.broadcast %div3A : f32 to vector<16xf32>
    %div3A_41 = arith.divf %div3A_40, %add3A_39 : vector<16xf32>
    "tpu.region"() ({
      %run_scoped3A = tpu.sem_alloc : memref<!tpu.dma_semaphore, #tpu.memory_space<semaphore_mem>>
      tpu.enqueue_dma source(%arg5 : memref<10240xf32, #tpu.memory_space<hbm>>) target(%arg10 : memref<10240xf32, #tpu.memory_space<vmem>>) target_semaphore(%run_scoped3A : memref<!tpu.dma_semaphore, #tpu.memory_space<semaphore_mem>>)
      tpu.wait_dma2 semaphore(%run_scoped3A : memref<!tpu.dma_semaphore, #tpu.memory_space<semaphore_mem>>) src(%arg5 : memref<10240xf32, #tpu.memory_space<hbm>>) dst(%arg10 : memref<10240xf32, #tpu.memory_space<vmem>>)
      tpu.yield
    }) : () -> ()
    "tpu.region"() ({
      %run_scoped3A = tpu.sem_alloc : memref<!tpu.dma_semaphore, #tpu.memory_space<semaphore_mem>>
      tpu.enqueue_dma source(%arg6 : memref<10240xf32, #tpu.memory_space<hbm>>) target(%arg11 : memref<10240xf32, #tpu.memory_space<vmem>>) target_semaphore(%run_scoped3A : memref<!tpu.dma_semaphore, #tpu.memory_space<semaphore_mem>>)
      tpu.wait_dma2 semaphore(%run_scoped3A : memref<!tpu.dma_semaphore, #tpu.memory_space<semaphore_mem>>) src(%arg6 : memref<10240xf32, #tpu.memory_space<hbm>>) dst(%arg11 : memref<10240xf32, #tpu.memory_space<vmem>>)
      tpu.yield
    }) : () -> ()
    %scan3A_42 = arith.constant 0 : i32
    %scan3A_43 = arith.constant 0 : i32
    %scan3A_44 = arith.constant 640 : i32
    %scan3A_45 = arith.addi %scan3A_43, %scan3A_44 : i32
    %scan3A_46 = arith.constant 1 : i32
    scf.for %scan3A_71 = %scan3A_43 to %scan3A_45 step %scan3A_46  : i32 {
      %mul3A_72 = arith.constant 16 : i32
      %mul3A_73 = arith.muli %scan3A_71, %mul3A_72 : i32
      %get3A = arith.index_cast %mul3A_73 : i32 to index
      %get3A_74 = tpu.vector_load %arg10[%get3A] {strides = array<i32>} : memref<10240xf32, #tpu.memory_space<vmem>>, vector<16xf32>,
      %mul3A_75 = arith.constant 16 : i32
      %mul3A_76 = arith.muli %scan3A_71, %mul3A_75 : i32
      %get3A_77 = arith.index_cast %mul3A_76 : i32 to index
      %get3A_78 = tpu.vector_load %arg11[%get3A_77] {strides = array<i32>} : memref<10240xf32, #tpu.memory_space<vmem>>, vector<16xf32>,
      %add3A_79 = arith.addf %get3A_74, %get3A_78 : vector<16xf32>
      %mul3A_80 = arith.constant 16 : i32
      %mul3A_81 = arith.muli %scan3A_71, %mul3A_80 : i32
      %swap3A_82 = arith.index_cast %mul3A_81 : i32 to index
      %swap3A_83 = tpu.vector_load %arg10[%swap3A_82] {strides = array<i32>} : memref<10240xf32, #tpu.memory_space<vmem>>, vector<16xf32>,
      tpu.vector_store %arg10[%swap3A_82], %add3A_79 {strides = array<i32>} : memref<10240xf32, #tpu.memory_space<vmem>>, vector<16xf32>,
    }
    %scan3A_47 = arith.constant 640 : i32
    %scan3A_48 = arith.constant 0 : i32
    %scan3A_49 = arith.constant 0 : i32
    %scan3A_50 = arith.constant 256 : i32
    %scan3A_51 = arith.addi %scan3A_49, %scan3A_50 : i32
    %scan3A_52 = arith.constant 1 : i32
    scf.for %scan3A_71 = %scan3A_49 to %scan3A_51 step %scan3A_52  : i32 {
      %broadcast_in_dim3A_72 = arith.constant 0.000000e+00 : f32
      %broadcast_in_dim3A_73 = vector.broadcast %broadcast_in_dim3A_72 : f32 to vector<16xf32>
      %jit3A = arith.constant 8 : i32
      %div3A_74 = arith.divsi %scan3A_71, %jit3A : i32
      %sign3A = arith.constant 0 : i32
      %sign3A_75 = arith.cmpi sgt, %scan3A_71, %sign3A : i32
      %sign3A_76 = arith.extui %sign3A_75 : i1 to i32
      %sign3A_77 = arith.constant 0 : i32
      %sign3A_78 = arith.cmpi slt, %scan3A_71, %sign3A_77 : i32
      %sign3A_79 = arith.extui %sign3A_78 : i1 to i32
      %sign3A_80 = arith.subi %sign3A_76, %sign3A_79 : i32
      %sign3A_81 = arith.constant 0 : i32
      %sign3A_82 = arith.cmpi sgt, %jit3A, %sign3A_81 : i32
      %sign3A_83 = arith.extui %sign3A_82 : i1 to i32
      %sign3A_84 = arith.constant 0 : i32
      %sign3A_85 = arith.cmpi slt, %jit3A, %sign3A_84 : i32
      %sign3A_86 = arith.extui %sign3A_85 : i1 to i32
      %sign3A_87 = arith.subi %sign3A_83, %sign3A_86 : i32
      %ne3A = arith.cmpi ne, %sign3A_80, %sign3A_87 : i32
      %rem3A = arith.remsi %scan3A_71, %jit3A : i32
      %ne3A_88 = arith.constant 0 : i32
      %ne3A_89 = arith.cmpi ne, %rem3A, %ne3A_88 : i32
      %and3A = arith.andi %ne3A, %ne3A_89 : i1
      %sub3A = arith.constant 1 : i32
      %sub3A_90 = arith.subi %div3A_74, %sub3A : i32
      %select_n3A = arith.select %and3A, %sub3A_90, %div3A_74 : i32
      %jit3A_91 = arith.constant 8 : i32
      %eq3A = arith.constant 0 : i32
      %eq3A_92 = arith.cmpi eq, %jit3A_91, %eq3A : i32
      %jit3A_93 = arith.constant 1 : i32
      %select_n3A_94 = arith.select %eq3A_92, %jit3A_93, %jit3A_91 : i32
      %rem3A_95 = arith.remsi %scan3A_71, %select_n3A_94 : i32
      %ne3A_96 = arith.constant 0 : i32
      %ne3A_97 = arith.cmpi ne, %rem3A_95, %ne3A_96 : i32
      %lt3A = arith.constant 0 : i32
      %lt3A_98 = arith.cmpi slt, %rem3A_95, %lt3A : i32
      %lt3A_99 = arith.constant 0 : i32
      %lt3A_100 = arith.cmpi slt, %select_n3A_94, %lt3A_99 : i32
      %ne3A_101 = arith.xori %lt3A_98, %lt3A_100 : i1
      %and3A_102 = arith.andi %ne3A_101, %ne3A_97 : i1
      %add3A_103 = arith.addi %rem3A_95, %select_n3A_94 : i32
      %select_n3A_104 = arith.select %and3A_102, %add3A_103, %rem3A_95 : i32
      %mul3A_105 = arith.constant 16 : i32
      %mul3A_106 = arith.muli %select_n3A_104, %mul3A_105 : i32
      %swap3A_107 = arith.index_cast %select_n3A : i32 to index
      %swap3A_108 = arith.index_cast %mul3A_106 : i32 to index
      %swap3A_109 = tpu.vector_load %arg18[%swap3A_107, %swap3A_108] {strides = array<i32>} : memref<32x128xf32, #tpu.memory_space<vmem>>, vector<16xf32>,
      tpu.vector_store %arg18[%swap3A_107, %swap3A_108], %broadcast_in_dim3A_73 {strides = array<i32>} : memref<32x128xf32, #tpu.memory_space<vmem>>, vector<16xf32>,
    }
    %scan3A_53 = arith.constant 256 : i32
    %scan3A_54 = arith.constant 0 : i32
    %scan3A_55 = arith.constant 0 : i32
    %scan3A_56 = arith.constant 20 : i32
    %scan3A_57 = arith.addi %scan3A_55, %scan3A_56 : i32
    %scan3A_58 = arith.constant 1 : i32
    scf.for %scan3A_71 = %scan3A_55 to %scan3A_57 step %scan3A_58  : i32 {
      %mul3A_72 = arith.constant 640 : i32
      %mul3A_73 = arith.muli %arg1, %mul3A_72 : i32
      %mul3A_74 = arith.constant 32 : i32
      %mul3A_75 = arith.muli %scan3A_71, %mul3A_74 : i32
      %add3A_76 = arith.addi %mul3A_73, %mul3A_75 : i32
      "tpu.region"() ({
        %run_scoped3A = tpu.sem_alloc : memref<!tpu.dma_semaphore, #tpu.memory_space<semaphore_mem>>
        %dma_start3A = arith.constant 0 : i32
        %dma_start3A_77 = tpu.memref_slice %arg20[%add3A_76, %dma_start3A] : memref<10240x128xf32, #tpu.memory_space<vmem_shared>> -> memref<32x128xf32, #tpu.memory_space<vmem_shared>>
        %dma_start3A_78 = arith.constant 0 : i32
        %dma_start3A_79 = tpu.memref_slice %arg20[%add3A_76, %dma_start3A_78] : memref<10240x128xf32, #tpu.memory_space<vmem_shared>> -> memref<32x128xf32, #tpu.memory_space<vmem_shared>>
        tpu.enqueue_dma source(%arg18 : memref<32x128xf32, #tpu.memory_space<vmem>>) target(%dma_start3A_79 : memref<32x128xf32, #tpu.memory_space<vmem_shared>>) target_semaphore(%run_scoped3A : memref<!tpu.dma_semaphore, #tpu.memory_space<semaphore_mem>>)
        %dma_wait3A = arith.constant 0 : i32
        %dma_wait3A_80 = tpu.memref_slice %arg20[%add3A_76, %dma_wait3A] : memref<10240x128xf32, #tpu.memory_space<vmem_shared>> -> memref<32x128xf32, #tpu.memory_space<vmem_shared>>
        %dma_wait3A_81 = arith.constant 0 : i32
        %dma_wait3A_82 = tpu.memref_slice %arg20[%add3A_76, %dma_wait3A_81] : memref<10240x128xf32, #tpu.memory_space<vmem_shared>> -> memref<32x128xf32, #tpu.memory_space<vmem_shared>>
        tpu.wait_dma2 semaphore(%run_scoped3A : memref<!tpu.dma_semaphore, #tpu.memory_space<semaphore_mem>>) src(%arg18 : memref<32x128xf32, #tpu.memory_space<vmem>>) dst(%dma_wait3A_82 : memref<32x128xf32, #tpu.memory_space<vmem_shared>>)
        tpu.yield
      }) : () -> ()
    }
    %scan3A_59 = arith.constant 20 : i32
    %barrier3A = arith.constant 0 : index
    tpu.barrier barrier_id(%barrier3A)
    %scan3A_60 = arith.constant 0 : i32
    %scan3A_61 = arith.constant 0 : i32
    %scan3A_62 = arith.constant 10 : i32
    %scan3A_63 = arith.addi %scan3A_61, %scan3A_62 : i32
    %scan3A_64 = arith.constant 1 : i32
    scf.for %scan3A_71 = %scan3A_61 to %scan3A_63 step %scan3A_64  : i32 {
      %mul3A_72 = arith.constant 10 : i32
      %mul3A_73 = arith.muli %add3A, %mul3A_72 : i32
      %add3A_74 = arith.addi %mul3A_73, %scan3A_71 : i32
      %mul3A_75 = arith.constant 8 : i32
      %mul3A_76 = arith.muli %add3A_74, %mul3A_75 : i32
      %run_scoped3A = arith.constant 0 : i32
      "tpu.region"() ({
        %run_scoped3A_292 = tpu.sem_alloc : memref<!tpu.dma_semaphore, #tpu.memory_space<semaphore_mem>>
        %dma_start3A_293 = arith.constant 0 : i32
        %dma_start3A_294 = tpu.memref_slice %arg3[%run_scoped3A, %mul3A_76, %dma_start3A_293] : memref<2x2560x128xi32, #tpu.memory_space<hbm>> -> memref<1x8x128xi32, #tpu.memory_space<hbm>>
        %dma_start3A_295 = tpu.memref_squeeze %dma_start3A_294 : memref<1x8x128xi32, #tpu.memory_space<hbm>> -> memref<8x128xi32, #tpu.memory_space<hbm>>
        %dma_start3A_296 = arith.constant 0 : i32
        %dma_start3A_297 = tpu.memref_slice %arg3[%run_scoped3A, %mul3A_76, %dma_start3A_296] : memref<2x2560x128xi32, #tpu.memory_space<hbm>> -> memref<1x8x128xi32, #tpu.memory_space<hbm>>
        %dma_start3A_298 = tpu.memref_squeeze %dma_start3A_297 : memref<1x8x128xi32, #tpu.memory_space<hbm>> -> memref<8x128xi32, #tpu.memory_space<hbm>>
        tpu.enqueue_dma source(%dma_start3A_298 : memref<8x128xi32, #tpu.memory_space<hbm>>) target(%arg12 : memref<8x128xi32, #tpu.memory_space<vmem>>) target_semaphore(%run_scoped3A_292 : memref<!tpu.dma_semaphore, #tpu.memory_space<semaphore_mem>>)
        %dma_wait3A_299 = arith.constant 0 : i32
        %dma_wait3A_300 = tpu.memref_slice %arg3[%run_scoped3A, %mul3A_76, %dma_wait3A_299] : memref<2x2560x128xi32, #tpu.memory_space<hbm>> -> memref<1x8x128xi32, #tpu.memory_space<hbm>>
        %dma_wait3A_301 = tpu.memref_squeeze %dma_wait3A_300 : memref<1x8x128xi32, #tpu.memory_space<hbm>> -> memref<8x128xi32, #tpu.memory_space<hbm>>
        %dma_wait3A_302 = arith.constant 0 : i32
        %dma_wait3A_303 = tpu.memref_slice %arg3[%run_scoped3A, %mul3A_76, %dma_wait3A_302] : memref<2x2560x128xi32, #tpu.memory_space<hbm>> -> memref<1x8x128xi32, #tpu.memory_space<hbm>>
        %dma_wait3A_304 = tpu.memref_squeeze %dma_wait3A_303 : memref<1x8x128xi32, #tpu.memory_space<hbm>> -> memref<8x128xi32, #tpu.memory_space<hbm>>
        tpu.wait_dma2 semaphore(%run_scoped3A_292 : memref<!tpu.dma_semaphore, #tpu.memory_space<semaphore_mem>>) src(%dma_wait3A_304 : memref<8x128xi32, #tpu.memory_space<hbm>>) dst(%arg12 : memref<8x128xi32, #tpu.memory_space<vmem>>)
        tpu.yield
      }) : () -> ()
      %run_scoped3A_77 = arith.constant 1 : i32
      "tpu.region"() ({
        %run_scoped3A_292 = tpu.sem_alloc : memref<!tpu.dma_semaphore, #tpu.memory_space<semaphore_mem>>
        %dma_start3A_293 = arith.constant 0 : i32
        %dma_start3A_294 = tpu.memref_slice %arg3[%run_scoped3A_77, %mul3A_76, %dma_start3A_293] : memref<2x2560x128xi32, #tpu.memory_space<hbm>> -> memref<1x8x128xi32, #tpu.memory_space<hbm>>
        %dma_start3A_295 = tpu.memref_squeeze %dma_start3A_294 : memref<1x8x128xi32, #tpu.memory_space<hbm>> -> memref<8x128xi32, #tpu.memory_space<hbm>>
        %dma_start3A_296 = arith.constant 0 : i32
        %dma_start3A_297 = tpu.memref_slice %arg3[%run_scoped3A_77, %mul3A_76, %dma_start3A_296] : memref<2x2560x128xi32, #tpu.memory_space<hbm>> -> memref<1x8x128xi32, #tpu.memory_space<hbm>>
        %dma_start3A_298 = tpu.memref_squeeze %dma_start3A_297 : memref<1x8x128xi32, #tpu.memory_space<hbm>> -> memref<8x128xi32, #tpu.memory_space<hbm>>
        tpu.enqueue_dma source(%dma_start3A_298 : memref<8x128xi32, #tpu.memory_space<hbm>>) target(%arg13 : memref<8x128xi32, #tpu.memory_space<vmem>>) target_semaphore(%run_scoped3A_292 : memref<!tpu.dma_semaphore, #tpu.memory_space<semaphore_mem>>)
        %dma_wait3A_299 = arith.constant 0 : i32
        %dma_wait3A_300 = tpu.memref_slice %arg3[%run_scoped3A_77, %mul3A_76, %dma_wait3A_299] : memref<2x2560x128xi32, #tpu.memory_space<hbm>> -> memref<1x8x128xi32, #tpu.memory_space<hbm>>
        %dma_wait3A_301 = tpu.memref_squeeze %dma_wait3A_300 : memref<1x8x128xi32, #tpu.memory_space<hbm>> -> memref<8x128xi32, #tpu.memory_space<hbm>>
        %dma_wait3A_302 = arith.constant 0 : i32
        %dma_wait3A_303 = tpu.memref_slice %arg3[%run_scoped3A_77, %mul3A_76, %dma_wait3A_302] : memref<2x2560x128xi32, #tpu.memory_space<hbm>> -> memref<1x8x128xi32, #tpu.memory_space<hbm>>
        %dma_wait3A_304 = tpu.memref_squeeze %dma_wait3A_303 : memref<1x8x128xi32, #tpu.memory_space<hbm>> -> memref<8x128xi32, #tpu.memory_space<hbm>>
        tpu.wait_dma2 semaphore(%run_scoped3A_292 : memref<!tpu.dma_semaphore, #tpu.memory_space<semaphore_mem>>) src(%dma_wait3A_304 : memref<8x128xi32, #tpu.memory_space<hbm>>) dst(%arg13 : memref<8x128xi32, #tpu.memory_space<vmem>>)
        tpu.yield
      }) : () -> ()
      "tpu.region"() ({
        %run_scoped3A_292 = tpu.sem_alloc : memref<!tpu.dma_semaphore, #tpu.memory_space<semaphore_mem>>
        %dma_start3A_293 = arith.constant 0 : i32
        %dma_start3A_294 = tpu.memref_slice %arg4[%mul3A_76, %dma_start3A_293] : memref<2560x128xf32, #tpu.memory_space<hbm>> -> memref<8x128xf32, #tpu.memory_space<hbm>>
        %dma_start3A_295 = arith.constant 0 : i32
        %dma_start3A_296 = tpu.memref_slice %arg4[%mul3A_76, %dma_start3A_295] : memref<2560x128xf32, #tpu.memory_space<hbm>> -> memref<8x128xf32, #tpu.memory_space<hbm>>
        tpu.enqueue_dma source(%dma_start3A_296 : memref<8x128xf32, #tpu.memory_space<hbm>>) target(%arg14 : memref<8x128xf32, #tpu.memory_space<vmem>>) target_semaphore(%run_scoped3A_292 : memref<!tpu.dma_semaphore, #tpu.memory_space<semaphore_mem>>)
        %dma_wait3A_297 = arith.constant 0 : i32
        %dma_wait3A_298 = tpu.memref_slice %arg4[%mul3A_76, %dma_wait3A_297] : memref<2560x128xf32, #tpu.memory_space<hbm>> -> memref<8x128xf32, #tpu.memory_space<hbm>>
        %dma_wait3A_299 = arith.constant 0 : i32
        %dma_wait3A_300 = tpu.memref_slice %arg4[%mul3A_76, %dma_wait3A_299] : memref<2560x128xf32, #tpu.memory_space<hbm>> -> memref<8x128xf32, #tpu.memory_space<hbm>>
        tpu.wait_dma2 semaphore(%run_scoped3A_292 : memref<!tpu.dma_semaphore, #tpu.memory_space<semaphore_mem>>) src(%dma_wait3A_300 : memref<8x128xf32, #tpu.memory_space<hbm>>) dst(%arg14 : memref<8x128xf32, #tpu.memory_space<vmem>>)
        tpu.yield
      }) : () -> ()
      %dma_start3A = arith.constant 0 : i32
      %dma_start3A_78 = arith.constant 0 : i32
      %dma_start3A_79 = tpu.memref_slice %arg12[%dma_start3A, %dma_start3A_78] : memref<8x128xi32, #tpu.memory_space<vmem>> -> memref<1x128xi32, #tpu.memory_space<vmem>>
      %dma_start3A_80 = tpu.memref_squeeze %dma_start3A_79 : memref<1x128xi32, #tpu.memory_space<vmem>> -> memref<128xi32, #tpu.memory_space<vmem>>
      %dma_start3A_81 = arith.constant 0 : i32
      %dma_start3A_82 = arith.constant 0 : i32
      %dma_start3A_83 = tpu.memref_slice %arg2[%dma_start3A_81, %dma_start3A_82] : memref<10000x128xf32, #tpu.memory_space<hbm>> -> memref<10000x128xf32, #tpu.memory_space<hbm>>
      tpu.enqueue_indirect_dma source(%dma_start3A_83 : memref<10000x128xf32, #tpu.memory_space<hbm>>) target(%arg17 : memref<128x128xf32, #tpu.memory_space<vmem>>) offsets(%dma_start3A_80 : memref<128xi32, #tpu.memory_space<vmem>>) semaphore(%arg21 : memref<!tpu.dma_semaphore, #tpu.memory_space<semaphore_mem>>)
      %scan3A_84 = arith.constant 0 : i32
      %scan3A_85 = arith.constant 0 : i32
      %scan3A_86 = arith.constant 8 : i32
      %scan3A_87 = arith.addi %scan3A_85, %scan3A_86 : i32
      %scan3A_88 = arith.constant 1 : i32
      scf.for %scan3A_292 = %scan3A_85 to %scan3A_87 step %scan3A_88  : i32 {
        %mul3A_293 = arith.constant 16 : i32
        %mul3A_294 = arith.muli %scan3A_292, %mul3A_293 : i32
        %get3A = arith.constant 0 : i32
        %get3A_295 = arith.index_cast %get3A : i32 to index
        %get3A_296 = arith.index_cast %mul3A_294 : i32 to index
        %get3A_297 = tpu.vector_load %arg13[%get3A_295, %get3A_296] {strides = array<i32>} : memref<8x128xi32, #tpu.memory_space<vmem>>, vector<16xi32>,
        %gather3A_298 = tpu.vector_load_idx %arg10[%get3A_297] : memref<10240xf32, #tpu.memory_space<vmem>>[vector<16xi32>], vector<16xf32>,
        %mul3A_299 = arith.constant 16 : i32
        %mul3A_300 = arith.muli %scan3A_292, %mul3A_299 : i32
        %get3A_301 = arith.constant 0 : i32
        %get3A_302 = arith.index_cast %get3A_301 : i32 to index
        %get3A_303 = arith.index_cast %mul3A_300 : i32 to index
        %get3A_304 = tpu.vector_load %arg14[%get3A_302, %get3A_303] {strides = array<i32>} : memref<8x128xf32, #tpu.memory_space<vmem>>, vector<16xf32>,
        %div3A_305 = arith.divf %get3A_304, %gather3A_298 : vector<16xf32>
        %mul3A_306 = arith.constant 16 : i32
        %mul3A_307 = arith.muli %scan3A_292, %mul3A_306 : i32
        %swap3A_308 = arith.index_cast %mul3A_307 : i32 to index
        %swap3A_309 = tpu.vector_load %arg16[%swap3A_308] {strides = array<i32>} : memref<128xf32, #tpu.memory_space<vmem>>, vector<16xf32>,
        tpu.vector_store %arg16[%swap3A_308], %div3A_305 {strides = array<i32>} : memref<128xf32, #tpu.memory_space<vmem>>, vector<16xf32>,
        %mul3A_310 = arith.mulf %get3A_304, %div3A_41 : vector<16xf32>
        %mul3A_311 = arith.constant 16 : i32
        %mul3A_312 = arith.muli %scan3A_292, %mul3A_311 : i32
        %swap3A_313 = arith.constant 0 : i32
        %swap3A_314 = arith.index_cast %swap3A_313 : i32 to index
        %swap3A_315 = arith.index_cast %mul3A_312 : i32 to index
        %swap3A_316 = tpu.vector_load %arg15[%swap3A_314, %swap3A_315] {strides = array<i32>} : memref<8x128xf32, #tpu.memory_space<vmem>>, vector<16xf32>,
        tpu.vector_store %arg15[%swap3A_314, %swap3A_315], %mul3A_310 {strides = array<i32>} : memref<8x128xf32, #tpu.memory_space<vmem>>, vector<16xf32>,
      }
      %scan3A_89 = arith.constant 8 : i32
      %dma_wait3A = arith.constant 0 : i32
      %dma_wait3A_90 = arith.constant 0 : i32
      %dma_wait3A_91 = tpu.memref_slice %arg12[%dma_wait3A, %dma_wait3A_90] : memref<8x128xi32, #tpu.memory_space<vmem>> -> memref<1x128xi32, #tpu.memory_space<vmem>>
      %dma_wait3A_92 = tpu.memref_squeeze %dma_wait3A_91 : memref<1x128xi32, #tpu.memory_space<vmem>> -> memref<128xi32, #tpu.memory_space<vmem>>
      %dma_wait3A_93 = arith.constant 0 : i32
      %dma_wait3A_94 = arith.constant 0 : i32
      %dma_wait3A_95 = tpu.memref_slice %arg2[%dma_wait3A_93, %dma_wait3A_94] : memref<10000x128xf32, #tpu.memory_space<hbm>> -> memref<10000x128xf32, #tpu.memory_space<hbm>>
      tpu.wait_indirect_dma semaphore(%arg21 : memref<!tpu.dma_semaphore, #tpu.memory_space<semaphore_mem>>) src(%dma_wait3A_95 : memref<10000x128xf32, #tpu.memory_space<hbm>>) dst(%arg17 : memref<128x128xf32, #tpu.memory_space<vmem>>)
      %scan3A_96 = arith.constant 0 : i32
      %scan3A_97 = arith.constant 0 : i32
      %scan3A_98 = arith.constant 128 : i32
      %scan3A_99 = arith.addi %scan3A_97, %scan3A_98 : i32
      %scan3A_100 = arith.constant 1 : i32
      scf.for %scan3A_292 = %scan3A_97 to %scan3A_99 step %scan3A_100  : i32 {
        %broadcast_in_dim3A_293 = vector.broadcast %scan3A_292 : i32 to vector<16xi32>
        %gather3A_294 = tpu.vector_load_idx %arg16[%broadcast_in_dim3A_293] : memref<128xf32, #tpu.memory_space<vmem>>[vector<16xi32>], vector<16xf32>,
        %get3A = arith.index_cast %scan3A_292 : i32 to index
        %get3A_295 = arith.constant 0 : index
        %get3A_296 = tpu.vector_load %arg17[%get3A, %get3A_295] {strides = array<i32>} : memref<128x128xf32, #tpu.memory_space<vmem>>, vector<16xf32>,
        %mul3A_297 = arith.mulf %get3A_296, %gather3A_294 : vector<16xf32>
        %swap3A_298 = arith.index_cast %scan3A_292 : i32 to index
        %swap3A_299 = arith.constant 0 : index
        %swap3A_300 = tpu.vector_load %arg17[%swap3A_298, %swap3A_299] {strides = array<i32>} : memref<128x128xf32, #tpu.memory_space<vmem>>, vector<16xf32>,
        tpu.vector_store %arg17[%swap3A_298, %swap3A_299], %mul3A_297 {strides = array<i32>} : memref<128x128xf32, #tpu.memory_space<vmem>>, vector<16xf32>,
        %get3A_301 = arith.index_cast %scan3A_292 : i32 to index
        %get3A_302 = arith.constant 16 : index
        %get3A_303 = tpu.vector_load %arg17[%get3A_301, %get3A_302] {strides = array<i32>} : memref<128x128xf32, #tpu.memory_space<vmem>>, vector<16xf32>,
        %mul3A_304 = arith.mulf %get3A_303, %gather3A_294 : vector<16xf32>
        %swap3A_305 = arith.index_cast %scan3A_292 : i32 to index
        %swap3A_306 = arith.constant 16 : index
        %swap3A_307 = tpu.vector_load %arg17[%swap3A_305, %swap3A_306] {strides = array<i32>} : memref<128x128xf32, #tpu.memory_space<vmem>>, vector<16xf32>,
        tpu.vector_store %arg17[%swap3A_305, %swap3A_306], %mul3A_304 {strides = array<i32>} : memref<128x128xf32, #tpu.memory_space<vmem>>, vector<16xf32>,
        %get3A_308 = arith.index_cast %scan3A_292 : i32 to index
        %get3A_309 = arith.constant 32 : index
        %get3A_310 = tpu.vector_load %arg17[%get3A_308, %get3A_309] {strides = array<i32>} : memref<128x128xf32, #tpu.memory_space<vmem>>, vector<16xf32>,
        %mul3A_311 = arith.mulf %get3A_310, %gather3A_294 : vector<16xf32>
        %swap3A_312 = arith.index_cast %scan3A_292 : i32 to index
        %swap3A_313 = arith.constant 32 : index
        %swap3A_314 = tpu.vector_load %arg17[%swap3A_312, %swap3A_313] {strides = array<i32>} : memref<128x128xf32, #tpu.memory_space<vmem>>, vector<16xf32>,
        tpu.vector_store %arg17[%swap3A_312, %swap3A_313], %mul3A_311 {strides = array<i32>} : memref<128x128xf32, #tpu.memory_space<vmem>>, vector<16xf32>,
        %get3A_315 = arith.index_cast %scan3A_292 : i32 to index
        %get3A_316 = arith.constant 48 : index
        %get3A_317 = tpu.vector_load %arg17[%get3A_315, %get3A_316] {strides = array<i32>} : memref<128x128xf32, #tpu.memory_space<vmem>>, vector<16xf32>,
        %mul3A_318 = arith.mulf %get3A_317, %gather3A_294 : vector<16xf32>
        %swap3A_319 = arith.index_cast %scan3A_292 : i32 to index
        %swap3A_320 = arith.constant 48 : index
        %swap3A_321 = tpu.vector_load %arg17[%swap3A_319, %swap3A_320] {strides = array<i32>} : memref<128x128xf32, #tpu.memory_space<vmem>>, vector<16xf32>,
        tpu.vector_store %arg17[%swap3A_319, %swap3A_320], %mul3A_318 {strides = array<i32>} : memref<128x128xf32, #tpu.memory_space<vmem>>, vector<16xf32>,
        %get3A_322 = arith.index_cast %scan3A_292 : i32 to index
        %get3A_323 = arith.constant 64 : index
        %get3A_324 = tpu.vector_load %arg17[%get3A_322, %get3A_323] {strides = array<i32>} : memref<128x128xf32, #tpu.memory_space<vmem>>, vector<16xf32>,
        %mul3A_325 = arith.mulf %get3A_324, %gather3A_294 : vector<16xf32>
        %swap3A_326 = arith.index_cast %scan3A_292 : i32 to index
        %swap3A_327 = arith.constant 64 : index
        %swap3A_328 = tpu.vector_load %arg17[%swap3A_326, %swap3A_327] {strides = array<i32>} : memref<128x128xf32, #tpu.memory_space<vmem>>, vector<16xf32>,
        tpu.vector_store %arg17[%swap3A_326, %swap3A_327], %mul3A_325 {strides = array<i32>} : memref<128x128xf32, #tpu.memory_space<vmem>>, vector<16xf32>,
        %get3A_329 = arith.index_cast %scan3A_292 : i32 to index
        %get3A_330 = arith.constant 80 : index
        %get3A_331 = tpu.vector_load %arg17[%get3A_329, %get3A_330] {strides = array<i32>} : memref<128x128xf32, #tpu.memory_space<vmem>>, vector<16xf32>,
        %mul3A_332 = arith.mulf %get3A_331, %gather3A_294 : vector<16xf32>
        %swap3A_333 = arith.index_cast %scan3A_292 : i32 to index
        %swap3A_334 = arith.constant 80 : index
        %swap3A_335 = tpu.vector_load %arg17[%swap3A_333, %swap3A_334] {strides = array<i32>} : memref<128x128xf32, #tpu.memory_space<vmem>>, vector<16xf32>,
        tpu.vector_store %arg17[%swap3A_333, %swap3A_334], %mul3A_332 {strides = array<i32>} : memref<128x128xf32, #tpu.memory_space<vmem>>, vector<16xf32>,
        %get3A_336 = arith.index_cast %scan3A_292 : i32 to index
        %get3A_337 = arith.constant 96 : index
        %get3A_338 = tpu.vector_load %arg17[%get3A_336, %get3A_337] {strides = array<i32>} : memref<128x128xf32, #tpu.memory_space<vmem>>, vector<16xf32>,
        %mul3A_339 = arith.mulf %get3A_338, %gather3A_294 : vector<16xf32>
        %swap3A_340 = arith.index_cast %scan3A_292 : i32 to index
        %swap3A_341 = arith.constant 96 : index
        %swap3A_342 = tpu.vector_load %arg17[%swap3A_340, %swap3A_341] {strides = array<i32>} : memref<128x128xf32, #tpu.memory_space<vmem>>, vector<16xf32>,
        tpu.vector_store %arg17[%swap3A_340, %swap3A_341], %mul3A_339 {strides = array<i32>} : memref<128x128xf32, #tpu.memory_space<vmem>>, vector<16xf32>,
        %get3A_343 = arith.index_cast %scan3A_292 : i32 to index
        %get3A_344 = arith.constant 112 : index
        %get3A_345 = tpu.vector_load %arg17[%get3A_343, %get3A_344] {strides = array<i32>} : memref<128x128xf32, #tpu.memory_space<vmem>>, vector<16xf32>,
        %mul3A_346 = arith.mulf %get3A_345, %gather3A_294 : vector<16xf32>
        %swap3A_347 = arith.index_cast %scan3A_292 : i32 to index
        %swap3A_348 = arith.constant 112 : index
        %swap3A_349 = tpu.vector_load %arg17[%swap3A_347, %swap3A_348] {strides = array<i32>} : memref<128x128xf32, #tpu.memory_space<vmem>>, vector<16xf32>,
        tpu.vector_store %arg17[%swap3A_347, %swap3A_348], %mul3A_346 {strides = array<i32>} : memref<128x128xf32, #tpu.memory_space<vmem>>, vector<16xf32>,
      }
      %scan3A_101 = arith.constant 128 : i32
      %run_scoped3A_102 = arith.constant 0 : i32
      "tpu.region"() ({
        %run_scoped3A_292 = tpu.sem_alloc : memref<!tpu.dma_semaphore, #tpu.memory_space<semaphore_mem>>
        %dma_start3A_293 = arith.constant 0 : i32
        %dma_start3A_294 = tpu.memref_slice %arg13[%run_scoped3A_102, %dma_start3A_293] : memref<8x128xi32, #tpu.memory_space<vmem>> -> memref<1x128xi32, #tpu.memory_space<vmem>>
        %dma_start3A_295 = tpu.memref_squeeze %dma_start3A_294 : memref<1x128xi32, #tpu.memory_space<vmem>> -> memref<128xi32, #tpu.memory_space<vmem>>
        %dma_start3A_296 = arith.constant 0 : i32
        %dma_start3A_297 = arith.constant 0 : i32
        %dma_start3A_298 = tpu.memref_slice %arg20[%dma_start3A_296, %dma_start3A_297] : memref<10240x128xf32, #tpu.memory_space<vmem_shared>> -> memref<10240x128xf32, #tpu.memory_space<vmem_shared>>
        tpu.enqueue_indirect_dma source(%arg17 : memref<128x128xf32, #tpu.memory_space<vmem>>) target(%dma_start3A_298 : memref<10240x128xf32, #tpu.memory_space<vmem_shared>>) offsets(%dma_start3A_295 : memref<128xi32, #tpu.memory_space<vmem>>) semaphore(%run_scoped3A_292 : memref<!tpu.dma_semaphore, #tpu.memory_space<semaphore_mem>>) {add = true}
        %dma_wait3A_299 = arith.constant 0 : i32
        %dma_wait3A_300 = tpu.memref_slice %arg13[%run_scoped3A_102, %dma_wait3A_299] : memref<8x128xi32, #tpu.memory_space<vmem>> -> memref<1x128xi32, #tpu.memory_space<vmem>>
        %dma_wait3A_301 = tpu.memref_squeeze %dma_wait3A_300 : memref<1x128xi32, #tpu.memory_space<vmem>> -> memref<128xi32, #tpu.memory_space<vmem>>
        %dma_wait3A_302 = arith.constant 0 : i32
        %dma_wait3A_303 = arith.constant 0 : i32
        %dma_wait3A_304 = tpu.memref_slice %arg20[%dma_wait3A_302, %dma_wait3A_303] : memref<10240x128xf32, #tpu.memory_space<vmem_shared>> -> memref<10240x128xf32, #tpu.memory_space<vmem_shared>>
        tpu.wait_indirect_dma semaphore(%run_scoped3A_292 : memref<!tpu.dma_semaphore, #tpu.memory_space<semaphore_mem>>) src(%arg17 : memref<128x128xf32, #tpu.memory_space<vmem>>) dst(%dma_wait3A_304 : memref<10240x128xf32, #tpu.memory_space<vmem_shared>>)
        tpu.yield
      }) : () -> ()
      %dma_start3A_103 = arith.constant 1 : i32
      %dma_start3A_104 = arith.constant 0 : i32
      %dma_start3A_105 = tpu.memref_slice %arg12[%dma_start3A_103, %dma_start3A_104] : memref<8x128xi32, #tpu.memory_space<vmem>> -> memref<1x128xi32, #tpu.memory_space<vmem>>
      %dma_start3A_106 = tpu.memref_squeeze %dma_start3A_105 : memref<1x128xi32, #tpu.memory_space<vmem>> -> memref<128xi32, #tpu.memory_space<vmem>>
      %dma_start3A_107 = arith.constant 0 : i32
      %dma_start3A_108 = arith.constant 0 : i32
      %dma_start3A_109 = tpu.memref_slice %arg2[%dma_start3A_107, %dma_start3A_108] : memref<10000x128xf32, #tpu.memory_space<hbm>> -> memref<10000x128xf32, #tpu.memory_space<hbm>>
      tpu.enqueue_indirect_dma source(%dma_start3A_109 : memref<10000x128xf32, #tpu.memory_space<hbm>>) target(%arg17 : memref<128x128xf32, #tpu.memory_space<vmem>>) offsets(%dma_start3A_106 : memref<128xi32, #tpu.memory_space<vmem>>) semaphore(%arg21 : memref<!tpu.dma_semaphore, #tpu.memory_space<semaphore_mem>>)
      %scan3A_110 = arith.constant 0 : i32
      %scan3A_111 = arith.constant 0 : i32
      %scan3A_112 = arith.constant 8 : i32
      %scan3A_113 = arith.addi %scan3A_111, %scan3A_112 : i32
      %scan3A_114 = arith.constant 1 : i32
      scf.for %scan3A_292 = %scan3A_111 to %scan3A_113 step %scan3A_114  : i32 {
        %mul3A_293 = arith.constant 16 : i32
        %mul3A_294 = arith.muli %scan3A_292, %mul3A_293 : i32
        %get3A = arith.constant 1 : i32
        %get3A_295 = arith.index_cast %get3A : i32 to index
        %get3A_296 = arith.index_cast %mul3A_294 : i32 to index
        %get3A_297 = tpu.vector_load %arg13[%get3A_295, %get3A_296] {strides = array<i32>} : memref<8x128xi32, #tpu.memory_space<vmem>>, vector<16xi32>,
        %gather3A_298 = tpu.vector_load_idx %arg10[%get3A_297] : memref<10240xf32, #tpu.memory_space<vmem>>[vector<16xi32>], vector<16xf32>,
        %mul3A_299 = arith.constant 16 : i32
        %mul3A_300 = arith.muli %scan3A_292, %mul3A_299 : i32
        %get3A_301 = arith.constant 1 : i32
        %get3A_302 = arith.index_cast %get3A_301 : i32 to index
        %get3A_303 = arith.index_cast %mul3A_300 : i32 to index
        %get3A_304 = tpu.vector_load %arg14[%get3A_302, %get3A_303] {strides = array<i32>} : memref<8x128xf32, #tpu.memory_space<vmem>>, vector<16xf32>,
        %div3A_305 = arith.divf %get3A_304, %gather3A_298 : vector<16xf32>
        %mul3A_306 = arith.constant 16 : i32
        %mul3A_307 = arith.muli %scan3A_292, %mul3A_306 : i32
        %swap3A_308 = arith.index_cast %mul3A_307 : i32 to index
        %swap3A_309 = tpu.vector_load %arg16[%swap3A_308] {strides = array<i32>} : memref<128xf32, #tpu.memory_space<vmem>>, vector<16xf32>,
        tpu.vector_store %arg16[%swap3A_308], %div3A_305 {strides = array<i32>} : memref<128xf32, #tpu.memory_space<vmem>>, vector<16xf32>,
        %mul3A_310 = arith.mulf %get3A_304, %div3A_41 : vector<16xf32>
        %mul3A_311 = arith.constant 16 : i32
        %mul3A_312 = arith.muli %scan3A_292, %mul3A_311 : i32
        %swap3A_313 = arith.constant 1 : i32
        %swap3A_314 = arith.index_cast %swap3A_313 : i32 to index
        %swap3A_315 = arith.index_cast %mul3A_312 : i32 to index
        %swap3A_316 = tpu.vector_load %arg15[%swap3A_314, %swap3A_315] {strides = array<i32>} : memref<8x128xf32, #tpu.memory_space<vmem>>, vector<16xf32>,
        tpu.vector_store %arg15[%swap3A_314, %swap3A_315], %mul3A_310 {strides = array<i32>} : memref<8x128xf32, #tpu.memory_space<vmem>>, vector<16xf32>,
      }
      %scan3A_115 = arith.constant 8 : i32
      %dma_wait3A_116 = arith.constant 1 : i32
      %dma_wait3A_117 = arith.constant 0 : i32
      %dma_wait3A_118 = tpu.memref_slice %arg12[%dma_wait3A_116, %dma_wait3A_117] : memref<8x128xi32, #tpu.memory_space<vmem>> -> memref<1x128xi32, #tpu.memory_space<vmem>>
      %dma_wait3A_119 = tpu.memref_squeeze %dma_wait3A_118 : memref<1x128xi32, #tpu.memory_space<vmem>> -> memref<128xi32, #tpu.memory_space<vmem>>
      %dma_wait3A_120 = arith.constant 0 : i32
      %dma_wait3A_121 = arith.constant 0 : i32
      %dma_wait3A_122 = tpu.memref_slice %arg2[%dma_wait3A_120, %dma_wait3A_121] : memref<10000x128xf32, #tpu.memory_space<hbm>> -> memref<10000x128xf32, #tpu.memory_space<hbm>>
      tpu.wait_indirect_dma semaphore(%arg21 : memref<!tpu.dma_semaphore, #tpu.memory_space<semaphore_mem>>) src(%dma_wait3A_122 : memref<10000x128xf32, #tpu.memory_space<hbm>>) dst(%arg17 : memref<128x128xf32, #tpu.memory_space<vmem>>)
      %scan3A_123 = arith.constant 0 : i32
      %scan3A_124 = arith.constant 0 : i32
      %scan3A_125 = arith.constant 128 : i32
      %scan3A_126 = arith.addi %scan3A_124, %scan3A_125 : i32
      %scan3A_127 = arith.constant 1 : i32
      scf.for %scan3A_292 = %scan3A_124 to %scan3A_126 step %scan3A_127  : i32 {
        %broadcast_in_dim3A_293 = vector.broadcast %scan3A_292 : i32 to vector<16xi32>
        %gather3A_294 = tpu.vector_load_idx %arg16[%broadcast_in_dim3A_293] : memref<128xf32, #tpu.memory_space<vmem>>[vector<16xi32>], vector<16xf32>,
        %get3A = arith.index_cast %scan3A_292 : i32 to index
        %get3A_295 = arith.constant 0 : index
        %get3A_296 = tpu.vector_load %arg17[%get3A, %get3A_295] {strides = array<i32>} : memref<128x128xf32, #tpu.memory_space<vmem>>, vector<16xf32>,
        %mul3A_297 = arith.mulf %get3A_296, %gather3A_294 : vector<16xf32>
        %swap3A_298 = arith.index_cast %scan3A_292 : i32 to index
        %swap3A_299 = arith.constant 0 : index
        %swap3A_300 = tpu.vector_load %arg17[%swap3A_298, %swap3A_299] {strides = array<i32>} : memref<128x128xf32, #tpu.memory_space<vmem>>, vector<16xf32>,
        tpu.vector_store %arg17[%swap3A_298, %swap3A_299], %mul3A_297 {strides = array<i32>} : memref<128x128xf32, #tpu.memory_space<vmem>>, vector<16xf32>,
        %get3A_301 = arith.index_cast %scan3A_292 : i32 to index
        %get3A_302 = arith.constant 16 : index
        %get3A_303 = tpu.vector_load %arg17[%get3A_301, %get3A_302] {strides = array<i32>} : memref<128x128xf32, #tpu.memory_space<vmem>>, vector<16xf32>,
        %mul3A_304 = arith.mulf %get3A_303, %gather3A_294 : vector<16xf32>
        %swap3A_305 = arith.index_cast %scan3A_292 : i32 to index
        %swap3A_306 = arith.constant 16 : index
        %swap3A_307 = tpu.vector_load %arg17[%swap3A_305, %swap3A_306] {strides = array<i32>} : memref<128x128xf32, #tpu.memory_space<vmem>>, vector<16xf32>,
        tpu.vector_store %arg17[%swap3A_305, %swap3A_306], %mul3A_304 {strides = array<i32>} : memref<128x128xf32, #tpu.memory_space<vmem>>, vector<16xf32>,
        %get3A_308 = arith.index_cast %scan3A_292 : i32 to index
        %get3A_309 = arith.constant 32 : index
        %get3A_310 = tpu.vector_load %arg17[%get3A_308, %get3A_309] {strides = array<i32>} : memref<128x128xf32, #tpu.memory_space<vmem>>, vector<16xf32>,
        %mul3A_311 = arith.mulf %get3A_310, %gather3A_294 : vector<16xf32>
        %swap3A_312 = arith.index_cast %scan3A_292 : i32 to index
        %swap3A_313 = arith.constant 32 : index
        %swap3A_314 = tpu.vector_load %arg17[%swap3A_312, %swap3A_313] {strides = array<i32>} : memref<128x128xf32, #tpu.memory_space<vmem>>, vector<16xf32>,
        tpu.vector_store %arg17[%swap3A_312, %swap3A_313], %mul3A_311 {strides = array<i32>} : memref<128x128xf32, #tpu.memory_space<vmem>>, vector<16xf32>,
        %get3A_315 = arith.index_cast %scan3A_292 : i32 to index
        %get3A_316 = arith.constant 48 : index
        %get3A_317 = tpu.vector_load %arg17[%get3A_315, %get3A_316] {strides = array<i32>} : memref<128x128xf32, #tpu.memory_space<vmem>>, vector<16xf32>,
        %mul3A_318 = arith.mulf %get3A_317, %gather3A_294 : vector<16xf32>
        %swap3A_319 = arith.index_cast %scan3A_292 : i32 to index
        %swap3A_320 = arith.constant 48 : index
        %swap3A_321 = tpu.vector_load %arg17[%swap3A_319, %swap3A_320] {strides = array<i32>} : memref<128x128xf32, #tpu.memory_space<vmem>>, vector<16xf32>,
        tpu.vector_store %arg17[%swap3A_319, %swap3A_320], %mul3A_318 {strides = array<i32>} : memref<128x128xf32, #tpu.memory_space<vmem>>, vector<16xf32>,
        %get3A_322 = arith.index_cast %scan3A_292 : i32 to index
        %get3A_323 = arith.constant 64 : index
        %get3A_324 = tpu.vector_load %arg17[%get3A_322, %get3A_323] {strides = array<i32>} : memref<128x128xf32, #tpu.memory_space<vmem>>, vector<16xf32>,
        %mul3A_325 = arith.mulf %get3A_324, %gather3A_294 : vector<16xf32>
        %swap3A_326 = arith.index_cast %scan3A_292 : i32 to index
        %swap3A_327 = arith.constant 64 : index
        %swap3A_328 = tpu.vector_load %arg17[%swap3A_326, %swap3A_327] {strides = array<i32>} : memref<128x128xf32, #tpu.memory_space<vmem>>, vector<16xf32>,
        tpu.vector_store %arg17[%swap3A_326, %swap3A_327], %mul3A_325 {strides = array<i32>} : memref<128x128xf32, #tpu.memory_space<vmem>>, vector<16xf32>,
        %get3A_329 = arith.index_cast %scan3A_292 : i32 to index
        %get3A_330 = arith.constant 80 : index
        %get3A_331 = tpu.vector_load %arg17[%get3A_329, %get3A_330] {strides = array<i32>} : memref<128x128xf32, #tpu.memory_space<vmem>>, vector<16xf32>,
        %mul3A_332 = arith.mulf %get3A_331, %gather3A_294 : vector<16xf32>
        %swap3A_333 = arith.index_cast %scan3A_292 : i32 to index
        %swap3A_334 = arith.constant 80 : index
        %swap3A_335 = tpu.vector_load %arg17[%swap3A_333, %swap3A_334] {strides = array<i32>} : memref<128x128xf32, #tpu.memory_space<vmem>>, vector<16xf32>,
        tpu.vector_store %arg17[%swap3A_333, %swap3A_334], %mul3A_332 {strides = array<i32>} : memref<128x128xf32, #tpu.memory_space<vmem>>, vector<16xf32>,
        %get3A_336 = arith.index_cast %scan3A_292 : i32 to index
        %get3A_337 = arith.constant 96 : index
        %get3A_338 = tpu.vector_load %arg17[%get3A_336, %get3A_337] {strides = array<i32>} : memref<128x128xf32, #tpu.memory_space<vmem>>, vector<16xf32>,
        %mul3A_339 = arith.mulf %get3A_338, %gather3A_294 : vector<16xf32>
        %swap3A_340 = arith.index_cast %scan3A_292 : i32 to index
        %swap3A_341 = arith.constant 96 : index
        %swap3A_342 = tpu.vector_load %arg17[%swap3A_340, %swap3A_341] {strides = array<i32>} : memref<128x128xf32, #tpu.memory_space<vmem>>, vector<16xf32>,
        tpu.vector_store %arg17[%swap3A_340, %swap3A_341], %mul3A_339 {strides = array<i32>} : memref<128x128xf32, #tpu.memory_space<vmem>>, vector<16xf32>,
        %get3A_343 = arith.index_cast %scan3A_292 : i32 to index
        %get3A_344 = arith.constant 112 : index
        %get3A_345 = tpu.vector_load %arg17[%get3A_343, %get3A_344] {strides = array<i32>} : memref<128x128xf32, #tpu.memory_space<vmem>>, vector<16xf32>,
        %mul3A_346 = arith.mulf %get3A_345, %gather3A_294 : vector<16xf32>
        %swap3A_347 = arith.index_cast %scan3A_292 : i32 to index
        %swap3A_348 = arith.constant 112 : index
        %swap3A_349 = tpu.vector_load %arg17[%swap3A_347, %swap3A_348] {strides = array<i32>} : memref<128x128xf32, #tpu.memory_space<vmem>>, vector<16xf32>,
        tpu.vector_store %arg17[%swap3A_347, %swap3A_348], %mul3A_346 {strides = array<i32>} : memref<128x128xf32, #tpu.memory_space<vmem>>, vector<16xf32>,
      }
      %scan3A_128 = arith.constant 128 : i32
      %run_scoped3A_129 = arith.constant 1 : i32
      "tpu.region"() ({
        %run_scoped3A_292 = tpu.sem_alloc : memref<!tpu.dma_semaphore, #tpu.memory_space<semaphore_mem>>
        %dma_start3A_293 = arith.constant 0 : i32
        %dma_start3A_294 = tpu.memref_slice %arg13[%run_scoped3A_129, %dma_start3A_293] : memref<8x128xi32, #tpu.memory_space<vmem>> -> memref<1x128xi32, #tpu.memory_space<vmem>>
        %dma_start3A_295 = tpu.memref_squeeze %dma_start3A_294 : memref<1x128xi32, #tpu.memory_space<vmem>> -> memref<128xi32, #tpu.memory_space<vmem>>
        %dma_start3A_296 = arith.constant 0 : i32
        %dma_start3A_297 = arith.constant 0 : i32
        %dma_start3A_298 = tpu.memref_slice %arg20[%dma_start3A_296, %dma_start3A_297] : memref<10240x128xf32, #tpu.memory_space<vmem_shared>> -> memref<10240x128xf32, #tpu.memory_space<vmem_shared>>
        tpu.enqueue_indirect_dma source(%arg17 : memref<128x128xf32, #tpu.memory_space<vmem>>) target(%dma_start3A_298 : memref<10240x128xf32, #tpu.memory_space<vmem_shared>>) offsets(%dma_start3A_295 : memref<128xi32, #tpu.memory_space<vmem>>) semaphore(%run_scoped3A_292 : memref<!tpu.dma_semaphore, #tpu.memory_space<semaphore_mem>>) {add = true}
        %dma_wait3A_299 = arith.constant 0 : i32
        %dma_wait3A_300 = tpu.memref_slice %arg13[%run_scoped3A_129, %dma_wait3A_299] : memref<8x128xi32, #tpu.memory_space<vmem>> -> memref<1x128xi32, #tpu.memory_space<vmem>>
        %dma_wait3A_301 = tpu.memref_squeeze %dma_wait3A_300 : memref<1x128xi32, #tpu.memory_space<vmem>> -> memref<128xi32, #tpu.memory_space<vmem>>
        %dma_wait3A_302 = arith.constant 0 : i32
        %dma_wait3A_303 = arith.constant 0 : i32
        %dma_wait3A_304 = tpu.memref_slice %arg20[%dma_wait3A_302, %dma_wait3A_303] : memref<10240x128xf32, #tpu.memory_space<vmem_shared>> -> memref<10240x128xf32, #tpu.memory_space<vmem_shared>>
        tpu.wait_indirect_dma semaphore(%run_scoped3A_292 : memref<!tpu.dma_semaphore, #tpu.memory_space<semaphore_mem>>) src(%arg17 : memref<128x128xf32, #tpu.memory_space<vmem>>) dst(%dma_wait3A_304 : memref<10240x128xf32, #tpu.memory_space<vmem_shared>>)
        tpu.yield
      }) : () -> ()
      %dma_start3A_130 = arith.constant 2 : i32
      %dma_start3A_131 = arith.constant 0 : i32
      %dma_start3A_132 = tpu.memref_slice %arg12[%dma_start3A_130, %dma_start3A_131] : memref<8x128xi32, #tpu.memory_space<vmem>> -> memref<1x128xi32, #tpu.memory_space<vmem>>
      %dma_start3A_133 = tpu.memref_squeeze %dma_start3A_132 : memref<1x128xi32, #tpu.memory_space<vmem>> -> memref<128xi32, #tpu.memory_space<vmem>>
      %dma_start3A_134 = arith.constant 0 : i32
      %dma_start3A_135 = arith.constant 0 : i32
      %dma_start3A_136 = tpu.memref_slice %arg2[%dma_start3A_134, %dma_start3A_135] : memref<10000x128xf32, #tpu.memory_space<hbm>> -> memref<10000x128xf32, #tpu.memory_space<hbm>>
      tpu.enqueue_indirect_dma source(%dma_start3A_136 : memref<10000x128xf32, #tpu.memory_space<hbm>>) target(%arg17 : memref<128x128xf32, #tpu.memory_space<vmem>>) offsets(%dma_start3A_133 : memref<128xi32, #tpu.memory_space<vmem>>) semaphore(%arg21 : memref<!tpu.dma_semaphore, #tpu.memory_space<semaphore_mem>>)
      %scan3A_137 = arith.constant 0 : i32
      %scan3A_138 = arith.constant 0 : i32
      %scan3A_139 = arith.constant 8 : i32
      %scan3A_140 = arith.addi %scan3A_138, %scan3A_139 : i32
      %scan3A_141 = arith.constant 1 : i32
      scf.for %scan3A_292 = %scan3A_138 to %scan3A_140 step %scan3A_141  : i32 {
        %mul3A_293 = arith.constant 16 : i32
        %mul3A_294 = arith.muli %scan3A_292, %mul3A_293 : i32
        %get3A = arith.constant 2 : i32
        %get3A_295 = arith.index_cast %get3A : i32 to index
        %get3A_296 = arith.index_cast %mul3A_294 : i32 to index
        %get3A_297 = tpu.vector_load %arg13[%get3A_295, %get3A_296] {strides = array<i32>} : memref<8x128xi32, #tpu.memory_space<vmem>>, vector<16xi32>,
        %gather3A_298 = tpu.vector_load_idx %arg10[%get3A_297] : memref<10240xf32, #tpu.memory_space<vmem>>[vector<16xi32>], vector<16xf32>,
        %mul3A_299 = arith.constant 16 : i32
        %mul3A_300 = arith.muli %scan3A_292, %mul3A_299 : i32
        %get3A_301 = arith.constant 2 : i32
        %get3A_302 = arith.index_cast %get3A_301 : i32 to index
        %get3A_303 = arith.index_cast %mul3A_300 : i32 to index
        %get3A_304 = tpu.vector_load %arg14[%get3A_302, %get3A_303] {strides = array<i32>} : memref<8x128xf32, #tpu.memory_space<vmem>>, vector<16xf32>,
        %div3A_305 = arith.divf %get3A_304, %gather3A_298 : vector<16xf32>
        %mul3A_306 = arith.constant 16 : i32
        %mul3A_307 = arith.muli %scan3A_292, %mul3A_306 : i32
        %swap3A_308 = arith.index_cast %mul3A_307 : i32 to index
        %swap3A_309 = tpu.vector_load %arg16[%swap3A_308] {strides = array<i32>} : memref<128xf32, #tpu.memory_space<vmem>>, vector<16xf32>,
        tpu.vector_store %arg16[%swap3A_308], %div3A_305 {strides = array<i32>} : memref<128xf32, #tpu.memory_space<vmem>>, vector<16xf32>,
        %mul3A_310 = arith.mulf %get3A_304, %div3A_41 : vector<16xf32>
        %mul3A_311 = arith.constant 16 : i32
        %mul3A_312 = arith.muli %scan3A_292, %mul3A_311 : i32
        %swap3A_313 = arith.constant 2 : i32
        %swap3A_314 = arith.index_cast %swap3A_313 : i32 to index
        %swap3A_315 = arith.index_cast %mul3A_312 : i32 to index
        %swap3A_316 = tpu.vector_load %arg15[%swap3A_314, %swap3A_315] {strides = array<i32>} : memref<8x128xf32, #tpu.memory_space<vmem>>, vector<16xf32>,
        tpu.vector_store %arg15[%swap3A_314, %swap3A_315], %mul3A_310 {strides = array<i32>} : memref<8x128xf32, #tpu.memory_space<vmem>>, vector<16xf32>,
      }
      %scan3A_142 = arith.constant 8 : i32
      %dma_wait3A_143 = arith.constant 2 : i32
      %dma_wait3A_144 = arith.constant 0 : i32
      %dma_wait3A_145 = tpu.memref_slice %arg12[%dma_wait3A_143, %dma_wait3A_144] : memref<8x128xi32, #tpu.memory_space<vmem>> -> memref<1x128xi32, #tpu.memory_space<vmem>>
      %dma_wait3A_146 = tpu.memref_squeeze %dma_wait3A_145 : memref<1x128xi32, #tpu.memory_space<vmem>> -> memref<128xi32, #tpu.memory_space<vmem>>
      %dma_wait3A_147 = arith.constant 0 : i32
      %dma_wait3A_148 = arith.constant 0 : i32
      %dma_wait3A_149 = tpu.memref_slice %arg2[%dma_wait3A_147, %dma_wait3A_148] : memref<10000x128xf32, #tpu.memory_space<hbm>> -> memref<10000x128xf32, #tpu.memory_space<hbm>>
      tpu.wait_indirect_dma semaphore(%arg21 : memref<!tpu.dma_semaphore, #tpu.memory_space<semaphore_mem>>) src(%dma_wait3A_149 : memref<10000x128xf32, #tpu.memory_space<hbm>>) dst(%arg17 : memref<128x128xf32, #tpu.memory_space<vmem>>)
      %scan3A_150 = arith.constant 0 : i32
      %scan3A_151 = arith.constant 0 : i32
      %scan3A_152 = arith.constant 128 : i32
      %scan3A_153 = arith.addi %scan3A_151, %scan3A_152 : i32
      %scan3A_154 = arith.constant 1 : i32
      scf.for %scan3A_292 = %scan3A_151 to %scan3A_153 step %scan3A_154  : i32 {
        %broadcast_in_dim3A_293 = vector.broadcast %scan3A_292 : i32 to vector<16xi32>
        %gather3A_294 = tpu.vector_load_idx %arg16[%broadcast_in_dim3A_293] : memref<128xf32, #tpu.memory_space<vmem>>[vector<16xi32>], vector<16xf32>,
        %get3A = arith.index_cast %scan3A_292 : i32 to index
        %get3A_295 = arith.constant 0 : index
        %get3A_296 = tpu.vector_load %arg17[%get3A, %get3A_295] {strides = array<i32>} : memref<128x128xf32, #tpu.memory_space<vmem>>, vector<16xf32>,
        %mul3A_297 = arith.mulf %get3A_296, %gather3A_294 : vector<16xf32>
        %swap3A_298 = arith.index_cast %scan3A_292 : i32 to index
        %swap3A_299 = arith.constant 0 : index
        %swap3A_300 = tpu.vector_load %arg17[%swap3A_298, %swap3A_299] {strides = array<i32>} : memref<128x128xf32, #tpu.memory_space<vmem>>, vector<16xf32>,
        tpu.vector_store %arg17[%swap3A_298, %swap3A_299], %mul3A_297 {strides = array<i32>} : memref<128x128xf32, #tpu.memory_space<vmem>>, vector<16xf32>,
        %get3A_301 = arith.index_cast %scan3A_292 : i32 to index
        %get3A_302 = arith.constant 16 : index
        %get3A_303 = tpu.vector_load %arg17[%get3A_301, %get3A_302] {strides = array<i32>} : memref<128x128xf32, #tpu.memory_space<vmem>>, vector<16xf32>,
        %mul3A_304 = arith.mulf %get3A_303, %gather3A_294 : vector<16xf32>
        %swap3A_305 = arith.index_cast %scan3A_292 : i32 to index
        %swap3A_306 = arith.constant 16 : index
        %swap3A_307 = tpu.vector_load %arg17[%swap3A_305, %swap3A_306] {strides = array<i32>} : memref<128x128xf32, #tpu.memory_space<vmem>>, vector<16xf32>,
        tpu.vector_store %arg17[%swap3A_305, %swap3A_306], %mul3A_304 {strides = array<i32>} : memref<128x128xf32, #tpu.memory_space<vmem>>, vector<16xf32>,
        %get3A_308 = arith.index_cast %scan3A_292 : i32 to index
        %get3A_309 = arith.constant 32 : index
        %get3A_310 = tpu.vector_load %arg17[%get3A_308, %get3A_309] {strides = array<i32>} : memref<128x128xf32, #tpu.memory_space<vmem>>, vector<16xf32>,
        %mul3A_311 = arith.mulf %get3A_310, %gather3A_294 : vector<16xf32>
        %swap3A_312 = arith.index_cast %scan3A_292 : i32 to index
        %swap3A_313 = arith.constant 32 : index
        %swap3A_314 = tpu.vector_load %arg17[%swap3A_312, %swap3A_313] {strides = array<i32>} : memref<128x128xf32, #tpu.memory_space<vmem>>, vector<16xf32>,
        tpu.vector_store %arg17[%swap3A_312, %swap3A_313], %mul3A_311 {strides = array<i32>} : memref<128x128xf32, #tpu.memory_space<vmem>>, vector<16xf32>,
        %get3A_315 = arith.index_cast %scan3A_292 : i32 to index
        %get3A_316 = arith.constant 48 : index
        %get3A_317 = tpu.vector_load %arg17[%get3A_315, %get3A_316] {strides = array<i32>} : memref<128x128xf32, #tpu.memory_space<vmem>>, vector<16xf32>,
        %mul3A_318 = arith.mulf %get3A_317, %gather3A_294 : vector<16xf32>
        %swap3A_319 = arith.index_cast %scan3A_292 : i32 to index
        %swap3A_320 = arith.constant 48 : index
        %swap3A_321 = tpu.vector_load %arg17[%swap3A_319, %swap3A_320] {strides = array<i32>} : memref<128x128xf32, #tpu.memory_space<vmem>>, vector<16xf32>,
        tpu.vector_store %arg17[%swap3A_319, %swap3A_320], %mul3A_318 {strides = array<i32>} : memref<128x128xf32, #tpu.memory_space<vmem>>, vector<16xf32>,
        %get3A_322 = arith.index_cast %scan3A_292 : i32 to index
        %get3A_323 = arith.constant 64 : index
        %get3A_324 = tpu.vector_load %arg17[%get3A_322, %get3A_323] {strides = array<i32>} : memref<128x128xf32, #tpu.memory_space<vmem>>, vector<16xf32>,
        %mul3A_325 = arith.mulf %get3A_324, %gather3A_294 : vector<16xf32>
        %swap3A_326 = arith.index_cast %scan3A_292 : i32 to index
        %swap3A_327 = arith.constant 64 : index
        %swap3A_328 = tpu.vector_load %arg17[%swap3A_326, %swap3A_327] {strides = array<i32>} : memref<128x128xf32, #tpu.memory_space<vmem>>, vector<16xf32>,
        tpu.vector_store %arg17[%swap3A_326, %swap3A_327], %mul3A_325 {strides = array<i32>} : memref<128x128xf32, #tpu.memory_space<vmem>>, vector<16xf32>,
        %get3A_329 = arith.index_cast %scan3A_292 : i32 to index
        %get3A_330 = arith.constant 80 : index
        %get3A_331 = tpu.vector_load %arg17[%get3A_329, %get3A_330] {strides = array<i32>} : memref<128x128xf32, #tpu.memory_space<vmem>>, vector<16xf32>,
        %mul3A_332 = arith.mulf %get3A_331, %gather3A_294 : vector<16xf32>
        %swap3A_333 = arith.index_cast %scan3A_292 : i32 to index
        %swap3A_334 = arith.constant 80 : index
        %swap3A_335 = tpu.vector_load %arg17[%swap3A_333, %swap3A_334] {strides = array<i32>} : memref<128x128xf32, #tpu.memory_space<vmem>>, vector<16xf32>,
        tpu.vector_store %arg17[%swap3A_333, %swap3A_334], %mul3A_332 {strides = array<i32>} : memref<128x128xf32, #tpu.memory_space<vmem>>, vector<16xf32>,
        %get3A_336 = arith.index_cast %scan3A_292 : i32 to index
        %get3A_337 = arith.constant 96 : index
        %get3A_338 = tpu.vector_load %arg17[%get3A_336, %get3A_337] {strides = array<i32>} : memref<128x128xf32, #tpu.memory_space<vmem>>, vector<16xf32>,
        %mul3A_339 = arith.mulf %get3A_338, %gather3A_294 : vector<16xf32>
        %swap3A_340 = arith.index_cast %scan3A_292 : i32 to index
        %swap3A_341 = arith.constant 96 : index
        %swap3A_342 = tpu.vector_load %arg17[%swap3A_340, %swap3A_341] {strides = array<i32>} : memref<128x128xf32, #tpu.memory_space<vmem>>, vector<16xf32>,
        tpu.vector_store %arg17[%swap3A_340, %swap3A_341], %mul3A_339 {strides = array<i32>} : memref<128x128xf32, #tpu.memory_space<vmem>>, vector<16xf32>,
        %get3A_343 = arith.index_cast %scan3A_292 : i32 to index
        %get3A_344 = arith.constant 112 : index
        %get3A_345 = tpu.vector_load %arg17[%get3A_343, %get3A_344] {strides = array<i32>} : memref<128x128xf32, #tpu.memory_space<vmem>>, vector<16xf32>,
        %mul3A_346 = arith.mulf %get3A_345, %gather3A_294 : vector<16xf32>
        %swap3A_347 = arith.index_cast %scan3A_292 : i32 to index
        %swap3A_348 = arith.constant 112 : index
        %swap3A_349 = tpu.vector_load %arg17[%swap3A_347, %swap3A_348] {strides = array<i32>} : memref<128x128xf32, #tpu.memory_space<vmem>>, vector<16xf32>,
        tpu.vector_store %arg17[%swap3A_347, %swap3A_348], %mul3A_346 {strides = array<i32>} : memref<128x128xf32, #tpu.memory_space<vmem>>, vector<16xf32>,
      }
      %scan3A_155 = arith.constant 128 : i32
      %run_scoped3A_156 = arith.constant 2 : i32
      "tpu.region"() ({
        %run_scoped3A_292 = tpu.sem_alloc : memref<!tpu.dma_semaphore, #tpu.memory_space<semaphore_mem>>
        %dma_start3A_293 = arith.constant 0 : i32
        %dma_start3A_294 = tpu.memref_slice %arg13[%run_scoped3A_156, %dma_start3A_293] : memref<8x128xi32, #tpu.memory_space<vmem>> -> memref<1x128xi32, #tpu.memory_space<vmem>>
        %dma_start3A_295 = tpu.memref_squeeze %dma_start3A_294 : memref<1x128xi32, #tpu.memory_space<vmem>> -> memref<128xi32, #tpu.memory_space<vmem>>
        %dma_start3A_296 = arith.constant 0 : i32
        %dma_start3A_297 = arith.constant 0 : i32
        %dma_start3A_298 = tpu.memref_slice %arg20[%dma_start3A_296, %dma_start3A_297] : memref<10240x128xf32, #tpu.memory_space<vmem_shared>> -> memref<10240x128xf32, #tpu.memory_space<vmem_shared>>
        tpu.enqueue_indirect_dma source(%arg17 : memref<128x128xf32, #tpu.memory_space<vmem>>) target(%dma_start3A_298 : memref<10240x128xf32, #tpu.memory_space<vmem_shared>>) offsets(%dma_start3A_295 : memref<128xi32, #tpu.memory_space<vmem>>) semaphore(%run_scoped3A_292 : memref<!tpu.dma_semaphore, #tpu.memory_space<semaphore_mem>>) {add = true}
        %dma_wait3A_299 = arith.constant 0 : i32
        %dma_wait3A_300 = tpu.memref_slice %arg13[%run_scoped3A_156, %dma_wait3A_299] : memref<8x128xi32, #tpu.memory_space<vmem>> -> memref<1x128xi32, #tpu.memory_space<vmem>>
        %dma_wait3A_301 = tpu.memref_squeeze %dma_wait3A_300 : memref<1x128xi32, #tpu.memory_space<vmem>> -> memref<128xi32, #tpu.memory_space<vmem>>
        %dma_wait3A_302 = arith.constant 0 : i32
        %dma_wait3A_303 = arith.constant 0 : i32
        %dma_wait3A_304 = tpu.memref_slice %arg20[%dma_wait3A_302, %dma_wait3A_303] : memref<10240x128xf32, #tpu.memory_space<vmem_shared>> -> memref<10240x128xf32, #tpu.memory_space<vmem_shared>>
        tpu.wait_indirect_dma semaphore(%run_scoped3A_292 : memref<!tpu.dma_semaphore, #tpu.memory_space<semaphore_mem>>) src(%arg17 : memref<128x128xf32, #tpu.memory_space<vmem>>) dst(%dma_wait3A_304 : memref<10240x128xf32, #tpu.memory_space<vmem_shared>>)
        tpu.yield
      }) : () -> ()
      %dma_start3A_157 = arith.constant 3 : i32
      %dma_start3A_158 = arith.constant 0 : i32
      %dma_start3A_159 = tpu.memref_slice %arg12[%dma_start3A_157, %dma_start3A_158] : memref<8x128xi32, #tpu.memory_space<vmem>> -> memref<1x128xi32, #tpu.memory_space<vmem>>
      %dma_start3A_160 = tpu.memref_squeeze %dma_start3A_159 : memref<1x128xi32, #tpu.memory_space<vmem>> -> memref<128xi32, #tpu.memory_space<vmem>>
      %dma_start3A_161 = arith.constant 0 : i32
      %dma_start3A_162 = arith.constant 0 : i32
      %dma_start3A_163 = tpu.memref_slice %arg2[%dma_start3A_161, %dma_start3A_162] : memref<10000x128xf32, #tpu.memory_space<hbm>> -> memref<10000x128xf32, #tpu.memory_space<hbm>>
      tpu.enqueue_indirect_dma source(%dma_start3A_163 : memref<10000x128xf32, #tpu.memory_space<hbm>>) target(%arg17 : memref<128x128xf32, #tpu.memory_space<vmem>>) offsets(%dma_start3A_160 : memref<128xi32, #tpu.memory_space<vmem>>) semaphore(%arg21 : memref<!tpu.dma_semaphore, #tpu.memory_space<semaphore_mem>>)
      %scan3A_164 = arith.constant 0 : i32
      %scan3A_165 = arith.constant 0 : i32
      %scan3A_166 = arith.constant 8 : i32
      %scan3A_167 = arith.addi %scan3A_165, %scan3A_166 : i32
      %scan3A_168 = arith.constant 1 : i32
      scf.for %scan3A_292 = %scan3A_165 to %scan3A_167 step %scan3A_168  : i32 {
        %mul3A_293 = arith.constant 16 : i32
        %mul3A_294 = arith.muli %scan3A_292, %mul3A_293 : i32
        %get3A = arith.constant 3 : i32
        %get3A_295 = arith.index_cast %get3A : i32 to index
        %get3A_296 = arith.index_cast %mul3A_294 : i32 to index
        %get3A_297 = tpu.vector_load %arg13[%get3A_295, %get3A_296] {strides = array<i32>} : memref<8x128xi32, #tpu.memory_space<vmem>>, vector<16xi32>,
        %gather3A_298 = tpu.vector_load_idx %arg10[%get3A_297] : memref<10240xf32, #tpu.memory_space<vmem>>[vector<16xi32>], vector<16xf32>,
        %mul3A_299 = arith.constant 16 : i32
        %mul3A_300 = arith.muli %scan3A_292, %mul3A_299 : i32
        %get3A_301 = arith.constant 3 : i32
        %get3A_302 = arith.index_cast %get3A_301 : i32 to index
        %get3A_303 = arith.index_cast %mul3A_300 : i32 to index
        %get3A_304 = tpu.vector_load %arg14[%get3A_302, %get3A_303] {strides = array<i32>} : memref<8x128xf32, #tpu.memory_space<vmem>>, vector<16xf32>,
        %div3A_305 = arith.divf %get3A_304, %gather3A_298 : vector<16xf32>
        %mul3A_306 = arith.constant 16 : i32
        %mul3A_307 = arith.muli %scan3A_292, %mul3A_306 : i32
        %swap3A_308 = arith.index_cast %mul3A_307 : i32 to index
        %swap3A_309 = tpu.vector_load %arg16[%swap3A_308] {strides = array<i32>} : memref<128xf32, #tpu.memory_space<vmem>>, vector<16xf32>,
        tpu.vector_store %arg16[%swap3A_308], %div3A_305 {strides = array<i32>} : memref<128xf32, #tpu.memory_space<vmem>>, vector<16xf32>,
        %mul3A_310 = arith.mulf %get3A_304, %div3A_41 : vector<16xf32>
        %mul3A_311 = arith.constant 16 : i32
        %mul3A_312 = arith.muli %scan3A_292, %mul3A_311 : i32
        %swap3A_313 = arith.constant 3 : i32
        %swap3A_314 = arith.index_cast %swap3A_313 : i32 to index
        %swap3A_315 = arith.index_cast %mul3A_312 : i32 to index
        %swap3A_316 = tpu.vector_load %arg15[%swap3A_314, %swap3A_315] {strides = array<i32>} : memref<8x128xf32, #tpu.memory_space<vmem>>, vector<16xf32>,
        tpu.vector_store %arg15[%swap3A_314, %swap3A_315], %mul3A_310 {strides = array<i32>} : memref<8x128xf32, #tpu.memory_space<vmem>>, vector<16xf32>,
      }
      %scan3A_169 = arith.constant 8 : i32
      %dma_wait3A_170 = arith.constant 3 : i32
      %dma_wait3A_171 = arith.constant 0 : i32
      %dma_wait3A_172 = tpu.memref_slice %arg12[%dma_wait3A_170, %dma_wait3A_171] : memref<8x128xi32, #tpu.memory_space<vmem>> -> memref<1x128xi32, #tpu.memory_space<vmem>>
      %dma_wait3A_173 = tpu.memref_squeeze %dma_wait3A_172 : memref<1x128xi32, #tpu.memory_space<vmem>> -> memref<128xi32, #tpu.memory_space<vmem>>
      %dma_wait3A_174 = arith.constant 0 : i32
      %dma_wait3A_175 = arith.constant 0 : i32
      %dma_wait3A_176 = tpu.memref_slice %arg2[%dma_wait3A_174, %dma_wait3A_175] : memref<10000x128xf32, #tpu.memory_space<hbm>> -> memref<10000x128xf32, #tpu.memory_space<hbm>>
      tpu.wait_indirect_dma semaphore(%arg21 : memref<!tpu.dma_semaphore, #tpu.memory_space<semaphore_mem>>) src(%dma_wait3A_176 : memref<10000x128xf32, #tpu.memory_space<hbm>>) dst(%arg17 : memref<128x128xf32, #tpu.memory_space<vmem>>)
      %scan3A_177 = arith.constant 0 : i32
      %scan3A_178 = arith.constant 0 : i32
      %scan3A_179 = arith.constant 128 : i32
      %scan3A_180 = arith.addi %scan3A_178, %scan3A_179 : i32
      %scan3A_181 = arith.constant 1 : i32
      scf.for %scan3A_292 = %scan3A_178 to %scan3A_180 step %scan3A_181  : i32 {
        %broadcast_in_dim3A_293 = vector.broadcast %scan3A_292 : i32 to vector<16xi32>
        %gather3A_294 = tpu.vector_load_idx %arg16[%broadcast_in_dim3A_293] : memref<128xf32, #tpu.memory_space<vmem>>[vector<16xi32>], vector<16xf32>,
        %get3A = arith.index_cast %scan3A_292 : i32 to index
        %get3A_295 = arith.constant 0 : index
        %get3A_296 = tpu.vector_load %arg17[%get3A, %get3A_295] {strides = array<i32>} : memref<128x128xf32, #tpu.memory_space<vmem>>, vector<16xf32>,
        %mul3A_297 = arith.mulf %get3A_296, %gather3A_294 : vector<16xf32>
        %swap3A_298 = arith.index_cast %scan3A_292 : i32 to index
        %swap3A_299 = arith.constant 0 : index
        %swap3A_300 = tpu.vector_load %arg17[%swap3A_298, %swap3A_299] {strides = array<i32>} : memref<128x128xf32, #tpu.memory_space<vmem>>, vector<16xf32>,
        tpu.vector_store %arg17[%swap3A_298, %swap3A_299], %mul3A_297 {strides = array<i32>} : memref<128x128xf32, #tpu.memory_space<vmem>>, vector<16xf32>,
        %get3A_301 = arith.index_cast %scan3A_292 : i32 to index
        %get3A_302 = arith.constant 16 : index
        %get3A_303 = tpu.vector_load %arg17[%get3A_301, %get3A_302] {strides = array<i32>} : memref<128x128xf32, #tpu.memory_space<vmem>>, vector<16xf32>,
        %mul3A_304 = arith.mulf %get3A_303, %gather3A_294 : vector<16xf32>
        %swap3A_305 = arith.index_cast %scan3A_292 : i32 to index
        %swap3A_306 = arith.constant 16 : index
        %swap3A_307 = tpu.vector_load %arg17[%swap3A_305, %swap3A_306] {strides = array<i32>} : memref<128x128xf32, #tpu.memory_space<vmem>>, vector<16xf32>,
        tpu.vector_store %arg17[%swap3A_305, %swap3A_306], %mul3A_304 {strides = array<i32>} : memref<128x128xf32, #tpu.memory_space<vmem>>, vector<16xf32>,
        %get3A_308 = arith.index_cast %scan3A_292 : i32 to index
        %get3A_309 = arith.constant 32 : index
        %get3A_310 = tpu.vector_load %arg17[%get3A_308, %get3A_309] {strides = array<i32>} : memref<128x128xf32, #tpu.memory_space<vmem>>, vector<16xf32>,
        %mul3A_311 = arith.mulf %get3A_310, %gather3A_294 : vector<16xf32>
        %swap3A_312 = arith.index_cast %scan3A_292 : i32 to index
        %swap3A_313 = arith.constant 32 : index
        %swap3A_314 = tpu.vector_load %arg17[%swap3A_312, %swap3A_313] {strides = array<i32>} : memref<128x128xf32, #tpu.memory_space<vmem>>, vector<16xf32>,
        tpu.vector_store %arg17[%swap3A_312, %swap3A_313], %mul3A_311 {strides = array<i32>} : memref<128x128xf32, #tpu.memory_space<vmem>>, vector<16xf32>,
        %get3A_315 = arith.index_cast %scan3A_292 : i32 to index
        %get3A_316 = arith.constant 48 : index
        %get3A_317 = tpu.vector_load %arg17[%get3A_315, %get3A_316] {strides = array<i32>} : memref<128x128xf32, #tpu.memory_space<vmem>>, vector<16xf32>,
        %mul3A_318 = arith.mulf %get3A_317, %gather3A_294 : vector<16xf32>
        %swap3A_319 = arith.index_cast %scan3A_292 : i32 to index
        %swap3A_320 = arith.constant 48 : index
        %swap3A_321 = tpu.vector_load %arg17[%swap3A_319, %swap3A_320] {strides = array<i32>} : memref<128x128xf32, #tpu.memory_space<vmem>>, vector<16xf32>,
        tpu.vector_store %arg17[%swap3A_319, %swap3A_320], %mul3A_318 {strides = array<i32>} : memref<128x128xf32, #tpu.memory_space<vmem>>, vector<16xf32>,
        %get3A_322 = arith.index_cast %scan3A_292 : i32 to index
        %get3A_323 = arith.constant 64 : index
        %get3A_324 = tpu.vector_load %arg17[%get3A_322, %get3A_323] {strides = array<i32>} : memref<128x128xf32, #tpu.memory_space<vmem>>, vector<16xf32>,
        %mul3A_325 = arith.mulf %get3A_324, %gather3A_294 : vector<16xf32>
        %swap3A_326 = arith.index_cast %scan3A_292 : i32 to index
        %swap3A_327 = arith.constant 64 : index
        %swap3A_328 = tpu.vector_load %arg17[%swap3A_326, %swap3A_327] {strides = array<i32>} : memref<128x128xf32, #tpu.memory_space<vmem>>, vector<16xf32>,
        tpu.vector_store %arg17[%swap3A_326, %swap3A_327], %mul3A_325 {strides = array<i32>} : memref<128x128xf32, #tpu.memory_space<vmem>>, vector<16xf32>,
        %get3A_329 = arith.index_cast %scan3A_292 : i32 to index
        %get3A_330 = arith.constant 80 : index
        %get3A_331 = tpu.vector_load %arg17[%get3A_329, %get3A_330] {strides = array<i32>} : memref<128x128xf32, #tpu.memory_space<vmem>>, vector<16xf32>,
        %mul3A_332 = arith.mulf %get3A_331, %gather3A_294 : vector<16xf32>
        %swap3A_333 = arith.index_cast %scan3A_292 : i32 to index
        %swap3A_334 = arith.constant 80 : index
        %swap3A_335 = tpu.vector_load %arg17[%swap3A_333, %swap3A_334] {strides = array<i32>} : memref<128x128xf32, #tpu.memory_space<vmem>>, vector<16xf32>,
        tpu.vector_store %arg17[%swap3A_333, %swap3A_334], %mul3A_332 {strides = array<i32>} : memref<128x128xf32, #tpu.memory_space<vmem>>, vector<16xf32>,
        %get3A_336 = arith.index_cast %scan3A_292 : i32 to index
        %get3A_337 = arith.constant 96 : index
        %get3A_338 = tpu.vector_load %arg17[%get3A_336, %get3A_337] {strides = array<i32>} : memref<128x128xf32, #tpu.memory_space<vmem>>, vector<16xf32>,
        %mul3A_339 = arith.mulf %get3A_338, %gather3A_294 : vector<16xf32>
        %swap3A_340 = arith.index_cast %scan3A_292 : i32 to index
        %swap3A_341 = arith.constant 96 : index
        %swap3A_342 = tpu.vector_load %arg17[%swap3A_340, %swap3A_341] {strides = array<i32>} : memref<128x128xf32, #tpu.memory_space<vmem>>, vector<16xf32>,
        tpu.vector_store %arg17[%swap3A_340, %swap3A_341], %mul3A_339 {strides = array<i32>} : memref<128x128xf32, #tpu.memory_space<vmem>>, vector<16xf32>,
        %get3A_343 = arith.index_cast %scan3A_292 : i32 to index
        %get3A_344 = arith.constant 112 : index
        %get3A_345 = tpu.vector_load %arg17[%get3A_343, %get3A_344] {strides = array<i32>} : memref<128x128xf32, #tpu.memory_space<vmem>>, vector<16xf32>,
        %mul3A_346 = arith.mulf %get3A_345, %gather3A_294 : vector<16xf32>
        %swap3A_347 = arith.index_cast %scan3A_292 : i32 to index
        %swap3A_348 = arith.constant 112 : index
        %swap3A_349 = tpu.vector_load %arg17[%swap3A_347, %swap3A_348] {strides = array<i32>} : memref<128x128xf32, #tpu.memory_space<vmem>>, vector<16xf32>,
        tpu.vector_store %arg17[%swap3A_347, %swap3A_348], %mul3A_346 {strides = array<i32>} : memref<128x128xf32, #tpu.memory_space<vmem>>, vector<16xf32>,
      }
      %scan3A_182 = arith.constant 128 : i32
      %run_scoped3A_183 = arith.constant 3 : i32
      "tpu.region"() ({
        %run_scoped3A_292 = tpu.sem_alloc : memref<!tpu.dma_semaphore, #tpu.memory_space<semaphore_mem>>
        %dma_start3A_293 = arith.constant 0 : i32
        %dma_start3A_294 = tpu.memref_slice %arg13[%run_scoped3A_183, %dma_start3A_293] : memref<8x128xi32, #tpu.memory_space<vmem>> -> memref<1x128xi32, #tpu.memory_space<vmem>>
        %dma_start3A_295 = tpu.memref_squeeze %dma_start3A_294 : memref<1x128xi32, #tpu.memory_space<vmem>> -> memref<128xi32, #tpu.memory_space<vmem>>
        %dma_start3A_296 = arith.constant 0 : i32
        %dma_start3A_297 = arith.constant 0 : i32
        %dma_start3A_298 = tpu.memref_slice %arg20[%dma_start3A_296, %dma_start3A_297] : memref<10240x128xf32, #tpu.memory_space<vmem_shared>> -> memref<10240x128xf32, #tpu.memory_space<vmem_shared>>
        tpu.enqueue_indirect_dma source(%arg17 : memref<128x128xf32, #tpu.memory_space<vmem>>) target(%dma_start3A_298 : memref<10240x128xf32, #tpu.memory_space<vmem_shared>>) offsets(%dma_start3A_295 : memref<128xi32, #tpu.memory_space<vmem>>) semaphore(%run_scoped3A_292 : memref<!tpu.dma_semaphore, #tpu.memory_space<semaphore_mem>>) {add = true}
        %dma_wait3A_299 = arith.constant 0 : i32
        %dma_wait3A_300 = tpu.memref_slice %arg13[%run_scoped3A_183, %dma_wait3A_299] : memref<8x128xi32, #tpu.memory_space<vmem>> -> memref<1x128xi32, #tpu.memory_space<vmem>>
        %dma_wait3A_301 = tpu.memref_squeeze %dma_wait3A_300 : memref<1x128xi32, #tpu.memory_space<vmem>> -> memref<128xi32, #tpu.memory_space<vmem>>
        %dma_wait3A_302 = arith.constant 0 : i32
        %dma_wait3A_303 = arith.constant 0 : i32
        %dma_wait3A_304 = tpu.memref_slice %arg20[%dma_wait3A_302, %dma_wait3A_303] : memref<10240x128xf32, #tpu.memory_space<vmem_shared>> -> memref<10240x128xf32, #tpu.memory_space<vmem_shared>>
        tpu.wait_indirect_dma semaphore(%run_scoped3A_292 : memref<!tpu.dma_semaphore, #tpu.memory_space<semaphore_mem>>) src(%arg17 : memref<128x128xf32, #tpu.memory_space<vmem>>) dst(%dma_wait3A_304 : memref<10240x128xf32, #tpu.memory_space<vmem_shared>>)
        tpu.yield
      }) : () -> ()
      %dma_start3A_184 = arith.constant 4 : i32
      %dma_start3A_185 = arith.constant 0 : i32
      %dma_start3A_186 = tpu.memref_slice %arg12[%dma_start3A_184, %dma_start3A_185] : memref<8x128xi32, #tpu.memory_space<vmem>> -> memref<1x128xi32, #tpu.memory_space<vmem>>
      %dma_start3A_187 = tpu.memref_squeeze %dma_start3A_186 : memref<1x128xi32, #tpu.memory_space<vmem>> -> memref<128xi32, #tpu.memory_space<vmem>>
      %dma_start3A_188 = arith.constant 0 : i32
      %dma_start3A_189 = arith.constant 0 : i32
      %dma_start3A_190 = tpu.memref_slice %arg2[%dma_start3A_188, %dma_start3A_189] : memref<10000x128xf32, #tpu.memory_space<hbm>> -> memref<10000x128xf32, #tpu.memory_space<hbm>>
      tpu.enqueue_indirect_dma source(%dma_start3A_190 : memref<10000x128xf32, #tpu.memory_space<hbm>>) target(%arg17 : memref<128x128xf32, #tpu.memory_space<vmem>>) offsets(%dma_start3A_187 : memref<128xi32, #tpu.memory_space<vmem>>) semaphore(%arg21 : memref<!tpu.dma_semaphore, #tpu.memory_space<semaphore_mem>>)
      %scan3A_191 = arith.constant 0 : i32
      %scan3A_192 = arith.constant 0 : i32
      %scan3A_193 = arith.constant 8 : i32
      %scan3A_194 = arith.addi %scan3A_192, %scan3A_193 : i32
      %scan3A_195 = arith.constant 1 : i32
      scf.for %scan3A_292 = %scan3A_192 to %scan3A_194 step %scan3A_195  : i32 {
        %mul3A_293 = arith.constant 16 : i32
        %mul3A_294 = arith.muli %scan3A_292, %mul3A_293 : i32
        %get3A = arith.constant 4 : i32
        %get3A_295 = arith.index_cast %get3A : i32 to index
        %get3A_296 = arith.index_cast %mul3A_294 : i32 to index
        %get3A_297 = tpu.vector_load %arg13[%get3A_295, %get3A_296] {strides = array<i32>} : memref<8x128xi32, #tpu.memory_space<vmem>>, vector<16xi32>,
        %gather3A_298 = tpu.vector_load_idx %arg10[%get3A_297] : memref<10240xf32, #tpu.memory_space<vmem>>[vector<16xi32>], vector<16xf32>,
        %mul3A_299 = arith.constant 16 : i32
        %mul3A_300 = arith.muli %scan3A_292, %mul3A_299 : i32
        %get3A_301 = arith.constant 4 : i32
        %get3A_302 = arith.index_cast %get3A_301 : i32 to index
        %get3A_303 = arith.index_cast %mul3A_300 : i32 to index
        %get3A_304 = tpu.vector_load %arg14[%get3A_302, %get3A_303] {strides = array<i32>} : memref<8x128xf32, #tpu.memory_space<vmem>>, vector<16xf32>,
        %div3A_305 = arith.divf %get3A_304, %gather3A_298 : vector<16xf32>
        %mul3A_306 = arith.constant 16 : i32
        %mul3A_307 = arith.muli %scan3A_292, %mul3A_306 : i32
        %swap3A_308 = arith.index_cast %mul3A_307 : i32 to index
        %swap3A_309 = tpu.vector_load %arg16[%swap3A_308] {strides = array<i32>} : memref<128xf32, #tpu.memory_space<vmem>>, vector<16xf32>,
        tpu.vector_store %arg16[%swap3A_308], %div3A_305 {strides = array<i32>} : memref<128xf32, #tpu.memory_space<vmem>>, vector<16xf32>,
        %mul3A_310 = arith.mulf %get3A_304, %div3A_41 : vector<16xf32>
        %mul3A_311 = arith.constant 16 : i32
        %mul3A_312 = arith.muli %scan3A_292, %mul3A_311 : i32
        %swap3A_313 = arith.constant 4 : i32
        %swap3A_314 = arith.index_cast %swap3A_313 : i32 to index
        %swap3A_315 = arith.index_cast %mul3A_312 : i32 to index
        %swap3A_316 = tpu.vector_load %arg15[%swap3A_314, %swap3A_315] {strides = array<i32>} : memref<8x128xf32, #tpu.memory_space<vmem>>, vector<16xf32>,
        tpu.vector_store %arg15[%swap3A_314, %swap3A_315], %mul3A_310 {strides = array<i32>} : memref<8x128xf32, #tpu.memory_space<vmem>>, vector<16xf32>,
      }
      %scan3A_196 = arith.constant 8 : i32
      %dma_wait3A_197 = arith.constant 4 : i32
      %dma_wait3A_198 = arith.constant 0 : i32
      %dma_wait3A_199 = tpu.memref_slice %arg12[%dma_wait3A_197, %dma_wait3A_198] : memref<8x128xi32, #tpu.memory_space<vmem>> -> memref<1x128xi32, #tpu.memory_space<vmem>>
      %dma_wait3A_200 = tpu.memref_squeeze %dma_wait3A_199 : memref<1x128xi32, #tpu.memory_space<vmem>> -> memref<128xi32, #tpu.memory_space<vmem>>
      %dma_wait3A_201 = arith.constant 0 : i32
      %dma_wait3A_202 = arith.constant 0 : i32
      %dma_wait3A_203 = tpu.memref_slice %arg2[%dma_wait3A_201, %dma_wait3A_202] : memref<10000x128xf32, #tpu.memory_space<hbm>> -> memref<10000x128xf32, #tpu.memory_space<hbm>>
      tpu.wait_indirect_dma semaphore(%arg21 : memref<!tpu.dma_semaphore, #tpu.memory_space<semaphore_mem>>) src(%dma_wait3A_203 : memref<10000x128xf32, #tpu.memory_space<hbm>>) dst(%arg17 : memref<128x128xf32, #tpu.memory_space<vmem>>)
      %scan3A_204 = arith.constant 0 : i32
      %scan3A_205 = arith.constant 0 : i32
      %scan3A_206 = arith.constant 128 : i32
      %scan3A_207 = arith.addi %scan3A_205, %scan3A_206 : i32
      %scan3A_208 = arith.constant 1 : i32
      scf.for %scan3A_292 = %scan3A_205 to %scan3A_207 step %scan3A_208  : i32 {
        %broadcast_in_dim3A_293 = vector.broadcast %scan3A_292 : i32 to vector<16xi32>
        %gather3A_294 = tpu.vector_load_idx %arg16[%broadcast_in_dim3A_293] : memref<128xf32, #tpu.memory_space<vmem>>[vector<16xi32>], vector<16xf32>,
        %get3A = arith.index_cast %scan3A_292 : i32 to index
        %get3A_295 = arith.constant 0 : index
        %get3A_296 = tpu.vector_load %arg17[%get3A, %get3A_295] {strides = array<i32>} : memref<128x128xf32, #tpu.memory_space<vmem>>, vector<16xf32>,
        %mul3A_297 = arith.mulf %get3A_296, %gather3A_294 : vector<16xf32>
        %swap3A_298 = arith.index_cast %scan3A_292 : i32 to index
        %swap3A_299 = arith.constant 0 : index
        %swap3A_300 = tpu.vector_load %arg17[%swap3A_298, %swap3A_299] {strides = array<i32>} : memref<128x128xf32, #tpu.memory_space<vmem>>, vector<16xf32>,
        tpu.vector_store %arg17[%swap3A_298, %swap3A_299], %mul3A_297 {strides = array<i32>} : memref<128x128xf32, #tpu.memory_space<vmem>>, vector<16xf32>,
        %get3A_301 = arith.index_cast %scan3A_292 : i32 to index
        %get3A_302 = arith.constant 16 : index
        %get3A_303 = tpu.vector_load %arg17[%get3A_301, %get3A_302] {strides = array<i32>} : memref<128x128xf32, #tpu.memory_space<vmem>>, vector<16xf32>,
        %mul3A_304 = arith.mulf %get3A_303, %gather3A_294 : vector<16xf32>
        %swap3A_305 = arith.index_cast %scan3A_292 : i32 to index
        %swap3A_306 = arith.constant 16 : index
        %swap3A_307 = tpu.vector_load %arg17[%swap3A_305, %swap3A_306] {strides = array<i32>} : memref<128x128xf32, #tpu.memory_space<vmem>>, vector<16xf32>,
        tpu.vector_store %arg17[%swap3A_305, %swap3A_306], %mul3A_304 {strides = array<i32>} : memref<128x128xf32, #tpu.memory_space<vmem>>, vector<16xf32>,
        %get3A_308 = arith.index_cast %scan3A_292 : i32 to index
        %get3A_309 = arith.constant 32 : index
        %get3A_310 = tpu.vector_load %arg17[%get3A_308, %get3A_309] {strides = array<i32>} : memref<128x128xf32, #tpu.memory_space<vmem>>, vector<16xf32>,
        %mul3A_311 = arith.mulf %get3A_310, %gather3A_294 : vector<16xf32>
        %swap3A_312 = arith.index_cast %scan3A_292 : i32 to index
        %swap3A_313 = arith.constant 32 : index
        %swap3A_314 = tpu.vector_load %arg17[%swap3A_312, %swap3A_313] {strides = array<i32>} : memref<128x128xf32, #tpu.memory_space<vmem>>, vector<16xf32>,
        tpu.vector_store %arg17[%swap3A_312, %swap3A_313], %mul3A_311 {strides = array<i32>} : memref<128x128xf32, #tpu.memory_space<vmem>>, vector<16xf32>,
        %get3A_315 = arith.index_cast %scan3A_292 : i32 to index
        %get3A_316 = arith.constant 48 : index
        %get3A_317 = tpu.vector_load %arg17[%get3A_315, %get3A_316] {strides = array<i32>} : memref<128x128xf32, #tpu.memory_space<vmem>>, vector<16xf32>,
        %mul3A_318 = arith.mulf %get3A_317, %gather3A_294 : vector<16xf32>
        %swap3A_319 = arith.index_cast %scan3A_292 : i32 to index
        %swap3A_320 = arith.constant 48 : index
        %swap3A_321 = tpu.vector_load %arg17[%swap3A_319, %swap3A_320] {strides = array<i32>} : memref<128x128xf32, #tpu.memory_space<vmem>>, vector<16xf32>,
        tpu.vector_store %arg17[%swap3A_319, %swap3A_320], %mul3A_318 {strides = array<i32>} : memref<128x128xf32, #tpu.memory_space<vmem>>, vector<16xf32>,
        %get3A_322 = arith.index_cast %scan3A_292 : i32 to index
        %get3A_323 = arith.constant 64 : index
        %get3A_324 = tpu.vector_load %arg17[%get3A_322, %get3A_323] {strides = array<i32>} : memref<128x128xf32, #tpu.memory_space<vmem>>, vector<16xf32>,
        %mul3A_325 = arith.mulf %get3A_324, %gather3A_294 : vector<16xf32>
        %swap3A_326 = arith.index_cast %scan3A_292 : i32 to index
        %swap3A_327 = arith.constant 64 : index
        %swap3A_328 = tpu.vector_load %arg17[%swap3A_326, %swap3A_327] {strides = array<i32>} : memref<128x128xf32, #tpu.memory_space<vmem>>, vector<16xf32>,
        tpu.vector_store %arg17[%swap3A_326, %swap3A_327], %mul3A_325 {strides = array<i32>} : memref<128x128xf32, #tpu.memory_space<vmem>>, vector<16xf32>,
        %get3A_329 = arith.index_cast %scan3A_292 : i32 to index
        %get3A_330 = arith.constant 80 : index
        %get3A_331 = tpu.vector_load %arg17[%get3A_329, %get3A_330] {strides = array<i32>} : memref<128x128xf32, #tpu.memory_space<vmem>>, vector<16xf32>,
        %mul3A_332 = arith.mulf %get3A_331, %gather3A_294 : vector<16xf32>
        %swap3A_333 = arith.index_cast %scan3A_292 : i32 to index
        %swap3A_334 = arith.constant 80 : index
        %swap3A_335 = tpu.vector_load %arg17[%swap3A_333, %swap3A_334] {strides = array<i32>} : memref<128x128xf32, #tpu.memory_space<vmem>>, vector<16xf32>,
        tpu.vector_store %arg17[%swap3A_333, %swap3A_334], %mul3A_332 {strides = array<i32>} : memref<128x128xf32, #tpu.memory_space<vmem>>, vector<16xf32>,
        %get3A_336 = arith.index_cast %scan3A_292 : i32 to index
        %get3A_337 = arith.constant 96 : index
        %get3A_338 = tpu.vector_load %arg17[%get3A_336, %get3A_337] {strides = array<i32>} : memref<128x128xf32, #tpu.memory_space<vmem>>, vector<16xf32>,
        %mul3A_339 = arith.mulf %get3A_338, %gather3A_294 : vector<16xf32>
        %swap3A_340 = arith.index_cast %scan3A_292 : i32 to index
        %swap3A_341 = arith.constant 96 : index
        %swap3A_342 = tpu.vector_load %arg17[%swap3A_340, %swap3A_341] {strides = array<i32>} : memref<128x128xf32, #tpu.memory_space<vmem>>, vector<16xf32>,
        tpu.vector_store %arg17[%swap3A_340, %swap3A_341], %mul3A_339 {strides = array<i32>} : memref<128x128xf32, #tpu.memory_space<vmem>>, vector<16xf32>,
        %get3A_343 = arith.index_cast %scan3A_292 : i32 to index
        %get3A_344 = arith.constant 112 : index
        %get3A_345 = tpu.vector_load %arg17[%get3A_343, %get3A_344] {strides = array<i32>} : memref<128x128xf32, #tpu.memory_space<vmem>>, vector<16xf32>,
        %mul3A_346 = arith.mulf %get3A_345, %gather3A_294 : vector<16xf32>
        %swap3A_347 = arith.index_cast %scan3A_292 : i32 to index
        %swap3A_348 = arith.constant 112 : index
        %swap3A_349 = tpu.vector_load %arg17[%swap3A_347, %swap3A_348] {strides = array<i32>} : memref<128x128xf32, #tpu.memory_space<vmem>>, vector<16xf32>,
        tpu.vector_store %arg17[%swap3A_347, %swap3A_348], %mul3A_346 {strides = array<i32>} : memref<128x128xf32, #tpu.memory_space<vmem>>, vector<16xf32>,
      }
      %scan3A_209 = arith.constant 128 : i32
      %run_scoped3A_210 = arith.constant 4 : i32
      "tpu.region"() ({
        %run_scoped3A_292 = tpu.sem_alloc : memref<!tpu.dma_semaphore, #tpu.memory_space<semaphore_mem>>
        %dma_start3A_293 = arith.constant 0 : i32
        %dma_start3A_294 = tpu.memref_slice %arg13[%run_scoped3A_210, %dma_start3A_293] : memref<8x128xi32, #tpu.memory_space<vmem>> -> memref<1x128xi32, #tpu.memory_space<vmem>>
        %dma_start3A_295 = tpu.memref_squeeze %dma_start3A_294 : memref<1x128xi32, #tpu.memory_space<vmem>> -> memref<128xi32, #tpu.memory_space<vmem>>
        %dma_start3A_296 = arith.constant 0 : i32
        %dma_start3A_297 = arith.constant 0 : i32
        %dma_start3A_298 = tpu.memref_slice %arg20[%dma_start3A_296, %dma_start3A_297] : memref<10240x128xf32, #tpu.memory_space<vmem_shared>> -> memref<10240x128xf32, #tpu.memory_space<vmem_shared>>
        tpu.enqueue_indirect_dma source(%arg17 : memref<128x128xf32, #tpu.memory_space<vmem>>) target(%dma_start3A_298 : memref<10240x128xf32, #tpu.memory_space<vmem_shared>>) offsets(%dma_start3A_295 : memref<128xi32, #tpu.memory_space<vmem>>) semaphore(%run_scoped3A_292 : memref<!tpu.dma_semaphore, #tpu.memory_space<semaphore_mem>>) {add = true}
        %dma_wait3A_299 = arith.constant 0 : i32
        %dma_wait3A_300 = tpu.memref_slice %arg13[%run_scoped3A_210, %dma_wait3A_299] : memref<8x128xi32, #tpu.memory_space<vmem>> -> memref<1x128xi32, #tpu.memory_space<vmem>>
        %dma_wait3A_301 = tpu.memref_squeeze %dma_wait3A_300 : memref<1x128xi32, #tpu.memory_space<vmem>> -> memref<128xi32, #tpu.memory_space<vmem>>
        %dma_wait3A_302 = arith.constant 0 : i32
        %dma_wait3A_303 = arith.constant 0 : i32
        %dma_wait3A_304 = tpu.memref_slice %arg20[%dma_wait3A_302, %dma_wait3A_303] : memref<10240x128xf32, #tpu.memory_space<vmem_shared>> -> memref<10240x128xf32, #tpu.memory_space<vmem_shared>>
        tpu.wait_indirect_dma semaphore(%run_scoped3A_292 : memref<!tpu.dma_semaphore, #tpu.memory_space<semaphore_mem>>) src(%arg17 : memref<128x128xf32, #tpu.memory_space<vmem>>) dst(%dma_wait3A_304 : memref<10240x128xf32, #tpu.memory_space<vmem_shared>>)
        tpu.yield
      }) : () -> ()
      %dma_start3A_211 = arith.constant 5 : i32
      %dma_start3A_212 = arith.constant 0 : i32
      %dma_start3A_213 = tpu.memref_slice %arg12[%dma_start3A_211, %dma_start3A_212] : memref<8x128xi32, #tpu.memory_space<vmem>> -> memref<1x128xi32, #tpu.memory_space<vmem>>
      %dma_start3A_214 = tpu.memref_squeeze %dma_start3A_213 : memref<1x128xi32, #tpu.memory_space<vmem>> -> memref<128xi32, #tpu.memory_space<vmem>>
      %dma_start3A_215 = arith.constant 0 : i32
      %dma_start3A_216 = arith.constant 0 : i32
      %dma_start3A_217 = tpu.memref_slice %arg2[%dma_start3A_215, %dma_start3A_216] : memref<10000x128xf32, #tpu.memory_space<hbm>> -> memref<10000x128xf32, #tpu.memory_space<hbm>>
      tpu.enqueue_indirect_dma source(%dma_start3A_217 : memref<10000x128xf32, #tpu.memory_space<hbm>>) target(%arg17 : memref<128x128xf32, #tpu.memory_space<vmem>>) offsets(%dma_start3A_214 : memref<128xi32, #tpu.memory_space<vmem>>) semaphore(%arg21 : memref<!tpu.dma_semaphore, #tpu.memory_space<semaphore_mem>>)
      %scan3A_218 = arith.constant 0 : i32
      %scan3A_219 = arith.constant 0 : i32
      %scan3A_220 = arith.constant 8 : i32
      %scan3A_221 = arith.addi %scan3A_219, %scan3A_220 : i32
      %scan3A_222 = arith.constant 1 : i32
      scf.for %scan3A_292 = %scan3A_219 to %scan3A_221 step %scan3A_222  : i32 {
        %mul3A_293 = arith.constant 16 : i32
        %mul3A_294 = arith.muli %scan3A_292, %mul3A_293 : i32
        %get3A = arith.constant 5 : i32
        %get3A_295 = arith.index_cast %get3A : i32 to index
        %get3A_296 = arith.index_cast %mul3A_294 : i32 to index
        %get3A_297 = tpu.vector_load %arg13[%get3A_295, %get3A_296] {strides = array<i32>} : memref<8x128xi32, #tpu.memory_space<vmem>>, vector<16xi32>,
        %gather3A_298 = tpu.vector_load_idx %arg10[%get3A_297] : memref<10240xf32, #tpu.memory_space<vmem>>[vector<16xi32>], vector<16xf32>,
        %mul3A_299 = arith.constant 16 : i32
        %mul3A_300 = arith.muli %scan3A_292, %mul3A_299 : i32
        %get3A_301 = arith.constant 5 : i32
        %get3A_302 = arith.index_cast %get3A_301 : i32 to index
        %get3A_303 = arith.index_cast %mul3A_300 : i32 to index
        %get3A_304 = tpu.vector_load %arg14[%get3A_302, %get3A_303] {strides = array<i32>} : memref<8x128xf32, #tpu.memory_space<vmem>>, vector<16xf32>,
        %div3A_305 = arith.divf %get3A_304, %gather3A_298 : vector<16xf32>
        %mul3A_306 = arith.constant 16 : i32
        %mul3A_307 = arith.muli %scan3A_292, %mul3A_306 : i32
        %swap3A_308 = arith.index_cast %mul3A_307 : i32 to index
        %swap3A_309 = tpu.vector_load %arg16[%swap3A_308] {strides = array<i32>} : memref<128xf32, #tpu.memory_space<vmem>>, vector<16xf32>,
        tpu.vector_store %arg16[%swap3A_308], %div3A_305 {strides = array<i32>} : memref<128xf32, #tpu.memory_space<vmem>>, vector<16xf32>,
        %mul3A_310 = arith.mulf %get3A_304, %div3A_41 : vector<16xf32>
        %mul3A_311 = arith.constant 16 : i32
        %mul3A_312 = arith.muli %scan3A_292, %mul3A_311 : i32
        %swap3A_313 = arith.constant 5 : i32
        %swap3A_314 = arith.index_cast %swap3A_313 : i32 to index
        %swap3A_315 = arith.index_cast %mul3A_312 : i32 to index
        %swap3A_316 = tpu.vector_load %arg15[%swap3A_314, %swap3A_315] {strides = array<i32>} : memref<8x128xf32, #tpu.memory_space<vmem>>, vector<16xf32>,
        tpu.vector_store %arg15[%swap3A_314, %swap3A_315], %mul3A_310 {strides = array<i32>} : memref<8x128xf32, #tpu.memory_space<vmem>>, vector<16xf32>,
      }
      %scan3A_223 = arith.constant 8 : i32
      %dma_wait3A_224 = arith.constant 5 : i32
      %dma_wait3A_225 = arith.constant 0 : i32
      %dma_wait3A_226 = tpu.memref_slice %arg12[%dma_wait3A_224, %dma_wait3A_225] : memref<8x128xi32, #tpu.memory_space<vmem>> -> memref<1x128xi32, #tpu.memory_space<vmem>>
      %dma_wait3A_227 = tpu.memref_squeeze %dma_wait3A_226 : memref<1x128xi32, #tpu.memory_space<vmem>> -> memref<128xi32, #tpu.memory_space<vmem>>
      %dma_wait3A_228 = arith.constant 0 : i32
      %dma_wait3A_229 = arith.constant 0 : i32
      %dma_wait3A_230 = tpu.memref_slice %arg2[%dma_wait3A_228, %dma_wait3A_229] : memref<10000x128xf32, #tpu.memory_space<hbm>> -> memref<10000x128xf32, #tpu.memory_space<hbm>>
      tpu.wait_indirect_dma semaphore(%arg21 : memref<!tpu.dma_semaphore, #tpu.memory_space<semaphore_mem>>) src(%dma_wait3A_230 : memref<10000x128xf32, #tpu.memory_space<hbm>>) dst(%arg17 : memref<128x128xf32, #tpu.memory_space<vmem>>)
      %scan3A_231 = arith.constant 0 : i32
      %scan3A_232 = arith.constant 0 : i32
      %scan3A_233 = arith.constant 128 : i32
      %scan3A_234 = arith.addi %scan3A_232, %scan3A_233 : i32
      %scan3A_235 = arith.constant 1 : i32
      scf.for %scan3A_292 = %scan3A_232 to %scan3A_234 step %scan3A_235  : i32 {
        %broadcast_in_dim3A_293 = vector.broadcast %scan3A_292 : i32 to vector<16xi32>
        %gather3A_294 = tpu.vector_load_idx %arg16[%broadcast_in_dim3A_293] : memref<128xf32, #tpu.memory_space<vmem>>[vector<16xi32>], vector<16xf32>,
        %get3A = arith.index_cast %scan3A_292 : i32 to index
        %get3A_295 = arith.constant 0 : index
        %get3A_296 = tpu.vector_load %arg17[%get3A, %get3A_295] {strides = array<i32>} : memref<128x128xf32, #tpu.memory_space<vmem>>, vector<16xf32>,
        %mul3A_297 = arith.mulf %get3A_296, %gather3A_294 : vector<16xf32>
        %swap3A_298 = arith.index_cast %scan3A_292 : i32 to index
        %swap3A_299 = arith.constant 0 : index
        %swap3A_300 = tpu.vector_load %arg17[%swap3A_298, %swap3A_299] {strides = array<i32>} : memref<128x128xf32, #tpu.memory_space<vmem>>, vector<16xf32>,
        tpu.vector_store %arg17[%swap3A_298, %swap3A_299], %mul3A_297 {strides = array<i32>} : memref<128x128xf32, #tpu.memory_space<vmem>>, vector<16xf32>,
        %get3A_301 = arith.index_cast %scan3A_292 : i32 to index
        %get3A_302 = arith.constant 16 : index
        %get3A_303 = tpu.vector_load %arg17[%get3A_301, %get3A_302] {strides = array<i32>} : memref<128x128xf32, #tpu.memory_space<vmem>>, vector<16xf32>,
        %mul3A_304 = arith.mulf %get3A_303, %gather3A_294 : vector<16xf32>
        %swap3A_305 = arith.index_cast %scan3A_292 : i32 to index
        %swap3A_306 = arith.constant 16 : index
        %swap3A_307 = tpu.vector_load %arg17[%swap3A_305, %swap3A_306] {strides = array<i32>} : memref<128x128xf32, #tpu.memory_space<vmem>>, vector<16xf32>,
        tpu.vector_store %arg17[%swap3A_305, %swap3A_306], %mul3A_304 {strides = array<i32>} : memref<128x128xf32, #tpu.memory_space<vmem>>, vector<16xf32>,
        %get3A_308 = arith.index_cast %scan3A_292 : i32 to index
        %get3A_309 = arith.constant 32 : index
        %get3A_310 = tpu.vector_load %arg17[%get3A_308, %get3A_309] {strides = array<i32>} : memref<128x128xf32, #tpu.memory_space<vmem>>, vector<16xf32>,
        %mul3A_311 = arith.mulf %get3A_310, %gather3A_294 : vector<16xf32>
        %swap3A_312 = arith.index_cast %scan3A_292 : i32 to index
        %swap3A_313 = arith.constant 32 : index
        %swap3A_314 = tpu.vector_load %arg17[%swap3A_312, %swap3A_313] {strides = array<i32>} : memref<128x128xf32, #tpu.memory_space<vmem>>, vector<16xf32>,
        tpu.vector_store %arg17[%swap3A_312, %swap3A_313], %mul3A_311 {strides = array<i32>} : memref<128x128xf32, #tpu.memory_space<vmem>>, vector<16xf32>,
        %get3A_315 = arith.index_cast %scan3A_292 : i32 to index
        %get3A_316 = arith.constant 48 : index
        %get3A_317 = tpu.vector_load %arg17[%get3A_315, %get3A_316] {strides = array<i32>} : memref<128x128xf32, #tpu.memory_space<vmem>>, vector<16xf32>,
        %mul3A_318 = arith.mulf %get3A_317, %gather3A_294 : vector<16xf32>
        %swap3A_319 = arith.index_cast %scan3A_292 : i32 to index
        %swap3A_320 = arith.constant 48 : index
        %swap3A_321 = tpu.vector_load %arg17[%swap3A_319, %swap3A_320] {strides = array<i32>} : memref<128x128xf32, #tpu.memory_space<vmem>>, vector<16xf32>,
        tpu.vector_store %arg17[%swap3A_319, %swap3A_320], %mul3A_318 {strides = array<i32>} : memref<128x128xf32, #tpu.memory_space<vmem>>, vector<16xf32>,
        %get3A_322 = arith.index_cast %scan3A_292 : i32 to index
        %get3A_323 = arith.constant 64 : index
        %get3A_324 = tpu.vector_load %arg17[%get3A_322, %get3A_323] {strides = array<i32>} : memref<128x128xf32, #tpu.memory_space<vmem>>, vector<16xf32>,
        %mul3A_325 = arith.mulf %get3A_324, %gather3A_294 : vector<16xf32>
        %swap3A_326 = arith.index_cast %scan3A_292 : i32 to index
        %swap3A_327 = arith.constant 64 : index
        %swap3A_328 = tpu.vector_load %arg17[%swap3A_326, %swap3A_327] {strides = array<i32>} : memref<128x128xf32, #tpu.memory_space<vmem>>, vector<16xf32>,
        tpu.vector_store %arg17[%swap3A_326, %swap3A_327], %mul3A_325 {strides = array<i32>} : memref<128x128xf32, #tpu.memory_space<vmem>>, vector<16xf32>,
        %get3A_329 = arith.index_cast %scan3A_292 : i32 to index
        %get3A_330 = arith.constant 80 : index
        %get3A_331 = tpu.vector_load %arg17[%get3A_329, %get3A_330] {strides = array<i32>} : memref<128x128xf32, #tpu.memory_space<vmem>>, vector<16xf32>,
        %mul3A_332 = arith.mulf %get3A_331, %gather3A_294 : vector<16xf32>
        %swap3A_333 = arith.index_cast %scan3A_292 : i32 to index
        %swap3A_334 = arith.constant 80 : index
        %swap3A_335 = tpu.vector_load %arg17[%swap3A_333, %swap3A_334] {strides = array<i32>} : memref<128x128xf32, #tpu.memory_space<vmem>>, vector<16xf32>,
        tpu.vector_store %arg17[%swap3A_333, %swap3A_334], %mul3A_332 {strides = array<i32>} : memref<128x128xf32, #tpu.memory_space<vmem>>, vector<16xf32>,
        %get3A_336 = arith.index_cast %scan3A_292 : i32 to index
        %get3A_337 = arith.constant 96 : index
        %get3A_338 = tpu.vector_load %arg17[%get3A_336, %get3A_337] {strides = array<i32>} : memref<128x128xf32, #tpu.memory_space<vmem>>, vector<16xf32>,
        %mul3A_339 = arith.mulf %get3A_338, %gather3A_294 : vector<16xf32>
        %swap3A_340 = arith.index_cast %scan3A_292 : i32 to index
        %swap3A_341 = arith.constant 96 : index
        %swap3A_342 = tpu.vector_load %arg17[%swap3A_340, %swap3A_341] {strides = array<i32>} : memref<128x128xf32, #tpu.memory_space<vmem>>, vector<16xf32>,
        tpu.vector_store %arg17[%swap3A_340, %swap3A_341], %mul3A_339 {strides = array<i32>} : memref<128x128xf32, #tpu.memory_space<vmem>>, vector<16xf32>,
        %get3A_343 = arith.index_cast %scan3A_292 : i32 to index
        %get3A_344 = arith.constant 112 : index
        %get3A_345 = tpu.vector_load %arg17[%get3A_343, %get3A_344] {strides = array<i32>} : memref<128x128xf32, #tpu.memory_space<vmem>>, vector<16xf32>,
        %mul3A_346 = arith.mulf %get3A_345, %gather3A_294 : vector<16xf32>
        %swap3A_347 = arith.index_cast %scan3A_292 : i32 to index
        %swap3A_348 = arith.constant 112 : index
        %swap3A_349 = tpu.vector_load %arg17[%swap3A_347, %swap3A_348] {strides = array<i32>} : memref<128x128xf32, #tpu.memory_space<vmem>>, vector<16xf32>,
        tpu.vector_store %arg17[%swap3A_347, %swap3A_348], %mul3A_346 {strides = array<i32>} : memref<128x128xf32, #tpu.memory_space<vmem>>, vector<16xf32>,
      }
      %scan3A_236 = arith.constant 128 : i32
      %run_scoped3A_237 = arith.constant 5 : i32
      "tpu.region"() ({
        %run_scoped3A_292 = tpu.sem_alloc : memref<!tpu.dma_semaphore, #tpu.memory_space<semaphore_mem>>
        %dma_start3A_293 = arith.constant 0 : i32
        %dma_start3A_294 = tpu.memref_slice %arg13[%run_scoped3A_237, %dma_start3A_293] : memref<8x128xi32, #tpu.memory_space<vmem>> -> memref<1x128xi32, #tpu.memory_space<vmem>>
        %dma_start3A_295 = tpu.memref_squeeze %dma_start3A_294 : memref<1x128xi32, #tpu.memory_space<vmem>> -> memref<128xi32, #tpu.memory_space<vmem>>
        %dma_start3A_296 = arith.constant 0 : i32
        %dma_start3A_297 = arith.constant 0 : i32
        %dma_start3A_298 = tpu.memref_slice %arg20[%dma_start3A_296, %dma_start3A_297] : memref<10240x128xf32, #tpu.memory_space<vmem_shared>> -> memref<10240x128xf32, #tpu.memory_space<vmem_shared>>
        tpu.enqueue_indirect_dma source(%arg17 : memref<128x128xf32, #tpu.memory_space<vmem>>) target(%dma_start3A_298 : memref<10240x128xf32, #tpu.memory_space<vmem_shared>>) offsets(%dma_start3A_295 : memref<128xi32, #tpu.memory_space<vmem>>) semaphore(%run_scoped3A_292 : memref<!tpu.dma_semaphore, #tpu.memory_space<semaphore_mem>>) {add = true}
        %dma_wait3A_299 = arith.constant 0 : i32
        %dma_wait3A_300 = tpu.memref_slice %arg13[%run_scoped3A_237, %dma_wait3A_299] : memref<8x128xi32, #tpu.memory_space<vmem>> -> memref<1x128xi32, #tpu.memory_space<vmem>>
        %dma_wait3A_301 = tpu.memref_squeeze %dma_wait3A_300 : memref<1x128xi32, #tpu.memory_space<vmem>> -> memref<128xi32, #tpu.memory_space<vmem>>
        %dma_wait3A_302 = arith.constant 0 : i32
        %dma_wait3A_303 = arith.constant 0 : i32
        %dma_wait3A_304 = tpu.memref_slice %arg20[%dma_wait3A_302, %dma_wait3A_303] : memref<10240x128xf32, #tpu.memory_space<vmem_shared>> -> memref<10240x128xf32, #tpu.memory_space<vmem_shared>>
        tpu.wait_indirect_dma semaphore(%run_scoped3A_292 : memref<!tpu.dma_semaphore, #tpu.memory_space<semaphore_mem>>) src(%arg17 : memref<128x128xf32, #tpu.memory_space<vmem>>) dst(%dma_wait3A_304 : memref<10240x128xf32, #tpu.memory_space<vmem_shared>>)
        tpu.yield
      }) : () -> ()
      %dma_start3A_238 = arith.constant 6 : i32
      %dma_start3A_239 = arith.constant 0 : i32
      %dma_start3A_240 = tpu.memref_slice %arg12[%dma_start3A_238, %dma_start3A_239] : memref<8x128xi32, #tpu.memory_space<vmem>> -> memref<1x128xi32, #tpu.memory_space<vmem>>
      %dma_start3A_241 = tpu.memref_squeeze %dma_start3A_240 : memref<1x128xi32, #tpu.memory_space<vmem>> -> memref<128xi32, #tpu.memory_space<vmem>>
      %dma_start3A_242 = arith.constant 0 : i32
      %dma_start3A_243 = arith.constant 0 : i32
      %dma_start3A_244 = tpu.memref_slice %arg2[%dma_start3A_242, %dma_start3A_243] : memref<10000x128xf32, #tpu.memory_space<hbm>> -> memref<10000x128xf32, #tpu.memory_space<hbm>>
      tpu.enqueue_indirect_dma source(%dma_start3A_244 : memref<10000x128xf32, #tpu.memory_space<hbm>>) target(%arg17 : memref<128x128xf32, #tpu.memory_space<vmem>>) offsets(%dma_start3A_241 : memref<128xi32, #tpu.memory_space<vmem>>) semaphore(%arg21 : memref<!tpu.dma_semaphore, #tpu.memory_space<semaphore_mem>>)
      %scan3A_245 = arith.constant 0 : i32
      %scan3A_246 = arith.constant 0 : i32
      %scan3A_247 = arith.constant 8 : i32
      %scan3A_248 = arith.addi %scan3A_246, %scan3A_247 : i32
      %scan3A_249 = arith.constant 1 : i32
      scf.for %scan3A_292 = %scan3A_246 to %scan3A_248 step %scan3A_249  : i32 {
        %mul3A_293 = arith.constant 16 : i32
        %mul3A_294 = arith.muli %scan3A_292, %mul3A_293 : i32
        %get3A = arith.constant 6 : i32
        %get3A_295 = arith.index_cast %get3A : i32 to index
        %get3A_296 = arith.index_cast %mul3A_294 : i32 to index
        %get3A_297 = tpu.vector_load %arg13[%get3A_295, %get3A_296] {strides = array<i32>} : memref<8x128xi32, #tpu.memory_space<vmem>>, vector<16xi32>,
        %gather3A_298 = tpu.vector_load_idx %arg10[%get3A_297] : memref<10240xf32, #tpu.memory_space<vmem>>[vector<16xi32>], vector<16xf32>,
        %mul3A_299 = arith.constant 16 : i32
        %mul3A_300 = arith.muli %scan3A_292, %mul3A_299 : i32
        %get3A_301 = arith.constant 6 : i32
        %get3A_302 = arith.index_cast %get3A_301 : i32 to index
        %get3A_303 = arith.index_cast %mul3A_300 : i32 to index
        %get3A_304 = tpu.vector_load %arg14[%get3A_302, %get3A_303] {strides = array<i32>} : memref<8x128xf32, #tpu.memory_space<vmem>>, vector<16xf32>,
        %div3A_305 = arith.divf %get3A_304, %gather3A_298 : vector<16xf32>
        %mul3A_306 = arith.constant 16 : i32
        %mul3A_307 = arith.muli %scan3A_292, %mul3A_306 : i32
        %swap3A_308 = arith.index_cast %mul3A_307 : i32 to index
        %swap3A_309 = tpu.vector_load %arg16[%swap3A_308] {strides = array<i32>} : memref<128xf32, #tpu.memory_space<vmem>>, vector<16xf32>,
        tpu.vector_store %arg16[%swap3A_308], %div3A_305 {strides = array<i32>} : memref<128xf32, #tpu.memory_space<vmem>>, vector<16xf32>,
        %mul3A_310 = arith.mulf %get3A_304, %div3A_41 : vector<16xf32>
        %mul3A_311 = arith.constant 16 : i32
        %mul3A_312 = arith.muli %scan3A_292, %mul3A_311 : i32
        %swap3A_313 = arith.constant 6 : i32
        %swap3A_314 = arith.index_cast %swap3A_313 : i32 to index
        %swap3A_315 = arith.index_cast %mul3A_312 : i32 to index
        %swap3A_316 = tpu.vector_load %arg15[%swap3A_314, %swap3A_315] {strides = array<i32>} : memref<8x128xf32, #tpu.memory_space<vmem>>, vector<16xf32>,
        tpu.vector_store %arg15[%swap3A_314, %swap3A_315], %mul3A_310 {strides = array<i32>} : memref<8x128xf32, #tpu.memory_space<vmem>>, vector<16xf32>,
      }
      %scan3A_250 = arith.constant 8 : i32
      %dma_wait3A_251 = arith.constant 6 : i32
      %dma_wait3A_252 = arith.constant 0 : i32
      %dma_wait3A_253 = tpu.memref_slice %arg12[%dma_wait3A_251, %dma_wait3A_252] : memref<8x128xi32, #tpu.memory_space<vmem>> -> memref<1x128xi32, #tpu.memory_space<vmem>>
      %dma_wait3A_254 = tpu.memref_squeeze %dma_wait3A_253 : memref<1x128xi32, #tpu.memory_space<vmem>> -> memref<128xi32, #tpu.memory_space<vmem>>
      %dma_wait3A_255 = arith.constant 0 : i32
      %dma_wait3A_256 = arith.constant 0 : i32
      %dma_wait3A_257 = tpu.memref_slice %arg2[%dma_wait3A_255, %dma_wait3A_256] : memref<10000x128xf32, #tpu.memory_space<hbm>> -> memref<10000x128xf32, #tpu.memory_space<hbm>>
      tpu.wait_indirect_dma semaphore(%arg21 : memref<!tpu.dma_semaphore, #tpu.memory_space<semaphore_mem>>) src(%dma_wait3A_257 : memref<10000x128xf32, #tpu.memory_space<hbm>>) dst(%arg17 : memref<128x128xf32, #tpu.memory_space<vmem>>)
      %scan3A_258 = arith.constant 0 : i32
      %scan3A_259 = arith.constant 0 : i32
      %scan3A_260 = arith.constant 128 : i32
      %scan3A_261 = arith.addi %scan3A_259, %scan3A_260 : i32
      %scan3A_262 = arith.constant 1 : i32
      scf.for %scan3A_292 = %scan3A_259 to %scan3A_261 step %scan3A_262  : i32 {
        %broadcast_in_dim3A_293 = vector.broadcast %scan3A_292 : i32 to vector<16xi32>
        %gather3A_294 = tpu.vector_load_idx %arg16[%broadcast_in_dim3A_293] : memref<128xf32, #tpu.memory_space<vmem>>[vector<16xi32>], vector<16xf32>,
        %get3A = arith.index_cast %scan3A_292 : i32 to index
        %get3A_295 = arith.constant 0 : index
        %get3A_296 = tpu.vector_load %arg17[%get3A, %get3A_295] {strides = array<i32>} : memref<128x128xf32, #tpu.memory_space<vmem>>, vector<16xf32>,
        %mul3A_297 = arith.mulf %get3A_296, %gather3A_294 : vector<16xf32>
        %swap3A_298 = arith.index_cast %scan3A_292 : i32 to index
        %swap3A_299 = arith.constant 0 : index
        %swap3A_300 = tpu.vector_load %arg17[%swap3A_298, %swap3A_299] {strides = array<i32>} : memref<128x128xf32, #tpu.memory_space<vmem>>, vector<16xf32>,
        tpu.vector_store %arg17[%swap3A_298, %swap3A_299], %mul3A_297 {strides = array<i32>} : memref<128x128xf32, #tpu.memory_space<vmem>>, vector<16xf32>,
        %get3A_301 = arith.index_cast %scan3A_292 : i32 to index
        %get3A_302 = arith.constant 16 : index
        %get3A_303 = tpu.vector_load %arg17[%get3A_301, %get3A_302] {strides = array<i32>} : memref<128x128xf32, #tpu.memory_space<vmem>>, vector<16xf32>,
        %mul3A_304 = arith.mulf %get3A_303, %gather3A_294 : vector<16xf32>
        %swap3A_305 = arith.index_cast %scan3A_292 : i32 to index
        %swap3A_306 = arith.constant 16 : index
        %swap3A_307 = tpu.vector_load %arg17[%swap3A_305, %swap3A_306] {strides = array<i32>} : memref<128x128xf32, #tpu.memory_space<vmem>>, vector<16xf32>,
        tpu.vector_store %arg17[%swap3A_305, %swap3A_306], %mul3A_304 {strides = array<i32>} : memref<128x128xf32, #tpu.memory_space<vmem>>, vector<16xf32>,
        %get3A_308 = arith.index_cast %scan3A_292 : i32 to index
        %get3A_309 = arith.constant 32 : index
        %get3A_310 = tpu.vector_load %arg17[%get3A_308, %get3A_309] {strides = array<i32>} : memref<128x128xf32, #tpu.memory_space<vmem>>, vector<16xf32>,
        %mul3A_311 = arith.mulf %get3A_310, %gather3A_294 : vector<16xf32>
        %swap3A_312 = arith.index_cast %scan3A_292 : i32 to index
        %swap3A_313 = arith.constant 32 : index
        %swap3A_314 = tpu.vector_load %arg17[%swap3A_312, %swap3A_313] {strides = array<i32>} : memref<128x128xf32, #tpu.memory_space<vmem>>, vector<16xf32>,
        tpu.vector_store %arg17[%swap3A_312, %swap3A_313], %mul3A_311 {strides = array<i32>} : memref<128x128xf32, #tpu.memory_space<vmem>>, vector<16xf32>,
        %get3A_315 = arith.index_cast %scan3A_292 : i32 to index
        %get3A_316 = arith.constant 48 : index
        %get3A_317 = tpu.vector_load %arg17[%get3A_315, %get3A_316] {strides = array<i32>} : memref<128x128xf32, #tpu.memory_space<vmem>>, vector<16xf32>,
        %mul3A_318 = arith.mulf %get3A_317, %gather3A_294 : vector<16xf32>
        %swap3A_319 = arith.index_cast %scan3A_292 : i32 to index
        %swap3A_320 = arith.constant 48 : index
        %swap3A_321 = tpu.vector_load %arg17[%swap3A_319, %swap3A_320] {strides = array<i32>} : memref<128x128xf32, #tpu.memory_space<vmem>>, vector<16xf32>,
        tpu.vector_store %arg17[%swap3A_319, %swap3A_320], %mul3A_318 {strides = array<i32>} : memref<128x128xf32, #tpu.memory_space<vmem>>, vector<16xf32>,
        %get3A_322 = arith.index_cast %scan3A_292 : i32 to index
        %get3A_323 = arith.constant 64 : index
        %get3A_324 = tpu.vector_load %arg17[%get3A_322, %get3A_323] {strides = array<i32>} : memref<128x128xf32, #tpu.memory_space<vmem>>, vector<16xf32>,
        %mul3A_325 = arith.mulf %get3A_324, %gather3A_294 : vector<16xf32>
        %swap3A_326 = arith.index_cast %scan3A_292 : i32 to index
        %swap3A_327 = arith.constant 64 : index
        %swap3A_328 = tpu.vector_load %arg17[%swap3A_326, %swap3A_327] {strides = array<i32>} : memref<128x128xf32, #tpu.memory_space<vmem>>, vector<16xf32>,
        tpu.vector_store %arg17[%swap3A_326, %swap3A_327], %mul3A_325 {strides = array<i32>} : memref<128x128xf32, #tpu.memory_space<vmem>>, vector<16xf32>,
        %get3A_329 = arith.index_cast %scan3A_292 : i32 to index
        %get3A_330 = arith.constant 80 : index
        %get3A_331 = tpu.vector_load %arg17[%get3A_329, %get3A_330] {strides = array<i32>} : memref<128x128xf32, #tpu.memory_space<vmem>>, vector<16xf32>,
        %mul3A_332 = arith.mulf %get3A_331, %gather3A_294 : vector<16xf32>
        %swap3A_333 = arith.index_cast %scan3A_292 : i32 to index
        %swap3A_334 = arith.constant 80 : index
        %swap3A_335 = tpu.vector_load %arg17[%swap3A_333, %swap3A_334] {strides = array<i32>} : memref<128x128xf32, #tpu.memory_space<vmem>>, vector<16xf32>,
        tpu.vector_store %arg17[%swap3A_333, %swap3A_334], %mul3A_332 {strides = array<i32>} : memref<128x128xf32, #tpu.memory_space<vmem>>, vector<16xf32>,
        %get3A_336 = arith.index_cast %scan3A_292 : i32 to index
        %get3A_337 = arith.constant 96 : index
        %get3A_338 = tpu.vector_load %arg17[%get3A_336, %get3A_337] {strides = array<i32>} : memref<128x128xf32, #tpu.memory_space<vmem>>, vector<16xf32>,
        %mul3A_339 = arith.mulf %get3A_338, %gather3A_294 : vector<16xf32>
        %swap3A_340 = arith.index_cast %scan3A_292 : i32 to index
        %swap3A_341 = arith.constant 96 : index
        %swap3A_342 = tpu.vector_load %arg17[%swap3A_340, %swap3A_341] {strides = array<i32>} : memref<128x128xf32, #tpu.memory_space<vmem>>, vector<16xf32>,
        tpu.vector_store %arg17[%swap3A_340, %swap3A_341], %mul3A_339 {strides = array<i32>} : memref<128x128xf32, #tpu.memory_space<vmem>>, vector<16xf32>,
        %get3A_343 = arith.index_cast %scan3A_292 : i32 to index
        %get3A_344 = arith.constant 112 : index
        %get3A_345 = tpu.vector_load %arg17[%get3A_343, %get3A_344] {strides = array<i32>} : memref<128x128xf32, #tpu.memory_space<vmem>>, vector<16xf32>,
        %mul3A_346 = arith.mulf %get3A_345, %gather3A_294 : vector<16xf32>
        %swap3A_347 = arith.index_cast %scan3A_292 : i32 to index
        %swap3A_348 = arith.constant 112 : index
        %swap3A_349 = tpu.vector_load %arg17[%swap3A_347, %swap3A_348] {strides = array<i32>} : memref<128x128xf32, #tpu.memory_space<vmem>>, vector<16xf32>,
        tpu.vector_store %arg17[%swap3A_347, %swap3A_348], %mul3A_346 {strides = array<i32>} : memref<128x128xf32, #tpu.memory_space<vmem>>, vector<16xf32>,
      }
      %scan3A_263 = arith.constant 128 : i32
      %run_scoped3A_264 = arith.constant 6 : i32
      "tpu.region"() ({
        %run_scoped3A_292 = tpu.sem_alloc : memref<!tpu.dma_semaphore, #tpu.memory_space<semaphore_mem>>
        %dma_start3A_293 = arith.constant 0 : i32
        %dma_start3A_294 = tpu.memref_slice %arg13[%run_scoped3A_264, %dma_start3A_293] : memref<8x128xi32, #tpu.memory_space<vmem>> -> memref<1x128xi32, #tpu.memory_space<vmem>>
        %dma_start3A_295 = tpu.memref_squeeze %dma_start3A_294 : memref<1x128xi32, #tpu.memory_space<vmem>> -> memref<128xi32, #tpu.memory_space<vmem>>
        %dma_start3A_296 = arith.constant 0 : i32
        %dma_start3A_297 = arith.constant 0 : i32
        %dma_start3A_298 = tpu.memref_slice %arg20[%dma_start3A_296, %dma_start3A_297] : memref<10240x128xf32, #tpu.memory_space<vmem_shared>> -> memref<10240x128xf32, #tpu.memory_space<vmem_shared>>
        tpu.enqueue_indirect_dma source(%arg17 : memref<128x128xf32, #tpu.memory_space<vmem>>) target(%dma_start3A_298 : memref<10240x128xf32, #tpu.memory_space<vmem_shared>>) offsets(%dma_start3A_295 : memref<128xi32, #tpu.memory_space<vmem>>) semaphore(%run_scoped3A_292 : memref<!tpu.dma_semaphore, #tpu.memory_space<semaphore_mem>>) {add = true}
        %dma_wait3A_299 = arith.constant 0 : i32
        %dma_wait3A_300 = tpu.memref_slice %arg13[%run_scoped3A_264, %dma_wait3A_299] : memref<8x128xi32, #tpu.memory_space<vmem>> -> memref<1x128xi32, #tpu.memory_space<vmem>>
        %dma_wait3A_301 = tpu.memref_squeeze %dma_wait3A_300 : memref<1x128xi32, #tpu.memory_space<vmem>> -> memref<128xi32, #tpu.memory_space<vmem>>
        %dma_wait3A_302 = arith.constant 0 : i32
        %dma_wait3A_303 = arith.constant 0 : i32
        %dma_wait3A_304 = tpu.memref_slice %arg20[%dma_wait3A_302, %dma_wait3A_303] : memref<10240x128xf32, #tpu.memory_space<vmem_shared>> -> memref<10240x128xf32, #tpu.memory_space<vmem_shared>>
        tpu.wait_indirect_dma semaphore(%run_scoped3A_292 : memref<!tpu.dma_semaphore, #tpu.memory_space<semaphore_mem>>) src(%arg17 : memref<128x128xf32, #tpu.memory_space<vmem>>) dst(%dma_wait3A_304 : memref<10240x128xf32, #tpu.memory_space<vmem_shared>>)
        tpu.yield
      }) : () -> ()
      %dma_start3A_265 = arith.constant 7 : i32
      %dma_start3A_266 = arith.constant 0 : i32
      %dma_start3A_267 = tpu.memref_slice %arg12[%dma_start3A_265, %dma_start3A_266] : memref<8x128xi32, #tpu.memory_space<vmem>> -> memref<1x128xi32, #tpu.memory_space<vmem>>
      %dma_start3A_268 = tpu.memref_squeeze %dma_start3A_267 : memref<1x128xi32, #tpu.memory_space<vmem>> -> memref<128xi32, #tpu.memory_space<vmem>>
      %dma_start3A_269 = arith.constant 0 : i32
      %dma_start3A_270 = arith.constant 0 : i32
      %dma_start3A_271 = tpu.memref_slice %arg2[%dma_start3A_269, %dma_start3A_270] : memref<10000x128xf32, #tpu.memory_space<hbm>> -> memref<10000x128xf32, #tpu.memory_space<hbm>>
      tpu.enqueue_indirect_dma source(%dma_start3A_271 : memref<10000x128xf32, #tpu.memory_space<hbm>>) target(%arg17 : memref<128x128xf32, #tpu.memory_space<vmem>>) offsets(%dma_start3A_268 : memref<128xi32, #tpu.memory_space<vmem>>) semaphore(%arg21 : memref<!tpu.dma_semaphore, #tpu.memory_space<semaphore_mem>>)
      %scan3A_272 = arith.constant 0 : i32
      %scan3A_273 = arith.constant 0 : i32
      %scan3A_274 = arith.constant 8 : i32
      %scan3A_275 = arith.addi %scan3A_273, %scan3A_274 : i32
      %scan3A_276 = arith.constant 1 : i32
      scf.for %scan3A_292 = %scan3A_273 to %scan3A_275 step %scan3A_276  : i32 {
        %mul3A_293 = arith.constant 16 : i32
        %mul3A_294 = arith.muli %scan3A_292, %mul3A_293 : i32
        %get3A = arith.constant 7 : i32
        %get3A_295 = arith.index_cast %get3A : i32 to index
        %get3A_296 = arith.index_cast %mul3A_294 : i32 to index
        %get3A_297 = tpu.vector_load %arg13[%get3A_295, %get3A_296] {strides = array<i32>} : memref<8x128xi32, #tpu.memory_space<vmem>>, vector<16xi32>,
        %gather3A_298 = tpu.vector_load_idx %arg10[%get3A_297] : memref<10240xf32, #tpu.memory_space<vmem>>[vector<16xi32>], vector<16xf32>,
        %mul3A_299 = arith.constant 16 : i32
        %mul3A_300 = arith.muli %scan3A_292, %mul3A_299 : i32
        %get3A_301 = arith.constant 7 : i32
        %get3A_302 = arith.index_cast %get3A_301 : i32 to index
        %get3A_303 = arith.index_cast %mul3A_300 : i32 to index
        %get3A_304 = tpu.vector_load %arg14[%get3A_302, %get3A_303] {strides = array<i32>} : memref<8x128xf32, #tpu.memory_space<vmem>>, vector<16xf32>,
        %div3A_305 = arith.divf %get3A_304, %gather3A_298 : vector<16xf32>
        %mul3A_306 = arith.constant 16 : i32
        %mul3A_307 = arith.muli %scan3A_292, %mul3A_306 : i32
        %swap3A_308 = arith.index_cast %mul3A_307 : i32 to index
        %swap3A_309 = tpu.vector_load %arg16[%swap3A_308] {strides = array<i32>} : memref<128xf32, #tpu.memory_space<vmem>>, vector<16xf32>,
        tpu.vector_store %arg16[%swap3A_308], %div3A_305 {strides = array<i32>} : memref<128xf32, #tpu.memory_space<vmem>>, vector<16xf32>,
        %mul3A_310 = arith.mulf %get3A_304, %div3A_41 : vector<16xf32>
        %mul3A_311 = arith.constant 16 : i32
        %mul3A_312 = arith.muli %scan3A_292, %mul3A_311 : i32
        %swap3A_313 = arith.constant 7 : i32
        %swap3A_314 = arith.index_cast %swap3A_313 : i32 to index
        %swap3A_315 = arith.index_cast %mul3A_312 : i32 to index
        %swap3A_316 = tpu.vector_load %arg15[%swap3A_314, %swap3A_315] {strides = array<i32>} : memref<8x128xf32, #tpu.memory_space<vmem>>, vector<16xf32>,
        tpu.vector_store %arg15[%swap3A_314, %swap3A_315], %mul3A_310 {strides = array<i32>} : memref<8x128xf32, #tpu.memory_space<vmem>>, vector<16xf32>,
      }
      %scan3A_277 = arith.constant 8 : i32
      %dma_wait3A_278 = arith.constant 7 : i32
      %dma_wait3A_279 = arith.constant 0 : i32
      %dma_wait3A_280 = tpu.memref_slice %arg12[%dma_wait3A_278, %dma_wait3A_279] : memref<8x128xi32, #tpu.memory_space<vmem>> -> memref<1x128xi32, #tpu.memory_space<vmem>>
      %dma_wait3A_281 = tpu.memref_squeeze %dma_wait3A_280 : memref<1x128xi32, #tpu.memory_space<vmem>> -> memref<128xi32, #tpu.memory_space<vmem>>
      %dma_wait3A_282 = arith.constant 0 : i32
      %dma_wait3A_283 = arith.constant 0 : i32
      %dma_wait3A_284 = tpu.memref_slice %arg2[%dma_wait3A_282, %dma_wait3A_283] : memref<10000x128xf32, #tpu.memory_space<hbm>> -> memref<10000x128xf32, #tpu.memory_space<hbm>>
      tpu.wait_indirect_dma semaphore(%arg21 : memref<!tpu.dma_semaphore, #tpu.memory_space<semaphore_mem>>) src(%dma_wait3A_284 : memref<10000x128xf32, #tpu.memory_space<hbm>>) dst(%arg17 : memref<128x128xf32, #tpu.memory_space<vmem>>)
      %scan3A_285 = arith.constant 0 : i32
      %scan3A_286 = arith.constant 0 : i32
      %scan3A_287 = arith.constant 128 : i32
      %scan3A_288 = arith.addi %scan3A_286, %scan3A_287 : i32
      %scan3A_289 = arith.constant 1 : i32
      scf.for %scan3A_292 = %scan3A_286 to %scan3A_288 step %scan3A_289  : i32 {
        %broadcast_in_dim3A_293 = vector.broadcast %scan3A_292 : i32 to vector<16xi32>
        %gather3A_294 = tpu.vector_load_idx %arg16[%broadcast_in_dim3A_293] : memref<128xf32, #tpu.memory_space<vmem>>[vector<16xi32>], vector<16xf32>,
        %get3A = arith.index_cast %scan3A_292 : i32 to index
        %get3A_295 = arith.constant 0 : index
        %get3A_296 = tpu.vector_load %arg17[%get3A, %get3A_295] {strides = array<i32>} : memref<128x128xf32, #tpu.memory_space<vmem>>, vector<16xf32>,
        %mul3A_297 = arith.mulf %get3A_296, %gather3A_294 : vector<16xf32>
        %swap3A_298 = arith.index_cast %scan3A_292 : i32 to index
        %swap3A_299 = arith.constant 0 : index
        %swap3A_300 = tpu.vector_load %arg17[%swap3A_298, %swap3A_299] {strides = array<i32>} : memref<128x128xf32, #tpu.memory_space<vmem>>, vector<16xf32>,
        tpu.vector_store %arg17[%swap3A_298, %swap3A_299], %mul3A_297 {strides = array<i32>} : memref<128x128xf32, #tpu.memory_space<vmem>>, vector<16xf32>,
        %get3A_301 = arith.index_cast %scan3A_292 : i32 to index
        %get3A_302 = arith.constant 16 : index
        %get3A_303 = tpu.vector_load %arg17[%get3A_301, %get3A_302] {strides = array<i32>} : memref<128x128xf32, #tpu.memory_space<vmem>>, vector<16xf32>,
        %mul3A_304 = arith.mulf %get3A_303, %gather3A_294 : vector<16xf32>
        %swap3A_305 = arith.index_cast %scan3A_292 : i32 to index
        %swap3A_306 = arith.constant 16 : index
        %swap3A_307 = tpu.vector_load %arg17[%swap3A_305, %swap3A_306] {strides = array<i32>} : memref<128x128xf32, #tpu.memory_space<vmem>>, vector<16xf32>,
        tpu.vector_store %arg17[%swap3A_305, %swap3A_306], %mul3A_304 {strides = array<i32>} : memref<128x128xf32, #tpu.memory_space<vmem>>, vector<16xf32>,
        %get3A_308 = arith.index_cast %scan3A_292 : i32 to index
        %get3A_309 = arith.constant 32 : index
        %get3A_310 = tpu.vector_load %arg17[%get3A_308, %get3A_309] {strides = array<i32>} : memref<128x128xf32, #tpu.memory_space<vmem>>, vector<16xf32>,
        %mul3A_311 = arith.mulf %get3A_310, %gather3A_294 : vector<16xf32>
        %swap3A_312 = arith.index_cast %scan3A_292 : i32 to index
        %swap3A_313 = arith.constant 32 : index
        %swap3A_314 = tpu.vector_load %arg17[%swap3A_312, %swap3A_313] {strides = array<i32>} : memref<128x128xf32, #tpu.memory_space<vmem>>, vector<16xf32>,
        tpu.vector_store %arg17[%swap3A_312, %swap3A_313], %mul3A_311 {strides = array<i32>} : memref<128x128xf32, #tpu.memory_space<vmem>>, vector<16xf32>,
        %get3A_315 = arith.index_cast %scan3A_292 : i32 to index
        %get3A_316 = arith.constant 48 : index
        %get3A_317 = tpu.vector_load %arg17[%get3A_315, %get3A_316] {strides = array<i32>} : memref<128x128xf32, #tpu.memory_space<vmem>>, vector<16xf32>,
        %mul3A_318 = arith.mulf %get3A_317, %gather3A_294 : vector<16xf32>
        %swap3A_319 = arith.index_cast %scan3A_292 : i32 to index
        %swap3A_320 = arith.constant 48 : index
        %swap3A_321 = tpu.vector_load %arg17[%swap3A_319, %swap3A_320] {strides = array<i32>} : memref<128x128xf32, #tpu.memory_space<vmem>>, vector<16xf32>,
        tpu.vector_store %arg17[%swap3A_319, %swap3A_320], %mul3A_318 {strides = array<i32>} : memref<128x128xf32, #tpu.memory_space<vmem>>, vector<16xf32>,
        %get3A_322 = arith.index_cast %scan3A_292 : i32 to index
        %get3A_323 = arith.constant 64 : index
        %get3A_324 = tpu.vector_load %arg17[%get3A_322, %get3A_323] {strides = array<i32>} : memref<128x128xf32, #tpu.memory_space<vmem>>, vector<16xf32>,
        %mul3A_325 = arith.mulf %get3A_324, %gather3A_294 : vector<16xf32>
        %swap3A_326 = arith.index_cast %scan3A_292 : i32 to index
        %swap3A_327 = arith.constant 64 : index
        %swap3A_328 = tpu.vector_load %arg17[%swap3A_326, %swap3A_327] {strides = array<i32>} : memref<128x128xf32, #tpu.memory_space<vmem>>, vector<16xf32>,
        tpu.vector_store %arg17[%swap3A_326, %swap3A_327], %mul3A_325 {strides = array<i32>} : memref<128x128xf32, #tpu.memory_space<vmem>>, vector<16xf32>,
        %get3A_329 = arith.index_cast %scan3A_292 : i32 to index
        %get3A_330 = arith.constant 80 : index
        %get3A_331 = tpu.vector_load %arg17[%get3A_329, %get3A_330] {strides = array<i32>} : memref<128x128xf32, #tpu.memory_space<vmem>>, vector<16xf32>,
        %mul3A_332 = arith.mulf %get3A_331, %gather3A_294 : vector<16xf32>
        %swap3A_333 = arith.index_cast %scan3A_292 : i32 to index
        %swap3A_334 = arith.constant 80 : index
        %swap3A_335 = tpu.vector_load %arg17[%swap3A_333, %swap3A_334] {strides = array<i32>} : memref<128x128xf32, #tpu.memory_space<vmem>>, vector<16xf32>,
        tpu.vector_store %arg17[%swap3A_333, %swap3A_334], %mul3A_332 {strides = array<i32>} : memref<128x128xf32, #tpu.memory_space<vmem>>, vector<16xf32>,
        %get3A_336 = arith.index_cast %scan3A_292 : i32 to index
        %get3A_337 = arith.constant 96 : index
        %get3A_338 = tpu.vector_load %arg17[%get3A_336, %get3A_337] {strides = array<i32>} : memref<128x128xf32, #tpu.memory_space<vmem>>, vector<16xf32>,
        %mul3A_339 = arith.mulf %get3A_338, %gather3A_294 : vector<16xf32>
        %swap3A_340 = arith.index_cast %scan3A_292 : i32 to index
        %swap3A_341 = arith.constant 96 : index
        %swap3A_342 = tpu.vector_load %arg17[%swap3A_340, %swap3A_341] {strides = array<i32>} : memref<128x128xf32, #tpu.memory_space<vmem>>, vector<16xf32>,
        tpu.vector_store %arg17[%swap3A_340, %swap3A_341], %mul3A_339 {strides = array<i32>} : memref<128x128xf32, #tpu.memory_space<vmem>>, vector<16xf32>,
        %get3A_343 = arith.index_cast %scan3A_292 : i32 to index
        %get3A_344 = arith.constant 112 : index
        %get3A_345 = tpu.vector_load %arg17[%get3A_343, %get3A_344] {strides = array<i32>} : memref<128x128xf32, #tpu.memory_space<vmem>>, vector<16xf32>,
        %mul3A_346 = arith.mulf %get3A_345, %gather3A_294 : vector<16xf32>
        %swap3A_347 = arith.index_cast %scan3A_292 : i32 to index
        %swap3A_348 = arith.constant 112 : index
        %swap3A_349 = tpu.vector_load %arg17[%swap3A_347, %swap3A_348] {strides = array<i32>} : memref<128x128xf32, #tpu.memory_space<vmem>>, vector<16xf32>,
        tpu.vector_store %arg17[%swap3A_347, %swap3A_348], %mul3A_346 {strides = array<i32>} : memref<128x128xf32, #tpu.memory_space<vmem>>, vector<16xf32>,
      }
      %scan3A_290 = arith.constant 128 : i32
      %run_scoped3A_291 = arith.constant 7 : i32
      "tpu.region"() ({
        %run_scoped3A_292 = tpu.sem_alloc : memref<!tpu.dma_semaphore, #tpu.memory_space<semaphore_mem>>
        %dma_start3A_293 = arith.constant 0 : i32
        %dma_start3A_294 = tpu.memref_slice %arg13[%run_scoped3A_291, %dma_start3A_293] : memref<8x128xi32, #tpu.memory_space<vmem>> -> memref<1x128xi32, #tpu.memory_space<vmem>>
        %dma_start3A_295 = tpu.memref_squeeze %dma_start3A_294 : memref<1x128xi32, #tpu.memory_space<vmem>> -> memref<128xi32, #tpu.memory_space<vmem>>
        %dma_start3A_296 = arith.constant 0 : i32
        %dma_start3A_297 = arith.constant 0 : i32
        %dma_start3A_298 = tpu.memref_slice %arg20[%dma_start3A_296, %dma_start3A_297] : memref<10240x128xf32, #tpu.memory_space<vmem_shared>> -> memref<10240x128xf32, #tpu.memory_space<vmem_shared>>
        tpu.enqueue_indirect_dma source(%arg17 : memref<128x128xf32, #tpu.memory_space<vmem>>) target(%dma_start3A_298 : memref<10240x128xf32, #tpu.memory_space<vmem_shared>>) offsets(%dma_start3A_295 : memref<128xi32, #tpu.memory_space<vmem>>) semaphore(%run_scoped3A_292 : memref<!tpu.dma_semaphore, #tpu.memory_space<semaphore_mem>>) {add = true}
        %dma_wait3A_299 = arith.constant 0 : i32
        %dma_wait3A_300 = tpu.memref_slice %arg13[%run_scoped3A_291, %dma_wait3A_299] : memref<8x128xi32, #tpu.memory_space<vmem>> -> memref<1x128xi32, #tpu.memory_space<vmem>>
        %dma_wait3A_301 = tpu.memref_squeeze %dma_wait3A_300 : memref<1x128xi32, #tpu.memory_space<vmem>> -> memref<128xi32, #tpu.memory_space<vmem>>
        %dma_wait3A_302 = arith.constant 0 : i32
        %dma_wait3A_303 = arith.constant 0 : i32
        %dma_wait3A_304 = tpu.memref_slice %arg20[%dma_wait3A_302, %dma_wait3A_303] : memref<10240x128xf32, #tpu.memory_space<vmem_shared>> -> memref<10240x128xf32, #tpu.memory_space<vmem_shared>>
        tpu.wait_indirect_dma semaphore(%run_scoped3A_292 : memref<!tpu.dma_semaphore, #tpu.memory_space<semaphore_mem>>) src(%arg17 : memref<128x128xf32, #tpu.memory_space<vmem>>) dst(%dma_wait3A_304 : memref<10240x128xf32, #tpu.memory_space<vmem_shared>>)
        tpu.yield
      }) : () -> ()
      "tpu.region"() ({
        %run_scoped3A_292 = tpu.sem_alloc : memref<!tpu.dma_semaphore, #tpu.memory_space<semaphore_mem>>
        %dma_start3A_293 = arith.constant 0 : i32
        %dma_start3A_294 = tpu.memref_slice %arg9[%mul3A_76, %dma_start3A_293] : memref<2560x128xf32, #tpu.memory_space<hbm>> -> memref<8x128xf32, #tpu.memory_space<hbm>>
        %dma_start3A_295 = arith.constant 0 : i32
        %dma_start3A_296 = tpu.memref_slice %arg9[%mul3A_76, %dma_start3A_295] : memref<2560x128xf32, #tpu.memory_space<hbm>> -> memref<8x128xf32, #tpu.memory_space<hbm>>
        tpu.enqueue_dma source(%arg15 : memref<8x128xf32, #tpu.memory_space<vmem>>) target(%dma_start3A_296 : memref<8x128xf32, #tpu.memory_space<hbm>>) target_semaphore(%run_scoped3A_292 : memref<!tpu.dma_semaphore, #tpu.memory_space<semaphore_mem>>)
        %dma_wait3A_297 = arith.constant 0 : i32
        %dma_wait3A_298 = tpu.memref_slice %arg9[%mul3A_76, %dma_wait3A_297] : memref<2560x128xf32, #tpu.memory_space<hbm>> -> memref<8x128xf32, #tpu.memory_space<hbm>>
        %dma_wait3A_299 = arith.constant 0 : i32
        %dma_wait3A_300 = tpu.memref_slice %arg9[%mul3A_76, %dma_wait3A_299] : memref<2560x128xf32, #tpu.memory_space<hbm>> -> memref<8x128xf32, #tpu.memory_space<hbm>>
        tpu.wait_dma2 semaphore(%run_scoped3A_292 : memref<!tpu.dma_semaphore, #tpu.memory_space<semaphore_mem>>) src(%arg15 : memref<8x128xf32, #tpu.memory_space<vmem>>) dst(%dma_wait3A_300 : memref<8x128xf32, #tpu.memory_space<hbm>>)
        tpu.yield
      }) : () -> ()
    }
    %scan3A_65 = arith.constant 10 : i32
    %barrier3A_66 = arith.constant 0 : index
    tpu.barrier barrier_id(%barrier3A_66)
    %mul3A_67 = arith.constant 640 : i32
    %mul3A_68 = arith.muli %arg1, %mul3A_67 : i32
    %mul3A_69 = arith.constant 640 : i32
    %mul3A_70 = arith.muli %arg1, %mul3A_69 : i32
    "tpu.region"() ({
      %run_scoped3A = tpu.sem_alloc : memref<!tpu.dma_semaphore, #tpu.memory_space<semaphore_mem>>
      %dma_start3A = arith.constant 0 : i32
      %dma_start3A_71 = tpu.memref_slice %arg8[%arg0, %mul3A_70, %dma_start3A] : memref<2x10240x128xf32, #tpu.memory_space<hbm>> -> memref<1x640x128xf32, #tpu.memory_space<hbm>>
      %dma_start3A_72 = tpu.memref_squeeze %dma_start3A_71 : memref<1x640x128xf32, #tpu.memory_space<hbm>> -> memref<640x128xf32, #tpu.memory_space<hbm>>
      %dma_start3A_73 = arith.constant 0 : i32
      %dma_start3A_74 = tpu.memref_slice %arg20[%mul3A_68, %dma_start3A_73] : memref<10240x128xf32, #tpu.memory_space<vmem_shared>> -> memref<640x128xf32, #tpu.memory_space<vmem_shared>>
      tpu.enqueue_dma source(%dma_start3A_74 : memref<640x128xf32, #tpu.memory_space<vmem_shared>>) target(%dma_start3A_72 : memref<640x128xf32, #tpu.memory_space<hbm>>) target_semaphore(%run_scoped3A : memref<!tpu.dma_semaphore, #tpu.memory_space<semaphore_mem>>)
      %dma_wait3A = arith.constant 0 : i32
      %dma_wait3A_75 = tpu.memref_slice %arg8[%arg0, %mul3A_70, %dma_wait3A] : memref<2x10240x128xf32, #tpu.memory_space<hbm>> -> memref<1x640x128xf32, #tpu.memory_space<hbm>>
      %dma_wait3A_76 = tpu.memref_squeeze %dma_wait3A_75 : memref<1x640x128xf32, #tpu.memory_space<hbm>> -> memref<640x128xf32, #tpu.memory_space<hbm>>
      %dma_wait3A_77 = arith.constant 0 : i32
      %dma_wait3A_78 = tpu.memref_slice %arg20[%mul3A_68, %dma_wait3A_77] : memref<10240x128xf32, #tpu.memory_space<vmem_shared>> -> memref<640x128xf32, #tpu.memory_space<vmem_shared>>
      tpu.wait_dma2 semaphore(%run_scoped3A : memref<!tpu.dma_semaphore, #tpu.memory_space<semaphore_mem>>) src(%dma_wait3A_78 : memref<640x128xf32, #tpu.memory_space<vmem_shared>>) dst(%dma_wait3A_76 : memref<640x128xf32, #tpu.memory_space<hbm>>)
      tpu.yield
    }) : () -> ()
    return
  }
}

module attributes {stable_mosaic.version = 14 : i64} {
  func.func @_mm_body(%arg0: i32, %arg1: memref<2000x128xf32, #tpu.memory_space<vmem>>, %arg2: memref<128x128xf32, #tpu.memory_space<vmem>>, %arg3: memref<128x128xf32, #tpu.memory_space<vmem>>, %arg4: memref<2x128xf32, #tpu.memory_space<vmem>>, %arg5: memref<2000x128xf32, #tpu.memory_space<vmem>>, %arg6: memref<2000x128xf32, #tpu.memory_space<vmem>>, %arg7: memref<2000x2xf32, #tpu.memory_space<vmem>>) attributes {dimension_semantics = [#tpu.dimension_semantics<arbitrary>], iteration_bounds = array<i64: 5>, scalar_prefetch = 0 : i64, scratch_operands = 0 : i64, tpu.core_type = #tpu.core_type<tc>, window_params = [{transform_indices = @transform_0, window_bounds = array<i64: 2000, 128>}, {pipeline_mode = #tpu.pipeline_mode<synchronous>, transform_indices = @transform_1, window_bounds = array<i64: 128, 128>}, {pipeline_mode = #tpu.pipeline_mode<synchronous>, transform_indices = @transform_2, window_bounds = array<i64: 128, 128>}, {pipeline_mode = #tpu.pipeline_mode<synchronous>, transform_indices = @transform_3, window_bounds = array<i64: 2, 128>}, {transform_indices = @transform_4, window_bounds = array<i64: 2000, 128>}, {transform_indices = @transform_5, window_bounds = array<i64: 2000, 128>}, {transform_indices = @transform_6, window_bounds = array<i64: 2000, 2>}]} {
    %get3A = arith.constant 0 : index
    %get3A_0 = arith.constant 0 : index
    %get3A_1 = vector.load %arg1[%get3A, %get3A_0] : memref<2000x128xf32, #tpu.memory_space<vmem>>, vector<2000x128xf32>
    %get3A_2 = arith.constant 0 : index
    %get3A_3 = arith.constant 0 : index
    %get3A_4 = vector.load %arg2[%get3A_2, %get3A_3] : memref<128x128xf32, #tpu.memory_space<vmem>>, vector<128x128xf32>
    %get3A_5 = arith.constant 0 : index
    %get3A_6 = arith.constant 0 : index
    %get3A_7 = vector.load %arg3[%get3A_5, %get3A_6] : memref<128x128xf32, #tpu.memory_space<vmem>>, vector<128x128xf32>
    %get3A_8 = arith.constant 0 : index
    %get3A_9 = arith.constant 0 : index
    %get3A_10 = vector.load %arg4[%get3A_8, %get3A_9] : memref<2x128xf32, #tpu.memory_space<vmem>>, vector<2x128xf32>
    %dot_general3A = arith.constant dense<0.000000e+00> : vector<2000x128xf32>
    %dot_general3A_11 = tpu.matmul %get3A_1, %get3A_4, %dot_general3A {dimension_numbers = #tpu.dot_dimension_numbers<[1], [1], [0], [0], [0, 0, 1, 0], [], []>, transpose_lhs_hint = false} : vector<2000x128xf32>, vector<128x128xf32>, vector<2000x128xf32> -> vector<2000x128xf32>
    %swap3A = arith.constant 0 : index
    %swap3A_12 = arith.constant 0 : index
    %swap3A_13 = vector.load %arg5[%swap3A, %swap3A_12] : memref<2000x128xf32, #tpu.memory_space<vmem>>, vector<2000x128xf32>
    tpu.vector_store %arg5[%swap3A, %swap3A_12], %dot_general3A_11 {strides = array<i32>} : memref<2000x128xf32, #tpu.memory_space<vmem>>, vector<2000x128xf32>,
    %dot_general3A_14 = arith.constant dense<0.000000e+00> : vector<2000x128xf32>
    %dot_general3A_15 = tpu.matmul %get3A_1, %get3A_7, %dot_general3A_14 {dimension_numbers = #tpu.dot_dimension_numbers<[1], [1], [0], [0], [0, 0, 1, 0], [], []>, transpose_lhs_hint = false} : vector<2000x128xf32>, vector<128x128xf32>, vector<2000x128xf32> -> vector<2000x128xf32>
    %swap3A_16 = arith.constant 0 : index
    %swap3A_17 = arith.constant 0 : index
    %swap3A_18 = vector.load %arg6[%swap3A_16, %swap3A_17] : memref<2000x128xf32, #tpu.memory_space<vmem>>, vector<2000x128xf32>
    tpu.vector_store %arg6[%swap3A_16, %swap3A_17], %dot_general3A_15 {strides = array<i32>} : memref<2000x128xf32, #tpu.memory_space<vmem>>, vector<2000x128xf32>,
    %dot_general3A_19 = arith.constant dense<0.000000e+00> : vector<2x128xf32>
    %dot_general3A_20 = tpu.matmul %get3A_10, %get3A_7, %dot_general3A_19 {dimension_numbers = #tpu.dot_dimension_numbers<[1], [0], [0], [1], [0, 0, 1, 1], [], []>, transpose_lhs_hint = false} : vector<2x128xf32>, vector<128x128xf32>, vector<2x128xf32> -> vector<2x128xf32>
    %dot_general3A_21 = arith.constant dense<0.000000e+00> : vector<2000x2xf32>
    %dot_general3A_22 = tpu.matmul %get3A_1, %dot_general3A_20, %dot_general3A_21 {dimension_numbers = #tpu.dot_dimension_numbers<[1], [1], [0], [0], [0, 0, 1, 0], [], []>, transpose_lhs_hint = false} : vector<2000x128xf32>, vector<2x128xf32>, vector<2000x2xf32> -> vector<2000x2xf32>
    %swap3A_23 = arith.constant 0 : index
    %swap3A_24 = arith.constant 0 : index
    %swap3A_25 = vector.load %arg7[%swap3A_23, %swap3A_24] : memref<2000x2xf32, #tpu.memory_space<vmem>>, vector<2000x2xf32>
    tpu.vector_store %arg7[%swap3A_23, %swap3A_24], %dot_general3A_22 {strides = array<i32>} : memref<2000x2xf32, #tpu.memory_space<vmem>>, vector<2000x2xf32>,
    return
  }
  func.func @transform_0(%arg0: i32) -> (i32, i32) {
    %c0_i32 = arith.constant 0 : i32
    %c0_i32_0 = arith.constant 0 : i32
    return %arg0, %c0_i32 : i32, i32
  }
  func.func @transform_1(%arg0: i32) -> (i32, i32) {
    %c0_i32 = arith.constant 0 : i32
    %c0_i32_0 = arith.constant 0 : i32
    %c0_i32_1 = arith.constant 0 : i32
    return %c0_i32, %c0_i32_0 : i32, i32
  }
  func.func @transform_2(%arg0: i32) -> (i32, i32) {
    %c0_i32 = arith.constant 0 : i32
    %c0_i32_0 = arith.constant 0 : i32
    %c0_i32_1 = arith.constant 0 : i32
    return %c0_i32, %c0_i32_0 : i32, i32
  }
  func.func @transform_3(%arg0: i32) -> (i32, i32) {
    %c0_i32 = arith.constant 0 : i32
    %c0_i32_0 = arith.constant 0 : i32
    %c0_i32_1 = arith.constant 0 : i32
    return %c0_i32, %c0_i32_0 : i32, i32
  }
  func.func @transform_4(%arg0: i32) -> (i32, i32) {
    %c0_i32 = arith.constant 0 : i32
    %c0_i32_0 = arith.constant 0 : i32
    return %arg0, %c0_i32 : i32, i32
  }
  func.func @transform_5(%arg0: i32) -> (i32, i32) {
    %c0_i32 = arith.constant 0 : i32
    %c0_i32_0 = arith.constant 0 : i32
    return %arg0, %c0_i32 : i32, i32
  }
  func.func @transform_6(%arg0: i32) -> (i32, i32) {
    %c0_i32 = arith.constant 0 : i32
    %c0_i32_0 = arith.constant 0 : i32
    return %arg0, %c0_i32 : i32, i32
  }
}

module attributes {stable_mosaic.version = 14 : i64} {
  func.func @_fin_body(%arg0: i32, %arg1: memref<2000x128xf32, #tpu.memory_space<vmem>>, %arg2: memref<2000x128xf32, #tpu.memory_space<vmem>>, %arg3: memref<2000x1xf32, #tpu.memory_space<vmem>>, %arg4: memref<2x2000x128xf32, #tpu.memory_space<vmem>>, %arg5: memref<2000x128xf32, #tpu.memory_space<vmem>>) attributes {dimension_semantics = [#tpu.dimension_semantics<arbitrary>], iteration_bounds = array<i64: 5>, scalar_prefetch = 0 : i64, scratch_operands = 0 : i64, tpu.core_type = #tpu.core_type<tc>, window_params = [{transform_indices = @transform_0, window_bounds = array<i64: 2000, 128>}, {transform_indices = @transform_1, window_bounds = array<i64: 2000, 128>}, {transform_indices = @transform_2, window_bounds = array<i64: 2000, 1>}, {transform_indices = @transform_3, window_bounds = array<i64: 2, 2000, 128>}, {transform_indices = @transform_4, window_bounds = array<i64: 2000, 128>}]} {
    %get3A = arith.constant 0 : index
    %get3A_0 = arith.constant 0 : index
    %get3A_1 = vector.load %arg3[%get3A, %get3A_0] : memref<2000x1xf32, #tpu.memory_space<vmem>>, vector<2000x1xf32>
    %get3A_2 = arith.constant 0 : index
    %get3A_3 = arith.constant 0 : index
    %get3A_4 = vector.load %arg2[%get3A_2, %get3A_3] : memref<2000x128xf32, #tpu.memory_space<vmem>>, vector<2000x128xf32>
    %get3A_5 = arith.constant 0 : index
    %get3A_6 = arith.constant 0 : index
    %get3A_7 = arith.constant 0 : index
    %get3A_8 = vector.load %arg4[%get3A_5, %get3A_6, %get3A_7] : memref<2x2000x128xf32, #tpu.memory_space<vmem>>, vector<1x2000x128xf32>
    %get3A_9 = vector.shape_cast %get3A_8 : vector<1x2000x128xf32> to vector<2000x128xf32>
    %add3A = arith.addf %get3A_4, %get3A_9 : vector<2000x128xf32>
    %get3A_10 = arith.constant 1 : index
    %get3A_11 = arith.constant 0 : index
    %get3A_12 = arith.constant 0 : index
    %get3A_13 = vector.load %arg4[%get3A_10, %get3A_11, %get3A_12] : memref<2x2000x128xf32, #tpu.memory_space<vmem>>, vector<1x2000x128xf32>
    %get3A_14 = vector.shape_cast %get3A_13 : vector<1x2000x128xf32> to vector<2000x128xf32>
    %add3A_15 = arith.addf %add3A, %get3A_14 : vector<2000x128xf32>
    %gt3A = arith.constant 0.000000e+00 : f32
    %gt3A_16 = vector.broadcast %gt3A : f32 to vector<2000x1xf32>
    %gt3A_17 = arith.cmpf ogt, %get3A_1, %gt3A_16 : vector<2000x1xf32>
    %get3A_18 = arith.constant 0 : index
    %get3A_19 = arith.constant 0 : index
    %get3A_20 = vector.load %arg1[%get3A_18, %get3A_19] : memref<2000x128xf32, #tpu.memory_space<vmem>>, vector<2000x128xf32>
    %broadcast_in_dim3A = vector.shape_cast %gt3A_17 : vector<2000x1xi1> to vector<2000x1xi1>
    %broadcast_in_dim3A_21 = vector.broadcast %broadcast_in_dim3A : vector<2000x1xi1> to vector<2000x128xi1>
    %select_n3A = arith.select %broadcast_in_dim3A_21, %add3A_15, %get3A_20 : vector<2000x128xi1>, vector<2000x128xf32>
    %get3A_22 = arith.constant 0 : index
    %get3A_23 = arith.constant 0 : index
    %get3A_24 = vector.load %arg1[%get3A_22, %get3A_23] : memref<2000x128xf32, #tpu.memory_space<vmem>>, vector<2000x128xf32>
    %max3A = arith.constant 0.000000e+00 : f32
    %max3A_25 = vector.broadcast %max3A : f32 to vector<2000x128xf32>
    %max3A_26 = arith.maximumf %select_n3A, %max3A_25 : vector<2000x128xf32>
    %add3A_27 = arith.addf %get3A_24, %max3A_26 : vector<2000x128xf32>
    %swap3A = arith.constant 0 : index
    %swap3A_28 = arith.constant 0 : index
    %swap3A_29 = vector.load %arg5[%swap3A, %swap3A_28] : memref<2000x128xf32, #tpu.memory_space<vmem>>, vector<2000x128xf32>
    tpu.vector_store %arg5[%swap3A, %swap3A_28], %add3A_27 {strides = array<i32>} : memref<2000x128xf32, #tpu.memory_space<vmem>>, vector<2000x128xf32>,
    return
  }
  func.func @transform_0(%arg0: i32) -> (i32, i32) {
    %c0_i32 = arith.constant 0 : i32
    %c0_i32_0 = arith.constant 0 : i32
    return %arg0, %c0_i32 : i32, i32
  }
  func.func @transform_1(%arg0: i32) -> (i32, i32) {
    %c0_i32 = arith.constant 0 : i32
    %c0_i32_0 = arith.constant 0 : i32
    return %arg0, %c0_i32 : i32, i32
  }
  func.func @transform_2(%arg0: i32) -> (i32, i32) {
    %c0_i32 = arith.constant 0 : i32
    %c0_i32_0 = arith.constant 0 : i32
    return %arg0, %c0_i32 : i32, i32
  }
  func.func @transform_3(%arg0: i32) -> (i32, i32, i32) {
    %c0_i32 = arith.constant 0 : i32
    %c0_i32_0 = arith.constant 0 : i32
    %c0_i32_1 = arith.constant 0 : i32
    return %c0_i32, %arg0, %c0_i32_0 : i32, i32, i32
  }
  func.func @transform_4(%arg0: i32) -> (i32, i32) {
    %c0_i32 = arith.constant 0 : i32
    %c0_i32_0 = arith.constant 0 : i32
    return %arg0, %c0_i32 : i32, i32
  }
}

</mosaic_0001>

<sc_bundles>
// kernel: kernel.6.cloned.1.call-start
scs
__scs_entry_jumppad:
0x0: {  	(pc) =	sbr.rel $0x88, $3  }
0x1: {  	(tag) =	ssettag $0x0;
	lr =	simm.s32 $0x1  }
0x2: {  	[smem:$0x3F9C] =	sst lr;
	_ =	strace $0xD0000000  }
0x3: {  	_ = 	snop  }
0x4: {  	_ = 	snop  }
0x5: {  	_ = 	snop  }
0x6: {  	_ = 	snop  }
0x7: {  	_ = 	snop  }
__scs_overlays_trampoline_lowered:
0x8: {  	[smem:$0x3FAB] =	sst s0  }
0x9: {  	[smem:$0x3FAC] =	sst s1  }
0xa: {  	[smem:$0x3FAD] =	sst s2  }
0xb: {  	[smem:$0x3FAE] =	sst s3  }
0xc: {  	[smem:$0x3FAF] =	sst s4  }
0xd: {  	[smem:$0x3FB0] =	sst s5  }
0xe: {  	[smem:$0x3FB1] =	sst s6  }
0xf: {  	[smem:$0x3FB2] =	sst s7  }
0x10: {  	[smem:$0x3FB3] =	sst s8  }
0x11: {  	[smem:$0x3FB4] =	sst s9;
	s0 =	simm.s32 @!p0 $0x0  }
0x12: {  	s1 =	sld [smem:$0x3F9A];
	s0 =	simm.s32 @p0 $0x1  }
0x13: {  	[smem:$0x3FB5] =	sst s0;
	s0 =	simm.s32 @!p1 $0x0  }
0x14: {  	s2 =	sld [smem:$0x3F99];
	s0 =	simm.s32 @p1 $0x1  }
0x15: {  	[smem:$0x3FB6] =	sst s0;
	s0 =	simm.s32 @!p2 $0x0  }
0x16: {  	s3 =	sld [smem:$0x3FDB];
	s0 =	simm.s32 @p2 $0x1  }
0x17: {  	s4 =	simm.s32 $0x1BF5;
	[smem:$0x3FB8] =	sst s0  }
0x18: {  	s0 =	sld [smem:$0x3F9B];
	_ =	swait.ge [sflag:s4], $0x0  }
0x19: {  	s7 =	sld [smem:$0x3F9C]  }
0x1a: {  	s8 =	sadd.s32 $0xFFFFE003, lr  }
0x1b: {  	s9 =	sadd.s32 $0xFFFFFEF7, lr;
	s5 =	simm.s32 $0xFFFFFFFF;
	p2 =	slt.u32 s8, $0xFFFFF086  }
0x1c: {  	p1 =	slt.u32 s9, $0xF7A;
	s5 =	simm.s32 @!p2 $0x0  }
0x1d: {  	s5 =	simm.s32 @p1 $0x1;
	p0 =	seq.s32 s7, s2  }
0x1e: {  	s7 =	smul.u32 @!p0 $0xF7A, s2;
	p2 =	seq.s32 @!p0 s5, $0x0  }
0x1f: {  	s9 =	smul.u32 $0xF7A, s1;
	s8 =	simm.s32 @!p0 $0x1BF5;
	p2 =	por !p2, p0  }
0x20: {  	[sflag:s8] =	ssyncset.s32 @!p0 $0xFFFFF086;
	s6 =	sadd.s32 @!p0 s3, s7;
	s7 =	simm.s32 @!p0 $0x108  }
0x21: {  	s3 =	sadd.s32 s3, s9;
	s6 =	sadd.s32 @!p0 $0x88, s6;
	s7 =	simm.s32 @p2 $0x1082  }
0x22: {  	[simem:s7], [sflag:s8] =	dma.local @!p0 [hbm:s6], $0xF7A  }
0x23: {  	s9 =	sor.u32 $0xD0000000, s2;
	s6 =	simm.s32 $0x108;
	_ =	swait.ge @!p0 [sflag:s8], $0x0  }
0x24: {  	s3 =	sadd.s32 $0x88, s3;
	s6 =	simm.s32 @!p1 $0x1082;
	[sflag:s4] =	ssyncset.s32 $0xFFFFF086  }
0x25: {  	[simem:s6], [sflag:s4] =	dma.local [hbm:s3], $0xF7A  }
0x26: {  	[smem:$0x3F9C] =	sst s1;
	(tag) =	ssettag s2;
	_ =	strace s9  }
0x27: {  	s1 =	sld [smem:$0x3FAC]  }
0x28: {  	s2 =	sld [smem:$0x3FAD]  }
0x29: {  	s4 =	sld [smem:$0x3FAF]  }
0x2a: {  	p0 =	seq.s32 s5, $0x0;
	s5 =	sld [smem:$0x3FB0]  }
0x2b: {  	s6 =	sld [smem:$0x3FB1]  }
0x2c: {  	s7 =	sld [smem:$0x3FB2]  }
0x2d: {  	s3 =	simm.s32 $0x108;
	s8 =	sld [smem:$0x3FB3]  }
0x2e: {  	s3 =	simm.s32 @!p0 $0x1082;
	s9 =	sld [smem:$0x3FB4]  }
0x2f: {  	lr =	sadd.s32 s0, s3;
	s0 =	sld [smem:$0x3FAB]  }
0x30: {  	s3 =	sld [smem:$0x3FAE]  }
0x31: {  	[smem:$0x3FB7] =	sst s10  }
0x32: {  	s10 =	sld [smem:$0x3FB5];
	_ =	sdelay $0x3  }
0x33: {  	p0 =	seq.s32 s10, $0x1;
	s10 =	sld [smem:$0x3FB7];
	_ =	sdelay $0x3  }
0x34: {  	[smem:$0x3FB7] =	sst s10  }
0x35: {  	s10 =	sld [smem:$0x3FB6];
	_ =	sdelay $0x3  }
0x36: {  	p1 =	seq.s32 s10, $0x1;
	s10 =	sld [smem:$0x3FB7];
	_ =	sdelay $0x3  }
0x37: {  	[smem:$0x3FB7] =	sst s10  }
0x38: {  	s10 =	sld [smem:$0x3FB8]  }
0x39: {  	_ = 	snop;
	(pc) =	sbr.ind lr, $3  }
0x3a: {  	_ = 	snop  }
0x3b: {  	_ = 	snop  }
0x3c: {  	p2 =	seq.s32 s10, $0x1;
	s10 =	sld [smem:$0x3FB7]  }
0x3d: {  	_ =	shalt  }
0x3e: {  	_ =	shalt  }
0x3f: {  	_ =	shalt  }
0x40: {  	_ =	shalt  }
0x41: {  	_ =	shalt  }
0x42: {  	_ =	shalt  }
0x43: {  	_ =	shalt  }
0x44: {  	_ =	shalt  }
0x45: {  	_ =	shalt  }
0x46: {  	_ =	shalt  }
0x47: {  	_ =	shalt  }
0x48: {  	_ =	shalt  }
0x49: {  	_ =	shalt  }
0x4a: {  	_ =	shalt  }
0x4b: {  	_ =	shalt  }
0x4c: {  	_ =	shalt  }
0x4d: {  	_ =	shalt  }
0x4e: {  	_ =	shalt  }
0x4f: {  	_ =	shalt  }
0x50: {  	_ =	shalt  }
0x51: {  	_ =	shalt  }
0x52: {  	_ =	shalt  }
0x53: {  	_ =	shalt  }
0x54: {  	_ =	shalt  }
0x55: {  	_ =	shalt  }
0x56: {  	_ =	shalt  }
0x57: {  	_ =	shalt  }
0x58: {  	_ =	shalt  }
0x59: {  	_ =	shalt  }
0x5a: {  	_ =	shalt  }
0x5b: {  	_ =	shalt  }
0x5c: {  	_ =	shalt  }
0x5d: {  	_ =	shalt  }
0x5e: {  	_ =	shalt  }
0x5f: {  	_ =	shalt  }
0x60: {  	_ =	shalt  }
0x61: {  	_ =	shalt  }
0x62: {  	_ =	shalt  }
0x63: {  	_ =	shalt  }
0x64: {  	_ =	shalt  }
0x65: {  	_ =	shalt  }
0x66: {  	_ =	shalt  }
0x67: {  	_ =	shalt  }
0x68: {  	_ =	shalt  }
0x69: {  	_ =	shalt  }
0x6a: {  	_ =	shalt  }
0x6b: {  	_ =	shalt  }
0x6c: {  	_ =	shalt  }
0x6d: {  	_ =	shalt  }
0x6e: {  	_ =	shalt  }
0x6f: {  	_ =	shalt  }
0x70: {  	_ =	shalt  }
0x71: {  	_ =	shalt  }
0x72: {  	_ =	shalt  }
0x73: {  	_ =	shalt  }
0x74: {  	_ =	shalt  }
0x75: {  	_ =	shalt  }
0x76: {  	_ =	shalt  }
0x77: {  	_ =	shalt  }
0x78: {  	_ =	shalt  }
0x79: {  	_ =	shalt  }
0x7a: {  	_ =	shalt  }
0x7b: {  	_ =	shalt  }
0x7c: {  	_ =	shalt  }
0x7d: {  	_ =	shalt  }
0x7e: {  	_ =	shalt  }
0x7f: {  	_ =	shalt  }
0x80: {  	_ =	shalt  }
0x81: {  	_ =	shalt  }
0x82: {  	_ =	shalt  }
0x83: {  	_ =	shalt  }
0x84: {  	_ =	shalt  }
0x85: {  	_ =	shalt  }
0x86: {  	_ =	shalt  }
0x87: {  	_ =	shalt  }
.Lfunc_end0:
.L_simem_size_0:
called_computation_lowered:
.L_overlay_start_0:
0x88: {  	s2 =	sld [smem:$0x3FD9]  }
0x89: {  	s3 =	sld [smem:$0x3FFE];
	_ =	sdelay $0x1  }
0x8a: {  	s1 =	srdreg.scid  }
0x8b: {  	s0 =	sand.u32 $0x1, s1  }
0x8c: {  	s14 =	sshll.u32 s0, $0xA;
	s2 =	sadd.s32 s3, s2  }
0x8d: {  	s2 =	sadd.s32 s2, s14  }
0x8e: {  	[smem:$0x3FC3] =	sst s2  }
0x8f: {  	_ = 	snop  }
0x90: {  	s2 =	sld [smem:$0x3FD0];
	_ =	sdelay $0x2  }
0x91: {  	s15 =	simm.s32 $0xA;
	s4 =	simm.s32 $0x10  }
0x92: {  	[smem:s4], [sflag:s15] =	dma.local [hbm:s2], $0x1  }
0x93: {  	_ =	swait.eq [sflag:s15], $0x1  }
0x94: {  	[sflag:s15] =	ssyncset.done $0x0  }
0x95: {  	[sflag:s15] =	ssyncadd.s32 $0xFFFFFFFF  }
0x96: {  	s16 =	sld [smem:$0x11];
	(tm) =	ssettm $0x1  }
0x97: {  	s17 =	sld [smem:$0x3FFB];
	_ =	sdelay $0x3  }
0x98: {  	_ =	strace s17  }
0x99: {  	s3 =	sld [smem:$0x3FFC];
	_ =	sdelay $0x3  }
0x9a: {  	_ =	strace s3  }
0x9b: {  	s3 =	sld [smem:$0x3FFD];
	_ =	sdelay $0x3  }
0x9c: {  	_ =	strace s3  }
0x9d: {  	_ =	strace $0x8FFFFFFF  }
0x9e: {  	s18 =	sld [smem:$0x3FDB];
	_ =	sdelay $0x1  }
0x9f: {  	s19 =	simm.s32 $_scs_section_size  }
0xa0: {  	s5 =	simm.s32 $_size__tile_overlayer_lowered;
	s6 =	simm.s32 $_tile_overlayer_lowered  }
0xa1: {  	s22 =	simm.s32 $0x1BFF;
	s21 =	sshll.u32 s6, $0x1;
	s3 =	sadd.s32 s19, s18  }
0xa2: {  	s7 =	simm.s32 $0x0;
	s20 =	sshll.u32 s5, $0x1;
	s5 =	sadd.s32 s21, s3  }
0xa3: {  	[timem:s7], [sflag:s22] =	dma.local [hbm:s5], s20  }
0xa4: {  	_ =	swait.ge [sflag:s22], s20  }
0xa5: {  	s4 =	ssub.s32 $0x0, s20;
	[sflag:s22] =	ssyncset.done $0x0  }
0xa6: {  	[sflag:s22] =	ssyncadd.s32 s4;
	_ =	sdelay $0x1  }
0xa7: {  	s23 =	simm.s32 $0x1B8B  }
0xa8: {  	_ =	swait.ge [sflag:s23], $0x1  }
0xa9: {  	[sflag:s23] =	ssyncset.done $0x0  }
0xaa: {  	s25 =	simm.s32 $0x1B8E;
	s24 =	sld [smem:$0x3FFE];
	[sflag:s23] =	ssyncadd.s32 $0xFFFFFFFF  }
0xab: {  	s26 =	simm.s32 $execute0_lowered;
	[smem:$0x3FD2] =	sst s25  }
0xac: {  	s5 =	sshll.u32 s26, $0x1;
	_ =	strace $0x80000046;
	[dreg:$0x1] =	wrdreg $0xFFFFFFFF  }
0xad: {  	s28 =	simm.s32 $_size_execute0_lowered;
	s3 =	sadd.s32 s3, s5;
	[dreg:$0x0] =	wrdreg $0x0  }
0xae: {  	s5 =	sshll.u32 s28, $0x1;
	[dreg:$0x2] =	wrdreg s3  }
0xaf: {  	[dreg:$0x3] =	wrdreg s5  }
0xb0: {  	[dreg:$0x4] =	wrdreg $0xC0  }
0xb1: {  	_ =	task [dreg:s7], $0x5FFFF  }
0xb2: {  	[dreg:$0x1] =	wrdreg $0xFFFFFFFF  }
0xb3: {  	[dreg:$0x0] =	wrdreg $0x60  }
0xb4: {  	[dreg:$0x2] =	wrdreg s16  }
0xb5: {  	[dreg:$0x3] =	wrdreg s24  }
0xb6: {  	[dreg:$0x4] =	wrdreg $0x5D800  }
0xb7: {  	[dreg:$0x5] =	wrdreg $0x9  }
0xb8: {  	_ =	task.clear_ibuf [dreg:s7], $0x6FFFF;
	_ =	strace $0x90000046  }
0xb9: {  	s29 =	simm.s32 $0x9;
	_ =	strace $0x80000048  }
0xba: {  	_ =	swait.ge [sflag:s29], $0x1  }
0xbb: {  	[sflag:s29] =	ssyncadd.s32 $0xFFFFFFFF  }
0xbc: {  	_ =	strace $0x90000048  }
0xbd: {  	_ =	sfence  }
0xbe: {  	s30 =	sld [smem:$0x0];
	_ =	sdelay $0x2  }
0xbf: {  	s31 =	sshll.u32 s1, $0xD;
	s1 =	sshrl.u32 s1, $0x2  }
0xc0: {  	s3 =	sand.u32 $0x4000, s31;
	s1 =	sadd.s32 s1, s30  }
0xc1: {  	s0 =	sor.u32 s3, s0;
	s1 =	sshll.u32 s1, $0x11  }
0xc2: {  	s0 =	sor.u32 s1, s0  }
0xc3: {  	s0 =	sadd.s32 $0x8F2B, s0  }
0xc4: {  	[sflag:s0] =	ssyncadd.remote.s32 $0x1  }
0xc5: {  	_ =	sfence.sel $0xFFFF  }
0xc6: {  	[dreg:$0x0] =	wrdreg $0xFFFFFFFF;
	(pc) =	sbr.abs _section_cstart, $3  }
0xc7: {  	[dreg:$0x1] =	wrdreg $0xFFFFFFFF  }
0xc8: {  	_ =	task.clear_ibuf [dreg:s7], $0x2FFFF;
	_ =	strace $0x9FFFFFFF  }
0xc9: {  	(tm) =	ssettm $0x7FFFFFFF  }
tec
execute0_lowered:
.L_overlay_start_1:
0x0: {  	(tag) =	ssettag $0x1  }
0x1: {  	s0 =	rddreg [dreg:$0x1]  }
0x2: {  	s2 =	rddreg [dreg:$0x2]  }
0x3: {  	s4 =	simm.s32 $0x0;
	s1 =	srdreg.scid;
	s12 =	stileid.u32  }
0x4: {  	s14 =	simm.s32 $0x2;
	s18 =	simm.s32 $0x5280;
	s19 =	simm.s32 $0x5680  }
0x5: {  	s20 =	simm.s32 $0x80;
	s23 =	simm.s32 $0x5380;
	s28 =	simm.s32 $0x5480  }
0x6: {  	s29 =	simm.s32 $0x5880;
	s30 =	simm.s32 $0x5500;
	s31 =	simm.s32 $0x5900  }
0x7: {  	s15 =	simm.s32 $0x5600;
	[smem:$0x7FF] =	sst s4;
	s5 =	sadd.s32 $0x2A00, s0  }
0x8: {  	v0 =	vimm.s32 $0xEFCDAB89;
	s1 =	sand.u32 $0x1, s1;
	s3 =	sshll.u32 s12, $0x1;
	s10 =	smul.u32 $0x280, s12  }
0x9: {  	v1 =	vimm.s32 $0x67452301;
	s6 =	sadd.s32 $0x16A00, s0;
	s12 =	smul.u32 $0x5000, s12;
	_ =	strace $0x80000047  }
0xa: {  	v2 =	vimm.s32 $0xDCFE98BA;
	v3 =	vimm.s32 $0x54761032;
	v4 =	vimm.s32 $0xBA98FEDC;
	s3 =	sor.u32 s1, s3;
	s7 =	ssub.s32 $0x2, s1;
	p0 =	seq.s32 s1, $0x1  }
0xb: {  	v5 =	vimm.s32 $0x32107654;
	v6 =	vimm.s32 $0xFEDCBA98;
	s1 =	smul.u32 $0x2800, s1;
	s8 =	sshll.u32 s3, $0x1;
	s9 =	sshrl.u32 s7, $0x1  }
0xc: {  	v7 =	vimm.s32 $0x76543210;
	v0 =	vunpack.c.l.s4.s8 v0;
	v1 =	vunpack.c.l.s4.s8 v1;
	s13 =	sadd.s32 s10, s2;
	s10 =	sshrl.u32 s10, $0x3;
	s11 =	sadd.s32 s8, s0  }
0xd: {  	v2 =	vunpack.c.l.s4.s8 v2;
	v3 =	vunpack.c.l.s4.s8 v3;
	v4 =	vunpack.c.l.s4.s8 v4;
	s7 =	ssub.s32 s7, s9;
	s8 =	smul.u32 $0xA, s3;
	s3 =	simm.s32 $0x21000  }
0xe: {  	v5 =	vunpack.c.l.s4.s8 v5;
	v6 =	vunpack.c.l.s4.s8 v6;
	v7 =	vunpack.c.l.s4.s8 v7;
	s9 =	sadd.s32 $0xCA00, s0;
	s26 =	sadd.s32 s1, s12;
	s12 =	simm.s32 $0x5D00  }
0xf: {  	v0 =	vunpack.c.0.s8.s32 v0;
	v1 =	vunpack.c.0.s8.s32 v1;
	v2 =	vunpack.c.0.s8.s32 v2;
	s1 =	simm.s32 $0x5980;
	[dreg:$0x4] =	wrdreg s13;
	s3 =	simm.s32 @!p0 $0x20A00  }
0x10: {  	v3 =	vunpack.c.0.s8.s32 v3;
	v4 =	vunpack.c.0.s8.s32 v4;
	v5 =	vunpack.c.0.s8.s32 v5;
	s24 =	sadd.s32 $0x21600, s11;
	s25 =	smax.u32 s7, $0x1;
	[dreg:$0x8] =	wrdreg s26  }
0x11: {  	v6 =	vunpack.c.0.s8.s32 v6;
	v1 =	vcombine.low v1, v0;
	s26 =	simm.s32 $0x5800;
	s11 =	simm.s32 $0x0;
	[dreg:$0x5] =	wrdreg s24  }
0x12: {  	v2 =	vcombine.low v3, v2;
	v3 =	vcombine.low v5, v4;
	v4 =	vunpack.c.0.s8.s32 v7;
	s0 =	sadd.s32 s3, s0;
	[dreg:$0x6] =	wrdreg s25;
	s24 =	simm.s32 $0x5780  }
0x13: {  	v0 =	vimm.f32 $0.0e+00;
	v5 =	vand.u32 $0xF, v6;
	s25 =	simm.s32 $0x5400;
	s3 =	simm.s32 $0x5A00;
	s0 =	sadd.s32 s0, s10;
	v1 =	vand.u32 $0xF, v1  }
0x14: {  	v2 =	vand.u32 $0xF, v2;
	v3 =	vand.u32 $0xF, v3;
	v4 =	vcombine.low v5, v4;
	s10 =	simm.s32 $0x1;
	[dreg:$0x7] =	wrdreg s0;
	s0 =	simm.s32 $0x5580  }
.LBB2_1:
0x15: {  	[dreg:$0x9] =	wrdreg s11  }
0x16: {  	s7 =	rddreg [dreg:$0x0]  }
0x17: {  	[tilespmem:s4], [sflag:$0x2] =	stream.linear.gather [hbm4b:s7+s4], $0x4E80, $0x38;
	[tilespmem:$0x6000] =	vst v63  }
0x18: {  	_ =	swait.ge [sflag:s14], $0x4E80  }
0x19: {  	[sflag:s14] =	ssyncset.done $0x0  }
0x1a: {  	[sflag:s14] =	ssyncadd.s32 $0xFFFFB180  }
0x1b: {  	[tilespmem:$0x5A80] =	vst v0  }
0x1c: {  	[tilespmem:$0x5A90] =	vst v0  }
0x1d: {  	[tilespmem:$0x5AA0] =	vst v0  }
0x1e: {  	[tilespmem:$0x5AB0] =	vst v0  }
0x1f: {  	[tilespmem:$0x5AC0] =	vst v0  }
0x20: {  	[tilespmem:$0x5AD0] =	vst v0  }
0x21: {  	[tilespmem:$0x5AE0] =	vst v0  }
0x22: {  	[tilespmem:$0x5AF0] =	vst v0  }
0x23: {  	[tilespmem:$0x5B00] =	vst v0  }
0x24: {  	[tilespmem:$0x5B10] =	vst v0  }
0x25: {  	[tilespmem:$0x5B20] =	vst v0  }
0x26: {  	[tilespmem:$0x5B30] =	vst v0  }
0x27: {  	[tilespmem:$0x5B40] =	vst v0  }
0x28: {  	[tilespmem:$0x5B50] =	vst v0  }
0x29: {  	[tilespmem:$0x5B60] =	vst v0  }
0x2a: {  	[tilespmem:$0x5B70] =	vst v0  }
0x2b: {  	[tilespmem:$0x5B80] =	vst v0  }
0x2c: {  	[tilespmem:$0x5B90] =	vst v0  }
0x2d: {  	[tilespmem:$0x5BA0] =	vst v0  }
0x2e: {  	[tilespmem:$0x5BB0] =	vst v0  }
0x2f: {  	[tilespmem:$0x5BC0] =	vst v0  }
0x30: {  	[tilespmem:$0x5BD0] =	vst v0  }
0x31: {  	[tilespmem:$0x5BE0] =	vst v0  }
0x32: {  	[tilespmem:$0x5BF0] =	vst v0  }
0x33: {  	[tilespmem:$0x5C00] =	vst v0  }
0x34: {  	[tilespmem:$0x5C10] =	vst v0  }
0x35: {  	[tilespmem:$0x5C20] =	vst v0  }
0x36: {  	[tilespmem:$0x5C30] =	vst v0  }
0x37: {  	[tilespmem:$0x5C40] =	vst v0  }
0x38: {  	[tilespmem:$0x5C50] =	vst v0  }
0x39: {  	[tilespmem:$0x5C60] =	vst v0  }
0x3a: {  	[tilespmem:$0x5C70] =	vst v0  }
0x3b: {  	[tilespmem:$0x5C80] =	vst v0  }
0x3c: {  	[tilespmem:$0x5C90] =	vst v0  }
0x3d: {  	[tilespmem:$0x5CA0] =	vst v0  }
0x3e: {  	[tilespmem:$0x5CB0] =	vst v0  }
0x3f: {  	[tilespmem:$0x5CC0] =	vst v0  }
0x40: {  	[tilespmem:$0x5CD0] =	vst v0  }
0x41: {  	[tilespmem:$0x5CE0] =	vst v0  }
0x42: {  	s21 =	simm.s32 $0x5A80;
	[tilespmem:$0x5CF0] =	vst v0  }
0x43: {  	[spmem:s13] =	stream.linear.scatter [tilespmem:s21], [sflag:$0x2], $0x280, $0x38;
	[tilespmem:$0x6000] =	vst v63  }
0x44: {  	_ =	swait.ge [sflag:s14], $0x280  }
0x45: {  	[sflag:s14] =	ssyncset.done $0x0  }
0x46: {  	s22 =	simm.s32 $0x0;
	[sflag:s14] =	ssyncadd.s32 $0xFFFFFD80  }
0x47: {  	v5 =	vimm.f32 $-1.000000020e+30;
	s7 =	simm.s32 $0x40;
	v6 =	vld [tilespmem:s22+$0x0]  }
.LBB2_2:
0x48: {  	p0 =	sne.s32 s7, $0x13840  }
.Ltmp0:
0x49: {  	_ = 	snop;
	(pc) =	sbr.rel @p0 .LBB2_2-.Ltmp0, $3  }
0x4a: {  	_ =	sdelay $0x1  }
0x4b: {  	s11 =	sshra.s32 s7, $0x2;
	s7 =	sadd.s32 $0x40, s7;
	v5 =	vmax.f32 v5, v6  }
0x4c: {  	v6 =	vld [tilespmem:s11+$0x0]  }
0x4d: {  	_ =	sdelay $0x3  }
0x4e: {  	v5 =	vmax.f32 v5, v6  }
0x4f: {  	[tilespmem:$0x5D00] =	vst v5  }
0x50: {  	v6 =	vld.idx.msk [tilespmem:v1+s12+$0x0], $0xffff;
	_ =	sdelay $0x4  }
0x51: {  	v5 =	vmax.f32 v5, v6  }
0x52: {  	[tilespmem:$0x5D00] =	vst v5  }
0x53: {  	v6 =	vld.idx.msk [tilespmem:v2+s12+$0x0], $0xffff;
	_ =	sdelay $0x4  }
0x54: {  	v5 =	vmax.f32 v5, v6  }
0x55: {  	[tilespmem:$0x5D00] =	vst v5  }
0x56: {  	v6 =	vld.idx.msk [tilespmem:v3+s12+$0x0], $0xffff;
	_ =	sdelay $0x4  }
0x57: {  	v5 =	vmax.f32 v5, v6  }
0x58: {  	[tilespmem:$0x5D00] =	vst v5  }
0x59: {  	v6 =	vld.idx.msk [tilespmem:v4+s12+$0x0], $0xffff;
	_ =	sdelay $0x4  }
0x5a: {  	v5 =	vmax.f32 v5, v6  }
0x5b: {  	v5 =	vadd.f32 v5, v5;
	_ =	sdelay $0x1  }
0x5c: {  	v7 =	vmul.f32 $9.999999770e-03, v5  }
0x5d: {  	[bflag:$0x0] =	sbarrier.arrive $0xFFFF;
	vm0 =	vgt.f32 v5, $0.0e+00  }
0x5e: {  	s7 =	simm.s32 $0x0;
	s12 =	simm.s32 $0x0;
	s17 =	rddreg [dreg:$0x8];
	v6 =	vimm.f32 $0.0e+00;
	v5 =	vsel vm0, v5, v7  }
.LBB2_4:
0x5f: {  	s11 =	sadd.s32 s8, s7  }
0x60: {  	s16 =	sshll.u32 s11, $0x7  }
0x61: {  	s13 =	simm.s32 $0x4E80;
	s11 =	sadd.s32 s5, s16  }
0x62: {  	[tilespmem:s13], [sflag:$0x2] =	stream.linear.gather [hbm4b:s11+s12], $0x400, $0x38;
	[tilespmem:$0x6000] =	vst v63  }
0x63: {  	_ =	swait.ge [sflag:s14], $0x400  }
0x64: {  	[sflag:s14] =	ssyncset.done $0x0  }
0x65: {  	s21 =	sadd.s32 s16, s9;
	[sflag:s14] =	ssyncadd.s32 $0xFFFFFC00  }
0x66: {  	[tilespmem:s18], [sflag:$0x2] =	stream.linear.gather [hbm4b:s21+s12], $0x400, $0x38;
	[tilespmem:$0x6000] =	vst v63  }
0x67: {  	_ =	swait.ge [sflag:s14], $0x400  }
0x68: {  	[sflag:s14] =	ssyncset.done $0x0  }
0x69: {  	s22 =	simm.s32 $0x0;
	[sflag:s14] =	ssyncadd.s32 $0xFFFFFC00  }
0x6a: {  	v7 =	vld [tilespmem:s22+$0x5280]  }
0x6b: {  	v8 =	vld [tilespmem:s22+$0x4E80];
	_ =	sdelay $0x4  }
0x6c: {  	v7 =	vshll.u32 v7, $0x1;
	v8 =	vshll.u32 v8, $0x1  }
0x6d: {  	v7 =	vor.u32 $0x1, v7;
	_ =	sdelay $0x3  }
0x6e: {  	v8 =	vld.idx.msk [tilespmem:v8+s4+$0x0], $0xffff  }
0x6f: {  	v7 =	vld.idx.msk [tilespmem:v7+s4+$0x0], $0xffff;
	_ =	sdelay $0x4  }
0x70: {  	v7 =	vadd.f32 v7, v8;
	_ =	sdelay $0x1  }
0x71: {  	v8 =	vmul.f32 $9.999999770e-03, v7  }
0x72: {  	vm0 =	vgt.f32 v7, $0.0e+00  }
0x73: {  	v7 =	vsel vm0, v7, v8  }
0x74: {  	v7 =	vsub.f32 v7, v5;
	_ =	sdelay $0x1  }
0x75: {  	v7 =	vmul.f32 $1.442695020e+00, v7;
	_ =	sdelay $0x1  }
0x76: {  	s11 =	simm.s32 $0x10;
	(erf) = vpow2.f32 v7  }
0x77: {  	v7 =	vld [tilespmem:s11+$0x5280];
	_ =	sdelay $0x1  }
0x78: {  	v8 =	vld [tilespmem:s11+$0x4E80];
	_ =	sdelay $0x2  }
0x79: {  	v7 =	vshll.u32 v7, $0x1  }
0x7a: {  	v7 =	vor.u32 $0x1, v7  }
0x7b: {  	v8 =	vshll.u32 v8, $0x1  }
0x7c: {  	p0 =	slt.u32 s17, $0x4E200;
	v9 =	vpop (erf)  }
0x7d: {  	v9 =	vpsel !p0, $0x0, v9  }
0x7e: {  	[tilespmem:s22+$0x5680] =	vst v9  }
0x7f: {  	v7 =	vld.idx.msk [tilespmem:v7+s4+$0x0], $0xffff  }
0x80: {  	v8 =	vld.idx.msk [tilespmem:v8+s4+$0x0], $0xffff;
	_ =	sdelay $0x4  }
0x81: {  	v7 =	vadd.f32 v7, v8;
	_ =	sdelay $0x1  }
0x82: {  	v8 =	vmul.f32 $9.999999770e-03, v7  }
0x83: {  	vm15 =	vgt.f32 v7, $0.0e+00  }
0x84: {  	v7 =	vsel vm15, v7, v8  }
0x85: {  	v7 =	vsub.f32 v7, v5;
	_ =	sdelay $0x1  }
0x86: {  	v7 =	vmul.f32 $1.442695020e+00, v7;
	_ =	sdelay $0x1  }
0x87: {  	s21 =	simm.s32 $0x20;
	(erf) = vpow2.f32 v7  }
0x88: {  	s13 =	smov.u32 s17;
	v6 =	vadd.f32 v9, v6;
	s22 =	simm.s32 $0xC0;
	v7 =	vld [tilespmem:s21+$0x5280]  }
.LBB2_5:
0x89: {  	p0 =	sne.s32 s22, $0xFC0  }
0x8a: {  	v8 =	vld [tilespmem:s21+$0x4E80];
	_ =	sdelay $0x2  }
0x8b: {  	v7 =	vshll.u32 v7, $0x1  }
0x8c: {  	v7 =	vor.u32 $0x1, v7  }
0x8d: {  	s13 =	sadd.s32 $0x10, s13;
	v8 =	vshll.u32 v8, $0x1  }
0x8e: {  	p1 =	slt.u32 s13, $0x4E200;
	v9 =	vpop (erf)  }
0x8f: {  	v9 =	vpsel !p1, $0x0, v9  }
0x90: {  	[tilespmem:s11+$0x5680] =	vst v9;
	v6 =	vadd.f32 v9, v6;
	s11 =	smov.u32 s21  }
0x91: {  	v7 =	vld.idx.msk [tilespmem:v7+s4+$0x0], $0xffff  }
0x92: {  	v8 =	vld.idx.msk [tilespmem:v8+s4+$0x0], $0xffff;
	_ =	sdelay $0x5  }
0x93: {  	v7 =	vadd.f32 v7, v8;
	_ =	sdelay $0x1  }
0x94: {  	v8 =	vmul.f32 $9.999999770e-03, v7  }
0x95: {  	vm0 =	vgt.f32 v7, $0.0e+00  }
0x96: {  	v7 =	vsel vm0, v7, v8  }
0x97: {  	v7 =	vsub.f32 v7, v5  }
.Ltmp1:
0x98: {  	(pc) =	sbr.rel @p0 .LBB2_5-.Ltmp1, $3  }
0x99: {  	v7 =	vmul.f32 $1.442695020e+00, v7;
	_ =	sdelay $0x1  }
0x9a: {  	s21 =	sshra.s32 s22, $0x2;
	(erf) = vpow2.f32 v7  }
0x9b: {  	s22 =	sadd.s32 $0x40, s22;
	v7 =	vld [tilespmem:s21+$0x5280]  }
0x9c: {  	_ = 	snop  }
0x9d: {  	v8 =	vld [tilespmem:s21+$0x4E80];
	_ =	sdelay $0x2  }
0x9e: {  	v7 =	vshll.u32 v7, $0x1  }
0x9f: {  	v7 =	vor.u32 $0x1, v7  }
0xa0: {  	s13 =	sadd.s32 $0x10, s13;
	v8 =	vshll.u32 v8, $0x1  }
0xa1: {  	p0 =	slt.u32 s13, $0x4E200;
	v9 =	vpop (erf)  }
0xa2: {  	v9 =	vpsel !p0, $0x0, v9  }
0xa3: {  	[tilespmem:s11+$0x5680] =	vst v9  }
0xa4: {  	v7 =	vld.idx.msk [tilespmem:v7+s4+$0x0], $0xffff  }
0xa5: {  	v8 =	vld.idx.msk [tilespmem:v8+s4+$0x0], $0xffff;
	_ =	sdelay $0x4  }
0xa6: {  	v7 =	vadd.f32 v7, v8;
	_ =	sdelay $0x1  }
0xa7: {  	v8 =	vmul.f32 $9.999999770e-03, v7  }
0xa8: {  	vm0 =	vgt.f32 v7, $0.0e+00  }
0xa9: {  	v7 =	vsel vm0, v7, v8  }
0xaa: {  	v7 =	vsub.f32 v7, v5;
	_ =	sdelay $0x1  }
0xab: {  	v7 =	vmul.f32 $1.442695020e+00, v7;
	_ =	sdelay $0x1  }
0xac: {  	(erf) = vpow2.f32 v7;
	_ =	sdelay $0x7  }
0xad: {  	s13 =	sadd.s32 $0x10, s13  }
0xae: {  	p6 =	slt.u32 s13, $0x4E200;
	v7 =	vpop (erf)  }
0xaf: {  	v7 =	vpsel !p6, $0x0, v7  }
0xb0: {  	s16 =	sadd.s32 s6, s16;
	[tilespmem:s21+$0x5680] =	vst v7  }
0xb1: {  	[hbm4b:s16+s4] =	stream.linear.scatter [tilespmem:s19], [sflag:$0x2], $0x400, $0x38;
	[tilespmem:$0x6000] =	vst v63  }
0xb2: {  	_ =	swait.ge [sflag:s14], $0x400  }
0xb3: {  	[sflag:s14] =	ssyncset.done $0x0  }
0xb4: {  	[sflag:s14] =	ssyncadd.s32 $0xFFFFFC00  }
0xb5: {  	[spmem:s2] =	stream.indirect.scatter.add.f32 [tilespmem:s19], [sflag:$0x1], $0x1, s18, s20, $0xb8;
	[tilespmem:$0x6000] =	vst v63  }
0xb6: {  	s22 =	simm.s32 $0x5700;
	s21 =	simm.s32 $0x5300  }
0xb7: {  	[spmem:s2] =	stream.indirect.scatter.add.f32 [tilespmem:s22], [sflag:$0x1], $0x1, s21, s20, $0xb8;
	[tilespmem:$0x6000] =	vst v63  }
0xb8: {  	_ = 	snop  }
0xb9: {  	[spmem:s2] =	stream.indirect.scatter.add.f32 [tilespmem:s24], [sflag:$0x1], $0x1, s23, s20, $0xb8;
	[tilespmem:$0x6000] =	vst v63  }
0xba: {  	_ = 	snop  }
0xbb: {  	[spmem:s2] =	stream.indirect.scatter.add.f32 [tilespmem:s26], [sflag:$0x1], $0x1, s25, s20, $0xb8;
	[tilespmem:$0x6000] =	vst v63  }
0xbc: {  	_ = 	snop  }
0xbd: {  	[spmem:s2] =	stream.indirect.scatter.add.f32 [tilespmem:s29], [sflag:$0x1], $0x1, s28, s20, $0xb8;
	[tilespmem:$0x6000] =	vst v63  }
0xbe: {  	_ = 	snop  }
0xbf: {  	[spmem:s2] =	stream.indirect.scatter.add.f32 [tilespmem:s31], [sflag:$0x1], $0x1, s30, s20, $0xb8;
	[tilespmem:$0x6000] =	vst v63  }
0xc0: {  	_ = 	snop  }
0xc1: {  	[spmem:s2] =	stream.indirect.scatter.add.f32 [tilespmem:s1], [sflag:$0x1], $0x1, s0, s20, $0xb8;
	[tilespmem:$0x6000] =	vst v63  }
0xc2: {  	_ = 	snop  }
0xc3: {  	[spmem:s2] =	stream.indirect.scatter.add.f32 [tilespmem:s3], [sflag:$0x1], $0x1, s15, s20, $0xb8;
	[tilespmem:$0x6000] =	vst v63  }
0xc4: {  	_ =	swait.ge [sflag:s10], $0x80  }
0xc5: {  	[sflag:s10] =	ssyncset.done $0x0  }
0xc6: {  	[sflag:s10] =	ssyncadd.s32 $0xFFFFFF80  }
0xc7: {  	_ =	swait.ge [sflag:s10], $0x80  }
0xc8: {  	[sflag:s10] =	ssyncset.done $0x0  }
0xc9: {  	[sflag:s10] =	ssyncadd.s32 $0xFFFFFF80  }
0xca: {  	_ =	swait.ge [sflag:s10], $0x80  }
0xcb: {  	[sflag:s10] =	ssyncset.done $0x0  }
0xcc: {  	[sflag:s10] =	ssyncadd.s32 $0xFFFFFF80  }
0xcd: {  	_ =	swait.ge [sflag:s10], $0x80  }
0xce: {  	[sflag:s10] =	ssyncset.done $0x0  }
0xcf: {  	[sflag:s10] =	ssyncadd.s32 $0xFFFFFF80  }
0xd0: {  	_ =	swait.ge [sflag:s10], $0x80  }
0xd1: {  	[sflag:s10] =	ssyncset.done $0x0  }
0xd2: {  	[sflag:s10] =	ssyncadd.s32 $0xFFFFFF80  }
0xd3: {  	_ =	swait.ge [sflag:s10], $0x80  }
0xd4: {  	[sflag:s10] =	ssyncset.done $0x0  }
0xd5: {  	s7 =	sadd.s32 $0x1, s7;
	[sflag:s10] =	ssyncadd.s32 $0xFFFFFF80  }
0xd6: {  	p0 =	sne.s32 s7, $0xA;
	_ =	swait.ge [sflag:s10], $0x80  }
.Ltmp2:
0xd7: {  	[sflag:s10] =	ssyncset.done $0x0;
	(pc) =	sbr.rel @p0 .LBB2_4-.Ltmp2, $4  }
0xd8: {  	[sflag:s10] =	ssyncadd.s32 $0xFFFFFF80  }
0xd9: {  	v6 =	vadd.f32 v9, v6;
	_ =	swait.ge [sflag:s10], $0x80  }
0xda: {  	[sflag:s10] =	ssyncset.done $0x0  }
0xdb: {  	s17 =	sadd.s32 $0x400, s17;
	v6 =	vadd.f32 v7, v6;
	[sflag:s10] =	ssyncadd.s32 $0xFFFFFF80  }
0xdc: {  	s7 =	stileid.u32;
	[bflag:$0x0] =	sbarrier.arrive $0xFFFF  }
0xdd: {  	s7 =	sshll.u32 s7, $0x6;
	s13 =	rddreg [dreg:$0x4]  }
0xde: {  	s12 =	rddreg [dreg:$0x7];
	s7 =	sor.u32 $0x1C02, s7;
	s11 =	sshrl.u32 s13, $0x3  }
0xdf: {  	[hbm:s12], [sflag:s7] =	dma.local [spmem:s11], $0x50  }
0xe0: {  	_ =	swait.ge [sflag:s14], $0x50  }
0xe1: {  	[sflag:s14] =	ssyncset.done $0x0  }
0xe2: {  	[sflag:s14] =	ssyncadd.s32 $0xFFFFFFB0  }
0xe3: {  	s12 =	simm.s32 $0x5D00;
	s17 =	rddreg [dreg:$0x5];
	[tilespmem:$0x5D00] =	vst v6  }
0xe4: {  	[hbm4b:s17+s4] =	stream.linear.scatter [tilespmem:s12], [sflag:$0x2], $0x10, $0x38;
	[tilespmem:$0x6000] =	vst v63  }
0xe5: {  	_ =	swait.ge [sflag:s14], $0x10  }
0xe6: {  	s21 =	rddreg [dreg:$0x9]  }
0xe7: {  	s22 =	rddreg [dreg:$0x6];
	s11 =	sadd.s32 $0x1, s21  }
0xe8: {  	p0 =	sne.s32 s11, s22  }
.Ltmp3:
0xe9: {  	_ = 	snop;
	(pc) =	sbr.rel @p0 .LBB2_1-.Ltmp3, $3  }
0xea: {  	_ =	sdelay $0x1  }
0xeb: {  	[sflag:s14] =	ssyncset.done $0x0  }
0xec: {  	[sflag:s14] =	ssyncadd.s32 $0xFFFFFFF0  }
0xed: {  	_ =	sfence.sel $0x180000  }
0xee: {  	[bflag:$0x0] =	sbarrier.arrive $0xFFFF  }
0xef: {  	_ =	strace $0x90000047  }
0xf0: {  	s0 =	stileid.u32;
	[bflag:$0x2] =	sbarrier.arrive $0xFFFF  }
0xf1: {  	p0 =	sne.s32 s0, $0x0;
	s0 =	rddreg [dreg:$0x3]  }
0xf2: {  	s0 =	sadd.s32 @!p0 $0x100000, s0  }
0xf3: {  	[sflag:s0] =	ssyncadd.tile.s32 @!p0 $0x1;
	_ =	shalt  }
.Lfunc_end2:
_tile_overlayer_lowered:
.L_overlay_start_2:
0xf4: {  	(tag) =	ssettag $0x2  }
0xf5: {  	s0 =	rddreg [dreg:$0x0];
	s2 =	stileid.u32  }
0xf6: {  	s1 =	rddreg [dreg:$0x1];
	p0 =	sne.s32 s2, $0x0  }
0xf7: {  	s3 =	rddreg [dreg:$0x2];
	[bflag:$0x3] =	sbarrier.arrive $0xFFFF;
	s2 =	simm.s32 @!p0 $0x1C02  }
0xf8: {  	[timem:s3], [sflag:s2] =	dma.local @!p0 [hbm:s0], s1  }
0xf9: {  	s0 =	simm.s32 @!p0 $0x2  }
0xfa: {  	_ =	swait.ge @!p0 [sflag:s0], s1  }
0xfb: {  	s1 =	ssub.s32 @!p0 $0x0, s1;
	[sflag:s0] =	ssyncset.done @!p0 $0x0  }
0xfc: {  	[sflag:s0] =	ssyncadd.s32 @!p0 s1  }
0xfd: {  	[bflag:$0x3] =	sbarrier.arrive $0xFFFF  }
0xfe: {  	_ =	shalt  }

// kernel: kernel.9.cloned.1.call-start
scs
__scs_entry_jumppad:
0x0: {  	(pc) =	sbr.rel $0x88, $3  }
0x1: {  	(tag) =	ssettag $0x0;
	lr =	simm.s32 $0x1  }
0x2: {  	[smem:$0x3F9C] =	sst lr;
	_ =	strace $0xD0000000  }
0x3: {  	_ = 	snop  }
0x4: {  	_ = 	snop  }
0x5: {  	_ = 	snop  }
0x6: {  	_ = 	snop  }
0x7: {  	_ = 	snop  }
__scs_overlays_trampoline_lowered:
0x8: {  	[smem:$0x3FAB] =	sst s0  }
0x9: {  	[smem:$0x3FAC] =	sst s1  }
0xa: {  	[smem:$0x3FAD] =	sst s2  }
0xb: {  	[smem:$0x3FAE] =	sst s3  }
0xc: {  	[smem:$0x3FAF] =	sst s4  }
0xd: {  	[smem:$0x3FB0] =	sst s5  }
0xe: {  	[smem:$0x3FB1] =	sst s6  }
0xf: {  	[smem:$0x3FB2] =	sst s7  }
0x10: {  	[smem:$0x3FB3] =	sst s8  }
0x11: {  	[smem:$0x3FB4] =	sst s9;
	s0 =	simm.s32 @!p0 $0x0  }
0x12: {  	s1 =	sld [smem:$0x3F9A];
	s0 =	simm.s32 @p0 $0x1  }
0x13: {  	[smem:$0x3FB5] =	sst s0;
	s0 =	simm.s32 @!p1 $0x0  }
0x14: {  	s2 =	sld [smem:$0x3F99];
	s0 =	simm.s32 @p1 $0x1  }
0x15: {  	[smem:$0x3FB6] =	sst s0;
	s0 =	simm.s32 @!p2 $0x0  }
0x16: {  	s3 =	sld [smem:$0x3FDB];
	s0 =	simm.s32 @p2 $0x1  }
0x17: {  	s4 =	simm.s32 $0x1BF5;
	[smem:$0x3FB8] =	sst s0  }
0x18: {  	s0 =	sld [smem:$0x3F9B];
	_ =	swait.ge [sflag:s4], $0x0  }
0x19: {  	s7 =	sld [smem:$0x3F9C]  }
0x1a: {  	s8 =	sadd.s32 $0xFFFFE003, lr  }
0x1b: {  	s9 =	sadd.s32 $0xFFFFFEF7, lr;
	s5 =	simm.s32 $0xFFFFFFFF;
	p2 =	slt.u32 s8, $0xFFFFF086  }
0x1c: {  	p1 =	slt.u32 s9, $0xF7A;
	s5 =	simm.s32 @!p2 $0x0  }
0x1d: {  	s5 =	simm.s32 @p1 $0x1;
	p0 =	seq.s32 s7, s2  }
0x1e: {  	s7 =	smul.u32 @!p0 $0xF7A, s2;
	p2 =	seq.s32 @!p0 s5, $0x0  }
0x1f: {  	s9 =	smul.u32 $0xF7A, s1;
	s8 =	simm.s32 @!p0 $0x1BF5;
	p2 =	por !p2, p0  }
0x20: {  	[sflag:s8] =	ssyncset.s32 @!p0 $0xFFFFF086;
	s6 =	sadd.s32 @!p0 s3, s7;
	s7 =	simm.s32 @!p0 $0x108  }
0x21: {  	s3 =	sadd.s32 s3, s9;
	s6 =	sadd.s32 @!p0 $0x88, s6;
	s7 =	simm.s32 @p2 $0x1082  }
0x22: {  	[simem:s7], [sflag:s8] =	dma.local @!p0 [hbm:s6], $0xF7A  }
0x23: {  	s9 =	sor.u32 $0xD0000000, s2;
	s6 =	simm.s32 $0x108;
	_ =	swait.ge @!p0 [sflag:s8], $0x0  }
0x24: {  	s3 =	sadd.s32 $0x88, s3;
	s6 =	simm.s32 @!p1 $0x1082;
	[sflag:s4] =	ssyncset.s32 $0xFFFFF086  }
0x25: {  	[simem:s6], [sflag:s4] =	dma.local [hbm:s3], $0xF7A  }
0x26: {  	[smem:$0x3F9C] =	sst s1;
	(tag) =	ssettag s2;
	_ =	strace s9  }
0x27: {  	s1 =	sld [smem:$0x3FAC]  }
0x28: {  	s2 =	sld [smem:$0x3FAD]  }
0x29: {  	s4 =	sld [smem:$0x3FAF]  }
0x2a: {  	p0 =	seq.s32 s5, $0x0;
	s5 =	sld [smem:$0x3FB0]  }
0x2b: {  	s6 =	sld [smem:$0x3FB1]  }
0x2c: {  	s7 =	sld [smem:$0x3FB2]  }
0x2d: {  	s3 =	simm.s32 $0x108;
	s8 =	sld [smem:$0x3FB3]  }
0x2e: {  	s3 =	simm.s32 @!p0 $0x1082;
	s9 =	sld [smem:$0x3FB4]  }
0x2f: {  	lr =	sadd.s32 s0, s3;
	s0 =	sld [smem:$0x3FAB]  }
0x30: {  	s3 =	sld [smem:$0x3FAE]  }
0x31: {  	[smem:$0x3FB7] =	sst s10  }
0x32: {  	s10 =	sld [smem:$0x3FB5];
	_ =	sdelay $0x3  }
0x33: {  	p0 =	seq.s32 s10, $0x1;
	s10 =	sld [smem:$0x3FB7];
	_ =	sdelay $0x3  }
0x34: {  	[smem:$0x3FB7] =	sst s10  }
0x35: {  	s10 =	sld [smem:$0x3FB6];
	_ =	sdelay $0x3  }
0x36: {  	p1 =	seq.s32 s10, $0x1;
	s10 =	sld [smem:$0x3FB7];
	_ =	sdelay $0x3  }
0x37: {  	[smem:$0x3FB7] =	sst s10  }
0x38: {  	s10 =	sld [smem:$0x3FB8]  }
0x39: {  	_ = 	snop;
	(pc) =	sbr.ind lr, $3  }
0x3a: {  	_ = 	snop  }
0x3b: {  	_ = 	snop  }
0x3c: {  	p2 =	seq.s32 s10, $0x1;
	s10 =	sld [smem:$0x3FB7]  }
0x3d: {  	_ =	shalt  }
0x3e: {  	_ =	shalt  }
0x3f: {  	_ =	shalt  }
0x40: {  	_ =	shalt  }
0x41: {  	_ =	shalt  }
0x42: {  	_ =	shalt  }
0x43: {  	_ =	shalt  }
0x44: {  	_ =	shalt  }
0x45: {  	_ =	shalt  }
0x46: {  	_ =	shalt  }
0x47: {  	_ =	shalt  }
0x48: {  	_ =	shalt  }
0x49: {  	_ =	shalt  }
0x4a: {  	_ =	shalt  }
0x4b: {  	_ =	shalt  }
0x4c: {  	_ =	shalt  }
0x4d: {  	_ =	shalt  }
0x4e: {  	_ =	shalt  }
0x4f: {  	_ =	shalt  }
0x50: {  	_ =	shalt  }
0x51: {  	_ =	shalt  }
0x52: {  	_ =	shalt  }
0x53: {  	_ =	shalt  }
0x54: {  	_ =	shalt  }
0x55: {  	_ =	shalt  }
0x56: {  	_ =	shalt  }
0x57: {  	_ =	shalt  }
0x58: {  	_ =	shalt  }
0x59: {  	_ =	shalt  }
0x5a: {  	_ =	shalt  }
0x5b: {  	_ =	shalt  }
0x5c: {  	_ =	shalt  }
0x5d: {  	_ =	shalt  }
0x5e: {  	_ =	shalt  }
0x5f: {  	_ =	shalt  }
0x60: {  	_ =	shalt  }
0x61: {  	_ =	shalt  }
0x62: {  	_ =	shalt  }
0x63: {  	_ =	shalt  }
0x64: {  	_ =	shalt  }
0x65: {  	_ =	shalt  }
0x66: {  	_ =	shalt  }
0x67: {  	_ =	shalt  }
0x68: {  	_ =	shalt  }
0x69: {  	_ =	shalt  }
0x6a: {  	_ =	shalt  }
0x6b: {  	_ =	shalt  }
0x6c: {  	_ =	shalt  }
0x6d: {  	_ =	shalt  }
0x6e: {  	_ =	shalt  }
0x6f: {  	_ =	shalt  }
0x70: {  	_ =	shalt  }
0x71: {  	_ =	shalt  }
0x72: {  	_ =	shalt  }
0x73: {  	_ =	shalt  }
0x74: {  	_ =	shalt  }
0x75: {  	_ =	shalt  }
0x76: {  	_ =	shalt  }
0x77: {  	_ =	shalt  }
0x78: {  	_ =	shalt  }
0x79: {  	_ =	shalt  }
0x7a: {  	_ =	shalt  }
0x7b: {  	_ =	shalt  }
0x7c: {  	_ =	shalt  }
0x7d: {  	_ =	shalt  }
0x7e: {  	_ =	shalt  }
0x7f: {  	_ =	shalt  }
0x80: {  	_ =	shalt  }
0x81: {  	_ =	shalt  }
0x82: {  	_ =	shalt  }
0x83: {  	_ =	shalt  }
0x84: {  	_ =	shalt  }
0x85: {  	_ =	shalt  }
0x86: {  	_ =	shalt  }
0x87: {  	_ =	shalt  }
.Lfunc_end0:
.L_simem_size_0:
called_computation.1_lowered:
.L_overlay_start_0:
0x88: {  	s2 =	sld [smem:$0x3FD9]  }
0x89: {  	s3 =	sld [smem:$0x3FFE];
	_ =	sdelay $0x1  }
0x8a: {  	s1 =	srdreg.scid  }
0x8b: {  	s0 =	sand.u32 $0x1, s1  }
0x8c: {  	s14 =	sshll.u32 s0, $0xA;
	s2 =	sadd.s32 s3, s2  }
0x8d: {  	s2 =	sadd.s32 s2, s14  }
0x8e: {  	[smem:$0x3FC3] =	sst s2  }
0x8f: {  	_ = 	snop  }
0x90: {  	s2 =	sld [smem:$0x3FD0];
	_ =	sdelay $0x2  }
0x91: {  	s15 =	simm.s32 $0xA;
	s4 =	simm.s32 $0x10  }
0x92: {  	[smem:s4], [sflag:s15] =	dma.local [hbm:s2], $0x1  }
0x93: {  	_ =	swait.eq [sflag:s15], $0x1  }
0x94: {  	[sflag:s15] =	ssyncset.done $0x0  }
0x95: {  	[sflag:s15] =	ssyncadd.s32 $0xFFFFFFFF  }
0x96: {  	s16 =	sld [smem:$0x10];
	(tm) =	ssettm $0x1  }
0x97: {  	s17 =	sld [smem:$0x3FFB];
	_ =	sdelay $0x3  }
0x98: {  	_ =	strace s17  }
0x99: {  	s3 =	sld [smem:$0x3FFC];
	_ =	sdelay $0x3  }
0x9a: {  	_ =	strace s3  }
0x9b: {  	s3 =	sld [smem:$0x3FFD];
	_ =	sdelay $0x3  }
0x9c: {  	_ =	strace s3  }
0x9d: {  	_ =	strace $0x8FFFFFFF  }
0x9e: {  	s18 =	sld [smem:$0x3FDB];
	_ =	sdelay $0x1  }
0x9f: {  	s19 =	simm.s32 $_scs_section_size  }
0xa0: {  	s5 =	simm.s32 $_size__tile_overlayer_lowered;
	s6 =	simm.s32 $_tile_overlayer_lowered  }
0xa1: {  	s22 =	simm.s32 $0x1BFF;
	s21 =	sshll.u32 s6, $0x1;
	s3 =	sadd.s32 s19, s18  }
0xa2: {  	s7 =	simm.s32 $0x0;
	s20 =	sshll.u32 s5, $0x1;
	s5 =	sadd.s32 s21, s3  }
0xa3: {  	[timem:s7], [sflag:s22] =	dma.local [hbm:s5], s20  }
0xa4: {  	_ =	swait.ge [sflag:s22], s20  }
0xa5: {  	s4 =	ssub.s32 $0x0, s20;
	[sflag:s22] =	ssyncset.done $0x0  }
0xa6: {  	[sflag:s22] =	ssyncadd.s32 s4;
	_ =	sdelay $0x1  }
0xa7: {  	s23 =	simm.s32 $0x1B8B  }
0xa8: {  	_ =	swait.ge [sflag:s23], $0x1  }
0xa9: {  	[sflag:s23] =	ssyncset.done $0x0  }
0xaa: {  	s25 =	simm.s32 $0x1B8E;
	s24 =	sld [smem:$0x3FFE];
	[sflag:s23] =	ssyncadd.s32 $0xFFFFFFFF  }
0xab: {  	s26 =	simm.s32 $execute0_lowered;
	[smem:$0x3FD2] =	sst s25  }
0xac: {  	s5 =	sshll.u32 s26, $0x1;
	_ =	strace $0x80000049;
	[dreg:$0x1] =	wrdreg $0xFFFFFFFF  }
0xad: {  	s28 =	simm.s32 $_size_execute0_lowered;
	s3 =	sadd.s32 s3, s5;
	[dreg:$0x0] =	wrdreg $0x0  }
0xae: {  	s5 =	sshll.u32 s28, $0x1;
	[dreg:$0x2] =	wrdreg s3  }
0xaf: {  	[dreg:$0x3] =	wrdreg s5  }
0xb0: {  	[dreg:$0x4] =	wrdreg $0xC0  }
0xb1: {  	_ =	task [dreg:s7], $0x5FFFF  }
0xb2: {  	[dreg:$0x1] =	wrdreg $0xFFFFFFFF  }
0xb3: {  	[dreg:$0x0] =	wrdreg $0x60  }
0xb4: {  	[dreg:$0x2] =	wrdreg s16  }
0xb5: {  	[dreg:$0x3] =	wrdreg s24  }
0xb6: {  	[dreg:$0x4] =	wrdreg $0xB2800  }
0xb7: {  	[dreg:$0x5] =	wrdreg $0x9  }
0xb8: {  	_ =	task.clear_ibuf [dreg:s7], $0x6FFFF;
	_ =	strace $0x90000049  }
0xb9: {  	s29 =	simm.s32 $0x9;
	_ =	strace $0x8000004B  }
0xba: {  	_ =	swait.ge [sflag:s29], $0x1  }
0xbb: {  	[sflag:s29] =	ssyncadd.s32 $0xFFFFFFFF  }
0xbc: {  	_ =	strace $0x9000004B  }
0xbd: {  	_ =	sfence  }
0xbe: {  	s30 =	sld [smem:$0x0];
	_ =	sdelay $0x2  }
0xbf: {  	s31 =	sshll.u32 s1, $0xD;
	s1 =	sshrl.u32 s1, $0x2  }
0xc0: {  	s3 =	sand.u32 $0x4000, s31;
	s1 =	sadd.s32 s1, s30  }
0xc1: {  	s0 =	sor.u32 s3, s0;
	s1 =	sshll.u32 s1, $0x11  }
0xc2: {  	s0 =	sor.u32 s1, s0  }
0xc3: {  	s0 =	sadd.s32 $0x8F2B, s0  }
0xc4: {  	[sflag:s0] =	ssyncadd.remote.s32 $0x1  }
0xc5: {  	_ =	sfence.sel $0xFFFF  }
0xc6: {  	[dreg:$0x0] =	wrdreg $0xFFFFFFFF;
	(pc) =	sbr.abs _section_cstart, $3  }
0xc7: {  	[dreg:$0x1] =	wrdreg $0xFFFFFFFF  }
0xc8: {  	_ =	task.clear_ibuf [dreg:s7], $0x2FFFF;
	_ =	strace $0x9FFFFFFF  }
0xc9: {  	(tm) =	ssettm $0x7FFFFFFF  }
tec
execute0_lowered:
.L_overlay_start_1:
0x0: {  	(tag) =	ssettag $0x1  }
0x1: {  	s1 =	rddreg [dreg:$0x0]  }
0x2: {  	s0 =	rddreg [dreg:$0x1]  }
0x3: {  	s2 =	rddreg [dreg:$0x2]  }
0x4: {  	s3 =	srdreg.scid;
	s4 =	simm.s32 $0x0;
	s12 =	stileid.u32  }
0x5: {  	s3 =	sand.u32 $0x1, s3;
	[smem:$0x7FF] =	sst s4;
	s8 =	smul.u32 $0x14000, s12  }
0x6: {  	s9 =	sadd.s32 $0x20A00, s0;
	s20 =	sadd.s32 $0x21000, s0;
	s21 =	sadd.s32 $0x21600, s0  }
0x7: {  	s23 =	smul.u32 $0x50000, s12;
	_ =	strace $0x8000004A;
	[dreg:$0x4] =	wrdreg s9  }
0x8: {  	s7 =	smul.u32 $0x140000, s3;
	[dreg:$0x5] =	wrdreg s20;
	s22 =	ssub.s32 $0x2, s3  }
0x9: {  	[dreg:$0x6] =	wrdreg s21;
	s11 =	sshrl.u32 s22, $0x1;
	s9 =	sshrl.u32 s23, $0x2  }
0xa: {  	s7 =	sadd.s32 s8, s7;
	s8 =	ssub.s32 s22, s11;
	s25 =	sadd.s32 s9, s2  }
0xb: {  	s12 =	sshll.u32 s12, $0x1;
	s26 =	smax.u32 s8, $0x1;
	[dreg:$0x7] =	wrdreg s25  }
0xc: {  	s3 =	sor.u32 s3, s12;
	s28 =	sadd.s32 $0x1000, s25;
	[dreg:$0x9] =	wrdreg s26  }
0xd: {  	s12 =	smul.u32 $0xA, s3;
	s3 =	sadd.s32 $0x2000, s25;
	[dreg:$0xa] =	wrdreg s28  }
0xe: {  	s8 =	sadd.s32 $0x4000, s25;
	[dreg:$0xb] =	wrdreg s3  }
0xf: {  	s9 =	sadd.s32 $0x5000, s25;
	[dreg:$0xd] =	wrdreg s8  }
0x10: {  	s11 =	sadd.s32 $0x6000, s25;
	[dreg:$0xe] =	wrdreg s9  }
0x11: {  	s14 =	sadd.s32 $0x7000, s25;
	[dreg:$0xf] =	wrdreg s11  }
0x12: {  	s15 =	sadd.s32 $0x8000, s25;
	[dreg:$0x10] =	wrdreg s14  }
0x13: {  	s16 =	sadd.s32 $0x9000, s25;
	[dreg:$0x11] =	wrdreg s15  }
0x14: {  	s29 =	simm.s32 $0x5200;
	s17 =	sadd.s32 $0xA000, s25;
	[dreg:$0x12] =	wrdreg s16  }
0x15: {  	s30 =	simm.s32 $0x5600;
	s18 =	sadd.s32 $0xB000, s25;
	[dreg:$0x13] =	wrdreg s17  }
0x16: {  	s31 =	simm.s32 $0x5280;
	s19 =	sadd.s32 $0xC000, s25;
	[dreg:$0x14] =	wrdreg s18  }
0x17: {  	v0 =	vimm.s32 $0xEFCDAB89;
	s5 =	sadd.s32 $0x2A00, s0;
	s20 =	sadd.s32 $0xD000, s25;
	[dreg:$0x15] =	wrdreg s19  }
0x18: {  	v1 =	vimm.s32 $0x67452301;
	v2 =	vimm.s32 $0xDCFE98BA;
	s6 =	sadd.s32 $0x16A00, s0;
	s21 =	sadd.s32 $0xE000, s25;
	[dreg:$0x16] =	wrdreg s20  }
0x19: {  	v3 =	vimm.s32 $0x54761032;
	v4 =	vimm.s32 $0xBA98FEDC;
	s10 =	sadd.s32 $0x21800, s0;
	s22 =	sadd.s32 $0xF000, s25;
	[dreg:$0x17] =	wrdreg s21  }
0x1a: {  	v5 =	vimm.s32 $0x32107654;
	v6 =	vimm.s32 $0xFEDCBA98;
	s7 =	sshrl.u32 s7, $0x3;
	s23 =	sadd.s32 $0x10000, s25;
	[dreg:$0x18] =	wrdreg s22  }
0x1b: {  	v7 =	vimm.s32 $0x76543210;
	s13 =	sadd.s32 $0xCA00, s0;
	v0 =	vunpack.c.l.s4.s8 v0;
	v1 =	vunpack.c.l.s4.s8 v1;
	s7 =	sadd.s32 s7, s0;
	[dreg:$0x19] =	wrdreg s23  }
0x1c: {  	v2 =	vunpack.c.l.s4.s8 v2;
	v3 =	vunpack.c.l.s4.s8 v3;
	v4 =	vunpack.c.l.s4.s8 v4;
	s26 =	sadd.s32 $0x12000, s25;
	s28 =	sadd.s32 $0x13000, s25;
	s9 =	simm.s32 $0x2  }
0x1d: {  	v5 =	vunpack.c.l.s4.s8 v5;
	v6 =	vunpack.c.l.s4.s8 v6;
	v0 =	vunpack.c.0.s8.s32 v0;
	s14 =	simm.s32 $0x6000;
	s16 =	simm.s32 $0x5000;
	s17 =	simm.s32 $0x5400  }
0x1e: {  	v1 =	vunpack.c.0.s8.s32 v1;
	v2 =	vunpack.c.0.s8.s32 v2;
	v3 =	vunpack.c.0.s8.s32 v3;
	s19 =	simm.s32 $0x80;
	s20 =	simm.s32 $0x6080;
	s21 =	simm.s32 $0x1  }
0x1f: {  	v7 =	vunpack.c.l.s4.s8 v7;
	v4 =	vunpack.c.0.s8.s32 v4;
	v5 =	vunpack.c.0.s8.s32 v5;
	s0 =	simm.s32 $0x5680;
	s3 =	simm.s32 $0x5300;
	[dreg:$0x1b] =	wrdreg s26  }
0x20: {  	v0 =	vcombine.low v1, v0;
	v1 =	vcombine.low v3, v2;
	v2 =	vunpack.c.0.s8.s32 v6;
	s8 =	simm.s32 $0x5380;
	s24 =	sadd.s32 $0x2B800, s7;
	[dreg:$0x1c] =	wrdreg s28  }
0x21: {  	v3 =	vcombine.low v5, v4;
	v4 =	vunpack.c.0.s8.s32 v7;
	s11 =	simm.s32 $0x5780;
	s7 =	sadd.s32 $0x3000, s25;
	[dreg:$0x8] =	wrdreg s24  }
0x22: {  	s15 =	simm.s32 $0x5C00;
	v0 =	vand.u32 $0xF, v0;
	v1 =	vand.u32 $0xF, v1;
	v5 =	vand.u32 $0xF, v2;
	[dreg:$0xc] =	wrdreg s7;
	s24 =	sadd.s32 $0x11000, s25  }
0x23: {  	s22 =	simm.s32 $0x0;
	v2 =	vand.u32 $0xF, v3;
	s7 =	simm.s32 $0x5700;
	v3 =	vcombine.low v5, v4;
	v4 =	vimm.f32 $0.0e+00;
	[dreg:$0x1a] =	wrdreg s24  }
.LBB2_1:
0x24: {  	[dreg:$0x1d] =	wrdreg s22  }
0x25: {  	s18 =	rddreg [dreg:$0x6];
	s23 =	simm.s32 $0xB080  }
0x26: {  	[tilespmem:s23], [sflag:$0x2] =	stream.linear.gather [hbm4b:s18+s4], $0x200, $0x38;
	[tilespmem:$0x1F280] =	vst v63  }
0x27: {  	_ =	swait.ge [sflag:s9], $0x200  }
0x28: {  	[sflag:s9] =	ssyncset.done $0x0  }
0x29: {  	[sflag:s9] =	ssyncadd.s32 $0xFFFFFE00  }
0x2a: {  	v5 =	vld [tilespmem:$0xB080];
	_ =	sdelay $0x1  }
0x2b: {  	v6 =	vld [tilespmem:$0xB090];
	_ =	sdelay $0x1  }
0x2c: {  	v7 =	vld [tilespmem:$0xB0A0]  }
0x2d: {  	v5 =	vadd.f32 $0.0e+00, v5  }
0x2e: {  	v8 =	vld [tilespmem:$0xB0B0]  }
0x2f: {  	v5 =	vadd.f32 v6, v5  }
0x30: {  	v6 =	vld [tilespmem:$0xB0C0]  }
0x31: {  	v5 =	vadd.f32 v7, v5  }
0x32: {  	v7 =	vld [tilespmem:$0xB0D0]  }
0x33: {  	v5 =	vadd.f32 v8, v5  }
0x34: {  	v8 =	vld [tilespmem:$0xB0E0]  }
0x35: {  	v5 =	vadd.f32 v6, v5  }
0x36: {  	v6 =	vld [tilespmem:$0xB0F0]  }
0x37: {  	v5 =	vadd.f32 v7, v5  }
0x38: {  	v7 =	vld [tilespmem:$0xB100]  }
0x39: {  	v5 =	vadd.f32 v8, v5  }
0x3a: {  	v8 =	vld [tilespmem:$0xB110]  }
0x3b: {  	v5 =	vadd.f32 v6, v5  }
0x3c: {  	v6 =	vld [tilespmem:$0xB120]  }
0x3d: {  	v5 =	vadd.f32 v7, v5  }
0x3e: {  	v7 =	vld [tilespmem:$0xB130]  }
0x3f: {  	v5 =	vadd.f32 v8, v5  }
0x40: {  	v8 =	vld [tilespmem:$0xB140]  }
0x41: {  	v5 =	vadd.f32 v6, v5  }
0x42: {  	v6 =	vld [tilespmem:$0xB150]  }
0x43: {  	v5 =	vadd.f32 v7, v5  }
0x44: {  	v7 =	vld [tilespmem:$0xB160]  }
0x45: {  	v5 =	vadd.f32 v8, v5  }
0x46: {  	v8 =	vld [tilespmem:$0xB170]  }
0x47: {  	v5 =	vadd.f32 v6, v5  }
0x48: {  	v6 =	vld [tilespmem:$0xB180]  }
0x49: {  	v5 =	vadd.f32 v7, v5  }
0x4a: {  	v7 =	vld [tilespmem:$0xB190]  }
0x4b: {  	v5 =	vadd.f32 v8, v5  }
0x4c: {  	v8 =	vld [tilespmem:$0xB1A0]  }
0x4d: {  	v5 =	vadd.f32 v6, v5  }
0x4e: {  	v6 =	vld [tilespmem:$0xB1B0]  }
0x4f: {  	v5 =	vadd.f32 v7, v5  }
0x50: {  	v7 =	vld [tilespmem:$0xB1C0]  }
0x51: {  	v5 =	vadd.f32 v8, v5  }
0x52: {  	v8 =	vld [tilespmem:$0xB1D0]  }
0x53: {  	v5 =	vadd.f32 v6, v5  }
0x54: {  	v6 =	vld [tilespmem:$0xB1E0]  }
0x55: {  	v5 =	vadd.f32 v7, v5  }
0x56: {  	v7 =	vld [tilespmem:$0xB1F0]  }
0x57: {  	v5 =	vadd.f32 v8, v5  }
0x58: {  	v8 =	vld [tilespmem:$0xB200]  }
0x59: {  	v5 =	vadd.f32 v6, v5  }
0x5a: {  	v6 =	vld [tilespmem:$0xB210]  }
0x5b: {  	v5 =	vadd.f32 v7, v5  }
0x5c: {  	v7 =	vld [tilespmem:$0xB220]  }
0x5d: {  	v5 =	vadd.f32 v8, v5  }
0x5e: {  	v8 =	vld [tilespmem:$0xB230]  }
0x5f: {  	v5 =	vadd.f32 v6, v5  }
0x60: {  	v6 =	vld [tilespmem:$0xB240]  }
0x61: {  	v5 =	vadd.f32 v7, v5  }
0x62: {  	v7 =	vld [tilespmem:$0xB250]  }
0x63: {  	v5 =	vadd.f32 v8, v5  }
0x64: {  	v8 =	vld [tilespmem:$0xB260]  }
0x65: {  	v5 =	vadd.f32 v6, v5  }
0x66: {  	v6 =	vld [tilespmem:$0xB270]  }
0x67: {  	v5 =	vadd.f32 v7, v5;
	_ =	sdelay $0x1  }
0x68: {  	v5 =	vadd.f32 v8, v5;
	_ =	sdelay $0x1  }
0x69: {  	v5 =	vadd.f32 v6, v5;
	_ =	sdelay $0x1  }
0x6a: {  	[tilespmem:$0x6000] =	vst v5  }
0x6b: {  	v6 =	vld.idx.msk [tilespmem:v0+s14+$0x0], $0xffff;
	_ =	sdelay $0x4  }
0x6c: {  	v5 =	vadd.f32 v6, v5;
	_ =	sdelay $0x1  }
0x6d: {  	[tilespmem:$0x6000] =	vst v5  }
0x6e: {  	v6 =	vld.idx.msk [tilespmem:v1+s14+$0x0], $0xffff;
	_ =	sdelay $0x4  }
0x6f: {  	v5 =	vadd.f32 v6, v5;
	_ =	sdelay $0x1  }
0x70: {  	[tilespmem:$0x6000] =	vst v5  }
0x71: {  	v6 =	vld.idx.msk [tilespmem:v2+s14+$0x0], $0xffff;
	_ =	sdelay $0x4  }
0x72: {  	v5 =	vadd.f32 v6, v5;
	_ =	sdelay $0x1  }
0x73: {  	s24 =	rddreg [dreg:$0x4];
	[tilespmem:$0x6000] =	vst v5  }
0x74: {  	v6 =	vld.idx.msk [tilespmem:v3+s14+$0x0], $0xffff;
	[tilespmem:s4], [sflag:$0x2] =	stream.linear.gather [hbm4b:s24+s4], $0x2800, $0x38  }
0x75: {  	_ =	swait.ge [sflag:s9], $0x2800  }
0x76: {  	[sflag:s9] =	ssyncset.done $0x0  }
0x77: {  	s28 =	simm.s32 $0x2800;
	s26 =	rddreg [dreg:$0x5];
	[sflag:s9] =	ssyncadd.s32 $0xFFFFD800  }
0x78: {  	[tilespmem:s28], [sflag:$0x2] =	stream.linear.gather [hbm4b:s26+s4], $0x2800, $0x38;
	[tilespmem:$0x1F280] =	vst v63  }
0x79: {  	_ =	swait.ge [sflag:s9], $0x2800  }
0x7a: {  	[sflag:s9] =	ssyncset.done $0x0  }
0x7b: {  	s18 =	simm.s32 $0x0;
	[sflag:s9] =	ssyncadd.s32 $0xFFFFD800  }
0x7c: {  	s22 =	simm.s32 $0x40;
	v7 =	vld [tilespmem:s18+$0x2800]  }
.LBB2_2:
0x7d: {  	p0 =	sne.s32 s22, $0x9FC0;
	v8 =	vld [tilespmem:s18+$0x0];
	_ =	sdelay $0x2  }
.Ltmp0:
0x7e: {  	(pc) =	sbr.rel @p0 .LBB2_2-.Ltmp0, $4  }
0x7f: {  	_ = 	snop  }
0x80: {  	v8 =	vadd.f32 v7, v8  }
0x81: {  	s23 =	sshra.s32 s22, $0x2  }
0x82: {  	s22 =	sadd.s32 $0x40, s22;
	v7 =	vld [tilespmem:s23+$0x2800];
	[tilespmem:s18+$0x0] =	vst v8;
	s18 =	smov.u32 s23  }
0x83: {  	v8 =	vld [tilespmem:s18+$0x0];
	_ =	sdelay $0x3  }
0x84: {  	s22 =	simm.s32 $0x0  }
0x85: {  	s23 =	sand.u32 $0x3E00, s22;
	v7 =	vadd.f32 v7, v8  }
0x86: {  	s24 =	sand.u32 $0x70, s22;
	s23 =	sshrl.u32 s23, $0x2  }
0x87: {  	s23 =	sor.u32 s24, s23;
	[tilespmem:s18+$0x0] =	vst v7;
	s18 =	simm.s32 $0x40  }
.LBB2_4:
0x88: {  	p0 =	sne.s32 s18, $0x3FC0  }
0x89: {  	[tilespmem:s23+$0xA080] =	vst v4;
	s22 =	sadd.s32 $0x10, s22;
	s23 =	smov.u32 s18;
	s18 =	sadd.s32 $0x40, s18  }
.Ltmp1:
0x8a: {  	(pc) =	sbr.rel @p0 .LBB2_4-.Ltmp1, $4  }
0x8b: {  	_ = 	snop  }
0x8c: {  	s23 =	sand.u32 $0x3E00, s23  }
0x8d: {  	s24 =	sand.u32 $0x70, s22;
	s23 =	sshrl.u32 s23, $0x2  }
0x8e: {  	s23 =	sor.u32 s24, s23  }
0x8f: {  	[tilespmem:s23+$0xA080] =	vst v4;
	s22 =	simm.s32 $0xA080  }
0x90: {  	[spmem:s25] =	stream.linear.scatter [tilespmem:s22], [sflag:$0x2], $0x1000, $0x38;
	[tilespmem:$0x1F280] =	vst v63  }
0x91: {  	_ =	swait.ge [sflag:s9], $0x1000  }
0x92: {  	[sflag:s9] =	ssyncset.done $0x0  }
0x93: {  	s18 =	rddreg [dreg:$0xa];
	[sflag:s9] =	ssyncadd.s32 $0xFFFFF000  }
0x94: {  	[spmem:s18] =	stream.linear.scatter [tilespmem:s22], [sflag:$0x2], $0x1000, $0x38;
	[tilespmem:$0x1F280] =	vst v63  }
0x95: {  	_ =	swait.ge [sflag:s9], $0x1000  }
0x96: {  	[sflag:s9] =	ssyncset.done $0x0  }
0x97: {  	s25 =	rddreg [dreg:$0xb];
	[sflag:s9] =	ssyncadd.s32 $0xFFFFF000  }
0x98: {  	[spmem:s25] =	stream.linear.scatter [tilespmem:s22], [sflag:$0x2], $0x1000, $0x38;
	[tilespmem:$0x1F280] =	vst v63  }
0x99: {  	_ =	swait.ge [sflag:s9], $0x1000  }
0x9a: {  	[sflag:s9] =	ssyncset.done $0x0  }
0x9b: {  	s26 =	rddreg [dreg:$0xc];
	[sflag:s9] =	ssyncadd.s32 $0xFFFFF000  }
0x9c: {  	[spmem:s26] =	stream.linear.scatter [tilespmem:s22], [sflag:$0x2], $0x1000, $0x38;
	[tilespmem:$0x1F280] =	vst v63  }
0x9d: {  	_ =	swait.ge [sflag:s9], $0x1000  }
0x9e: {  	[sflag:s9] =	ssyncset.done $0x0  }
0x9f: {  	s28 =	rddreg [dreg:$0xd];
	[sflag:s9] =	ssyncadd.s32 $0xFFFFF000  }
0xa0: {  	[spmem:s28] =	stream.linear.scatter [tilespmem:s22], [sflag:$0x2], $0x1000, $0x38;
	[tilespmem:$0x1F280] =	vst v63  }
0xa1: {  	_ =	swait.ge [sflag:s9], $0x1000  }
0xa2: {  	[sflag:s9] =	ssyncset.done $0x0  }
0xa3: {  	s23 =	rddreg [dreg:$0xe];
	[sflag:s9] =	ssyncadd.s32 $0xFFFFF000  }
0xa4: {  	[spmem:s23] =	stream.linear.scatter [tilespmem:s22], [sflag:$0x2], $0x1000, $0x38;
	[tilespmem:$0x1F280] =	vst v63  }
0xa5: {  	_ =	swait.ge [sflag:s9], $0x1000  }
0xa6: {  	[sflag:s9] =	ssyncset.done $0x0  }
0xa7: {  	s24 =	rddreg [dreg:$0xf];
	[sflag:s9] =	ssyncadd.s32 $0xFFFFF000  }
0xa8: {  	[spmem:s24] =	stream.linear.scatter [tilespmem:s22], [sflag:$0x2], $0x1000, $0x38;
	[tilespmem:$0x1F280] =	vst v63  }
0xa9: {  	_ =	swait.ge [sflag:s9], $0x1000  }
0xaa: {  	[sflag:s9] =	ssyncset.done $0x0  }
0xab: {  	s25 =	rddreg [dreg:$0x10];
	[sflag:s9] =	ssyncadd.s32 $0xFFFFF000  }
0xac: {  	[spmem:s25] =	stream.linear.scatter [tilespmem:s22], [sflag:$0x2], $0x1000, $0x38;
	[tilespmem:$0x1F280] =	vst v63  }
0xad: {  	_ =	swait.ge [sflag:s9], $0x1000  }
0xae: {  	[sflag:s9] =	ssyncset.done $0x0  }
0xaf: {  	s26 =	rddreg [dreg:$0x11];
	[sflag:s9] =	ssyncadd.s32 $0xFFFFF000  }
0xb0: {  	[spmem:s26] =	stream.linear.scatter [tilespmem:s22], [sflag:$0x2], $0x1000, $0x38;
	[tilespmem:$0x1F280] =	vst v63  }
0xb1: {  	_ =	swait.ge [sflag:s9], $0x1000  }
0xb2: {  	[sflag:s9] =	ssyncset.done $0x0  }
0xb3: {  	s28 =	rddreg [dreg:$0x12];
	[sflag:s9] =	ssyncadd.s32 $0xFFFFF000  }
0xb4: {  	[spmem:s28] =	stream.linear.scatter [tilespmem:s22], [sflag:$0x2], $0x1000, $0x38;
	[tilespmem:$0x1F280] =	vst v63  }
0xb5: {  	_ =	swait.ge [sflag:s9], $0x1000  }
0xb6: {  	[sflag:s9] =	ssyncset.done $0x0  }
0xb7: {  	s23 =	rddreg [dreg:$0x13];
	[sflag:s9] =	ssyncadd.s32 $0xFFFFF000  }
0xb8: {  	[spmem:s23] =	stream.linear.scatter [tilespmem:s22], [sflag:$0x2], $0x1000, $0x38;
	[tilespmem:$0x1F280] =	vst v63  }
0xb9: {  	_ =	swait.ge [sflag:s9], $0x1000  }
0xba: {  	[sflag:s9] =	ssyncset.done $0x0  }
0xbb: {  	s24 =	rddreg [dreg:$0x14];
	[sflag:s9] =	ssyncadd.s32 $0xFFFFF000  }
0xbc: {  	[spmem:s24] =	stream.linear.scatter [tilespmem:s22], [sflag:$0x2], $0x1000, $0x38;
	[tilespmem:$0x1F280] =	vst v63  }
0xbd: {  	_ =	swait.ge [sflag:s9], $0x1000  }
0xbe: {  	[sflag:s9] =	ssyncset.done $0x0  }
0xbf: {  	s25 =	rddreg [dreg:$0x15];
	[sflag:s9] =	ssyncadd.s32 $0xFFFFF000  }
0xc0: {  	[spmem:s25] =	stream.linear.scatter [tilespmem:s22], [sflag:$0x2], $0x1000, $0x38;
	[tilespmem:$0x1F280] =	vst v63  }
0xc1: {  	_ =	swait.ge [sflag:s9], $0x1000  }
0xc2: {  	[sflag:s9] =	ssyncset.done $0x0  }
0xc3: {  	s26 =	rddreg [dreg:$0x16];
	[sflag:s9] =	ssyncadd.s32 $0xFFFFF000  }
0xc4: {  	[spmem:s26] =	stream.linear.scatter [tilespmem:s22], [sflag:$0x2], $0x1000, $0x38;
	[tilespmem:$0x1F280] =	vst v63  }
0xc5: {  	_ =	swait.ge [sflag:s9], $0x1000  }
0xc6: {  	[sflag:s9] =	ssyncset.done $0x0  }
0xc7: {  	s28 =	rddreg [dreg:$0x17];
	[sflag:s9] =	ssyncadd.s32 $0xFFFFF000  }
0xc8: {  	[spmem:s28] =	stream.linear.scatter [tilespmem:s22], [sflag:$0x2], $0x1000, $0x38;
	[tilespmem:$0x1F280] =	vst v63  }
0xc9: {  	_ =	swait.ge [sflag:s9], $0x1000  }
0xca: {  	[sflag:s9] =	ssyncset.done $0x0  }
0xcb: {  	s23 =	rddreg [dreg:$0x18];
	[sflag:s9] =	ssyncadd.s32 $0xFFFFF000  }
0xcc: {  	[spmem:s23] =	stream.linear.scatter [tilespmem:s22], [sflag:$0x2], $0x1000, $0x38;
	[tilespmem:$0x1F280] =	vst v63  }
0xcd: {  	_ =	swait.ge [sflag:s9], $0x1000  }
0xce: {  	[sflag:s9] =	ssyncset.done $0x0  }
0xcf: {  	s24 =	rddreg [dreg:$0x19];
	[sflag:s9] =	ssyncadd.s32 $0xFFFFF000  }
0xd0: {  	[spmem:s24] =	stream.linear.scatter [tilespmem:s22], [sflag:$0x2], $0x1000, $0x38;
	[tilespmem:$0x1F280] =	vst v63  }
0xd1: {  	_ =	swait.ge [sflag:s9], $0x1000  }
0xd2: {  	[sflag:s9] =	ssyncset.done $0x0  }
0xd3: {  	s25 =	rddreg [dreg:$0x1a];
	[sflag:s9] =	ssyncadd.s32 $0xFFFFF000  }
0xd4: {  	[spmem:s25] =	stream.linear.scatter [tilespmem:s22], [sflag:$0x2], $0x1000, $0x38;
	[tilespmem:$0x1F280] =	vst v63  }
0xd5: {  	_ =	swait.ge [sflag:s9], $0x1000  }
0xd6: {  	[sflag:s9] =	ssyncset.done $0x0  }
0xd7: {  	s26 =	rddreg [dreg:$0x1b];
	[sflag:s9] =	ssyncadd.s32 $0xFFFFF000  }
0xd8: {  	[spmem:s26] =	stream.linear.scatter [tilespmem:s22], [sflag:$0x2], $0x1000, $0x38;
	[tilespmem:$0x1F280] =	vst v63  }
0xd9: {  	_ =	swait.ge [sflag:s9], $0x1000  }
0xda: {  	[sflag:s9] =	ssyncset.done $0x0  }
0xdb: {  	s28 =	rddreg [dreg:$0x1c];
	[sflag:s9] =	ssyncadd.s32 $0xFFFFF000  }
0xdc: {  	v5 =	vadd.f32 v6, v5;
	[spmem:s28] =	stream.linear.scatter [tilespmem:s22], [sflag:$0x2], $0x1000, $0x38;
	[tilespmem:$0x1F280] =	vst v63  }
0xdd: {  	_ =	swait.ge [sflag:s9], $0x1000  }
0xde: {  	(erf) = vrcp.f32 v5;
	_ =	sdelay $0x7  }
0xdf: {  	[sflag:s9] =	ssyncset.done $0x0  }
0xe0: {  	[sflag:s9] =	ssyncadd.s32 $0xFFFFF000;
	v5 =	vpop (erf)  }
0xe1: {  	s18 =	simm.s32 $0x0;
	s22 =	simm.s32 $0x0;
	[bflag:$0x0] =	sbarrier.arrive $0xFFFF  }
.LBB2_6:
0xe2: {  	s23 =	sadd.s32 s12, s22  }
0xe3: {  	s23 =	sshll.u32 s23, $0x7  }
0xe4: {  	s24 =	sadd.s32 s5, s23  }
0xe5: {  	[tilespmem:s16], [sflag:$0x2] =	stream.linear.gather [hbm4b:s24+s18], $0x400, $0x38;
	[tilespmem:$0x1F280] =	vst v63  }
0xe6: {  	_ =	swait.ge [sflag:s9], $0x400  }
0xe7: {  	[sflag:s9] =	ssyncset.done $0x0  }
0xe8: {  	s26 =	sadd.s32 s23, s13;
	[sflag:s9] =	ssyncadd.s32 $0xFFFFFC00  }
0xe9: {  	[tilespmem:s17], [sflag:$0x2] =	stream.linear.gather [hbm4b:s26+s18], $0x400, $0x38;
	[tilespmem:$0x1F280] =	vst v63  }
0xea: {  	_ =	swait.ge [sflag:s9], $0x400  }
0xeb: {  	[sflag:s9] =	ssyncset.done $0x0  }
0xec: {  	s25 =	simm.s32 $0x5800;
	s28 =	sadd.s32 s6, s23;
	[sflag:s9] =	ssyncadd.s32 $0xFFFFFC00  }
0xed: {  	[tilespmem:s25], [sflag:$0x2] =	stream.linear.gather [hbm4b:s28+s18], $0x400, $0x38;
	[tilespmem:$0x1F280] =	vst v63  }
0xee: {  	_ =	swait.ge [sflag:s9], $0x400  }
0xef: {  	[sflag:s9] =	ssyncset.done $0x0  }
0xf0: {  	[sflag:s9] =	ssyncadd.s32 $0xFFFFFC00  }
0xf1: {  	[tilespmem:s20], [sflag:$0x1] =	stream.indirect.gather [hbm4b:s1+s19], $0x80, s16, s19, $0xb8;
	[tilespmem:$0x1F280] =	vst v63  }
0xf2: {  	v6 =	vld [tilespmem:$0x5400];
	_ =	sdelay $0x7  }
0xf3: {  	v6 =	vld.idx.msk [tilespmem:v6+s18+$0x0], $0xffff;
	_ =	sdelay $0x4  }
0xf4: {  	(erf) = vrcp.f32 v6;
	_ =	sdelay $0x4  }
0xf5: {  	v6 =	vld [tilespmem:$0x5800]  }
0xf6: {  	v7 =	vld [tilespmem:$0x5410];
	_ =	sdelay $0x2  }
0xf7: {  	v8 =	vpop (erf)  }
0xf8: {  	v8 =	vmul.f32 v8, v6  }
0xf9: {  	v6 =	vmul.f32 v6, v5  }
0xfa: {  	[tilespmem:$0x6000] =	vst v8  }
0xfb: {  	[tilespmem:$0x5C00] =	vst v6  }
0xfc: {  	v6 =	vld.idx.msk [tilespmem:v7+s18+$0x0], $0xffff;
	_ =	sdelay $0x4  }
0xfd: {  	(erf) = vrcp.f32 v6;
	_ =	sdelay $0x4  }
0xfe: {  	v6 =	vld [tilespmem:$0x5810]  }
0xff: {  	v7 =	vld [tilespmem:$0x5420];
	_ =	sdelay $0x2  }
0x100: {  	v8 =	vpop (erf)  }
0x101: {  	v8 =	vmul.f32 v8, v6  }
0x102: {  	v6 =	vmul.f32 v6, v5  }
0x103: {  	[tilespmem:$0x6010] =	vst v8  }
0x104: {  	[tilespmem:$0x5C10] =	vst v6  }
0x105: {  	v6 =	vld.idx.msk [tilespmem:v7+s18+$0x0], $0xffff;
	_ =	sdelay $0x4  }
0x106: {  	(erf) = vrcp.f32 v6;
	_ =	sdelay $0x4  }
0x107: {  	v6 =	vld [tilespmem:$0x5820]  }
0x108: {  	v7 =	vld [tilespmem:$0x5430];
	_ =	sdelay $0x2  }
0x109: {  	v8 =	vpop (erf)  }
0x10a: {  	v8 =	vmul.f32 v8, v6  }
0x10b: {  	v6 =	vmul.f32 v6, v5  }
0x10c: {  	[tilespmem:$0x6020] =	vst v8  }
0x10d: {  	[tilespmem:$0x5C20] =	vst v6  }
0x10e: {  	v6 =	vld.idx.msk [tilespmem:v7+s18+$0x0], $0xffff;
	_ =	sdelay $0x4  }
0x10f: {  	(erf) = vrcp.f32 v6;
	_ =	sdelay $0x4  }
0x110: {  	v6 =	vld [tilespmem:$0x5830]  }
0x111: {  	v7 =	vld [tilespmem:$0x5440];
	_ =	sdelay $0x2  }
0x112: {  	v8 =	vpop (erf)  }
0x113: {  	v8 =	vmul.f32 v8, v6  }
0x114: {  	v6 =	vmul.f32 v6, v5  }
0x115: {  	[tilespmem:$0x6030] =	vst v8  }
0x116: {  	[tilespmem:$0x5C30] =	vst v6  }
0x117: {  	v6 =	vld.idx.msk [tilespmem:v7+s18+$0x0], $0xffff;
	_ =	sdelay $0x4  }
0x118: {  	(erf) = vrcp.f32 v6;
	_ =	sdelay $0x4  }
0x119: {  	v6 =	vld [tilespmem:$0x5840]  }
0x11a: {  	v7 =	vld [tilespmem:$0x5450];
	_ =	sdelay $0x2  }
0x11b: {  	v8 =	vpop (erf)  }
0x11c: {  	v8 =	vmul.f32 v8, v6  }
0x11d: {  	v6 =	vmul.f32 v6, v5  }
0x11e: {  	[tilespmem:$0x6040] =	vst v8  }
0x11f: {  	[tilespmem:$0x5C40] =	vst v6  }
0x120: {  	v6 =	vld.idx.msk [tilespmem:v7+s18+$0x0], $0xffff;
	_ =	sdelay $0x4  }
0x121: {  	(erf) = vrcp.f32 v6;
	_ =	sdelay $0x4  }
0x122: {  	v6 =	vld [tilespmem:$0x5850]  }
0x123: {  	v7 =	vld [tilespmem:$0x5460];
	_ =	sdelay $0x2  }
0x124: {  	v8 =	vpop (erf)  }
0x125: {  	v8 =	vmul.f32 v8, v6  }
0x126: {  	v6 =	vmul.f32 v6, v5  }
0x127: {  	[tilespmem:$0x6050] =	vst v8  }
0x128: {  	[tilespmem:$0x5C50] =	vst v6  }
0x129: {  	v6 =	vld.idx.msk [tilespmem:v7+s18+$0x0], $0xffff;
	_ =	sdelay $0x4  }
0x12a: {  	(erf) = vrcp.f32 v6;
	_ =	sdelay $0x4  }
0x12b: {  	v6 =	vld [tilespmem:$0x5860]  }
0x12c: {  	v7 =	vld [tilespmem:$0x5470];
	_ =	sdelay $0x2  }
0x12d: {  	v8 =	vpop (erf)  }
0x12e: {  	v8 =	vmul.f32 v8, v6  }
0x12f: {  	v6 =	vmul.f32 v6, v5  }
0x130: {  	[tilespmem:$0x6060] =	vst v8  }
0x131: {  	[tilespmem:$0x5C60] =	vst v6  }
0x132: {  	v6 =	vld.idx.msk [tilespmem:v7+s18+$0x0], $0xffff;
	_ =	sdelay $0x4  }
0x133: {  	(erf) = vrcp.f32 v6;
	_ =	sdelay $0x4  }
0x134: {  	v6 =	vld [tilespmem:$0x5870];
	_ =	sdelay $0x3  }
0x135: {  	v7 =	vpop (erf)  }
0x136: {  	v7 =	vmul.f32 v7, v6  }
0x137: {  	v6 =	vmul.f32 v6, v5  }
0x138: {  	[tilespmem:$0x6070] =	vst v7  }
0x139: {  	[tilespmem:$0x5C70] =	vst v6  }
0x13a: {  	_ =	swait.ge [sflag:s21], $0x4000  }
0x13b: {  	v6 =	vmov s18;
	[sflag:s21] =	ssyncset.done $0x0  }
0x13c: {  	s24 =	simm.s32 $0x60C0;
	[sflag:s21] =	ssyncadd.s32 $0xFFFFC000  }
0x13d: {  	v10 =	vld [tilespmem:s24+$0x30]  }
0x13e: {  	v13 =	vld [tilespmem:s24+$0x10]  }
0x13f: {  	v11 =	vld [tilespmem:s24+$0xFFFFFFC0]  }
0x140: {  	v7 =	vld.idx.msk [tilespmem:v6+s14+$0x0], $0xffff  }
0x141: {  	v15 =	vld [tilespmem:s24+$0xFFFFFFE0]  }
0x142: {  	v8 =	vld [tilespmem:s24+$0x20]  }
0x143: {  	v9 =	vld [tilespmem:s24+$0xFFFFFFD0]  }
0x144: {  	v6 =	vld [tilespmem:s24+$0xFFFFFFF0]  }
0x145: {  	v14 =	vmul.f32 v10, v7;
	v10 =	vld [tilespmem:s24+$0x0]  }
0x146: {  	v12 =	vmul.f32 v11, v7  }
0x147: {  	s26 =	simm.s32 $0x60C0;
	s25 =	simm.s32 $0x1;
	v11 =	vmul.f32 v15, v7;
	v13 =	vmul.f32 v13, v7  }
.LBB2_7:
0x148: {  	p0 =	sne.s32 s25, $0x7F  }
0x149: {  	v9 =	vmul.f32 v9, v7;
	v8 =	vmul.f32 v8, v7;
	[tilespmem:s24+$0x30] =	vst v14;
	s26 =	sadd.s32 $0x80, s26;
	s28 =	smov.u32 s25;
	s25 =	sadd.s32 $0x1, s25  }
0x14a: {  	[tilespmem:s24+$0xFFFFFFC0] =	vst v12;
	v12 =	vmul.f32 v6, v7;
	v7 =	vmul.f32 v10, v7  }
0x14b: {  	[tilespmem:s24+$0x10] =	vst v13  }
0x14c: {  	v10 =	vmov s28;
	[tilespmem:s24+$0xFFFFFFE0] =	vst v11  }
0x14d: {  	v6 =	vld [tilespmem:s26+$0xFFFFFFF0];
	[tilespmem:s24+$0xFFFFFFF0] =	vst v12  }
0x14e: {  	v11 =	vld [tilespmem:s26+$0x30];
	[tilespmem:s24+$0x0] =	vst v7  }
0x14f: {  	v13 =	vld [tilespmem:s26+$0x10];
	[tilespmem:s24+$0x20] =	vst v8  }
0x150: {  	v12 =	vld [tilespmem:s26+$0xFFFFFFC0];
	[tilespmem:s24+$0xFFFFFFD0] =	vst v9;
	s24 =	smov.u32 s26  }
0x151: {  	v7 =	vld.idx.msk [tilespmem:v10+s14+$0x0], $0xffff  }
0x152: {  	v15 =	vld [tilespmem:s26+$0xFFFFFFE0]  }
0x153: {  	v8 =	vld [tilespmem:s26+$0x20]  }
.Ltmp2:
0x154: {  	v9 =	vld [tilespmem:s26+$0xFFFFFFD0];
	(pc) =	sbr.rel @p0 .LBB2_7-.Ltmp2, $3  }
0x155: {  	v10 =	vld [tilespmem:s26+$0x0];
	_ =	sdelay $0x1  }
0x156: {  	v12 =	vmul.f32 v12, v7;
	v14 =	vmul.f32 v11, v7  }
0x157: {  	v13 =	vmul.f32 v13, v7;
	v11 =	vmul.f32 v15, v7  }
0x158: {  	[tilespmem:s24+$0x30] =	vst v14  }
0x159: {  	[tilespmem:s24+$0xFFFFFFC0] =	vst v12  }
0x15a: {  	v6 =	vmul.f32 v6, v7;
	[tilespmem:s24+$0x10] =	vst v13  }
0x15b: {  	v8 =	vmul.f32 v8, v7;
	[tilespmem:s24+$0xFFFFFFE0] =	vst v11  }
0x15c: {  	v10 =	vmul.f32 v10, v7;
	[tilespmem:s24+$0xFFFFFFF0] =	vst v6  }
0x15d: {  	v6 =	vmul.f32 v9, v7;
	[tilespmem:s24+$0x20] =	vst v8  }
0x15e: {  	[tilespmem:s24+$0x0] =	vst v10  }
0x15f: {  	[tilespmem:s24+$0xFFFFFFD0] =	vst v6  }
0x160: {  	[spmem:s2] =	stream.indirect.scatter.add.f32 [tilespmem:s20], [sflag:$0x2], $0x80, s17, s19, $0xb8;
	[tilespmem:$0x1F280] =	vst v63  }
0x161: {  	_ =	swait.ge [sflag:s9], $0x4000  }
0x162: {  	[sflag:s9] =	ssyncset.done $0x0  }
0x163: {  	s26 =	simm.s32 $0x5080;
	[sflag:s9] =	ssyncadd.s32 $0xFFFFC000  }
0x164: {  	[tilespmem:s20], [sflag:$0x1] =	stream.indirect.gather [hbm4b:s1+s19], $0x80, s26, s19, $0xb8;
	[tilespmem:$0x1F280] =	vst v63  }
0x165: {  	v6 =	vld [tilespmem:$0x5480];
	_ =	sdelay $0x6  }
0x166: {  	s28 =	simm.s32 $0x0  }
0x167: {  	v6 =	vld.idx.msk [tilespmem:v6+s28+$0x0], $0xffff;
	_ =	sdelay $0x4  }
0x168: {  	(erf) = vrcp.f32 v6;
	_ =	sdelay $0x4  }
0x169: {  	v6 =	vld [tilespmem:$0x5880]  }
0x16a: {  	v7 =	vld [tilespmem:$0x5490];
	_ =	sdelay $0x2  }
0x16b: {  	v8 =	vpop (erf)  }
0x16c: {  	v8 =	vmul.f32 v8, v6  }
0x16d: {  	v6 =	vmul.f32 v6, v5  }
0x16e: {  	[tilespmem:$0x6000] =	vst v8  }
0x16f: {  	[tilespmem:$0x5C80] =	vst v6  }
0x170: {  	v6 =	vld.idx.msk [tilespmem:v7+s28+$0x0], $0xffff;
	_ =	sdelay $0x4  }
0x171: {  	(erf) = vrcp.f32 v6;
	_ =	sdelay $0x4  }
0x172: {  	v6 =	vld [tilespmem:$0x5890]  }
0x173: {  	v7 =	vld [tilespmem:$0x54A0];
	_ =	sdelay $0x2  }
0x174: {  	v8 =	vpop (erf)  }
0x175: {  	v8 =	vmul.f32 v8, v6  }
0x176: {  	v6 =	vmul.f32 v6, v5  }
0x177: {  	[tilespmem:$0x6010] =	vst v8  }
0x178: {  	[tilespmem:$0x5C90] =	vst v6  }
0x179: {  	v6 =	vld.idx.msk [tilespmem:v7+s28+$0x0], $0xffff;
	_ =	sdelay $0x4  }
0x17a: {  	(erf) = vrcp.f32 v6;
	_ =	sdelay $0x4  }
0x17b: {  	v6 =	vld [tilespmem:$0x58A0]  }
0x17c: {  	v7 =	vld [tilespmem:$0x54B0];
	_ =	sdelay $0x2  }
0x17d: {  	v8 =	vpop (erf)  }
0x17e: {  	v8 =	vmul.f32 v8, v6  }
0x17f: {  	v6 =	vmul.f32 v6, v5  }
0x180: {  	[tilespmem:$0x6020] =	vst v8  }
0x181: {  	[tilespmem:$0x5CA0] =	vst v6  }
0x182: {  	v6 =	vld.idx.msk [tilespmem:v7+s28+$0x0], $0xffff;
	_ =	sdelay $0x4  }
0x183: {  	(erf) = vrcp.f32 v6;
	_ =	sdelay $0x4  }
0x184: {  	v6 =	vld [tilespmem:$0x58B0]  }
0x185: {  	v7 =	vld [tilespmem:$0x54C0];
	_ =	sdelay $0x2  }
0x186: {  	v8 =	vpop (erf)  }
0x187: {  	v8 =	vmul.f32 v8, v6  }
0x188: {  	v6 =	vmul.f32 v6, v5  }
0x189: {  	[tilespmem:$0x6030] =	vst v8  }
0x18a: {  	[tilespmem:$0x5CB0] =	vst v6  }
0x18b: {  	v6 =	vld.idx.msk [tilespmem:v7+s28+$0x0], $0xffff;
	_ =	sdelay $0x4  }
0x18c: {  	(erf) = vrcp.f32 v6;
	_ =	sdelay $0x4  }
0x18d: {  	v6 =	vld [tilespmem:$0x58C0]  }
0x18e: {  	v7 =	vld [tilespmem:$0x54D0];
	_ =	sdelay $0x2  }
0x18f: {  	v8 =	vpop (erf)  }
0x190: {  	v8 =	vmul.f32 v8, v6  }
0x191: {  	v6 =	vmul.f32 v6, v5  }
0x192: {  	[tilespmem:$0x6040] =	vst v8  }
0x193: {  	[tilespmem:$0x5CC0] =	vst v6  }
0x194: {  	v6 =	vld.idx.msk [tilespmem:v7+s28+$0x0], $0xffff;
	_ =	sdelay $0x4  }
0x195: {  	(erf) = vrcp.f32 v6;
	_ =	sdelay $0x4  }
0x196: {  	v6 =	vld [tilespmem:$0x58D0]  }
0x197: {  	v7 =	vld [tilespmem:$0x54E0];
	_ =	sdelay $0x2  }
0x198: {  	v8 =	vpop (erf)  }
0x199: {  	v8 =	vmul.f32 v8, v6  }
0x19a: {  	v6 =	vmul.f32 v6, v5  }
0x19b: {  	[tilespmem:$0x6050] =	vst v8  }
0x19c: {  	[tilespmem:$0x5CD0] =	vst v6  }
0x19d: {  	v6 =	vld.idx.msk [tilespmem:v7+s28+$0x0], $0xffff;
	_ =	sdelay $0x4  }
0x19e: {  	(erf) = vrcp.f32 v6;
	_ =	sdelay $0x4  }
0x19f: {  	v6 =	vld [tilespmem:$0x58E0]  }
0x1a0: {  	v7 =	vld [tilespmem:$0x54F0];
	_ =	sdelay $0x2  }
0x1a1: {  	v8 =	vpop (erf)  }
0x1a2: {  	v8 =	vmul.f32 v8, v6  }
0x1a3: {  	v6 =	vmul.f32 v6, v5  }
0x1a4: {  	[tilespmem:$0x6060] =	vst v8  }
0x1a5: {  	[tilespmem:$0x5CE0] =	vst v6  }
0x1a6: {  	v6 =	vld.idx.msk [tilespmem:v7+s28+$0x0], $0xffff;
	_ =	sdelay $0x4  }
0x1a7: {  	(erf) = vrcp.f32 v6;
	_ =	sdelay $0x4  }
0x1a8: {  	v6 =	vld [tilespmem:$0x58F0];
	_ =	sdelay $0x3  }
0x1a9: {  	v7 =	vpop (erf)  }
0x1aa: {  	v7 =	vmul.f32 v7, v6  }
0x1ab: {  	v6 =	vmul.f32 v6, v5  }
0x1ac: {  	[tilespmem:$0x6070] =	vst v7  }
0x1ad: {  	[tilespmem:$0x5CF0] =	vst v6  }
0x1ae: {  	_ =	swait.ge [sflag:s21], $0x4000  }
0x1af: {  	v6 =	vmov s28;
	[sflag:s21] =	ssyncset.done $0x0  }
0x1b0: {  	s24 =	simm.s32 $0x60C0;
	[sflag:s21] =	ssyncadd.s32 $0xFFFFC000  }
0x1b1: {  	v10 =	vld [tilespmem:s24+$0x30]  }
0x1b2: {  	v13 =	vld [tilespmem:s24+$0x10]  }
0x1b3: {  	v11 =	vld [tilespmem:s24+$0xFFFFFFC0]  }
0x1b4: {  	v7 =	vld.idx.msk [tilespmem:v6+s14+$0x0], $0xffff  }
0x1b5: {  	v15 =	vld [tilespmem:s24+$0xFFFFFFE0]  }
0x1b6: {  	v8 =	vld [tilespmem:s24+$0x20]  }
0x1b7: {  	v9 =	vld [tilespmem:s24+$0xFFFFFFD0]  }
0x1b8: {  	v6 =	vld [tilespmem:s24+$0xFFFFFFF0]  }
0x1b9: {  	v14 =	vmul.f32 v10, v7;
	v10 =	vld [tilespmem:s24+$0x0]  }
0x1ba: {  	v12 =	vmul.f32 v11, v7  }
0x1bb: {  	s25 =	simm.s32 $0x1;
	s26 =	simm.s32 $0x60C0;
	v11 =	vmul.f32 v15, v7;
	v13 =	vmul.f32 v13, v7  }
.LBB2_9:
0x1bc: {  	p0 =	sne.s32 s25, $0x7F  }
0x1bd: {  	v9 =	vmul.f32 v9, v7;
	v8 =	vmul.f32 v8, v7;
	[tilespmem:s24+$0x30] =	vst v14;
	s26 =	sadd.s32 $0x80, s26;
	s28 =	smov.u32 s25;
	s25 =	sadd.s32 $0x1, s25  }
0x1be: {  	[tilespmem:s24+$0xFFFFFFC0] =	vst v12;
	v12 =	vmul.f32 v6, v7;
	v7 =	vmul.f32 v10, v7  }
0x1bf: {  	[tilespmem:s24+$0x10] =	vst v13  }
0x1c0: {  	v10 =	vmov s28;
	[tilespmem:s24+$0xFFFFFFE0] =	vst v11  }
0x1c1: {  	v6 =	vld [tilespmem:s26+$0xFFFFFFF0];
	[tilespmem:s24+$0xFFFFFFF0] =	vst v12  }
0x1c2: {  	v11 =	vld [tilespmem:s26+$0x30];
	[tilespmem:s24+$0x0] =	vst v7  }
0x1c3: {  	v13 =	vld [tilespmem:s26+$0x10];
	[tilespmem:s24+$0x20] =	vst v8  }
0x1c4: {  	v12 =	vld [tilespmem:s26+$0xFFFFFFC0];
	[tilespmem:s24+$0xFFFFFFD0] =	vst v9;
	s24 =	smov.u32 s26  }
0x1c5: {  	v7 =	vld.idx.msk [tilespmem:v10+s14+$0x0], $0xffff  }
0x1c6: {  	v15 =	vld [tilespmem:s26+$0xFFFFFFE0]  }
0x1c7: {  	v8 =	vld [tilespmem:s26+$0x20]  }
.Ltmp3:
0x1c8: {  	v9 =	vld [tilespmem:s26+$0xFFFFFFD0];
	(pc) =	sbr.rel @p0 .LBB2_9-.Ltmp3, $3  }
0x1c9: {  	v10 =	vld [tilespmem:s26+$0x0];
	_ =	sdelay $0x1  }
0x1ca: {  	v12 =	vmul.f32 v12, v7;
	v14 =	vmul.f32 v11, v7  }
0x1cb: {  	v13 =	vmul.f32 v13, v7;
	v11 =	vmul.f32 v15, v7  }
0x1cc: {  	[tilespmem:s24+$0x30] =	vst v14  }
0x1cd: {  	[tilespmem:s24+$0xFFFFFFC0] =	vst v12  }
0x1ce: {  	v6 =	vmul.f32 v6, v7;
	[tilespmem:s24+$0x10] =	vst v13  }
0x1cf: {  	v8 =	vmul.f32 v8, v7;
	[tilespmem:s24+$0xFFFFFFE0] =	vst v11  }
0x1d0: {  	v10 =	vmul.f32 v10, v7;
	[tilespmem:s24+$0xFFFFFFF0] =	vst v6  }
0x1d1: {  	v6 =	vmul.f32 v9, v7;
	[tilespmem:s24+$0x20] =	vst v8  }
0x1d2: {  	[tilespmem:s24+$0x0] =	vst v10  }
0x1d3: {  	s25 =	simm.s32 $0x5480;
	[tilespmem:s24+$0xFFFFFFD0] =	vst v6  }
0x1d4: {  	[spmem:s2] =	stream.indirect.scatter.add.f32 [tilespmem:s20], [sflag:$0x2], $0x80, s25, s19, $0xb8;
	[tilespmem:$0x1F280] =	vst v63  }
0x1d5: {  	_ =	swait.ge [sflag:s9], $0x4000  }
0x1d6: {  	[sflag:s9] =	ssyncset.done $0x0  }
0x1d7: {  	s26 =	simm.s32 $0x5100;
	[sflag:s9] =	ssyncadd.s32 $0xFFFFC000  }
0x1d8: {  	[tilespmem:s20], [sflag:$0x1] =	stream.indirect.gather [hbm4b:s1+s19], $0x80, s26, s19, $0xb8;
	[tilespmem:$0x1F280] =	vst v63  }
0x1d9: {  	v6 =	vld [tilespmem:$0x5500];
	_ =	sdelay $0x6  }
0x1da: {  	s28 =	simm.s32 $0x0  }
0x1db: {  	v6 =	vld.idx.msk [tilespmem:v6+s28+$0x0], $0xffff;
	_ =	sdelay $0x4  }
0x1dc: {  	(erf) = vrcp.f32 v6;
	_ =	sdelay $0x4  }
0x1dd: {  	v6 =	vld [tilespmem:$0x5900]  }
0x1de: {  	v7 =	vld [tilespmem:$0x5510];
	_ =	sdelay $0x2  }
0x1df: {  	v8 =	vpop (erf)  }
0x1e0: {  	v8 =	vmul.f32 v8, v6  }
0x1e1: {  	v6 =	vmul.f32 v6, v5  }
0x1e2: {  	[tilespmem:$0x6000] =	vst v8  }
0x1e3: {  	[tilespmem:$0x5D00] =	vst v6  }
0x1e4: {  	v6 =	vld.idx.msk [tilespmem:v7+s28+$0x0], $0xffff;
	_ =	sdelay $0x4  }
0x1e5: {  	(erf) = vrcp.f32 v6;
	_ =	sdelay $0x4  }
0x1e6: {  	v6 =	vld [tilespmem:$0x5910]  }
0x1e7: {  	v7 =	vld [tilespmem:$0x5520];
	_ =	sdelay $0x2  }
0x1e8: {  	v8 =	vpop (erf)  }
0x1e9: {  	v8 =	vmul.f32 v8, v6  }
0x1ea: {  	v6 =	vmul.f32 v6, v5  }
0x1eb: {  	[tilespmem:$0x6010] =	vst v8  }
0x1ec: {  	[tilespmem:$0x5D10] =	vst v6  }
0x1ed: {  	v6 =	vld.idx.msk [tilespmem:v7+s28+$0x0], $0xffff;
	_ =	sdelay $0x4  }
0x1ee: {  	(erf) = vrcp.f32 v6;
	_ =	sdelay $0x4  }
0x1ef: {  	v6 =	vld [tilespmem:$0x5920]  }
0x1f0: {  	v7 =	vld [tilespmem:$0x5530];
	_ =	sdelay $0x2  }
0x1f1: {  	v8 =	vpop (erf)  }
0x1f2: {  	v8 =	vmul.f32 v8, v6  }
0x1f3: {  	v6 =	vmul.f32 v6, v5  }
0x1f4: {  	[tilespmem:$0x6020] =	vst v8  }
0x1f5: {  	[tilespmem:$0x5D20] =	vst v6  }
0x1f6: {  	v6 =	vld.idx.msk [tilespmem:v7+s28+$0x0], $0xffff;
	_ =	sdelay $0x4  }
0x1f7: {  	(erf) = vrcp.f32 v6;
	_ =	sdelay $0x4  }
0x1f8: {  	v6 =	vld [tilespmem:$0x5930]  }
0x1f9: {  	v7 =	vld [tilespmem:$0x5540];
	_ =	sdelay $0x2  }
0x1fa: {  	v8 =	vpop (erf)  }
0x1fb: {  	v8 =	vmul.f32 v8, v6  }
0x1fc: {  	v6 =	vmul.f32 v6, v5  }
0x1fd: {  	[tilespmem:$0x6030] =	vst v8  }
0x1fe: {  	[tilespmem:$0x5D30] =	vst v6  }
0x1ff: {  	v6 =	vld.idx.msk [tilespmem:v7+s28+$0x0], $0xffff;
	_ =	sdelay $0x4  }
0x200: {  	(erf) = vrcp.f32 v6;
	_ =	sdelay $0x4  }
0x201: {  	v6 =	vld [tilespmem:$0x5940]  }
0x202: {  	v7 =	vld [tilespmem:$0x5550];
	_ =	sdelay $0x2  }
0x203: {  	v8 =	vpop (erf)  }
0x204: {  	v8 =	vmul.f32 v8, v6  }
0x205: {  	v6 =	vmul.f32 v6, v5  }
0x206: {  	[tilespmem:$0x6040] =	vst v8  }
0x207: {  	[tilespmem:$0x5D40] =	vst v6  }
0x208: {  	v6 =	vld.idx.msk [tilespmem:v7+s28+$0x0], $0xffff;
	_ =	sdelay $0x4  }
0x209: {  	(erf) = vrcp.f32 v6;
	_ =	sdelay $0x4  }
0x20a: {  	v6 =	vld [tilespmem:$0x5950]  }
0x20b: {  	v7 =	vld [tilespmem:$0x5560];
	_ =	sdelay $0x2  }
0x20c: {  	v8 =	vpop (erf)  }
0x20d: {  	v8 =	vmul.f32 v8, v6  }
0x20e: {  	v6 =	vmul.f32 v6, v5  }
0x20f: {  	[tilespmem:$0x6050] =	vst v8  }
0x210: {  	[tilespmem:$0x5D50] =	vst v6  }
0x211: {  	v6 =	vld.idx.msk [tilespmem:v7+s28+$0x0], $0xffff;
	_ =	sdelay $0x4  }
0x212: {  	(erf) = vrcp.f32 v6;
	_ =	sdelay $0x4  }
0x213: {  	v6 =	vld [tilespmem:$0x5960]  }
0x214: {  	v7 =	vld [tilespmem:$0x5570];
	_ =	sdelay $0x2  }
0x215: {  	v8 =	vpop (erf)  }
0x216: {  	v8 =	vmul.f32 v8, v6  }
0x217: {  	v6 =	vmul.f32 v6, v5  }
0x218: {  	[tilespmem:$0x6060] =	vst v8  }
0x219: {  	[tilespmem:$0x5D60] =	vst v6  }
0x21a: {  	v6 =	vld.idx.msk [tilespmem:v7+s28+$0x0], $0xffff;
	_ =	sdelay $0x4  }
0x21b: {  	(erf) = vrcp.f32 v6;
	_ =	sdelay $0x4  }
0x21c: {  	v6 =	vld [tilespmem:$0x5970];
	_ =	sdelay $0x3  }
0x21d: {  	v7 =	vpop (erf)  }
0x21e: {  	v7 =	vmul.f32 v7, v6  }
0x21f: {  	v6 =	vmul.f32 v6, v5  }
0x220: {  	[tilespmem:$0x6070] =	vst v7  }
0x221: {  	[tilespmem:$0x5D70] =	vst v6  }
0x222: {  	_ =	swait.ge [sflag:s21], $0x4000  }
0x223: {  	v6 =	vmov s28;
	[sflag:s21] =	ssyncset.done $0x0  }
0x224: {  	s24 =	simm.s32 $0x60C0;
	[sflag:s21] =	ssyncadd.s32 $0xFFFFC000  }
0x225: {  	v10 =	vld [tilespmem:s24+$0x30]  }
0x226: {  	v13 =	vld [tilespmem:s24+$0x10]  }
0x227: {  	v11 =	vld [tilespmem:s24+$0xFFFFFFC0]  }
0x228: {  	v7 =	vld.idx.msk [tilespmem:v6+s14+$0x0], $0xffff  }
0x229: {  	v15 =	vld [tilespmem:s24+$0xFFFFFFE0]  }
0x22a: {  	v8 =	vld [tilespmem:s24+$0x20]  }
0x22b: {  	v9 =	vld [tilespmem:s24+$0xFFFFFFD0]  }
0x22c: {  	v6 =	vld [tilespmem:s24+$0xFFFFFFF0]  }
0x22d: {  	v14 =	vmul.f32 v10, v7;
	v10 =	vld [tilespmem:s24+$0x0]  }
0x22e: {  	v12 =	vmul.f32 v11, v7  }
0x22f: {  	s25 =	simm.s32 $0x1;
	s26 =	simm.s32 $0x60C0;
	v11 =	vmul.f32 v15, v7;
	v13 =	vmul.f32 v13, v7  }
.LBB2_11:
0x230: {  	p0 =	sne.s32 s25, $0x7F  }
0x231: {  	v9 =	vmul.f32 v9, v7;
	v8 =	vmul.f32 v8, v7;
	[tilespmem:s24+$0x30] =	vst v14;
	s26 =	sadd.s32 $0x80, s26;
	s28 =	smov.u32 s25;
	s25 =	sadd.s32 $0x1, s25  }
0x232: {  	[tilespmem:s24+$0xFFFFFFC0] =	vst v12;
	v12 =	vmul.f32 v6, v7;
	v7 =	vmul.f32 v10, v7  }
0x233: {  	[tilespmem:s24+$0x10] =	vst v13  }
0x234: {  	v10 =	vmov s28;
	[tilespmem:s24+$0xFFFFFFE0] =	vst v11  }
0x235: {  	v6 =	vld [tilespmem:s26+$0xFFFFFFF0];
	[tilespmem:s24+$0xFFFFFFF0] =	vst v12  }
0x236: {  	v11 =	vld [tilespmem:s26+$0x30];
	[tilespmem:s24+$0x0] =	vst v7  }
0x237: {  	v13 =	vld [tilespmem:s26+$0x10];
	[tilespmem:s24+$0x20] =	vst v8  }
0x238: {  	v12 =	vld [tilespmem:s26+$0xFFFFFFC0];
	[tilespmem:s24+$0xFFFFFFD0] =	vst v9;
	s24 =	smov.u32 s26  }
0x239: {  	v7 =	vld.idx.msk [tilespmem:v10+s14+$0x0], $0xffff  }
0x23a: {  	v15 =	vld [tilespmem:s26+$0xFFFFFFE0]  }
0x23b: {  	v8 =	vld [tilespmem:s26+$0x20]  }
.Ltmp4:
0x23c: {  	v9 =	vld [tilespmem:s26+$0xFFFFFFD0];
	(pc) =	sbr.rel @p0 .LBB2_11-.Ltmp4, $3  }
0x23d: {  	v10 =	vld [tilespmem:s26+$0x0];
	_ =	sdelay $0x1  }
0x23e: {  	v12 =	vmul.f32 v12, v7;
	v14 =	vmul.f32 v11, v7  }
0x23f: {  	v13 =	vmul.f32 v13, v7;
	v11 =	vmul.f32 v15, v7  }
0x240: {  	[tilespmem:s24+$0x30] =	vst v14  }
0x241: {  	[tilespmem:s24+$0xFFFFFFC0] =	vst v12  }
0x242: {  	v6 =	vmul.f32 v6, v7;
	[tilespmem:s24+$0x10] =	vst v13  }
0x243: {  	v8 =	vmul.f32 v8, v7;
	[tilespmem:s24+$0xFFFFFFE0] =	vst v11  }
0x244: {  	v10 =	vmul.f32 v10, v7;
	[tilespmem:s24+$0xFFFFFFF0] =	vst v6  }
0x245: {  	v6 =	vmul.f32 v9, v7;
	[tilespmem:s24+$0x20] =	vst v8  }
0x246: {  	[tilespmem:s24+$0x0] =	vst v10  }
0x247: {  	s25 =	simm.s32 $0x5500;
	[tilespmem:s24+$0xFFFFFFD0] =	vst v6  }
0x248: {  	[spmem:s2] =	stream.indirect.scatter.add.f32 [tilespmem:s20], [sflag:$0x2], $0x80, s25, s19, $0xb8;
	[tilespmem:$0x1F280] =	vst v63  }
0x249: {  	_ =	swait.ge [sflag:s9], $0x4000  }
0x24a: {  	[sflag:s9] =	ssyncset.done $0x0  }
0x24b: {  	s26 =	simm.s32 $0x5180;
	[sflag:s9] =	ssyncadd.s32 $0xFFFFC000  }
0x24c: {  	[tilespmem:s20], [sflag:$0x1] =	stream.indirect.gather [hbm4b:s1+s19], $0x80, s26, s19, $0xb8;
	[tilespmem:$0x1F280] =	vst v63  }
0x24d: {  	v6 =	vld [tilespmem:$0x5580];
	_ =	sdelay $0x6  }
0x24e: {  	s28 =	simm.s32 $0x0  }
0x24f: {  	v6 =	vld.idx.msk [tilespmem:v6+s28+$0x0], $0xffff;
	_ =	sdelay $0x4  }
0x250: {  	(erf) = vrcp.f32 v6;
	_ =	sdelay $0x4  }
0x251: {  	v6 =	vld [tilespmem:$0x5980]  }
0x252: {  	v7 =	vld [tilespmem:$0x5590];
	_ =	sdelay $0x2  }
0x253: {  	v8 =	vpop (erf)  }
0x254: {  	v8 =	vmul.f32 v8, v6  }
0x255: {  	v6 =	vmul.f32 v6, v5  }
0x256: {  	[tilespmem:$0x6000] =	vst v8  }
0x257: {  	[tilespmem:$0x5D80] =	vst v6  }
0x258: {  	v6 =	vld.idx.msk [tilespmem:v7+s28+$0x0], $0xffff;
	_ =	sdelay $0x4  }
0x259: {  	(erf) = vrcp.f32 v6;
	_ =	sdelay $0x4  }
0x25a: {  	v6 =	vld [tilespmem:$0x5990]  }
0x25b: {  	v7 =	vld [tilespmem:$0x55A0];
	_ =	sdelay $0x2  }
0x25c: {  	v8 =	vpop (erf)  }
0x25d: {  	v8 =	vmul.f32 v8, v6  }
0x25e: {  	v6 =	vmul.f32 v6, v5  }
0x25f: {  	[tilespmem:$0x6010] =	vst v8  }
0x260: {  	[tilespmem:$0x5D90] =	vst v6  }
0x261: {  	v6 =	vld.idx.msk [tilespmem:v7+s28+$0x0], $0xffff;
	_ =	sdelay $0x4  }
0x262: {  	(erf) = vrcp.f32 v6;
	_ =	sdelay $0x4  }
0x263: {  	v6 =	vld [tilespmem:$0x59A0]  }
0x264: {  	v7 =	vld [tilespmem:$0x55B0];
	_ =	sdelay $0x2  }
0x265: {  	v8 =	vpop (erf)  }
0x266: {  	v8 =	vmul.f32 v8, v6  }
0x267: {  	v6 =	vmul.f32 v6, v5  }
0x268: {  	[tilespmem:$0x6020] =	vst v8  }
0x269: {  	[tilespmem:$0x5DA0] =	vst v6  }
0x26a: {  	v6 =	vld.idx.msk [tilespmem:v7+s28+$0x0], $0xffff;
	_ =	sdelay $0x4  }
0x26b: {  	(erf) = vrcp.f32 v6;
	_ =	sdelay $0x4  }
0x26c: {  	v6 =	vld [tilespmem:$0x59B0]  }
0x26d: {  	v7 =	vld [tilespmem:$0x55C0];
	_ =	sdelay $0x2  }
0x26e: {  	v8 =	vpop (erf)  }
0x26f: {  	v8 =	vmul.f32 v8, v6  }
0x270: {  	v6 =	vmul.f32 v6, v5  }
0x271: {  	[tilespmem:$0x6030] =	vst v8  }
0x272: {  	[tilespmem:$0x5DB0] =	vst v6  }
0x273: {  	v6 =	vld.idx.msk [tilespmem:v7+s28+$0x0], $0xffff;
	_ =	sdelay $0x4  }
0x274: {  	(erf) = vrcp.f32 v6;
	_ =	sdelay $0x4  }
0x275: {  	v6 =	vld [tilespmem:$0x59C0]  }
0x276: {  	v7 =	vld [tilespmem:$0x55D0];
	_ =	sdelay $0x2  }
0x277: {  	v8 =	vpop (erf)  }
0x278: {  	v8 =	vmul.f32 v8, v6  }
0x279: {  	v6 =	vmul.f32 v6, v5  }
0x27a: {  	[tilespmem:$0x6040] =	vst v8  }
0x27b: {  	[tilespmem:$0x5DC0] =	vst v6  }
0x27c: {  	v6 =	vld.idx.msk [tilespmem:v7+s28+$0x0], $0xffff;
	_ =	sdelay $0x4  }
0x27d: {  	(erf) = vrcp.f32 v6;
	_ =	sdelay $0x4  }
0x27e: {  	v6 =	vld [tilespmem:$0x59D0]  }
0x27f: {  	v7 =	vld [tilespmem:$0x55E0];
	_ =	sdelay $0x2  }
0x280: {  	v8 =	vpop (erf)  }
0x281: {  	v8 =	vmul.f32 v8, v6  }
0x282: {  	v6 =	vmul.f32 v6, v5  }
0x283: {  	[tilespmem:$0x6050] =	vst v8  }
0x284: {  	[tilespmem:$0x5DD0] =	vst v6  }
0x285: {  	v6 =	vld.idx.msk [tilespmem:v7+s28+$0x0], $0xffff;
	_ =	sdelay $0x4  }
0x286: {  	(erf) = vrcp.f32 v6;
	_ =	sdelay $0x4  }
0x287: {  	v6 =	vld [tilespmem:$0x59E0]  }
0x288: {  	v7 =	vld [tilespmem:$0x55F0];
	_ =	sdelay $0x2  }
0x289: {  	v8 =	vpop (erf)  }
0x28a: {  	v8 =	vmul.f32 v8, v6  }
0x28b: {  	v6 =	vmul.f32 v6, v5  }
0x28c: {  	[tilespmem:$0x6060] =	vst v8  }
0x28d: {  	[tilespmem:$0x5DE0] =	vst v6  }
0x28e: {  	v6 =	vld.idx.msk [tilespmem:v7+s28+$0x0], $0xffff;
	_ =	sdelay $0x4  }
0x28f: {  	(erf) = vrcp.f32 v6;
	_ =	sdelay $0x4  }
0x290: {  	v6 =	vld [tilespmem:$0x59F0];
	_ =	sdelay $0x3  }
0x291: {  	v7 =	vpop (erf)  }
0x292: {  	v7 =	vmul.f32 v7, v6  }
0x293: {  	v6 =	vmul.f32 v6, v5  }
0x294: {  	[tilespmem:$0x6070] =	vst v7  }
0x295: {  	[tilespmem:$0x5DF0] =	vst v6  }
0x296: {  	_ =	swait.ge [sflag:s21], $0x4000  }
0x297: {  	v6 =	vmov s28;
	[sflag:s21] =	ssyncset.done $0x0  }
0x298: {  	s24 =	simm.s32 $0x60C0;
	[sflag:s21] =	ssyncadd.s32 $0xFFFFC000  }
0x299: {  	v10 =	vld [tilespmem:s24+$0x30]  }
0x29a: {  	v13 =	vld [tilespmem:s24+$0x10]  }
0x29b: {  	v11 =	vld [tilespmem:s24+$0xFFFFFFC0]  }
0x29c: {  	v7 =	vld.idx.msk [tilespmem:v6+s14+$0x0], $0xffff  }
0x29d: {  	v15 =	vld [tilespmem:s24+$0xFFFFFFE0]  }
0x29e: {  	v8 =	vld [tilespmem:s24+$0x20]  }
0x29f: {  	v9 =	vld [tilespmem:s24+$0xFFFFFFD0]  }
0x2a0: {  	v6 =	vld [tilespmem:s24+$0xFFFFFFF0]  }
0x2a1: {  	v14 =	vmul.f32 v10, v7;
	v10 =	vld [tilespmem:s24+$0x0]  }
0x2a2: {  	v12 =	vmul.f32 v11, v7  }
0x2a3: {  	s25 =	simm.s32 $0x1;
	s26 =	simm.s32 $0x60C0;
	v11 =	vmul.f32 v15, v7;
	v13 =	vmul.f32 v13, v7  }
.LBB2_13:
0x2a4: {  	p0 =	sne.s32 s25, $0x7F  }
0x2a5: {  	v9 =	vmul.f32 v9, v7;
	v8 =	vmul.f32 v8, v7;
	[tilespmem:s24+$0x30] =	vst v14;
	s26 =	sadd.s32 $0x80, s26;
	s28 =	smov.u32 s25;
	s25 =	sadd.s32 $0x1, s25  }
0x2a6: {  	[tilespmem:s24+$0xFFFFFFC0] =	vst v12;
	v12 =	vmul.f32 v6, v7;
	v7 =	vmul.f32 v10, v7  }
0x2a7: {  	[tilespmem:s24+$0x10] =	vst v13  }
0x2a8: {  	v10 =	vmov s28;
	[tilespmem:s24+$0xFFFFFFE0] =	vst v11  }
0x2a9: {  	v6 =	vld [tilespmem:s26+$0xFFFFFFF0];
	[tilespmem:s24+$0xFFFFFFF0] =	vst v12  }
0x2aa: {  	v11 =	vld [tilespmem:s26+$0x30];
	[tilespmem:s24+$0x0] =	vst v7  }
0x2ab: {  	v13 =	vld [tilespmem:s26+$0x10];
	[tilespmem:s24+$0x20] =	vst v8  }
0x2ac: {  	v12 =	vld [tilespmem:s26+$0xFFFFFFC0];
	[tilespmem:s24+$0xFFFFFFD0] =	vst v9;
	s24 =	smov.u32 s26  }
0x2ad: {  	v7 =	vld.idx.msk [tilespmem:v10+s14+$0x0], $0xffff  }
0x2ae: {  	v15 =	vld [tilespmem:s26+$0xFFFFFFE0]  }
0x2af: {  	v8 =	vld [tilespmem:s26+$0x20]  }
.Ltmp5:
0x2b0: {  	v9 =	vld [tilespmem:s26+$0xFFFFFFD0];
	(pc) =	sbr.rel @p0 .LBB2_13-.Ltmp5, $3  }
0x2b1: {  	v10 =	vld [tilespmem:s26+$0x0];
	_ =	sdelay $0x1  }
0x2b2: {  	v12 =	vmul.f32 v12, v7;
	v14 =	vmul.f32 v11, v7  }
0x2b3: {  	v13 =	vmul.f32 v13, v7;
	v11 =	vmul.f32 v15, v7  }
0x2b4: {  	[tilespmem:s24+$0x30] =	vst v14  }
0x2b5: {  	[tilespmem:s24+$0xFFFFFFC0] =	vst v12  }
0x2b6: {  	v6 =	vmul.f32 v6, v7;
	[tilespmem:s24+$0x10] =	vst v13  }
0x2b7: {  	v8 =	vmul.f32 v8, v7;
	[tilespmem:s24+$0xFFFFFFE0] =	vst v11  }
0x2b8: {  	v10 =	vmul.f32 v10, v7;
	[tilespmem:s24+$0xFFFFFFF0] =	vst v6  }
0x2b9: {  	v6 =	vmul.f32 v9, v7;
	[tilespmem:s24+$0x20] =	vst v8  }
0x2ba: {  	[tilespmem:s24+$0x0] =	vst v10  }
0x2bb: {  	s26 =	simm.s32 $0x5580;
	[tilespmem:s24+$0xFFFFFFD0] =	vst v6  }
0x2bc: {  	[spmem:s2] =	stream.indirect.scatter.add.f32 [tilespmem:s20], [sflag:$0x2], $0x80, s26, s19, $0xb8;
	[tilespmem:$0x1F280] =	vst v63  }
0x2bd: {  	_ =	swait.ge [sflag:s9], $0x4000  }
0x2be: {  	[sflag:s9] =	ssyncset.done $0x0  }
0x2bf: {  	[sflag:s9] =	ssyncadd.s32 $0xFFFFC000  }
0x2c0: {  	[tilespmem:s20], [sflag:$0x1] =	stream.indirect.gather [hbm4b:s1+s19], $0x80, s29, s19, $0xb8;
	[tilespmem:$0x1F280] =	vst v63  }
0x2c1: {  	v6 =	vld [tilespmem:$0x5600];
	_ =	sdelay $0x6  }
0x2c2: {  	s28 =	simm.s32 $0x0  }
0x2c3: {  	v6 =	vld.idx.msk [tilespmem:v6+s28+$0x0], $0xffff;
	_ =	sdelay $0x4  }
0x2c4: {  	(erf) = vrcp.f32 v6;
	_ =	sdelay $0x4  }
0x2c5: {  	v6 =	vld [tilespmem:$0x5A00]  }
0x2c6: {  	v7 =	vld [tilespmem:$0x5610];
	_ =	sdelay $0x2  }
0x2c7: {  	v8 =	vpop (erf)  }
0x2c8: {  	v8 =	vmul.f32 v8, v6  }
0x2c9: {  	v6 =	vmul.f32 v6, v5  }
0x2ca: {  	[tilespmem:$0x6000] =	vst v8  }
0x2cb: {  	[tilespmem:$0x5E00] =	vst v6  }
0x2cc: {  	v6 =	vld.idx.msk [tilespmem:v7+s28+$0x0], $0xffff;
	_ =	sdelay $0x4  }
0x2cd: {  	(erf) = vrcp.f32 v6;
	_ =	sdelay $0x4  }
0x2ce: {  	v6 =	vld [tilespmem:$0x5A10]  }
0x2cf: {  	v7 =	vld [tilespmem:$0x5620];
	_ =	sdelay $0x2  }
0x2d0: {  	v8 =	vpop (erf)  }
0x2d1: {  	v8 =	vmul.f32 v8, v6  }
0x2d2: {  	v6 =	vmul.f32 v6, v5  }
0x2d3: {  	[tilespmem:$0x6010] =	vst v8  }
0x2d4: {  	[tilespmem:$0x5E10] =	vst v6  }
0x2d5: {  	v6 =	vld.idx.msk [tilespmem:v7+s28+$0x0], $0xffff;
	_ =	sdelay $0x4  }
0x2d6: {  	(erf) = vrcp.f32 v6;
	_ =	sdelay $0x4  }
0x2d7: {  	v6 =	vld [tilespmem:$0x5A20]  }
0x2d8: {  	v7 =	vld [tilespmem:$0x5630];
	_ =	sdelay $0x2  }
0x2d9: {  	v8 =	vpop (erf)  }
0x2da: {  	v8 =	vmul.f32 v8, v6  }
0x2db: {  	v6 =	vmul.f32 v6, v5  }
0x2dc: {  	[tilespmem:$0x6020] =	vst v8  }
0x2dd: {  	[tilespmem:$0x5E20] =	vst v6  }
0x2de: {  	v6 =	vld.idx.msk [tilespmem:v7+s28+$0x0], $0xffff;
	_ =	sdelay $0x4  }
0x2df: {  	(erf) = vrcp.f32 v6;
	_ =	sdelay $0x4  }
0x2e0: {  	v6 =	vld [tilespmem:$0x5A30]  }
0x2e1: {  	v7 =	vld [tilespmem:$0x5640];
	_ =	sdelay $0x2  }
0x2e2: {  	v8 =	vpop (erf)  }
0x2e3: {  	v8 =	vmul.f32 v8, v6  }
0x2e4: {  	v6 =	vmul.f32 v6, v5  }
0x2e5: {  	[tilespmem:$0x6030] =	vst v8  }
0x2e6: {  	[tilespmem:$0x5E30] =	vst v6  }
0x2e7: {  	v6 =	vld.idx.msk [tilespmem:v7+s28+$0x0], $0xffff;
	_ =	sdelay $0x4  }
0x2e8: {  	(erf) = vrcp.f32 v6;
	_ =	sdelay $0x4  }
0x2e9: {  	v6 =	vld [tilespmem:$0x5A40]  }
0x2ea: {  	v7 =	vld [tilespmem:$0x5650];
	_ =	sdelay $0x2  }
0x2eb: {  	v8 =	vpop (erf)  }
0x2ec: {  	v8 =	vmul.f32 v8, v6  }
0x2ed: {  	v6 =	vmul.f32 v6, v5  }
0x2ee: {  	[tilespmem:$0x6040] =	vst v8  }
0x2ef: {  	[tilespmem:$0x5E40] =	vst v6  }
0x2f0: {  	v6 =	vld.idx.msk [tilespmem:v7+s28+$0x0], $0xffff;
	_ =	sdelay $0x4  }
0x2f1: {  	(erf) = vrcp.f32 v6;
	_ =	sdelay $0x4  }
0x2f2: {  	v6 =	vld [tilespmem:$0x5A50]  }
0x2f3: {  	v7 =	vld [tilespmem:$0x5660];
	_ =	sdelay $0x2  }
0x2f4: {  	v8 =	vpop (erf)  }
0x2f5: {  	v8 =	vmul.f32 v8, v6  }
0x2f6: {  	v6 =	vmul.f32 v6, v5  }
0x2f7: {  	[tilespmem:$0x6050] =	vst v8  }
0x2f8: {  	[tilespmem:$0x5E50] =	vst v6  }
0x2f9: {  	v6 =	vld.idx.msk [tilespmem:v7+s28+$0x0], $0xffff;
	_ =	sdelay $0x4  }
0x2fa: {  	(erf) = vrcp.f32 v6;
	_ =	sdelay $0x4  }
0x2fb: {  	v6 =	vld [tilespmem:$0x5A60]  }
0x2fc: {  	v7 =	vld [tilespmem:$0x5670];
	_ =	sdelay $0x2  }
0x2fd: {  	v8 =	vpop (erf)  }
0x2fe: {  	v8 =	vmul.f32 v8, v6  }
0x2ff: {  	v6 =	vmul.f32 v6, v5  }
0x300: {  	[tilespmem:$0x6060] =	vst v8  }
0x301: {  	[tilespmem:$0x5E60] =	vst v6  }
0x302: {  	v6 =	vld.idx.msk [tilespmem:v7+s28+$0x0], $0xffff;
	_ =	sdelay $0x4  }
0x303: {  	(erf) = vrcp.f32 v6;
	_ =	sdelay $0x4  }
0x304: {  	v6 =	vld [tilespmem:$0x5A70];
	_ =	sdelay $0x3  }
0x305: {  	v7 =	vpop (erf)  }
0x306: {  	v7 =	vmul.f32 v7, v6  }
0x307: {  	v6 =	vmul.f32 v6, v5  }
0x308: {  	[tilespmem:$0x6070] =	vst v7  }
0x309: {  	[tilespmem:$0x5E70] =	vst v6  }
0x30a: {  	_ =	swait.ge [sflag:s21], $0x4000  }
0x30b: {  	v6 =	vmov s28;
	[sflag:s21] =	ssyncset.done $0x0  }
0x30c: {  	s24 =	simm.s32 $0x60C0;
	[sflag:s21] =	ssyncadd.s32 $0xFFFFC000  }
0x30d: {  	v10 =	vld [tilespmem:s24+$0x30]  }
0x30e: {  	v13 =	vld [tilespmem:s24+$0x10]  }
0x30f: {  	v11 =	vld [tilespmem:s24+$0xFFFFFFC0]  }
0x310: {  	v7 =	vld.idx.msk [tilespmem:v6+s14+$0x0], $0xffff  }
0x311: {  	v15 =	vld [tilespmem:s24+$0xFFFFFFE0]  }
0x312: {  	v8 =	vld [tilespmem:s24+$0x20]  }
0x313: {  	v9 =	vld [tilespmem:s24+$0xFFFFFFD0]  }
0x314: {  	v6 =	vld [tilespmem:s24+$0xFFFFFFF0]  }
0x315: {  	v14 =	vmul.f32 v10, v7;
	v10 =	vld [tilespmem:s24+$0x0]  }
0x316: {  	v12 =	vmul.f32 v11, v7  }
0x317: {  	s25 =	simm.s32 $0x1;
	s26 =	simm.s32 $0x60C0;
	v11 =	vmul.f32 v15, v7;
	v13 =	vmul.f32 v13, v7  }
.LBB2_15:
0x318: {  	p0 =	sne.s32 s25, $0x7F  }
0x319: {  	v9 =	vmul.f32 v9, v7;
	v8 =	vmul.f32 v8, v7;
	[tilespmem:s24+$0x30] =	vst v14;
	s26 =	sadd.s32 $0x80, s26;
	s28 =	smov.u32 s25;
	s25 =	sadd.s32 $0x1, s25  }
0x31a: {  	[tilespmem:s24+$0xFFFFFFC0] =	vst v12;
	v12 =	vmul.f32 v6, v7;
	v7 =	vmul.f32 v10, v7  }
0x31b: {  	[tilespmem:s24+$0x10] =	vst v13  }
0x31c: {  	v10 =	vmov s28;
	[tilespmem:s24+$0xFFFFFFE0] =	vst v11  }
0x31d: {  	v6 =	vld [tilespmem:s26+$0xFFFFFFF0];
	[tilespmem:s24+$0xFFFFFFF0] =	vst v12  }
0x31e: {  	v11 =	vld [tilespmem:s26+$0x30];
	[tilespmem:s24+$0x0] =	vst v7  }
0x31f: {  	v13 =	vld [tilespmem:s26+$0x10];
	[tilespmem:s24+$0x20] =	vst v8  }
0x320: {  	v12 =	vld [tilespmem:s26+$0xFFFFFFC0];
	[tilespmem:s24+$0xFFFFFFD0] =	vst v9;
	s24 =	smov.u32 s26  }
0x321: {  	v7 =	vld.idx.msk [tilespmem:v10+s14+$0x0], $0xffff  }
0x322: {  	v15 =	vld [tilespmem:s26+$0xFFFFFFE0]  }
0x323: {  	v8 =	vld [tilespmem:s26+$0x20]  }
.Ltmp6:
0x324: {  	v9 =	vld [tilespmem:s26+$0xFFFFFFD0];
	(pc) =	sbr.rel @p0 .LBB2_15-.Ltmp6, $3  }
0x325: {  	v10 =	vld [tilespmem:s26+$0x0];
	_ =	sdelay $0x1  }
0x326: {  	v12 =	vmul.f32 v12, v7;
	v14 =	vmul.f32 v11, v7  }
0x327: {  	v13 =	vmul.f32 v13, v7;
	v11 =	vmul.f32 v15, v7  }
0x328: {  	[tilespmem:s24+$0x30] =	vst v14  }
0x329: {  	[tilespmem:s24+$0xFFFFFFC0] =	vst v12  }
0x32a: {  	v6 =	vmul.f32 v6, v7;
	[tilespmem:s24+$0x10] =	vst v13  }
0x32b: {  	v8 =	vmul.f32 v8, v7;
	[tilespmem:s24+$0xFFFFFFE0] =	vst v11  }
0x32c: {  	v10 =	vmul.f32 v10, v7;
	[tilespmem:s24+$0xFFFFFFF0] =	vst v6  }
0x32d: {  	v6 =	vmul.f32 v9, v7;
	[tilespmem:s24+$0x20] =	vst v8  }
0x32e: {  	[tilespmem:s24+$0x0] =	vst v10  }
0x32f: {  	[tilespmem:s24+$0xFFFFFFD0] =	vst v6  }
0x330: {  	[spmem:s2] =	stream.indirect.scatter.add.f32 [tilespmem:s20], [sflag:$0x2], $0x80, s30, s19, $0xb8;
	[tilespmem:$0x1F280] =	vst v63  }
0x331: {  	_ =	swait.ge [sflag:s9], $0x4000  }
0x332: {  	[sflag:s9] =	ssyncset.done $0x0  }
0x333: {  	[sflag:s9] =	ssyncadd.s32 $0xFFFFC000  }
0x334: {  	[tilespmem:s20], [sflag:$0x1] =	stream.indirect.gather [hbm4b:s1+s19], $0x80, s31, s19, $0xb8;
	[tilespmem:$0x1F280] =	vst v63  }
0x335: {  	v6 =	vld [tilespmem:$0x5680];
	_ =	sdelay $0x6  }
0x336: {  	s28 =	simm.s32 $0x0  }
0x337: {  	v6 =	vld.idx.msk [tilespmem:v6+s28+$0x0], $0xffff;
	_ =	sdelay $0x4  }
0x338: {  	(erf) = vrcp.f32 v6;
	_ =	sdelay $0x4  }
0x339: {  	v6 =	vld [tilespmem:$0x5A80]  }
0x33a: {  	v7 =	vld [tilespmem:$0x5690];
	_ =	sdelay $0x2  }
0x33b: {  	v8 =	vpop (erf)  }
0x33c: {  	v8 =	vmul.f32 v8, v6  }
0x33d: {  	v6 =	vmul.f32 v6, v5  }
0x33e: {  	[tilespmem:$0x6000] =	vst v8  }
0x33f: {  	[tilespmem:$0x5E80] =	vst v6  }
0x340: {  	v6 =	vld.idx.msk [tilespmem:v7+s28+$0x0], $0xffff;
	_ =	sdelay $0x4  }
0x341: {  	(erf) = vrcp.f32 v6;
	_ =	sdelay $0x4  }
0x342: {  	v6 =	vld [tilespmem:$0x5A90]  }
0x343: {  	v7 =	vld [tilespmem:$0x56A0];
	_ =	sdelay $0x2  }
0x344: {  	v8 =	vpop (erf)  }
0x345: {  	v8 =	vmul.f32 v8, v6  }
0x346: {  	v6 =	vmul.f32 v6, v5  }
0x347: {  	[tilespmem:$0x6010] =	vst v8  }
0x348: {  	[tilespmem:$0x5E90] =	vst v6  }
0x349: {  	v6 =	vld.idx.msk [tilespmem:v7+s28+$0x0], $0xffff;
	_ =	sdelay $0x4  }
0x34a: {  	(erf) = vrcp.f32 v6;
	_ =	sdelay $0x4  }
0x34b: {  	v6 =	vld [tilespmem:$0x5AA0]  }
0x34c: {  	v7 =	vld [tilespmem:$0x56B0];
	_ =	sdelay $0x2  }
0x34d: {  	v8 =	vpop (erf)  }
0x34e: {  	v8 =	vmul.f32 v8, v6  }
0x34f: {  	v6 =	vmul.f32 v6, v5  }
0x350: {  	[tilespmem:$0x6020] =	vst v8  }
0x351: {  	[tilespmem:$0x5EA0] =	vst v6  }
0x352: {  	v6 =	vld.idx.msk [tilespmem:v7+s28+$0x0], $0xffff;
	_ =	sdelay $0x4  }
0x353: {  	(erf) = vrcp.f32 v6;
	_ =	sdelay $0x4  }
0x354: {  	v6 =	vld [tilespmem:$0x5AB0]  }
0x355: {  	v7 =	vld [tilespmem:$0x56C0];
	_ =	sdelay $0x2  }
0x356: {  	v8 =	vpop (erf)  }
0x357: {  	v8 =	vmul.f32 v8, v6  }
0x358: {  	v6 =	vmul.f32 v6, v5  }
0x359: {  	[tilespmem:$0x6030] =	vst v8  }
0x35a: {  	[tilespmem:$0x5EB0] =	vst v6  }
0x35b: {  	v6 =	vld.idx.msk [tilespmem:v7+s28+$0x0], $0xffff;
	_ =	sdelay $0x4  }
0x35c: {  	(erf) = vrcp.f32 v6;
	_ =	sdelay $0x4  }
0x35d: {  	v6 =	vld [tilespmem:$0x5AC0]  }
0x35e: {  	v7 =	vld [tilespmem:$0x56D0];
	_ =	sdelay $0x2  }
0x35f: {  	v8 =	vpop (erf)  }
0x360: {  	v8 =	vmul.f32 v8, v6  }
0x361: {  	v6 =	vmul.f32 v6, v5  }
0x362: {  	[tilespmem:$0x6040] =	vst v8  }
0x363: {  	[tilespmem:$0x5EC0] =	vst v6  }
0x364: {  	v6 =	vld.idx.msk [tilespmem:v7+s28+$0x0], $0xffff;
	_ =	sdelay $0x4  }
0x365: {  	(erf) = vrcp.f32 v6;
	_ =	sdelay $0x4  }
0x366: {  	v6 =	vld [tilespmem:$0x5AD0]  }
0x367: {  	v7 =	vld [tilespmem:$0x56E0];
	_ =	sdelay $0x2  }
0x368: {  	v8 =	vpop (erf)  }
0x369: {  	v8 =	vmul.f32 v8, v6  }
0x36a: {  	v6 =	vmul.f32 v6, v5  }
0x36b: {  	[tilespmem:$0x6050] =	vst v8  }
0x36c: {  	[tilespmem:$0x5ED0] =	vst v6  }
0x36d: {  	v6 =	vld.idx.msk [tilespmem:v7+s28+$0x0], $0xffff;
	_ =	sdelay $0x4  }
0x36e: {  	(erf) = vrcp.f32 v6;
	_ =	sdelay $0x4  }
0x36f: {  	v6 =	vld [tilespmem:$0x5AE0]  }
0x370: {  	v7 =	vld [tilespmem:$0x56F0];
	_ =	sdelay $0x2  }
0x371: {  	v8 =	vpop (erf)  }
0x372: {  	v8 =	vmul.f32 v8, v6  }
0x373: {  	v6 =	vmul.f32 v6, v5  }
0x374: {  	[tilespmem:$0x6060] =	vst v8  }
0x375: {  	[tilespmem:$0x5EE0] =	vst v6  }
0x376: {  	v6 =	vld.idx.msk [tilespmem:v7+s28+$0x0], $0xffff;
	_ =	sdelay $0x4  }
0x377: {  	(erf) = vrcp.f32 v6;
	_ =	sdelay $0x4  }
0x378: {  	v6 =	vld [tilespmem:$0x5AF0];
	_ =	sdelay $0x3  }
0x379: {  	v7 =	vpop (erf)  }
0x37a: {  	v7 =	vmul.f32 v7, v6  }
0x37b: {  	v6 =	vmul.f32 v6, v5  }
0x37c: {  	[tilespmem:$0x6070] =	vst v7  }
0x37d: {  	[tilespmem:$0x5EF0] =	vst v6  }
0x37e: {  	_ =	swait.ge [sflag:s21], $0x4000  }
0x37f: {  	v6 =	vmov s28;
	[sflag:s21] =	ssyncset.done $0x0  }
0x380: {  	s24 =	simm.s32 $0x60C0;
	[sflag:s21] =	ssyncadd.s32 $0xFFFFC000  }
0x381: {  	v10 =	vld [tilespmem:s24+$0x30]  }
0x382: {  	v13 =	vld [tilespmem:s24+$0x10]  }
0x383: {  	v11 =	vld [tilespmem:s24+$0xFFFFFFC0]  }
0x384: {  	v7 =	vld.idx.msk [tilespmem:v6+s14+$0x0], $0xffff  }
0x385: {  	v15 =	vld [tilespmem:s24+$0xFFFFFFE0]  }
0x386: {  	v8 =	vld [tilespmem:s24+$0x20]  }
0x387: {  	v9 =	vld [tilespmem:s24+$0xFFFFFFD0]  }
0x388: {  	v6 =	vld [tilespmem:s24+$0xFFFFFFF0]  }
0x389: {  	v14 =	vmul.f32 v10, v7;
	v10 =	vld [tilespmem:s24+$0x0]  }
0x38a: {  	v12 =	vmul.f32 v11, v7  }
0x38b: {  	s25 =	simm.s32 $0x1;
	s26 =	simm.s32 $0x60C0;
	v11 =	vmul.f32 v15, v7;
	v13 =	vmul.f32 v13, v7  }
.LBB2_17:
0x38c: {  	p0 =	sne.s32 s25, $0x7F  }
0x38d: {  	v9 =	vmul.f32 v9, v7;
	v8 =	vmul.f32 v8, v7;
	[tilespmem:s24+$0x30] =	vst v14;
	s26 =	sadd.s32 $0x80, s26;
	s28 =	smov.u32 s25;
	s25 =	sadd.s32 $0x1, s25  }
0x38e: {  	[tilespmem:s24+$0xFFFFFFC0] =	vst v12;
	v12 =	vmul.f32 v6, v7;
	v7 =	vmul.f32 v10, v7  }
0x38f: {  	[tilespmem:s24+$0x10] =	vst v13  }
0x390: {  	v10 =	vmov s28;
	[tilespmem:s24+$0xFFFFFFE0] =	vst v11  }
0x391: {  	v6 =	vld [tilespmem:s26+$0xFFFFFFF0];
	[tilespmem:s24+$0xFFFFFFF0] =	vst v12  }
0x392: {  	v11 =	vld [tilespmem:s26+$0x30];
	[tilespmem:s24+$0x0] =	vst v7  }
0x393: {  	v13 =	vld [tilespmem:s26+$0x10];
	[tilespmem:s24+$0x20] =	vst v8  }
0x394: {  	v12 =	vld [tilespmem:s26+$0xFFFFFFC0];
	[tilespmem:s24+$0xFFFFFFD0] =	vst v9;
	s24 =	smov.u32 s26  }
0x395: {  	v7 =	vld.idx.msk [tilespmem:v10+s14+$0x0], $0xffff  }
0x396: {  	v15 =	vld [tilespmem:s26+$0xFFFFFFE0]  }
0x397: {  	v8 =	vld [tilespmem:s26+$0x20]  }
.Ltmp7:
0x398: {  	v9 =	vld [tilespmem:s26+$0xFFFFFFD0];
	(pc) =	sbr.rel @p0 .LBB2_17-.Ltmp7, $3  }
0x399: {  	v10 =	vld [tilespmem:s26+$0x0];
	_ =	sdelay $0x1  }
0x39a: {  	v12 =	vmul.f32 v12, v7;
	v14 =	vmul.f32 v11, v7  }
0x39b: {  	v13 =	vmul.f32 v13, v7;
	v11 =	vmul.f32 v15, v7  }
0x39c: {  	[tilespmem:s24+$0x30] =	vst v14  }
0x39d: {  	[tilespmem:s24+$0xFFFFFFC0] =	vst v12  }
0x39e: {  	v6 =	vmul.f32 v6, v7;
	[tilespmem:s24+$0x10] =	vst v13  }
0x39f: {  	v8 =	vmul.f32 v8, v7;
	[tilespmem:s24+$0xFFFFFFE0] =	vst v11  }
0x3a0: {  	v10 =	vmul.f32 v10, v7;
	[tilespmem:s24+$0xFFFFFFF0] =	vst v6  }
0x3a1: {  	v6 =	vmul.f32 v9, v7;
	[tilespmem:s24+$0x20] =	vst v8  }
0x3a2: {  	[tilespmem:s24+$0x0] =	vst v10  }
0x3a3: {  	[tilespmem:s24+$0xFFFFFFD0] =	vst v6  }
0x3a4: {  	[spmem:s2] =	stream.indirect.scatter.add.f32 [tilespmem:s20], [sflag:$0x2], $0x80, s0, s19, $0xb8;
	[tilespmem:$0x1F280] =	vst v63  }
0x3a5: {  	_ =	swait.ge [sflag:s9], $0x4000  }
0x3a6: {  	[sflag:s9] =	ssyncset.done $0x0  }
0x3a7: {  	[sflag:s9] =	ssyncadd.s32 $0xFFFFC000  }
0x3a8: {  	[tilespmem:s20], [sflag:$0x1] =	stream.indirect.gather [hbm4b:s1+s19], $0x80, s3, s19, $0xb8;
	[tilespmem:$0x1F280] =	vst v63  }
0x3a9: {  	v6 =	vld [tilespmem:$0x5700];
	_ =	sdelay $0x6  }
0x3aa: {  	s28 =	simm.s32 $0x0  }
0x3ab: {  	v6 =	vld.idx.msk [tilespmem:v6+s28+$0x0], $0xffff;
	_ =	sdelay $0x4  }
0x3ac: {  	(erf) = vrcp.f32 v6;
	_ =	sdelay $0x4  }
0x3ad: {  	v6 =	vld [tilespmem:$0x5B00]  }
0x3ae: {  	v7 =	vld [tilespmem:$0x5710];
	_ =	sdelay $0x2  }
0x3af: {  	v8 =	vpop (erf)  }
0x3b0: {  	v8 =	vmul.f32 v8, v6  }
0x3b1: {  	v6 =	vmul.f32 v6, v5  }
0x3b2: {  	[tilespmem:$0x6000] =	vst v8  }
0x3b3: {  	[tilespmem:$0x5F00] =	vst v6  }
0x3b4: {  	v6 =	vld.idx.msk [tilespmem:v7+s28+$0x0], $0xffff;
	_ =	sdelay $0x4  }
0x3b5: {  	(erf) = vrcp.f32 v6;
	_ =	sdelay $0x4  }
0x3b6: {  	v6 =	vld [tilespmem:$0x5B10]  }
0x3b7: {  	v7 =	vld [tilespmem:$0x5720];
	_ =	sdelay $0x2  }
0x3b8: {  	v8 =	vpop (erf)  }
0x3b9: {  	v8 =	vmul.f32 v8, v6  }
0x3ba: {  	v6 =	vmul.f32 v6, v5  }
0x3bb: {  	[tilespmem:$0x6010] =	vst v8  }
0x3bc: {  	[tilespmem:$0x5F10] =	vst v6  }
0x3bd: {  	v6 =	vld.idx.msk [tilespmem:v7+s28+$0x0], $0xffff;
	_ =	sdelay $0x4  }
0x3be: {  	(erf) = vrcp.f32 v6;
	_ =	sdelay $0x4  }
0x3bf: {  	v6 =	vld [tilespmem:$0x5B20]  }
0x3c0: {  	v7 =	vld [tilespmem:$0x5730];
	_ =	sdelay $0x2  }
0x3c1: {  	v8 =	vpop (erf)  }
0x3c2: {  	v8 =	vmul.f32 v8, v6  }
0x3c3: {  	v6 =	vmul.f32 v6, v5  }
0x3c4: {  	[tilespmem:$0x6020] =	vst v8  }
0x3c5: {  	[tilespmem:$0x5F20] =	vst v6  }
0x3c6: {  	v6 =	vld.idx.msk [tilespmem:v7+s28+$0x0], $0xffff;
	_ =	sdelay $0x4  }
0x3c7: {  	(erf) = vrcp.f32 v6;
	_ =	sdelay $0x4  }
0x3c8: {  	v6 =	vld [tilespmem:$0x5B30]  }
0x3c9: {  	v7 =	vld [tilespmem:$0x5740];
	_ =	sdelay $0x2  }
0x3ca: {  	v8 =	vpop (erf)  }
0x3cb: {  	v8 =	vmul.f32 v8, v6  }
0x3cc: {  	v6 =	vmul.f32 v6, v5  }
0x3cd: {  	[tilespmem:$0x6030] =	vst v8  }
0x3ce: {  	[tilespmem:$0x5F30] =	vst v6  }
0x3cf: {  	v6 =	vld.idx.msk [tilespmem:v7+s28+$0x0], $0xffff;
	_ =	sdelay $0x4  }
0x3d0: {  	(erf) = vrcp.f32 v6;
	_ =	sdelay $0x4  }
0x3d1: {  	v6 =	vld [tilespmem:$0x5B40]  }
0x3d2: {  	v7 =	vld [tilespmem:$0x5750];
	_ =	sdelay $0x2  }
0x3d3: {  	v8 =	vpop (erf)  }
0x3d4: {  	v8 =	vmul.f32 v8, v6  }
0x3d5: {  	v6 =	vmul.f32 v6, v5  }
0x3d6: {  	[tilespmem:$0x6040] =	vst v8  }
0x3d7: {  	[tilespmem:$0x5F40] =	vst v6  }
0x3d8: {  	v6 =	vld.idx.msk [tilespmem:v7+s28+$0x0], $0xffff;
	_ =	sdelay $0x4  }
0x3d9: {  	(erf) = vrcp.f32 v6;
	_ =	sdelay $0x4  }
0x3da: {  	v6 =	vld [tilespmem:$0x5B50]  }
0x3db: {  	v7 =	vld [tilespmem:$0x5760];
	_ =	sdelay $0x2  }
0x3dc: {  	v8 =	vpop (erf)  }
0x3dd: {  	v8 =	vmul.f32 v8, v6  }
0x3de: {  	v6 =	vmul.f32 v6, v5  }
0x3df: {  	[tilespmem:$0x6050] =	vst v8  }
0x3e0: {  	[tilespmem:$0x5F50] =	vst v6  }
0x3e1: {  	v6 =	vld.idx.msk [tilespmem:v7+s28+$0x0], $0xffff;
	_ =	sdelay $0x4  }
0x3e2: {  	(erf) = vrcp.f32 v6;
	_ =	sdelay $0x4  }
0x3e3: {  	v6 =	vld [tilespmem:$0x5B60]  }
0x3e4: {  	v7 =	vld [tilespmem:$0x5770];
	_ =	sdelay $0x2  }
0x3e5: {  	v8 =	vpop (erf)  }
0x3e6: {  	v8 =	vmul.f32 v8, v6  }
0x3e7: {  	v6 =	vmul.f32 v6, v5  }
0x3e8: {  	[tilespmem:$0x6060] =	vst v8  }
0x3e9: {  	[tilespmem:$0x5F60] =	vst v6  }
0x3ea: {  	v6 =	vld.idx.msk [tilespmem:v7+s28+$0x0], $0xffff;
	_ =	sdelay $0x4  }
0x3eb: {  	(erf) = vrcp.f32 v6;
	_ =	sdelay $0x4  }
0x3ec: {  	v6 =	vld [tilespmem:$0x5B70];
	_ =	sdelay $0x3  }
0x3ed: {  	v7 =	vpop (erf)  }
0x3ee: {  	v7 =	vmul.f32 v7, v6  }
0x3ef: {  	v6 =	vmul.f32 v6, v5  }
0x3f0: {  	[tilespmem:$0x6070] =	vst v7  }
0x3f1: {  	[tilespmem:$0x5F70] =	vst v6  }
0x3f2: {  	_ =	swait.ge [sflag:s21], $0x4000  }
0x3f3: {  	v6 =	vmov s28;
	[sflag:s21] =	ssyncset.done $0x0  }
0x3f4: {  	s24 =	simm.s32 $0x60C0;
	[sflag:s21] =	ssyncadd.s32 $0xFFFFC000  }
0x3f5: {  	v10 =	vld [tilespmem:s24+$0x30]  }
0x3f6: {  	v13 =	vld [tilespmem:s24+$0x10]  }
0x3f7: {  	v11 =	vld [tilespmem:s24+$0xFFFFFFC0]  }
0x3f8: {  	v7 =	vld.idx.msk [tilespmem:v6+s14+$0x0], $0xffff  }
0x3f9: {  	v15 =	vld [tilespmem:s24+$0xFFFFFFE0]  }
0x3fa: {  	v8 =	vld [tilespmem:s24+$0x20]  }
0x3fb: {  	v9 =	vld [tilespmem:s24+$0xFFFFFFD0]  }
0x3fc: {  	v6 =	vld [tilespmem:s24+$0xFFFFFFF0]  }
0x3fd: {  	v14 =	vmul.f32 v10, v7;
	v10 =	vld [tilespmem:s24+$0x0]  }
0x3fe: {  	v12 =	vmul.f32 v11, v7  }
0x3ff: {  	s25 =	simm.s32 $0x1;
	s26 =	simm.s32 $0x60C0;
	v11 =	vmul.f32 v15, v7;
	v13 =	vmul.f32 v13, v7  }
.LBB2_19:
0x400: {  	p0 =	sne.s32 s25, $0x7F  }
0x401: {  	v9 =	vmul.f32 v9, v7;
	v8 =	vmul.f32 v8, v7;
	[tilespmem:s24+$0x30] =	vst v14;
	s26 =	sadd.s32 $0x80, s26;
	s28 =	smov.u32 s25;
	s25 =	sadd.s32 $0x1, s25  }
0x402: {  	[tilespmem:s24+$0xFFFFFFC0] =	vst v12;
	v12 =	vmul.f32 v6, v7;
	v7 =	vmul.f32 v10, v7  }
0x403: {  	[tilespmem:s24+$0x10] =	vst v13  }
0x404: {  	v10 =	vmov s28;
	[tilespmem:s24+$0xFFFFFFE0] =	vst v11  }
0x405: {  	v6 =	vld [tilespmem:s26+$0xFFFFFFF0];
	[tilespmem:s24+$0xFFFFFFF0] =	vst v12  }
0x406: {  	v11 =	vld [tilespmem:s26+$0x30];
	[tilespmem:s24+$0x0] =	vst v7  }
0x407: {  	v13 =	vld [tilespmem:s26+$0x10];
	[tilespmem:s24+$0x20] =	vst v8  }
0x408: {  	v12 =	vld [tilespmem:s26+$0xFFFFFFC0];
	[tilespmem:s24+$0xFFFFFFD0] =	vst v9;
	s24 =	smov.u32 s26  }
0x409: {  	v7 =	vld.idx.msk [tilespmem:v10+s14+$0x0], $0xffff  }
0x40a: {  	v15 =	vld [tilespmem:s26+$0xFFFFFFE0]  }
0x40b: {  	v8 =	vld [tilespmem:s26+$0x20]  }
.Ltmp8:
0x40c: {  	v9 =	vld [tilespmem:s26+$0xFFFFFFD0];
	(pc) =	sbr.rel @p0 .LBB2_19-.Ltmp8, $3  }
0x40d: {  	v10 =	vld [tilespmem:s26+$0x0];
	_ =	sdelay $0x1  }
0x40e: {  	v12 =	vmul.f32 v12, v7;
	v14 =	vmul.f32 v11, v7  }
0x40f: {  	v13 =	vmul.f32 v13, v7;
	v11 =	vmul.f32 v15, v7  }
0x410: {  	[tilespmem:s24+$0x30] =	vst v14  }
0x411: {  	[tilespmem:s24+$0xFFFFFFC0] =	vst v12  }
0x412: {  	v6 =	vmul.f32 v6, v7;
	[tilespmem:s24+$0x10] =	vst v13  }
0x413: {  	v8 =	vmul.f32 v8, v7;
	[tilespmem:s24+$0xFFFFFFE0] =	vst v11  }
0x414: {  	v10 =	vmul.f32 v10, v7;
	[tilespmem:s24+$0xFFFFFFF0] =	vst v6  }
0x415: {  	v6 =	vmul.f32 v9, v7;
	[tilespmem:s24+$0x20] =	vst v8  }
0x416: {  	[tilespmem:s24+$0x0] =	vst v10  }
0x417: {  	[tilespmem:s24+$0xFFFFFFD0] =	vst v6  }
0x418: {  	[spmem:s2] =	stream.indirect.scatter.add.f32 [tilespmem:s20], [sflag:$0x2], $0x80, s7, s19, $0xb8;
	[tilespmem:$0x1F280] =	vst v63  }
0x419: {  	_ =	swait.ge [sflag:s9], $0x4000  }
0x41a: {  	[sflag:s9] =	ssyncset.done $0x0  }
0x41b: {  	[sflag:s9] =	ssyncadd.s32 $0xFFFFC000  }
0x41c: {  	[tilespmem:s20], [sflag:$0x1] =	stream.indirect.gather [hbm4b:s1+s19], $0x80, s8, s19, $0xb8;
	[tilespmem:$0x1F280] =	vst v63  }
0x41d: {  	v6 =	vld [tilespmem:$0x5780];
	_ =	sdelay $0x6  }
0x41e: {  	s28 =	simm.s32 $0x0  }
0x41f: {  	v6 =	vld.idx.msk [tilespmem:v6+s28+$0x0], $0xffff;
	_ =	sdelay $0x4  }
0x420: {  	(erf) = vrcp.f32 v6;
	_ =	sdelay $0x4  }
0x421: {  	v6 =	vld [tilespmem:$0x5B80]  }
0x422: {  	v7 =	vld [tilespmem:$0x5790];
	_ =	sdelay $0x2  }
0x423: {  	v8 =	vpop (erf)  }
0x424: {  	v8 =	vmul.f32 v8, v6  }
0x425: {  	v6 =	vmul.f32 v6, v5  }
0x426: {  	[tilespmem:$0x6000] =	vst v8  }
0x427: {  	[tilespmem:$0x5F80] =	vst v6  }
0x428: {  	v6 =	vld.idx.msk [tilespmem:v7+s28+$0x0], $0xffff;
	_ =	sdelay $0x4  }
0x429: {  	(erf) = vrcp.f32 v6;
	_ =	sdelay $0x4  }
0x42a: {  	v6 =	vld [tilespmem:$0x5B90]  }
0x42b: {  	v7 =	vld [tilespmem:$0x57A0];
	_ =	sdelay $0x2  }
0x42c: {  	v8 =	vpop (erf)  }
0x42d: {  	v8 =	vmul.f32 v8, v6  }
0x42e: {  	v6 =	vmul.f32 v6, v5  }
0x42f: {  	[tilespmem:$0x6010] =	vst v8  }
0x430: {  	[tilespmem:$0x5F90] =	vst v6  }
0x431: {  	v6 =	vld.idx.msk [tilespmem:v7+s28+$0x0], $0xffff;
	_ =	sdelay $0x4  }
0x432: {  	(erf) = vrcp.f32 v6;
	_ =	sdelay $0x4  }
0x433: {  	v6 =	vld [tilespmem:$0x5BA0]  }
0x434: {  	v7 =	vld [tilespmem:$0x57B0];
	_ =	sdelay $0x2  }
0x435: {  	v8 =	vpop (erf)  }
0x436: {  	v8 =	vmul.f32 v8, v6  }
0x437: {  	v6 =	vmul.f32 v6, v5  }
0x438: {  	[tilespmem:$0x6020] =	vst v8  }
0x439: {  	[tilespmem:$0x5FA0] =	vst v6  }
0x43a: {  	v6 =	vld.idx.msk [tilespmem:v7+s28+$0x0], $0xffff;
	_ =	sdelay $0x4  }
0x43b: {  	(erf) = vrcp.f32 v6;
	_ =	sdelay $0x4  }
0x43c: {  	v6 =	vld [tilespmem:$0x5BB0]  }
0x43d: {  	v7 =	vld [tilespmem:$0x57C0];
	_ =	sdelay $0x2  }
0x43e: {  	v8 =	vpop (erf)  }
0x43f: {  	v8 =	vmul.f32 v8, v6  }
0x440: {  	v6 =	vmul.f32 v6, v5  }
0x441: {  	[tilespmem:$0x6030] =	vst v8  }
0x442: {  	[tilespmem:$0x5FB0] =	vst v6  }
0x443: {  	v6 =	vld.idx.msk [tilespmem:v7+s28+$0x0], $0xffff;
	_ =	sdelay $0x4  }
0x444: {  	(erf) = vrcp.f32 v6;
	_ =	sdelay $0x4  }
0x445: {  	v6 =	vld [tilespmem:$0x5BC0]  }
0x446: {  	v7 =	vld [tilespmem:$0x57D0];
	_ =	sdelay $0x2  }
0x447: {  	v8 =	vpop (erf)  }
0x448: {  	v8 =	vmul.f32 v8, v6  }
0x449: {  	v6 =	vmul.f32 v6, v5  }
0x44a: {  	[tilespmem:$0x6040] =	vst v8  }
0x44b: {  	[tilespmem:$0x5FC0] =	vst v6  }
0x44c: {  	v6 =	vld.idx.msk [tilespmem:v7+s28+$0x0], $0xffff;
	_ =	sdelay $0x4  }
0x44d: {  	(erf) = vrcp.f32 v6;
	_ =	sdelay $0x4  }
0x44e: {  	v6 =	vld [tilespmem:$0x5BD0]  }
0x44f: {  	v7 =	vld [tilespmem:$0x57E0];
	_ =	sdelay $0x2  }
0x450: {  	v8 =	vpop (erf)  }
0x451: {  	v8 =	vmul.f32 v8, v6  }
0x452: {  	v6 =	vmul.f32 v6, v5  }
0x453: {  	[tilespmem:$0x6050] =	vst v8  }
0x454: {  	[tilespmem:$0x5FD0] =	vst v6  }
0x455: {  	v6 =	vld.idx.msk [tilespmem:v7+s28+$0x0], $0xffff;
	_ =	sdelay $0x4  }
0x456: {  	(erf) = vrcp.f32 v6;
	_ =	sdelay $0x4  }
0x457: {  	v6 =	vld [tilespmem:$0x5BE0]  }
0x458: {  	v7 =	vld [tilespmem:$0x57F0];
	_ =	sdelay $0x2  }
0x459: {  	v8 =	vpop (erf)  }
0x45a: {  	v8 =	vmul.f32 v8, v6  }
0x45b: {  	v6 =	vmul.f32 v6, v5  }
0x45c: {  	[tilespmem:$0x6060] =	vst v8  }
0x45d: {  	[tilespmem:$0x5FE0] =	vst v6  }
0x45e: {  	v6 =	vld.idx.msk [tilespmem:v7+s28+$0x0], $0xffff;
	_ =	sdelay $0x4  }
0x45f: {  	(erf) = vrcp.f32 v6;
	_ =	sdelay $0x4  }
0x460: {  	v6 =	vld [tilespmem:$0x5BF0];
	_ =	sdelay $0x3  }
0x461: {  	v7 =	vpop (erf)  }
0x462: {  	v7 =	vmul.f32 v7, v6  }
0x463: {  	v6 =	vmul.f32 v6, v5  }
0x464: {  	[tilespmem:$0x6070] =	vst v7  }
0x465: {  	[tilespmem:$0x5FF0] =	vst v6  }
0x466: {  	_ =	swait.ge [sflag:s21], $0x4000  }
0x467: {  	v6 =	vmov s28;
	[sflag:s21] =	ssyncset.done $0x0  }
0x468: {  	s24 =	simm.s32 $0x60C0;
	[sflag:s21] =	ssyncadd.s32 $0xFFFFC000  }
0x469: {  	v10 =	vld [tilespmem:s24+$0x30]  }
0x46a: {  	v13 =	vld [tilespmem:s24+$0x10]  }
0x46b: {  	v11 =	vld [tilespmem:s24+$0xFFFFFFC0]  }
0x46c: {  	v7 =	vld.idx.msk [tilespmem:v6+s14+$0x0], $0xffff  }
0x46d: {  	v15 =	vld [tilespmem:s24+$0xFFFFFFE0]  }
0x46e: {  	v8 =	vld [tilespmem:s24+$0x20]  }
0x46f: {  	v9 =	vld [tilespmem:s24+$0xFFFFFFD0]  }
0x470: {  	v6 =	vld [tilespmem:s24+$0xFFFFFFF0]  }
0x471: {  	v14 =	vmul.f32 v10, v7;
	v10 =	vld [tilespmem:s24+$0x0]  }
0x472: {  	v12 =	vmul.f32 v11, v7  }
0x473: {  	s25 =	simm.s32 $0x1;
	s26 =	simm.s32 $0x60C0;
	v11 =	vmul.f32 v15, v7;
	v13 =	vmul.f32 v13, v7  }
.LBB2_21:
0x474: {  	p0 =	sne.s32 s25, $0x7F  }
0x475: {  	v9 =	vmul.f32 v9, v7;
	v8 =	vmul.f32 v8, v7;
	[tilespmem:s24+$0x30] =	vst v14;
	s26 =	sadd.s32 $0x80, s26;
	s28 =	smov.u32 s25;
	s25 =	sadd.s32 $0x1, s25  }
0x476: {  	[tilespmem:s24+$0xFFFFFFC0] =	vst v12;
	v12 =	vmul.f32 v6, v7;
	v7 =	vmul.f32 v10, v7  }
0x477: {  	[tilespmem:s24+$0x10] =	vst v13  }
0x478: {  	v10 =	vmov s28;
	[tilespmem:s24+$0xFFFFFFE0] =	vst v11  }
0x479: {  	v6 =	vld [tilespmem:s26+$0xFFFFFFF0];
	[tilespmem:s24+$0xFFFFFFF0] =	vst v12  }
0x47a: {  	v11 =	vld [tilespmem:s26+$0x30];
	[tilespmem:s24+$0x0] =	vst v7  }
0x47b: {  	v13 =	vld [tilespmem:s26+$0x10];
	[tilespmem:s24+$0x20] =	vst v8  }
0x47c: {  	v12 =	vld [tilespmem:s26+$0xFFFFFFC0];
	[tilespmem:s24+$0xFFFFFFD0] =	vst v9;
	s24 =	smov.u32 s26  }
0x47d: {  	v7 =	vld.idx.msk [tilespmem:v10+s14+$0x0], $0xffff  }
0x47e: {  	v15 =	vld [tilespmem:s26+$0xFFFFFFE0]  }
0x47f: {  	v8 =	vld [tilespmem:s26+$0x20]  }
.Ltmp9:
0x480: {  	v9 =	vld [tilespmem:s26+$0xFFFFFFD0];
	(pc) =	sbr.rel @p0 .LBB2_21-.Ltmp9, $3  }
0x481: {  	v10 =	vld [tilespmem:s26+$0x0];
	_ =	sdelay $0x1  }
0x482: {  	v12 =	vmul.f32 v12, v7;
	v14 =	vmul.f32 v11, v7  }
0x483: {  	v13 =	vmul.f32 v13, v7;
	v11 =	vmul.f32 v15, v7  }
0x484: {  	[tilespmem:s24+$0x30] =	vst v14  }
0x485: {  	[tilespmem:s24+$0xFFFFFFC0] =	vst v12  }
0x486: {  	v6 =	vmul.f32 v6, v7;
	[tilespmem:s24+$0x10] =	vst v13  }
0x487: {  	v8 =	vmul.f32 v8, v7;
	[tilespmem:s24+$0xFFFFFFE0] =	vst v11  }
0x488: {  	v10 =	vmul.f32 v10, v7;
	[tilespmem:s24+$0xFFFFFFF0] =	vst v6  }
0x489: {  	v6 =	vmul.f32 v9, v7;
	[tilespmem:s24+$0x20] =	vst v8  }
0x48a: {  	[tilespmem:s24+$0x0] =	vst v10  }
0x48b: {  	[tilespmem:s24+$0xFFFFFFD0] =	vst v6  }
0x48c: {  	[spmem:s2] =	stream.indirect.scatter.add.f32 [tilespmem:s20], [sflag:$0x2], $0x80, s11, s19, $0xb8;
	[tilespmem:$0x1F280] =	vst v63  }
0x48d: {  	s22 =	sadd.s32 $0x1, s22;
	_ =	swait.ge [sflag:s9], $0x4000  }
0x48e: {  	p0 =	sne.s32 s22, $0xA;
	[sflag:s9] =	ssyncset.done $0x0  }
.Ltmp10:
0x48f: {  	s23 =	sadd.s32 s10, s23;
	[sflag:s9] =	ssyncadd.s32 $0xFFFFC000;
	(pc) =	sbr.rel @p0 .LBB2_6-.Ltmp10, $4  }
0x490: {  	[hbm4b:s23+s4] =	stream.linear.scatter [tilespmem:s15], [sflag:$0x2], $0x400, $0x38;
	[tilespmem:$0x1F280] =	vst v63  }
0x491: {  	_ =	swait.ge [sflag:s9], $0x400  }
0x492: {  	[sflag:s9] =	ssyncset.done $0x0  }
0x493: {  	[sflag:s9] =	ssyncadd.s32 $0xFFFFFC00  }
0x494: {  	s18 =	stileid.u32;
	[bflag:$0x0] =	sbarrier.arrive $0xFFFF  }
0x495: {  	s18 =	sshll.u32 s18, $0x6;
	s25 =	rddreg [dreg:$0x7]  }
0x496: {  	s23 =	rddreg [dreg:$0x8];
	s18 =	sor.u32 $0x1C02, s18;
	s22 =	sshrl.u32 s25, $0x3  }
0x497: {  	[hbm:s23], [sflag:s18] =	dma.local [spmem:s22], $0x2800  }
0x498: {  	_ =	swait.ge [sflag:s9], $0x2800  }
0x499: {  	s26 =	rddreg [dreg:$0x1d]  }
0x49a: {  	s28 =	rddreg [dreg:$0x9];
	s22 =	sadd.s32 $0x1, s26  }
0x49b: {  	p0 =	sne.s32 s22, s28  }
.Ltmp11:
0x49c: {  	_ = 	snop;
	(pc) =	sbr.rel @p0 .LBB2_1-.Ltmp11, $3  }
0x49d: {  	_ =	sdelay $0x1  }
0x49e: {  	[sflag:s9] =	ssyncset.done $0x0  }
0x49f: {  	[sflag:s9] =	ssyncadd.s32 $0xFFFFD800  }
0x4a0: {  	_ =	sfence.sel $0x180000  }
0x4a1: {  	[bflag:$0x0] =	sbarrier.arrive $0xFFFF  }
0x4a2: {  	_ =	strace $0x9000004A  }
0x4a3: {  	s0 =	stileid.u32;
	[bflag:$0x2] =	sbarrier.arrive $0xFFFF  }
0x4a4: {  	p0 =	sne.s32 s0, $0x0;
	s0 =	rddreg [dreg:$0x3]  }
0x4a5: {  	s0 =	sadd.s32 @!p0 $0x100000, s0  }
0x4a6: {  	[sflag:s0] =	ssyncadd.tile.s32 @!p0 $0x1;
	_ =	shalt  }
.Lfunc_end2:
_tile_overlayer_lowered:
.L_overlay_start_2:
0x4a7: {  	(tag) =	ssettag $0x2  }
0x4a8: {  	s0 =	rddreg [dreg:$0x0];
	s2 =	stileid.u32  }
0x4a9: {  	s1 =	rddreg [dreg:$0x1];
	p0 =	sne.s32 s2, $0x0  }
0x4aa: {  	s3 =	rddreg [dreg:$0x2];
	[bflag:$0x3] =	sbarrier.arrive $0xFFFF;
	s2 =	simm.s32 @!p0 $0x1C02  }
0x4ab: {  	[timem:s3], [sflag:s2] =	dma.local @!p0 [hbm:s0], s1  }
0x4ac: {  	s0 =	simm.s32 @!p0 $0x2  }
0x4ad: {  	_ =	swait.ge @!p0 [sflag:s0], s1  }
0x4ae: {  	s1 =	ssub.s32 @!p0 $0x0, s1;
	[sflag:s0] =	ssyncset.done @!p0 $0x0  }
0x4af: {  	[sflag:s0] =	ssyncadd.s32 @!p0 s1  }
0x4b0: {  	[bflag:$0x3] =	sbarrier.arrive $0xFFFF  }
0x4b1: {  	_ =	shalt  }

</sc_bundles>
